<compile_context>
chip_gen: v7x
topology: tpu7x:2x2x1
jax: 0.10.2.dev20260603
libtpu: 0.0.44.dev20260713+nightly
codegen_flags: <defaults>
</compile_context>

<pallas_src>
import jax
import jax.numpy as jnp
from jax import lax
from jax.experimental import pallas as pl
from jax.experimental.pallas import tpu as pltpu
from jax.experimental.pallas import tpu_sc as plsc

NC = 2
NS = 16
L = 16
NW = NC * NS
BATCH = 16384
EMBED = 32
B_PER_W = BATCH // NW
NBLK = B_PER_W // L
DEPTH = 8
N_ROWS = 1000000
TAIL = (N_ROWS // 128) * 128


def _mf_body(users_hbm, items_hbm, wu_hbm, wi_hbm, tu_hbm, ti_hbm, out_hbm,
             idx_u, idx_i, bu, bi, tbu, tbi, out_v, sems):
    wid = lax.axis_index("s") * NC + lax.axis_index("c")
    base = wid * B_PER_W

    pltpu.sync_copy(users_hbm.at[pl.ds(base, B_PER_W)], idx_u)
    pltpu.sync_copy(items_hbm.at[pl.ds(base, B_PER_W)], idx_i)
    pltpu.sync_copy(tu_hbm, tbu)
    pltpu.sync_copy(ti_hbm, tbi)

    lane = lax.iota(jnp.int32, L)

    def fire_one(r, hbm, slots, s, sem):
        rc = jnp.minimum(r, TAIL - 1)
        bs = pl.multiple_of((rc >> 7) * 128, 128)
        pltpu.async_copy(hbm.at[:, pl.ds(bs, 128)], slots.at[s], sem)

    def extract_one(r, slots, s, tail_buf):
        rc = jnp.minimum(r, TAIL - 1)
        col_m = jnp.full((L,), rc - (rc >> 7) * 128, jnp.int32)
        col_t = jnp.full((L,), jnp.maximum(r - TAIL, 0), jnp.int32)
        in_main = r < TAIL
        lo_m = plsc.load_gather(slots.at[s], [lane, col_m])
        hi_m = plsc.load_gather(slots.at[s], [lane + L, col_m])
        lo_t = plsc.load_gather(tail_buf, [lane, col_t])
        hi_t = plsc.load_gather(tail_buf, [lane + L, col_t])
        lo = jnp.where(in_main, lo_m, lo_t)
        hi = jnp.where(in_main, hi_m, hi_t)
        return lo, hi

    def drain(s):
        pltpu.make_async_copy(
            wu_hbm.at[:, pl.ds(0, 128)], bu.at[s], sems.at[s]).wait()
        pltpu.make_async_copy(
            wi_hbm.at[:, pl.ds(0, 128)], bi.at[s], sems.at[s]).wait()

    def extract_pair(ru, ri, s, t_lane, pend):
        ulo, uhi = extract_one(ru, bu, s, tbu)
        ilo, ihi = extract_one(ri, bi, s, tbi)
        val = jnp.sum(ulo * ilo + uhi * ihi)
        return jnp.where(lane == t_lane, val, pend)

    def block_body(blk, carry):
        vu_prev, vi_prev, pend = carry
        j0 = blk * L
        vu = idx_u[pl.ds(pl.multiple_of(j0, L), L)]
        vi = idx_i[pl.ds(pl.multiple_of(j0, L), L)]
        for t in range(L):
            s = t % DEPTH
            if t < DEPTH:
                @pl.when(blk > 0)
                def _(s=s):
                    drain(s)

                new_pend = extract_pair(vu_prev[t + DEPTH], vi_prev[t + DEPTH],
                                        s, t + DEPTH, pend)
                pend = jnp.where(blk > 0, new_pend, pend)
            else:
                drain(s)
                pend = extract_pair(vu[t - DEPTH], vi[t - DEPTH],
                                    s, t - DEPTH, pend)
            ordered_zero = jnp.int32(pend[t % L] * 0.0)
            fire_one(vu[t] + ordered_zero, wu_hbm, bu, s, sems.at[s])
            fire_one(vi[t] + ordered_zero, wi_hbm, bi, s, sems.at[s])
            if t == DEPTH - 1:
                @pl.when(blk > 0)
                def _(pend=pend, blk=blk):
                    off = pl.multiple_of((blk - 1) * L, L)
                    out_v[pl.ds(off, L)] = pend
        return vu, vi, pend

    zero16 = jnp.zeros((L,), jnp.int32)
    vu31, vi31, pend = lax.fori_loop(
        0, NBLK, block_body,
        (zero16, zero16, jnp.zeros((L,), jnp.float32)))

    for t in range(DEPTH, L):
        s = t % DEPTH
        drain(s)
        pend = extract_pair(vu31[t], vi31[t], s, t, pend)
    out_v[pl.ds((NBLK - 1) * L, L)] = pend

    pltpu.sync_copy(out_v, out_hbm.at[pl.ds(base, B_PER_W)])


def kernel(users, items, W_user, W_item):
    users = users.astype(jnp.int32)
    items = items.astype(jnp.int32)
    tail_u = jnp.pad(W_user[TAIL:], ((0, 128 - (N_ROWS - TAIL)), (0, 0))).T
    tail_i = jnp.pad(W_item[TAIL:], ((0, 128 - (N_ROWS - TAIL)), (0, 0))).T
    mesh = plsc.VectorSubcoreMesh(
        core_axis_name="c", subcore_axis_name="s",
        num_cores=NC, num_subcores=NS)
    f = pl.kernel(
        _mf_body,
        out_type=jax.ShapeDtypeStruct((BATCH,), jnp.float32),
        mesh=mesh,
        compiler_params=pltpu.CompilerParams(
            needs_layout_passes=False, use_tc_tiling_on_sc=True),
        scratch_types=[
            pltpu.VMEM((B_PER_W,), jnp.int32),
            pltpu.VMEM((B_PER_W,), jnp.int32),
            pltpu.VMEM((DEPTH, EMBED, 128), jnp.float32),
            pltpu.VMEM((DEPTH, EMBED, 128), jnp.float32),
            pltpu.VMEM((EMBED, 128), jnp.float32),
            pltpu.VMEM((EMBED, 128), jnp.float32),
            pltpu.VMEM((B_PER_W,), jnp.float32),
            pltpu.SemaphoreType.DMA((DEPTH,)),
        ],
    )
    return f(users, items, W_user.T, W_item.T, tail_u, tail_i)

# --- scband reference (transcript-rebuilt; emitter-appended) ---
"""Pipeline reference for scband-mf-188978561386 (READ-ONLY COPY).

The authoritative reference and input builder live on the scoring server;
editing this copy changes nothing except your own understanding.
"""

import jax, jax.numpy as jnp
import numpy as np

N_USERS = 1000000
N_ITEMS = 1000000
EMBED = 32
BATCH = 16384

def setup_inputs(seed: int = 0) -> dict:
    key = jax.random.key(seed)
    k1, k2, k3, k4 = jax.random.split(key, 4)
    users = jax.random.randint(k1, (BATCH,), 0, N_USERS, dtype=jnp.int64 if jax.config.jax_enable_x64 else jnp.int32)
    items = jax.random.randint(k2, (BATCH,), 0, N_ITEMS, dtype=jnp.int64 if jax.config.jax_enable_x64 else jnp.int32)
    W_user = jax.random.normal(k3, (N_USERS, EMBED), dtype=jnp.float32) * 0.01
    W_item = jax.random.normal(k4, (N_ITEMS, EMBED), dtype=jnp.float32) * 0.01
    return {"users": users, "items": items, "W_user": W_user, "W_item": W_item}

def reference(users, items, W_user, W_item):
    embed_users = jnp.take(W_user, users, axis=0)
    embed_items = jnp.take(W_item, items, axis=0)
    output = jnp.sum(embed_users * embed_items, axis=1)
    return output

if __name__ == "__main__":
    import jax
    _d = setup_inputs()
    print(jax.jit(kernel)(*tuple(_d.values())))

</pallas_src>

<mosaic_0001>
#map = affine_map<(d0, d1) -> (0)>
#map1 = affine_map<(d0, d1) -> (0, 0)>
module attributes {stable_mosaic.version = 14 : i64} {
  func.func @_mf_body(%arg0: i32, %arg1: i32, %arg2: memref<16384xi32, #tpu.memory_space<hbm>>, %arg3: memref<16384xi32, #tpu.memory_space<hbm>>, %arg4: memref<32x1000000xf32, #tpu.memory_space<hbm>>, %arg5: memref<32x1000000xf32, #tpu.memory_space<hbm>>, %arg6: memref<32x128xf32, #tpu.memory_space<hbm>>, %arg7: memref<32x128xf32, #tpu.memory_space<hbm>>, %arg8: memref<16384xf32, #tpu.memory_space<hbm>>, %arg9: memref<512xi32, #tpu.memory_space<vmem>>, %arg10: memref<512xi32, #tpu.memory_space<vmem>>, %arg11: memref<8x32x128xf32, #tpu.memory_space<vmem>>, %arg12: memref<8x32x128xf32, #tpu.memory_space<vmem>>, %arg13: memref<32x128xf32, #tpu.memory_space<vmem>>, %arg14: memref<32x128xf32, #tpu.memory_space<vmem>>, %arg15: memref<512xf32, #tpu.memory_space<vmem>>, %arg16: memref<8x!tpu.dma_semaphore, #tpu.memory_space<semaphore_mem>>) attributes {dimension_semantics = [#tpu.dimension_semantics<core_parallel>, #tpu.dimension_semantics<subcore_parallel>], iteration_bounds = array<i64: 2, 16>, scalar_prefetch = 0 : i64, scratch_operands = 8 : i64, tpu.core_type = #tpu.core_type<sc_vector_subcore>, window_params = [{transform_indices = #map}, {transform_indices = #map}, {transform_indices = #map1}, {transform_indices = #map1}, {transform_indices = #map1}, {transform_indices = #map1}, {transform_indices = #map}]} {
    %mul3A = arith.constant 2 : i32
    %mul3A_0 = arith.muli %arg1, %mul3A : i32
    %add3A = arith.addi %mul3A_0, %arg0 : i32
    %mul3A_1 = arith.constant 512 : i32
    %mul3A_2 = arith.muli %add3A, %mul3A_1 : i32
    "tpu.region"() ({
      %run_scoped3A = tpu.sem_alloc : memref<!tpu.dma_semaphore, #tpu.memory_space<semaphore_mem>>
      %dma_start3A = tpu.memref_slice %arg2[%mul3A_2] : memref<16384xi32, #tpu.memory_space<hbm>> -> memref<512xi32, #tpu.memory_space<hbm>>
      %dma_start3A_1008 = tpu.memref_slice %arg2[%mul3A_2] : memref<16384xi32, #tpu.memory_space<hbm>> -> memref<512xi32, #tpu.memory_space<hbm>>
      tpu.enqueue_dma source(%dma_start3A_1008 : memref<512xi32, #tpu.memory_space<hbm>>) target(%arg9 : memref<512xi32, #tpu.memory_space<vmem>>) target_semaphore(%run_scoped3A : memref<!tpu.dma_semaphore, #tpu.memory_space<semaphore_mem>>)
      %dma_wait3A_1009 = tpu.memref_slice %arg2[%mul3A_2] : memref<16384xi32, #tpu.memory_space<hbm>> -> memref<512xi32, #tpu.memory_space<hbm>>
      %dma_wait3A_1010 = tpu.memref_slice %arg2[%mul3A_2] : memref<16384xi32, #tpu.memory_space<hbm>> -> memref<512xi32, #tpu.memory_space<hbm>>
      tpu.wait_dma2 semaphore(%run_scoped3A : memref<!tpu.dma_semaphore, #tpu.memory_space<semaphore_mem>>) src(%dma_wait3A_1010 : memref<512xi32, #tpu.memory_space<hbm>>) dst(%arg9 : memref<512xi32, #tpu.memory_space<vmem>>)
      tpu.yield
    }) : () -> ()
    "tpu.region"() ({
      %run_scoped3A = tpu.sem_alloc : memref<!tpu.dma_semaphore, #tpu.memory_space<semaphore_mem>>
      %dma_start3A = tpu.memref_slice %arg3[%mul3A_2] : memref<16384xi32, #tpu.memory_space<hbm>> -> memref<512xi32, #tpu.memory_space<hbm>>
      %dma_start3A_1008 = tpu.memref_slice %arg3[%mul3A_2] : memref<16384xi32, #tpu.memory_space<hbm>> -> memref<512xi32, #tpu.memory_space<hbm>>
      tpu.enqueue_dma source(%dma_start3A_1008 : memref<512xi32, #tpu.memory_space<hbm>>) target(%arg10 : memref<512xi32, #tpu.memory_space<vmem>>) target_semaphore(%run_scoped3A : memref<!tpu.dma_semaphore, #tpu.memory_space<semaphore_mem>>)
      %dma_wait3A_1009 = tpu.memref_slice %arg3[%mul3A_2] : memref<16384xi32, #tpu.memory_space<hbm>> -> memref<512xi32, #tpu.memory_space<hbm>>
      %dma_wait3A_1010 = tpu.memref_slice %arg3[%mul3A_2] : memref<16384xi32, #tpu.memory_space<hbm>> -> memref<512xi32, #tpu.memory_space<hbm>>
      tpu.wait_dma2 semaphore(%run_scoped3A : memref<!tpu.dma_semaphore, #tpu.memory_space<semaphore_mem>>) src(%dma_wait3A_1010 : memref<512xi32, #tpu.memory_space<hbm>>) dst(%arg10 : memref<512xi32, #tpu.memory_space<vmem>>)
      tpu.yield
    }) : () -> ()
    "tpu.region"() ({
      %run_scoped3A = tpu.sem_alloc : memref<!tpu.dma_semaphore, #tpu.memory_space<semaphore_mem>>
      tpu.enqueue_dma source(%arg6 : memref<32x128xf32, #tpu.memory_space<hbm>>) target(%arg13 : memref<32x128xf32, #tpu.memory_space<vmem>>) target_semaphore(%run_scoped3A : memref<!tpu.dma_semaphore, #tpu.memory_space<semaphore_mem>>)
      tpu.wait_dma2 semaphore(%run_scoped3A : memref<!tpu.dma_semaphore, #tpu.memory_space<semaphore_mem>>) src(%arg6 : memref<32x128xf32, #tpu.memory_space<hbm>>) dst(%arg13 : memref<32x128xf32, #tpu.memory_space<vmem>>)
      tpu.yield
    }) : () -> ()
    "tpu.region"() ({
      %run_scoped3A = tpu.sem_alloc : memref<!tpu.dma_semaphore, #tpu.memory_space<semaphore_mem>>
      tpu.enqueue_dma source(%arg7 : memref<32x128xf32, #tpu.memory_space<hbm>>) target(%arg14 : memref<32x128xf32, #tpu.memory_space<vmem>>) target_semaphore(%run_scoped3A : memref<!tpu.dma_semaphore, #tpu.memory_space<semaphore_mem>>)
      tpu.wait_dma2 semaphore(%run_scoped3A : memref<!tpu.dma_semaphore, #tpu.memory_space<semaphore_mem>>) src(%arg7 : memref<32x128xf32, #tpu.memory_space<hbm>>) dst(%arg14 : memref<32x128xf32, #tpu.memory_space<vmem>>)
      tpu.yield
    }) : () -> ()
    %iota3A = tpu.iota {dimensions = array<i32: 0>} : vector<16xi32>
    %broadcast_in_dim3A = arith.constant 0 : i32
    %broadcast_in_dim3A_3 = vector.broadcast %broadcast_in_dim3A : i32 to vector<16xi32>
    %broadcast_in_dim3A_4 = arith.constant 0.000000e+00 : f32
    %broadcast_in_dim3A_5 = vector.broadcast %broadcast_in_dim3A_4 : f32 to vector<16xf32>
    %scan3A = arith.constant 0 : i32
    %scan3A_6 = arith.constant 32 : i32
    %scan3A_7 = arith.addi %scan3A, %scan3A_6 : i32
    %scan3A_8 = arith.constant 1 : i32
    %scan3A_9:3 = scf.for %scan3A_1008 = %scan3A to %scan3A_7 step %scan3A_8 iter_args(%scan3A_1009 = %broadcast_in_dim3A_3, %scan3A_1010 = %broadcast_in_dim3A_3, %scan3A_1011 = %broadcast_in_dim3A_5) -> (vector<16xi32>, vector<16xi32>, vector<16xf32>)  : i32 {
      %mul3A_1012 = arith.constant 16 : i32
      %mul3A_1013 = arith.muli %scan3A_1008, %mul3A_1012 : i32
      %multiple_of3A = tpu.assume_multiple %mul3A_1013, 16 : i32
      %get3A = arith.index_cast %multiple_of3A : i32 to index
      %get3A_1014 = tpu.vector_load %arg9[%get3A] {strides = array<i32>} : memref<512xi32, #tpu.memory_space<vmem>>, vector<16xi32>,
      %multiple_of3A_1015 = tpu.assume_multiple %mul3A_1013, 16 : i32
      %get3A_1016 = arith.index_cast %multiple_of3A_1015 : i32 to index
      %get3A_1017 = tpu.vector_load %arg10[%get3A_1016] {strides = array<i32>} : memref<512xi32, #tpu.memory_space<vmem>>, vector<16xi32>,
      %gt3A = arith.constant 0 : i32
      %gt3A_1018 = arith.cmpi sgt, %scan3A_1008, %gt3A : i32
      %convert_element_type3A = arith.extui %gt3A_1018 : i1 to i32
      %cond3A = arith.constant 0 : i32
      %cond3A_1019 = arith.cmpi ne, %convert_element_type3A, %cond3A : i32
      scf.if %cond3A_1019 {
        %dma_wait3A_3723 = arith.constant 0 : i32
        %dma_wait3A_3724 = arith.constant 0 : i32
        %dma_wait3A_3725 = arith.constant 0 : i32
        %dma_wait3A_3726 = arith.constant 0 : i32
        %dma_wait3A_3727 = tpu.memref_slice %arg11[%dma_wait3A_3723, %dma_wait3A_3725, %dma_wait3A_3726] : memref<8x32x128xf32, #tpu.memory_space<vmem>> -> memref<1x32x128xf32, #tpu.memory_space<vmem>>
        %dma_wait3A_3728 = tpu.memref_squeeze %dma_wait3A_3727 : memref<1x32x128xf32, #tpu.memory_space<vmem>> -> memref<32x128xf32, #tpu.memory_space<vmem>>
        %dma_wait3A_3729 = arith.constant 0 : i32
        %dma_wait3A_3730 = arith.constant 0 : i32
        %dma_wait3A_3731 = tpu.memref_slice %arg4[%dma_wait3A_3729, %dma_wait3A_3730] : memref<32x1000000xf32, #tpu.memory_space<hbm>> -> memref<32x128xf32, #tpu.memory_space<hbm>>
        %dma_wait3A_3732 = tpu.memref_slice %arg16[%dma_wait3A_3724] : memref<8x!tpu.dma_semaphore, #tpu.memory_space<semaphore_mem>> -> memref<1x!tpu.dma_semaphore, #tpu.memory_space<semaphore_mem>>
        %dma_wait3A_3733 = tpu.memref_squeeze %dma_wait3A_3732 : memref<1x!tpu.dma_semaphore, #tpu.memory_space<semaphore_mem>> -> memref<!tpu.dma_semaphore, #tpu.memory_space<semaphore_mem>>
        %dma_wait3A_3734 = arith.constant 0 : i32
        %dma_wait3A_3735 = arith.constant 0 : i32
        %dma_wait3A_3736 = tpu.memref_slice %arg11[%dma_wait3A_3723, %dma_wait3A_3734, %dma_wait3A_3735] : memref<8x32x128xf32, #tpu.memory_space<vmem>> -> memref<1x32x128xf32, #tpu.memory_space<vmem>>
        %dma_wait3A_3737 = tpu.memref_squeeze %dma_wait3A_3736 : memref<1x32x128xf32, #tpu.memory_space<vmem>> -> memref<32x128xf32, #tpu.memory_space<vmem>>
        %dma_wait3A_3738 = arith.constant 0 : i32
        %dma_wait3A_3739 = arith.constant 0 : i32
        %dma_wait3A_3740 = tpu.memref_slice %arg4[%dma_wait3A_3738, %dma_wait3A_3739] : memref<32x1000000xf32, #tpu.memory_space<hbm>> -> memref<32x128xf32, #tpu.memory_space<hbm>>
        tpu.wait_dma2 semaphore(%dma_wait3A_3733 : memref<!tpu.dma_semaphore, #tpu.memory_space<semaphore_mem>>) src(%dma_wait3A_3740 : memref<32x128xf32, #tpu.memory_space<hbm>>) dst(%dma_wait3A_3737 : memref<32x128xf32, #tpu.memory_space<vmem>>)
        %dma_wait3A_3741 = arith.constant 0 : i32
        %dma_wait3A_3742 = arith.constant 0 : i32
        %dma_wait3A_3743 = arith.constant 0 : i32
        %dma_wait3A_3744 = arith.constant 0 : i32
        %dma_wait3A_3745 = tpu.memref_slice %arg12[%dma_wait3A_3741, %dma_wait3A_3743, %dma_wait3A_3744] : memref<8x32x128xf32, #tpu.memory_space<vmem>> -> memref<1x32x128xf32, #tpu.memory_space<vmem>>
        %dma_wait3A_3746 = tpu.memref_squeeze %dma_wait3A_3745 : memref<1x32x128xf32, #tpu.memory_space<vmem>> -> memref<32x128xf32, #tpu.memory_space<vmem>>
        %dma_wait3A_3747 = arith.constant 0 : i32
        %dma_wait3A_3748 = arith.constant 0 : i32
        %dma_wait3A_3749 = tpu.memref_slice %arg5[%dma_wait3A_3747, %dma_wait3A_3748] : memref<32x1000000xf32, #tpu.memory_space<hbm>> -> memref<32x128xf32, #tpu.memory_space<hbm>>
        %dma_wait3A_3750 = tpu.memref_slice %arg16[%dma_wait3A_3742] : memref<8x!tpu.dma_semaphore, #tpu.memory_space<semaphore_mem>> -> memref<1x!tpu.dma_semaphore, #tpu.memory_space<semaphore_mem>>
        %dma_wait3A_3751 = tpu.memref_squeeze %dma_wait3A_3750 : memref<1x!tpu.dma_semaphore, #tpu.memory_space<semaphore_mem>> -> memref<!tpu.dma_semaphore, #tpu.memory_space<semaphore_mem>>
        %dma_wait3A_3752 = arith.constant 0 : i32
        %dma_wait3A_3753 = arith.constant 0 : i32
        %dma_wait3A_3754 = tpu.memref_slice %arg12[%dma_wait3A_3741, %dma_wait3A_3752, %dma_wait3A_3753] : memref<8x32x128xf32, #tpu.memory_space<vmem>> -> memref<1x32x128xf32, #tpu.memory_space<vmem>>
        %dma_wait3A_3755 = tpu.memref_squeeze %dma_wait3A_3754 : memref<1x32x128xf32, #tpu.memory_space<vmem>> -> memref<32x128xf32, #tpu.memory_space<vmem>>
        %dma_wait3A_3756 = arith.constant 0 : i32
        %dma_wait3A_3757 = arith.constant 0 : i32
        %dma_wait3A_3758 = tpu.memref_slice %arg5[%dma_wait3A_3756, %dma_wait3A_3757] : memref<32x1000000xf32, #tpu.memory_space<hbm>> -> memref<32x128xf32, #tpu.memory_space<hbm>>
        tpu.wait_dma2 semaphore(%dma_wait3A_3751 : memref<!tpu.dma_semaphore, #tpu.memory_space<semaphore_mem>>) src(%dma_wait3A_3758 : memref<32x128xf32, #tpu.memory_space<hbm>>) dst(%dma_wait3A_3755 : memref<32x128xf32, #tpu.memory_space<vmem>>)
      } else {
      }
      %slice3A_1020 = vector.extract_strided_slice %scan3A_1009 {offsets = [8], sizes = [1], strides = [1]} : vector<16xi32> to vector<1xi32>
      %squeeze3A_1021 = vector.extract %slice3A_1020[0] : i32 from vector<1xi32>
      %slice3A_1022 = vector.extract_strided_slice %scan3A_1010 {offsets = [8], sizes = [1], strides = [1]} : vector<16xi32> to vector<1xi32>
      %squeeze3A_1023 = vector.extract %slice3A_1022[0] : i32 from vector<1xi32>
      %min3A_1024 = arith.constant 999935 : i32
      %min3A_1025 = arith.minsi %squeeze3A_1021, %min3A_1024 : i32
      %shift_right_arithmetic3A_1026 = arith.constant 7 : i32
      %shift_right_arithmetic3A_1027 = arith.shrsi %min3A_1025, %shift_right_arithmetic3A_1026 : i32
      %mul3A_1028 = arith.constant 128 : i32
      %mul3A_1029 = arith.muli %shift_right_arithmetic3A_1027, %mul3A_1028 : i32
      %sub3A_1030 = arith.subi %min3A_1025, %mul3A_1029 : i32
      %broadcast_in_dim3A_1031 = vector.broadcast %sub3A_1030 : i32 to vector<16xi32>
      %sub3A_1032 = arith.constant 999936 : i32
      %sub3A_1033 = arith.subi %squeeze3A_1021, %sub3A_1032 : i32
      %max3A_1034 = arith.constant 0 : i32
      %max3A_1035 = arith.maxsi %sub3A_1033, %max3A_1034 : i32
      %broadcast_in_dim3A_1036 = vector.broadcast %max3A_1035 : i32 to vector<16xi32>
      %lt3A_1037 = arith.constant 999936 : i32
      %lt3A_1038 = arith.cmpi slt, %squeeze3A_1021, %lt3A_1037 : i32
      %gather3A_1039 = arith.constant 0 : i32
      %gather3A_1040 = arith.constant 0 : i32
      %gather3A_1041 = arith.constant 0 : i32
      %gather3A_1042 = tpu.memref_slice %arg11[%gather3A_1039, %gather3A_1040, %gather3A_1041] : memref<8x32x128xf32, #tpu.memory_space<vmem>> -> memref<1x32x128xf32, #tpu.memory_space<vmem>>
      %gather3A_1043 = tpu.memref_squeeze %gather3A_1042 : memref<1x32x128xf32, #tpu.memory_space<vmem>> -> memref<32x128xf32, #tpu.memory_space<vmem>>
      %gather3A_1044 = tpu.vector_load_idx %gather3A_1043[%iota3A, %broadcast_in_dim3A_1031] : memref<32x128xf32, #tpu.memory_space<vmem>>[vector<16xi32>, vector<16xi32>], vector<16xf32>,
      %add3A_1045 = arith.constant 16 : i32
      %add3A_1046 = vector.broadcast %add3A_1045 : i32 to vector<16xi32>
      %add3A_1047 = arith.addi %iota3A, %add3A_1046 : vector<16xi32>
      %gather3A_1048 = arith.constant 0 : i32
      %gather3A_1049 = arith.constant 0 : i32
      %gather3A_1050 = arith.constant 0 : i32
      %gather3A_1051 = tpu.memref_slice %arg11[%gather3A_1048, %gather3A_1049, %gather3A_1050] : memref<8x32x128xf32, #tpu.memory_space<vmem>> -> memref<1x32x128xf32, #tpu.memory_space<vmem>>
      %gather3A_1052 = tpu.memref_squeeze %gather3A_1051 : memref<1x32x128xf32, #tpu.memory_space<vmem>> -> memref<32x128xf32, #tpu.memory_space<vmem>>
      %gather3A_1053 = tpu.vector_load_idx %gather3A_1052[%add3A_1047, %broadcast_in_dim3A_1031] : memref<32x128xf32, #tpu.memory_space<vmem>>[vector<16xi32>, vector<16xi32>], vector<16xf32>,
      %gather3A_1054 = tpu.vector_load_idx %arg13[%iota3A, %broadcast_in_dim3A_1036] : memref<32x128xf32, #tpu.memory_space<vmem>>[vector<16xi32>, vector<16xi32>], vector<16xf32>,
      %add3A_1055 = arith.constant 16 : i32
      %add3A_1056 = vector.broadcast %add3A_1055 : i32 to vector<16xi32>
      %add3A_1057 = arith.addi %iota3A, %add3A_1056 : vector<16xi32>
      %gather3A_1058 = tpu.vector_load_idx %arg13[%add3A_1057, %broadcast_in_dim3A_1036] : memref<32x128xf32, #tpu.memory_space<vmem>>[vector<16xi32>, vector<16xi32>], vector<16xf32>,
      %select_n3A_1059 = arith.select %lt3A_1038, %gather3A_1044, %gather3A_1054 : vector<16xf32>
      %select_n3A_1060 = arith.select %lt3A_1038, %gather3A_1053, %gather3A_1058 : vector<16xf32>
      %min3A_1061 = arith.constant 999935 : i32
      %min3A_1062 = arith.minsi %squeeze3A_1023, %min3A_1061 : i32
      %shift_right_arithmetic3A_1063 = arith.constant 7 : i32
      %shift_right_arithmetic3A_1064 = arith.shrsi %min3A_1062, %shift_right_arithmetic3A_1063 : i32
      %mul3A_1065 = arith.constant 128 : i32
      %mul3A_1066 = arith.muli %shift_right_arithmetic3A_1064, %mul3A_1065 : i32
      %sub3A_1067 = arith.subi %min3A_1062, %mul3A_1066 : i32
      %broadcast_in_dim3A_1068 = vector.broadcast %sub3A_1067 : i32 to vector<16xi32>
      %sub3A_1069 = arith.constant 999936 : i32
      %sub3A_1070 = arith.subi %squeeze3A_1023, %sub3A_1069 : i32
      %max3A_1071 = arith.constant 0 : i32
      %max3A_1072 = arith.maxsi %sub3A_1070, %max3A_1071 : i32
      %broadcast_in_dim3A_1073 = vector.broadcast %max3A_1072 : i32 to vector<16xi32>
      %lt3A_1074 = arith.constant 999936 : i32
      %lt3A_1075 = arith.cmpi slt, %squeeze3A_1023, %lt3A_1074 : i32
      %gather3A_1076 = arith.constant 0 : i32
      %gather3A_1077 = arith.constant 0 : i32
      %gather3A_1078 = arith.constant 0 : i32
      %gather3A_1079 = tpu.memref_slice %arg12[%gather3A_1076, %gather3A_1077, %gather3A_1078] : memref<8x32x128xf32, #tpu.memory_space<vmem>> -> memref<1x32x128xf32, #tpu.memory_space<vmem>>
      %gather3A_1080 = tpu.memref_squeeze %gather3A_1079 : memref<1x32x128xf32, #tpu.memory_space<vmem>> -> memref<32x128xf32, #tpu.memory_space<vmem>>
      %gather3A_1081 = tpu.vector_load_idx %gather3A_1080[%iota3A, %broadcast_in_dim3A_1068] : memref<32x128xf32, #tpu.memory_space<vmem>>[vector<16xi32>, vector<16xi32>], vector<16xf32>,
      %add3A_1082 = arith.constant 16 : i32
      %add3A_1083 = vector.broadcast %add3A_1082 : i32 to vector<16xi32>
      %add3A_1084 = arith.addi %iota3A, %add3A_1083 : vector<16xi32>
      %gather3A_1085 = arith.constant 0 : i32
      %gather3A_1086 = arith.constant 0 : i32
      %gather3A_1087 = arith.constant 0 : i32
      %gather3A_1088 = tpu.memref_slice %arg12[%gather3A_1085, %gather3A_1086, %gather3A_1087] : memref<8x32x128xf32, #tpu.memory_space<vmem>> -> memref<1x32x128xf32, #tpu.memory_space<vmem>>
      %gather3A_1089 = tpu.memref_squeeze %gather3A_1088 : memref<1x32x128xf32, #tpu.memory_space<vmem>> -> memref<32x128xf32, #tpu.memory_space<vmem>>
      %gather3A_1090 = tpu.vector_load_idx %gather3A_1089[%add3A_1084, %broadcast_in_dim3A_1068] : memref<32x128xf32, #tpu.memory_space<vmem>>[vector<16xi32>, vector<16xi32>], vector<16xf32>,
      %gather3A_1091 = tpu.vector_load_idx %arg14[%iota3A, %broadcast_in_dim3A_1073] : memref<32x128xf32, #tpu.memory_space<vmem>>[vector<16xi32>, vector<16xi32>], vector<16xf32>,
      %add3A_1092 = arith.constant 16 : i32
      %add3A_1093 = vector.broadcast %add3A_1092 : i32 to vector<16xi32>
      %add3A_1094 = arith.addi %iota3A, %add3A_1093 : vector<16xi32>
      %gather3A_1095 = tpu.vector_load_idx %arg14[%add3A_1094, %broadcast_in_dim3A_1073] : memref<32x128xf32, #tpu.memory_space<vmem>>[vector<16xi32>, vector<16xi32>], vector<16xf32>,
      %select_n3A_1096 = arith.select %lt3A_1075, %gather3A_1081, %gather3A_1091 : vector<16xf32>
      %select_n3A_1097 = arith.select %lt3A_1075, %gather3A_1090, %gather3A_1095 : vector<16xf32>
      %mul3A_1098 = arith.mulf %select_n3A_1059, %select_n3A_1096 : vector<16xf32>
      %mul3A_1099 = arith.mulf %select_n3A_1060, %select_n3A_1097 : vector<16xf32>
      %add3A_1100 = arith.addf %mul3A_1098, %mul3A_1099 : vector<16xf32>
      %reduce_sum3A_1101 = arith.constant true
      %reduce_sum3A_1102 = vector.broadcast %reduce_sum3A_1101 : i1 to vector<16xi1>
      %reduce_sum3A_1103 = tpu.scan <sum>, %add3A_1100 masked %reduce_sum3A_1102 : vector<16xf32>, vector<16xi1> -> vector<16xf32>
      %reduce_sum3A_1104 = vector.extract %reduce_sum3A_1103[15] : f32 from vector<16xf32>
      %eq3A_1105 = arith.constant 8 : i32
      %eq3A_1106 = vector.broadcast %eq3A_1105 : i32 to vector<16xi32>
      %eq3A_1107 = arith.cmpi eq, %iota3A, %eq3A_1106 : vector<16xi32>
      %broadcast_in_dim3A_1108 = vector.broadcast %reduce_sum3A_1104 : f32 to vector<16xf32>
      %select_n3A_1109 = arith.select %eq3A_1107, %broadcast_in_dim3A_1108, %scan3A_1011 : vector<16xi1>, vector<16xf32>
      %gt3A_1110 = arith.constant 0 : i32
      %gt3A_1111 = arith.cmpi sgt, %scan3A_1008, %gt3A_1110 : i32
      %select_n3A_1112 = arith.select %gt3A_1111, %select_n3A_1109, %scan3A_1011 : vector<16xf32>
      %slice3A_1113 = vector.extract_strided_slice %select_n3A_1112 {offsets = [0], sizes = [1], strides = [1]} : vector<16xf32> to vector<1xf32>
      %squeeze3A_1114 = vector.extract %slice3A_1113[0] : f32 from vector<1xf32>
      %mul3A_1115 = arith.constant 0.000000e+00 : f32
      %mul3A_1116 = arith.mulf %squeeze3A_1114, %mul3A_1115 : f32
      %convert_element_type3A_1117 = arith.fptosi %mul3A_1116 : f32 to i32
      %slice3A_1118 = vector.extract_strided_slice %get3A_1014 {offsets = [0], sizes = [1], strides = [1]} : vector<16xi32> to vector<1xi32>
      %squeeze3A_1119 = vector.extract %slice3A_1118[0] : i32 from vector<1xi32>
      %add3A_1120 = arith.addi %squeeze3A_1119, %convert_element_type3A_1117 : i32
      %min3A_1121 = arith.constant 999935 : i32
      %min3A_1122 = arith.minsi %add3A_1120, %min3A_1121 : i32
      %shift_right_arithmetic3A_1123 = arith.constant 7 : i32
      %shift_right_arithmetic3A_1124 = arith.shrsi %min3A_1122, %shift_right_arithmetic3A_1123 : i32
      %mul3A_1125 = arith.constant 128 : i32
      %mul3A_1126 = arith.muli %shift_right_arithmetic3A_1124, %mul3A_1125 : i32
      %multiple_of3A_1127 = tpu.assume_multiple %mul3A_1126, 128 : i32
      %dma_start3A = arith.constant 0 : i32
      %dma_start3A_1128 = arith.constant 0 : i32
      %dma_start3A_1129 = arith.constant 0 : i32
      %dma_start3A_1130 = arith.constant 0 : i32
      %dma_start3A_1131 = tpu.memref_slice %arg11[%dma_start3A, %dma_start3A_1129, %dma_start3A_1130] : memref<8x32x128xf32, #tpu.memory_space<vmem>> -> memref<1x32x128xf32, #tpu.memory_space<vmem>>
      %dma_start3A_1132 = tpu.memref_squeeze %dma_start3A_1131 : memref<1x32x128xf32, #tpu.memory_space<vmem>> -> memref<32x128xf32, #tpu.memory_space<vmem>>
      %dma_start3A_1133 = arith.constant 0 : i32
      %dma_start3A_1134 = tpu.memref_slice %arg4[%dma_start3A_1133, %multiple_of3A_1127] : memref<32x1000000xf32, #tpu.memory_space<hbm>> -> memref<32x128xf32, #tpu.memory_space<hbm>>
      %dma_start3A_1135 = tpu.memref_slice %arg16[%dma_start3A_1128] : memref<8x!tpu.dma_semaphore, #tpu.memory_space<semaphore_mem>> -> memref<1x!tpu.dma_semaphore, #tpu.memory_space<semaphore_mem>>
      %dma_start3A_1136 = tpu.memref_squeeze %dma_start3A_1135 : memref<1x!tpu.dma_semaphore, #tpu.memory_space<semaphore_mem>> -> memref<!tpu.dma_semaphore, #tpu.memory_space<semaphore_mem>>
      %dma_start3A_1137 = arith.constant 0 : i32
      %dma_start3A_1138 = arith.constant 0 : i32
      %dma_start3A_1139 = tpu.memref_slice %arg11[%dma_start3A, %dma_start3A_1137, %dma_start3A_1138] : memref<8x32x128xf32, #tpu.memory_space<vmem>> -> memref<1x32x128xf32, #tpu.memory_space<vmem>>
      %dma_start3A_1140 = tpu.memref_squeeze %dma_start3A_1139 : memref<1x32x128xf32, #tpu.memory_space<vmem>> -> memref<32x128xf32, #tpu.memory_space<vmem>>
      %dma_start3A_1141 = arith.constant 0 : i32
      %dma_start3A_1142 = tpu.memref_slice %arg4[%dma_start3A_1141, %multiple_of3A_1127] : memref<32x1000000xf32, #tpu.memory_space<hbm>> -> memref<32x128xf32, #tpu.memory_space<hbm>>
      tpu.enqueue_dma source(%dma_start3A_1142 : memref<32x128xf32, #tpu.memory_space<hbm>>) target(%dma_start3A_1140 : memref<32x128xf32, #tpu.memory_space<vmem>>) target_semaphore(%dma_start3A_1136 : memref<!tpu.dma_semaphore, #tpu.memory_space<semaphore_mem>>)
      %slice3A_1143 = vector.extract_strided_slice %get3A_1017 {offsets = [0], sizes = [1], strides = [1]} : vector<16xi32> to vector<1xi32>
      %squeeze3A_1144 = vector.extract %slice3A_1143[0] : i32 from vector<1xi32>
      %add3A_1145 = arith.addi %squeeze3A_1144, %convert_element_type3A_1117 : i32
      %min3A_1146 = arith.constant 999935 : i32
      %min3A_1147 = arith.minsi %add3A_1145, %min3A_1146 : i32
      %shift_right_arithmetic3A_1148 = arith.constant 7 : i32
      %shift_right_arithmetic3A_1149 = arith.shrsi %min3A_1147, %shift_right_arithmetic3A_1148 : i32
      %mul3A_1150 = arith.constant 128 : i32
      %mul3A_1151 = arith.muli %shift_right_arithmetic3A_1149, %mul3A_1150 : i32
      %multiple_of3A_1152 = tpu.assume_multiple %mul3A_1151, 128 : i32
      %dma_start3A_1153 = arith.constant 0 : i32
      %dma_start3A_1154 = arith.constant 0 : i32
      %dma_start3A_1155 = arith.constant 0 : i32
      %dma_start3A_1156 = arith.constant 0 : i32
      %dma_start3A_1157 = tpu.memref_slice %arg12[%dma_start3A_1153, %dma_start3A_1155, %dma_start3A_1156] : memref<8x32x128xf32, #tpu.memory_space<vmem>> -> memref<1x32x128xf32, #tpu.memory_space<vmem>>
      %dma_start3A_1158 = tpu.memref_squeeze %dma_start3A_1157 : memref<1x32x128xf32, #tpu.memory_space<vmem>> -> memref<32x128xf32, #tpu.memory_space<vmem>>
      %dma_start3A_1159 = arith.constant 0 : i32
      %dma_start3A_1160 = tpu.memref_slice %arg5[%dma_start3A_1159, %multiple_of3A_1152] : memref<32x1000000xf32, #tpu.memory_space<hbm>> -> memref<32x128xf32, #tpu.memory_space<hbm>>
      %dma_start3A_1161 = tpu.memref_slice %arg16[%dma_start3A_1154] : memref<8x!tpu.dma_semaphore, #tpu.memory_space<semaphore_mem>> -> memref<1x!tpu.dma_semaphore, #tpu.memory_space<semaphore_mem>>
      %dma_start3A_1162 = tpu.memref_squeeze %dma_start3A_1161 : memref<1x!tpu.dma_semaphore, #tpu.memory_space<semaphore_mem>> -> memref<!tpu.dma_semaphore, #tpu.memory_space<semaphore_mem>>
      %dma_start3A_1163 = arith.constant 0 : i32
      %dma_start3A_1164 = arith.constant 0 : i32
      %dma_start3A_1165 = tpu.memref_slice %arg12[%dma_start3A_1153, %dma_start3A_1163, %dma_start3A_1164] : memref<8x32x128xf32, #tpu.memory_space<vmem>> -> memref<1x32x128xf32, #tpu.memory_space<vmem>>
      %dma_start3A_1166 = tpu.memref_squeeze %dma_start3A_1165 : memref<1x32x128xf32, #tpu.memory_space<vmem>> -> memref<32x128xf32, #tpu.memory_space<vmem>>
      %dma_start3A_1167 = arith.constant 0 : i32
      %dma_start3A_1168 = tpu.memref_slice %arg5[%dma_start3A_1167, %multiple_of3A_1152] : memref<32x1000000xf32, #tpu.memory_space<hbm>> -> memref<32x128xf32, #tpu.memory_space<hbm>>
      tpu.enqueue_dma source(%dma_start3A_1168 : memref<32x128xf32, #tpu.memory_space<hbm>>) target(%dma_start3A_1166 : memref<32x128xf32, #tpu.memory_space<vmem>>) target_semaphore(%dma_start3A_1162 : memref<!tpu.dma_semaphore, #tpu.memory_space<semaphore_mem>>)
      %gt3A_1169 = arith.constant 0 : i32
      %gt3A_1170 = arith.cmpi sgt, %scan3A_1008, %gt3A_1169 : i32
      %convert_element_type3A_1171 = arith.extui %gt3A_1170 : i1 to i32
      %cond3A_1172 = arith.constant 0 : i32
      %cond3A_1173 = arith.cmpi ne, %convert_element_type3A_1171, %cond3A_1172 : i32
      scf.if %cond3A_1173 {
        %dma_wait3A_3723 = arith.constant 1 : i32
        %dma_wait3A_3724 = arith.constant 1 : i32
        %dma_wait3A_3725 = arith.constant 0 : i32
        %dma_wait3A_3726 = arith.constant 0 : i32
        %dma_wait3A_3727 = tpu.memref_slice %arg11[%dma_wait3A_3723, %dma_wait3A_3725, %dma_wait3A_3726] : memref<8x32x128xf32, #tpu.memory_space<vmem>> -> memref<1x32x128xf32, #tpu.memory_space<vmem>>
        %dma_wait3A_3728 = tpu.memref_squeeze %dma_wait3A_3727 : memref<1x32x128xf32, #tpu.memory_space<vmem>> -> memref<32x128xf32, #tpu.memory_space<vmem>>
        %dma_wait3A_3729 = arith.constant 0 : i32
        %dma_wait3A_3730 = arith.constant 0 : i32
        %dma_wait3A_3731 = tpu.memref_slice %arg4[%dma_wait3A_3729, %dma_wait3A_3730] : memref<32x1000000xf32, #tpu.memory_space<hbm>> -> memref<32x128xf32, #tpu.memory_space<hbm>>
        %dma_wait3A_3732 = tpu.memref_slice %arg16[%dma_wait3A_3724] : memref<8x!tpu.dma_semaphore, #tpu.memory_space<semaphore_mem>> -> memref<1x!tpu.dma_semaphore, #tpu.memory_space<semaphore_mem>>
        %dma_wait3A_3733 = tpu.memref_squeeze %dma_wait3A_3732 : memref<1x!tpu.dma_semaphore, #tpu.memory_space<semaphore_mem>> -> memref<!tpu.dma_semaphore, #tpu.memory_space<semaphore_mem>>
        %dma_wait3A_3734 = arith.constant 0 : i32
        %dma_wait3A_3735 = arith.constant 0 : i32
        %dma_wait3A_3736 = tpu.memref_slice %arg11[%dma_wait3A_3723, %dma_wait3A_3734, %dma_wait3A_3735] : memref<8x32x128xf32, #tpu.memory_space<vmem>> -> memref<1x32x128xf32, #tpu.memory_space<vmem>>
        %dma_wait3A_3737 = tpu.memref_squeeze %dma_wait3A_3736 : memref<1x32x128xf32, #tpu.memory_space<vmem>> -> memref<32x128xf32, #tpu.memory_space<vmem>>
        %dma_wait3A_3738 = arith.constant 0 : i32
        %dma_wait3A_3739 = arith.constant 0 : i32
        %dma_wait3A_3740 = tpu.memref_slice %arg4[%dma_wait3A_3738, %dma_wait3A_3739] : memref<32x1000000xf32, #tpu.memory_space<hbm>> -> memref<32x128xf32, #tpu.memory_space<hbm>>
        tpu.wait_dma2 semaphore(%dma_wait3A_3733 : memref<!tpu.dma_semaphore, #tpu.memory_space<semaphore_mem>>) src(%dma_wait3A_3740 : memref<32x128xf32, #tpu.memory_space<hbm>>) dst(%dma_wait3A_3737 : memref<32x128xf32, #tpu.memory_space<vmem>>)
        %dma_wait3A_3741 = arith.constant 1 : i32
        %dma_wait3A_3742 = arith.constant 1 : i32
        %dma_wait3A_3743 = arith.constant 0 : i32
        %dma_wait3A_3744 = arith.constant 0 : i32
        %dma_wait3A_3745 = tpu.memref_slice %arg12[%dma_wait3A_3741, %dma_wait3A_3743, %dma_wait3A_3744] : memref<8x32x128xf32, #tpu.memory_space<vmem>> -> memref<1x32x128xf32, #tpu.memory_space<vmem>>
        %dma_wait3A_3746 = tpu.memref_squeeze %dma_wait3A_3745 : memref<1x32x128xf32, #tpu.memory_space<vmem>> -> memref<32x128xf32, #tpu.memory_space<vmem>>
        %dma_wait3A_3747 = arith.constant 0 : i32
        %dma_wait3A_3748 = arith.constant 0 : i32
        %dma_wait3A_3749 = tpu.memref_slice %arg5[%dma_wait3A_3747, %dma_wait3A_3748] : memref<32x1000000xf32, #tpu.memory_space<hbm>> -> memref<32x128xf32, #tpu.memory_space<hbm>>
        %dma_wait3A_3750 = tpu.memref_slice %arg16[%dma_wait3A_3742] : memref<8x!tpu.dma_semaphore, #tpu.memory_space<semaphore_mem>> -> memref<1x!tpu.dma_semaphore, #tpu.memory_space<semaphore_mem>>
        %dma_wait3A_3751 = tpu.memref_squeeze %dma_wait3A_3750 : memref<1x!tpu.dma_semaphore, #tpu.memory_space<semaphore_mem>> -> memref<!tpu.dma_semaphore, #tpu.memory_space<semaphore_mem>>
        %dma_wait3A_3752 = arith.constant 0 : i32
        %dma_wait3A_3753 = arith.constant 0 : i32
        %dma_wait3A_3754 = tpu.memref_slice %arg12[%dma_wait3A_3741, %dma_wait3A_3752, %dma_wait3A_3753] : memref<8x32x128xf32, #tpu.memory_space<vmem>> -> memref<1x32x128xf32, #tpu.memory_space<vmem>>
        %dma_wait3A_3755 = tpu.memref_squeeze %dma_wait3A_3754 : memref<1x32x128xf32, #tpu.memory_space<vmem>> -> memref<32x128xf32, #tpu.memory_space<vmem>>
        %dma_wait3A_3756 = arith.constant 0 : i32
        %dma_wait3A_3757 = arith.constant 0 : i32
        %dma_wait3A_3758 = tpu.memref_slice %arg5[%dma_wait3A_3756, %dma_wait3A_3757] : memref<32x1000000xf32, #tpu.memory_space<hbm>> -> memref<32x128xf32, #tpu.memory_space<hbm>>
        tpu.wait_dma2 semaphore(%dma_wait3A_3751 : memref<!tpu.dma_semaphore, #tpu.memory_space<semaphore_mem>>) src(%dma_wait3A_3758 : memref<32x128xf32, #tpu.memory_space<hbm>>) dst(%dma_wait3A_3755 : memref<32x128xf32, #tpu.memory_space<vmem>>)
      } else {
      }
      %slice3A_1174 = vector.extract_strided_slice %scan3A_1009 {offsets = [9], sizes = [1], strides = [1]} : vector<16xi32> to vector<1xi32>
      %squeeze3A_1175 = vector.extract %slice3A_1174[0] : i32 from vector<1xi32>
      %slice3A_1176 = vector.extract_strided_slice %scan3A_1010 {offsets = [9], sizes = [1], strides = [1]} : vector<16xi32> to vector<1xi32>
      %squeeze3A_1177 = vector.extract %slice3A_1176[0] : i32 from vector<1xi32>
      %min3A_1178 = arith.constant 999935 : i32
      %min3A_1179 = arith.minsi %squeeze3A_1175, %min3A_1178 : i32
      %shift_right_arithmetic3A_1180 = arith.constant 7 : i32
      %shift_right_arithmetic3A_1181 = arith.shrsi %min3A_1179, %shift_right_arithmetic3A_1180 : i32
      %mul3A_1182 = arith.constant 128 : i32
      %mul3A_1183 = arith.muli %shift_right_arithmetic3A_1181, %mul3A_1182 : i32
      %sub3A_1184 = arith.subi %min3A_1179, %mul3A_1183 : i32
      %broadcast_in_dim3A_1185 = vector.broadcast %sub3A_1184 : i32 to vector<16xi32>
      %sub3A_1186 = arith.constant 999936 : i32
      %sub3A_1187 = arith.subi %squeeze3A_1175, %sub3A_1186 : i32
      %max3A_1188 = arith.constant 0 : i32
      %max3A_1189 = arith.maxsi %sub3A_1187, %max3A_1188 : i32
      %broadcast_in_dim3A_1190 = vector.broadcast %max3A_1189 : i32 to vector<16xi32>
      %lt3A_1191 = arith.constant 999936 : i32
      %lt3A_1192 = arith.cmpi slt, %squeeze3A_1175, %lt3A_1191 : i32
      %gather3A_1193 = arith.constant 1 : i32
      %gather3A_1194 = arith.constant 0 : i32
      %gather3A_1195 = arith.constant 0 : i32
      %gather3A_1196 = tpu.memref_slice %arg11[%gather3A_1193, %gather3A_1194, %gather3A_1195] : memref<8x32x128xf32, #tpu.memory_space<vmem>> -> memref<1x32x128xf32, #tpu.memory_space<vmem>>
      %gather3A_1197 = tpu.memref_squeeze %gather3A_1196 : memref<1x32x128xf32, #tpu.memory_space<vmem>> -> memref<32x128xf32, #tpu.memory_space<vmem>>
      %gather3A_1198 = tpu.vector_load_idx %gather3A_1197[%iota3A, %broadcast_in_dim3A_1185] : memref<32x128xf32, #tpu.memory_space<vmem>>[vector<16xi32>, vector<16xi32>], vector<16xf32>,
      %add3A_1199 = arith.constant 16 : i32
      %add3A_1200 = vector.broadcast %add3A_1199 : i32 to vector<16xi32>
      %add3A_1201 = arith.addi %iota3A, %add3A_1200 : vector<16xi32>
      %gather3A_1202 = arith.constant 1 : i32
      %gather3A_1203 = arith.constant 0 : i32
      %gather3A_1204 = arith.constant 0 : i32
      %gather3A_1205 = tpu.memref_slice %arg11[%gather3A_1202, %gather3A_1203, %gather3A_1204] : memref<8x32x128xf32, #tpu.memory_space<vmem>> -> memref<1x32x128xf32, #tpu.memory_space<vmem>>
      %gather3A_1206 = tpu.memref_squeeze %gather3A_1205 : memref<1x32x128xf32, #tpu.memory_space<vmem>> -> memref<32x128xf32, #tpu.memory_space<vmem>>
      %gather3A_1207 = tpu.vector_load_idx %gather3A_1206[%add3A_1201, %broadcast_in_dim3A_1185] : memref<32x128xf32, #tpu.memory_space<vmem>>[vector<16xi32>, vector<16xi32>], vector<16xf32>,
      %gather3A_1208 = tpu.vector_load_idx %arg13[%iota3A, %broadcast_in_dim3A_1190] : memref<32x128xf32, #tpu.memory_space<vmem>>[vector<16xi32>, vector<16xi32>], vector<16xf32>,
      %add3A_1209 = arith.constant 16 : i32
      %add3A_1210 = vector.broadcast %add3A_1209 : i32 to vector<16xi32>
      %add3A_1211 = arith.addi %iota3A, %add3A_1210 : vector<16xi32>
      %gather3A_1212 = tpu.vector_load_idx %arg13[%add3A_1211, %broadcast_in_dim3A_1190] : memref<32x128xf32, #tpu.memory_space<vmem>>[vector<16xi32>, vector<16xi32>], vector<16xf32>,
      %select_n3A_1213 = arith.select %lt3A_1192, %gather3A_1198, %gather3A_1208 : vector<16xf32>
      %select_n3A_1214 = arith.select %lt3A_1192, %gather3A_1207, %gather3A_1212 : vector<16xf32>
      %min3A_1215 = arith.constant 999935 : i32
      %min3A_1216 = arith.minsi %squeeze3A_1177, %min3A_1215 : i32
      %shift_right_arithmetic3A_1217 = arith.constant 7 : i32
      %shift_right_arithmetic3A_1218 = arith.shrsi %min3A_1216, %shift_right_arithmetic3A_1217 : i32
      %mul3A_1219 = arith.constant 128 : i32
      %mul3A_1220 = arith.muli %shift_right_arithmetic3A_1218, %mul3A_1219 : i32
      %sub3A_1221 = arith.subi %min3A_1216, %mul3A_1220 : i32
      %broadcast_in_dim3A_1222 = vector.broadcast %sub3A_1221 : i32 to vector<16xi32>
      %sub3A_1223 = arith.constant 999936 : i32
      %sub3A_1224 = arith.subi %squeeze3A_1177, %sub3A_1223 : i32
      %max3A_1225 = arith.constant 0 : i32
      %max3A_1226 = arith.maxsi %sub3A_1224, %max3A_1225 : i32
      %broadcast_in_dim3A_1227 = vector.broadcast %max3A_1226 : i32 to vector<16xi32>
      %lt3A_1228 = arith.constant 999936 : i32
      %lt3A_1229 = arith.cmpi slt, %squeeze3A_1177, %lt3A_1228 : i32
      %gather3A_1230 = arith.constant 1 : i32
      %gather3A_1231 = arith.constant 0 : i32
      %gather3A_1232 = arith.constant 0 : i32
      %gather3A_1233 = tpu.memref_slice %arg12[%gather3A_1230, %gather3A_1231, %gather3A_1232] : memref<8x32x128xf32, #tpu.memory_space<vmem>> -> memref<1x32x128xf32, #tpu.memory_space<vmem>>
      %gather3A_1234 = tpu.memref_squeeze %gather3A_1233 : memref<1x32x128xf32, #tpu.memory_space<vmem>> -> memref<32x128xf32, #tpu.memory_space<vmem>>
      %gather3A_1235 = tpu.vector_load_idx %gather3A_1234[%iota3A, %broadcast_in_dim3A_1222] : memref<32x128xf32, #tpu.memory_space<vmem>>[vector<16xi32>, vector<16xi32>], vector<16xf32>,
      %add3A_1236 = arith.constant 16 : i32
      %add3A_1237 = vector.broadcast %add3A_1236 : i32 to vector<16xi32>
      %add3A_1238 = arith.addi %iota3A, %add3A_1237 : vector<16xi32>
      %gather3A_1239 = arith.constant 1 : i32
      %gather3A_1240 = arith.constant 0 : i32
      %gather3A_1241 = arith.constant 0 : i32
      %gather3A_1242 = tpu.memref_slice %arg12[%gather3A_1239, %gather3A_1240, %gather3A_1241] : memref<8x32x128xf32, #tpu.memory_space<vmem>> -> memref<1x32x128xf32, #tpu.memory_space<vmem>>
      %gather3A_1243 = tpu.memref_squeeze %gather3A_1242 : memref<1x32x128xf32, #tpu.memory_space<vmem>> -> memref<32x128xf32, #tpu.memory_space<vmem>>
      %gather3A_1244 = tpu.vector_load_idx %gather3A_1243[%add3A_1238, %broadcast_in_dim3A_1222] : memref<32x128xf32, #tpu.memory_space<vmem>>[vector<16xi32>, vector<16xi32>], vector<16xf32>,
      %gather3A_1245 = tpu.vector_load_idx %arg14[%iota3A, %broadcast_in_dim3A_1227] : memref<32x128xf32, #tpu.memory_space<vmem>>[vector<16xi32>, vector<16xi32>], vector<16xf32>,
      %add3A_1246 = arith.constant 16 : i32
      %add3A_1247 = vector.broadcast %add3A_1246 : i32 to vector<16xi32>
      %add3A_1248 = arith.addi %iota3A, %add3A_1247 : vector<16xi32>
      %gather3A_1249 = tpu.vector_load_idx %arg14[%add3A_1248, %broadcast_in_dim3A_1227] : memref<32x128xf32, #tpu.memory_space<vmem>>[vector<16xi32>, vector<16xi32>], vector<16xf32>,
      %select_n3A_1250 = arith.select %lt3A_1229, %gather3A_1235, %gather3A_1245 : vector<16xf32>
      %select_n3A_1251 = arith.select %lt3A_1229, %gather3A_1244, %gather3A_1249 : vector<16xf32>
      %mul3A_1252 = arith.mulf %select_n3A_1213, %select_n3A_1250 : vector<16xf32>
      %mul3A_1253 = arith.mulf %select_n3A_1214, %select_n3A_1251 : vector<16xf32>
      %add3A_1254 = arith.addf %mul3A_1252, %mul3A_1253 : vector<16xf32>
      %reduce_sum3A_1255 = arith.constant true
      %reduce_sum3A_1256 = vector.broadcast %reduce_sum3A_1255 : i1 to vector<16xi1>
      %reduce_sum3A_1257 = tpu.scan <sum>, %add3A_1254 masked %reduce_sum3A_1256 : vector<16xf32>, vector<16xi1> -> vector<16xf32>
      %reduce_sum3A_1258 = vector.extract %reduce_sum3A_1257[15] : f32 from vector<16xf32>
      %eq3A_1259 = arith.constant 9 : i32
      %eq3A_1260 = vector.broadcast %eq3A_1259 : i32 to vector<16xi32>
      %eq3A_1261 = arith.cmpi eq, %iota3A, %eq3A_1260 : vector<16xi32>
      %broadcast_in_dim3A_1262 = vector.broadcast %reduce_sum3A_1258 : f32 to vector<16xf32>
      %select_n3A_1263 = arith.select %eq3A_1261, %broadcast_in_dim3A_1262, %select_n3A_1112 : vector<16xi1>, vector<16xf32>
      %gt3A_1264 = arith.constant 0 : i32
      %gt3A_1265 = arith.cmpi sgt, %scan3A_1008, %gt3A_1264 : i32
      %select_n3A_1266 = arith.select %gt3A_1265, %select_n3A_1263, %select_n3A_1112 : vector<16xf32>
      %slice3A_1267 = vector.extract_strided_slice %select_n3A_1266 {offsets = [1], sizes = [1], strides = [1]} : vector<16xf32> to vector<1xf32>
      %squeeze3A_1268 = vector.extract %slice3A_1267[0] : f32 from vector<1xf32>
      %mul3A_1269 = arith.constant 0.000000e+00 : f32
      %mul3A_1270 = arith.mulf %squeeze3A_1268, %mul3A_1269 : f32
      %convert_element_type3A_1271 = arith.fptosi %mul3A_1270 : f32 to i32
      %slice3A_1272 = vector.extract_strided_slice %get3A_1014 {offsets = [1], sizes = [1], strides = [1]} : vector<16xi32> to vector<1xi32>
      %squeeze3A_1273 = vector.extract %slice3A_1272[0] : i32 from vector<1xi32>
      %add3A_1274 = arith.addi %squeeze3A_1273, %convert_element_type3A_1271 : i32
      %min3A_1275 = arith.constant 999935 : i32
      %min3A_1276 = arith.minsi %add3A_1274, %min3A_1275 : i32
      %shift_right_arithmetic3A_1277 = arith.constant 7 : i32
      %shift_right_arithmetic3A_1278 = arith.shrsi %min3A_1276, %shift_right_arithmetic3A_1277 : i32
      %mul3A_1279 = arith.constant 128 : i32
      %mul3A_1280 = arith.muli %shift_right_arithmetic3A_1278, %mul3A_1279 : i32
      %multiple_of3A_1281 = tpu.assume_multiple %mul3A_1280, 128 : i32
      %dma_start3A_1282 = arith.constant 1 : i32
      %dma_start3A_1283 = arith.constant 1 : i32
      %dma_start3A_1284 = arith.constant 0 : i32
      %dma_start3A_1285 = arith.constant 0 : i32
      %dma_start3A_1286 = tpu.memref_slice %arg11[%dma_start3A_1282, %dma_start3A_1284, %dma_start3A_1285] : memref<8x32x128xf32, #tpu.memory_space<vmem>> -> memref<1x32x128xf32, #tpu.memory_space<vmem>>
      %dma_start3A_1287 = tpu.memref_squeeze %dma_start3A_1286 : memref<1x32x128xf32, #tpu.memory_space<vmem>> -> memref<32x128xf32, #tpu.memory_space<vmem>>
      %dma_start3A_1288 = arith.constant 0 : i32
      %dma_start3A_1289 = tpu.memref_slice %arg4[%dma_start3A_1288, %multiple_of3A_1281] : memref<32x1000000xf32, #tpu.memory_space<hbm>> -> memref<32x128xf32, #tpu.memory_space<hbm>>
      %dma_start3A_1290 = tpu.memref_slice %arg16[%dma_start3A_1283] : memref<8x!tpu.dma_semaphore, #tpu.memory_space<semaphore_mem>> -> memref<1x!tpu.dma_semaphore, #tpu.memory_space<semaphore_mem>>
      %dma_start3A_1291 = tpu.memref_squeeze %dma_start3A_1290 : memref<1x!tpu.dma_semaphore, #tpu.memory_space<semaphore_mem>> -> memref<!tpu.dma_semaphore, #tpu.memory_space<semaphore_mem>>
      %dma_start3A_1292 = arith.constant 0 : i32
      %dma_start3A_1293 = arith.constant 0 : i32
      %dma_start3A_1294 = tpu.memref_slice %arg11[%dma_start3A_1282, %dma_start3A_1292, %dma_start3A_1293] : memref<8x32x128xf32, #tpu.memory_space<vmem>> -> memref<1x32x128xf32, #tpu.memory_space<vmem>>
      %dma_start3A_1295 = tpu.memref_squeeze %dma_start3A_1294 : memref<1x32x128xf32, #tpu.memory_space<vmem>> -> memref<32x128xf32, #tpu.memory_space<vmem>>
      %dma_start3A_1296 = arith.constant 0 : i32
      %dma_start3A_1297 = tpu.memref_slice %arg4[%dma_start3A_1296, %multiple_of3A_1281] : memref<32x1000000xf32, #tpu.memory_space<hbm>> -> memref<32x128xf32, #tpu.memory_space<hbm>>
      tpu.enqueue_dma source(%dma_start3A_1297 : memref<32x128xf32, #tpu.memory_space<hbm>>) target(%dma_start3A_1295 : memref<32x128xf32, #tpu.memory_space<vmem>>) target_semaphore(%dma_start3A_1291 : memref<!tpu.dma_semaphore, #tpu.memory_space<semaphore_mem>>)
      %slice3A_1298 = vector.extract_strided_slice %get3A_1017 {offsets = [1], sizes = [1], strides = [1]} : vector<16xi32> to vector<1xi32>
      %squeeze3A_1299 = vector.extract %slice3A_1298[0] : i32 from vector<1xi32>
      %add3A_1300 = arith.addi %squeeze3A_1299, %convert_element_type3A_1271 : i32
      %min3A_1301 = arith.constant 999935 : i32
      %min3A_1302 = arith.minsi %add3A_1300, %min3A_1301 : i32
      %shift_right_arithmetic3A_1303 = arith.constant 7 : i32
      %shift_right_arithmetic3A_1304 = arith.shrsi %min3A_1302, %shift_right_arithmetic3A_1303 : i32
      %mul3A_1305 = arith.constant 128 : i32
      %mul3A_1306 = arith.muli %shift_right_arithmetic3A_1304, %mul3A_1305 : i32
      %multiple_of3A_1307 = tpu.assume_multiple %mul3A_1306, 128 : i32
      %dma_start3A_1308 = arith.constant 1 : i32
      %dma_start3A_1309 = arith.constant 1 : i32
      %dma_start3A_1310 = arith.constant 0 : i32
      %dma_start3A_1311 = arith.constant 0 : i32
      %dma_start3A_1312 = tpu.memref_slice %arg12[%dma_start3A_1308, %dma_start3A_1310, %dma_start3A_1311] : memref<8x32x128xf32, #tpu.memory_space<vmem>> -> memref<1x32x128xf32, #tpu.memory_space<vmem>>
      %dma_start3A_1313 = tpu.memref_squeeze %dma_start3A_1312 : memref<1x32x128xf32, #tpu.memory_space<vmem>> -> memref<32x128xf32, #tpu.memory_space<vmem>>
      %dma_start3A_1314 = arith.constant 0 : i32
      %dma_start3A_1315 = tpu.memref_slice %arg5[%dma_start3A_1314, %multiple_of3A_1307] : memref<32x1000000xf32, #tpu.memory_space<hbm>> -> memref<32x128xf32, #tpu.memory_space<hbm>>
      %dma_start3A_1316 = tpu.memref_slice %arg16[%dma_start3A_1309] : memref<8x!tpu.dma_semaphore, #tpu.memory_space<semaphore_mem>> -> memref<1x!tpu.dma_semaphore, #tpu.memory_space<semaphore_mem>>
      %dma_start3A_1317 = tpu.memref_squeeze %dma_start3A_1316 : memref<1x!tpu.dma_semaphore, #tpu.memory_space<semaphore_mem>> -> memref<!tpu.dma_semaphore, #tpu.memory_space<semaphore_mem>>
      %dma_start3A_1318 = arith.constant 0 : i32
      %dma_start3A_1319 = arith.constant 0 : i32
      %dma_start3A_1320 = tpu.memref_slice %arg12[%dma_start3A_1308, %dma_start3A_1318, %dma_start3A_1319] : memref<8x32x128xf32, #tpu.memory_space<vmem>> -> memref<1x32x128xf32, #tpu.memory_space<vmem>>
      %dma_start3A_1321 = tpu.memref_squeeze %dma_start3A_1320 : memref<1x32x128xf32, #tpu.memory_space<vmem>> -> memref<32x128xf32, #tpu.memory_space<vmem>>
      %dma_start3A_1322 = arith.constant 0 : i32
      %dma_start3A_1323 = tpu.memref_slice %arg5[%dma_start3A_1322, %multiple_of3A_1307] : memref<32x1000000xf32, #tpu.memory_space<hbm>> -> memref<32x128xf32, #tpu.memory_space<hbm>>
      tpu.enqueue_dma source(%dma_start3A_1323 : memref<32x128xf32, #tpu.memory_space<hbm>>) target(%dma_start3A_1321 : memref<32x128xf32, #tpu.memory_space<vmem>>) target_semaphore(%dma_start3A_1317 : memref<!tpu.dma_semaphore, #tpu.memory_space<semaphore_mem>>)
      %gt3A_1324 = arith.constant 0 : i32
      %gt3A_1325 = arith.cmpi sgt, %scan3A_1008, %gt3A_1324 : i32
      %convert_element_type3A_1326 = arith.extui %gt3A_1325 : i1 to i32
      %cond3A_1327 = arith.constant 0 : i32
      %cond3A_1328 = arith.cmpi ne, %convert_element_type3A_1326, %cond3A_1327 : i32
      scf.if %cond3A_1328 {
        %dma_wait3A_3723 = arith.constant 2 : i32
        %dma_wait3A_3724 = arith.constant 2 : i32
        %dma_wait3A_3725 = arith.constant 0 : i32
        %dma_wait3A_3726 = arith.constant 0 : i32
        %dma_wait3A_3727 = tpu.memref_slice %arg11[%dma_wait3A_3723, %dma_wait3A_3725, %dma_wait3A_3726] : memref<8x32x128xf32, #tpu.memory_space<vmem>> -> memref<1x32x128xf32, #tpu.memory_space<vmem>>
        %dma_wait3A_3728 = tpu.memref_squeeze %dma_wait3A_3727 : memref<1x32x128xf32, #tpu.memory_space<vmem>> -> memref<32x128xf32, #tpu.memory_space<vmem>>
        %dma_wait3A_3729 = arith.constant 0 : i32
        %dma_wait3A_3730 = arith.constant 0 : i32
        %dma_wait3A_3731 = tpu.memref_slice %arg4[%dma_wait3A_3729, %dma_wait3A_3730] : memref<32x1000000xf32, #tpu.memory_space<hbm>> -> memref<32x128xf32, #tpu.memory_space<hbm>>
        %dma_wait3A_3732 = tpu.memref_slice %arg16[%dma_wait3A_3724] : memref<8x!tpu.dma_semaphore, #tpu.memory_space<semaphore_mem>> -> memref<1x!tpu.dma_semaphore, #tpu.memory_space<semaphore_mem>>
        %dma_wait3A_3733 = tpu.memref_squeeze %dma_wait3A_3732 : memref<1x!tpu.dma_semaphore, #tpu.memory_space<semaphore_mem>> -> memref<!tpu.dma_semaphore, #tpu.memory_space<semaphore_mem>>
        %dma_wait3A_3734 = arith.constant 0 : i32
        %dma_wait3A_3735 = arith.constant 0 : i32
        %dma_wait3A_3736 = tpu.memref_slice %arg11[%dma_wait3A_3723, %dma_wait3A_3734, %dma_wait3A_3735] : memref<8x32x128xf32, #tpu.memory_space<vmem>> -> memref<1x32x128xf32, #tpu.memory_space<vmem>>
        %dma_wait3A_3737 = tpu.memref_squeeze %dma_wait3A_3736 : memref<1x32x128xf32, #tpu.memory_space<vmem>> -> memref<32x128xf32, #tpu.memory_space<vmem>>
        %dma_wait3A_3738 = arith.constant 0 : i32
        %dma_wait3A_3739 = arith.constant 0 : i32
        %dma_wait3A_3740 = tpu.memref_slice %arg4[%dma_wait3A_3738, %dma_wait3A_3739] : memref<32x1000000xf32, #tpu.memory_space<hbm>> -> memref<32x128xf32, #tpu.memory_space<hbm>>
        tpu.wait_dma2 semaphore(%dma_wait3A_3733 : memref<!tpu.dma_semaphore, #tpu.memory_space<semaphore_mem>>) src(%dma_wait3A_3740 : memref<32x128xf32, #tpu.memory_space<hbm>>) dst(%dma_wait3A_3737 : memref<32x128xf32, #tpu.memory_space<vmem>>)
        %dma_wait3A_3741 = arith.constant 2 : i32
        %dma_wait3A_3742 = arith.constant 2 : i32
        %dma_wait3A_3743 = arith.constant 0 : i32
        %dma_wait3A_3744 = arith.constant 0 : i32
        %dma_wait3A_3745 = tpu.memref_slice %arg12[%dma_wait3A_3741, %dma_wait3A_3743, %dma_wait3A_3744] : memref<8x32x128xf32, #tpu.memory_space<vmem>> -> memref<1x32x128xf32, #tpu.memory_space<vmem>>
        %dma_wait3A_3746 = tpu.memref_squeeze %dma_wait3A_3745 : memref<1x32x128xf32, #tpu.memory_space<vmem>> -> memref<32x128xf32, #tpu.memory_space<vmem>>
        %dma_wait3A_3747 = arith.constant 0 : i32
        %dma_wait3A_3748 = arith.constant 0 : i32
        %dma_wait3A_3749 = tpu.memref_slice %arg5[%dma_wait3A_3747, %dma_wait3A_3748] : memref<32x1000000xf32, #tpu.memory_space<hbm>> -> memref<32x128xf32, #tpu.memory_space<hbm>>
        %dma_wait3A_3750 = tpu.memref_slice %arg16[%dma_wait3A_3742] : memref<8x!tpu.dma_semaphore, #tpu.memory_space<semaphore_mem>> -> memref<1x!tpu.dma_semaphore, #tpu.memory_space<semaphore_mem>>
        %dma_wait3A_3751 = tpu.memref_squeeze %dma_wait3A_3750 : memref<1x!tpu.dma_semaphore, #tpu.memory_space<semaphore_mem>> -> memref<!tpu.dma_semaphore, #tpu.memory_space<semaphore_mem>>
        %dma_wait3A_3752 = arith.constant 0 : i32
        %dma_wait3A_3753 = arith.constant 0 : i32
        %dma_wait3A_3754 = tpu.memref_slice %arg12[%dma_wait3A_3741, %dma_wait3A_3752, %dma_wait3A_3753] : memref<8x32x128xf32, #tpu.memory_space<vmem>> -> memref<1x32x128xf32, #tpu.memory_space<vmem>>
        %dma_wait3A_3755 = tpu.memref_squeeze %dma_wait3A_3754 : memref<1x32x128xf32, #tpu.memory_space<vmem>> -> memref<32x128xf32, #tpu.memory_space<vmem>>
        %dma_wait3A_3756 = arith.constant 0 : i32
        %dma_wait3A_3757 = arith.constant 0 : i32
        %dma_wait3A_3758 = tpu.memref_slice %arg5[%dma_wait3A_3756, %dma_wait3A_3757] : memref<32x1000000xf32, #tpu.memory_space<hbm>> -> memref<32x128xf32, #tpu.memory_space<hbm>>
        tpu.wait_dma2 semaphore(%dma_wait3A_3751 : memref<!tpu.dma_semaphore, #tpu.memory_space<semaphore_mem>>) src(%dma_wait3A_3758 : memref<32x128xf32, #tpu.memory_space<hbm>>) dst(%dma_wait3A_3755 : memref<32x128xf32, #tpu.memory_space<vmem>>)
      } else {
      }
      %slice3A_1329 = vector.extract_strided_slice %scan3A_1009 {offsets = [10], sizes = [1], strides = [1]} : vector<16xi32> to vector<1xi32>
      %squeeze3A_1330 = vector.extract %slice3A_1329[0] : i32 from vector<1xi32>
      %slice3A_1331 = vector.extract_strided_slice %scan3A_1010 {offsets = [10], sizes = [1], strides = [1]} : vector<16xi32> to vector<1xi32>
      %squeeze3A_1332 = vector.extract %slice3A_1331[0] : i32 from vector<1xi32>
      %min3A_1333 = arith.constant 999935 : i32
      %min3A_1334 = arith.minsi %squeeze3A_1330, %min3A_1333 : i32
      %shift_right_arithmetic3A_1335 = arith.constant 7 : i32
      %shift_right_arithmetic3A_1336 = arith.shrsi %min3A_1334, %shift_right_arithmetic3A_1335 : i32
      %mul3A_1337 = arith.constant 128 : i32
      %mul3A_1338 = arith.muli %shift_right_arithmetic3A_1336, %mul3A_1337 : i32
      %sub3A_1339 = arith.subi %min3A_1334, %mul3A_1338 : i32
      %broadcast_in_dim3A_1340 = vector.broadcast %sub3A_1339 : i32 to vector<16xi32>
      %sub3A_1341 = arith.constant 999936 : i32
      %sub3A_1342 = arith.subi %squeeze3A_1330, %sub3A_1341 : i32
      %max3A_1343 = arith.constant 0 : i32
      %max3A_1344 = arith.maxsi %sub3A_1342, %max3A_1343 : i32
      %broadcast_in_dim3A_1345 = vector.broadcast %max3A_1344 : i32 to vector<16xi32>
      %lt3A_1346 = arith.constant 999936 : i32
      %lt3A_1347 = arith.cmpi slt, %squeeze3A_1330, %lt3A_1346 : i32
      %gather3A_1348 = arith.constant 2 : i32
      %gather3A_1349 = arith.constant 0 : i32
      %gather3A_1350 = arith.constant 0 : i32
      %gather3A_1351 = tpu.memref_slice %arg11[%gather3A_1348, %gather3A_1349, %gather3A_1350] : memref<8x32x128xf32, #tpu.memory_space<vmem>> -> memref<1x32x128xf32, #tpu.memory_space<vmem>>
      %gather3A_1352 = tpu.memref_squeeze %gather3A_1351 : memref<1x32x128xf32, #tpu.memory_space<vmem>> -> memref<32x128xf32, #tpu.memory_space<vmem>>
      %gather3A_1353 = tpu.vector_load_idx %gather3A_1352[%iota3A, %broadcast_in_dim3A_1340] : memref<32x128xf32, #tpu.memory_space<vmem>>[vector<16xi32>, vector<16xi32>], vector<16xf32>,
      %add3A_1354 = arith.constant 16 : i32
      %add3A_1355 = vector.broadcast %add3A_1354 : i32 to vector<16xi32>
      %add3A_1356 = arith.addi %iota3A, %add3A_1355 : vector<16xi32>
      %gather3A_1357 = arith.constant 2 : i32
      %gather3A_1358 = arith.constant 0 : i32
      %gather3A_1359 = arith.constant 0 : i32
      %gather3A_1360 = tpu.memref_slice %arg11[%gather3A_1357, %gather3A_1358, %gather3A_1359] : memref<8x32x128xf32, #tpu.memory_space<vmem>> -> memref<1x32x128xf32, #tpu.memory_space<vmem>>
      %gather3A_1361 = tpu.memref_squeeze %gather3A_1360 : memref<1x32x128xf32, #tpu.memory_space<vmem>> -> memref<32x128xf32, #tpu.memory_space<vmem>>
      %gather3A_1362 = tpu.vector_load_idx %gather3A_1361[%add3A_1356, %broadcast_in_dim3A_1340] : memref<32x128xf32, #tpu.memory_space<vmem>>[vector<16xi32>, vector<16xi32>], vector<16xf32>,
      %gather3A_1363 = tpu.vector_load_idx %arg13[%iota3A, %broadcast_in_dim3A_1345] : memref<32x128xf32, #tpu.memory_space<vmem>>[vector<16xi32>, vector<16xi32>], vector<16xf32>,
      %add3A_1364 = arith.constant 16 : i32
      %add3A_1365 = vector.broadcast %add3A_1364 : i32 to vector<16xi32>
      %add3A_1366 = arith.addi %iota3A, %add3A_1365 : vector<16xi32>
      %gather3A_1367 = tpu.vector_load_idx %arg13[%add3A_1366, %broadcast_in_dim3A_1345] : memref<32x128xf32, #tpu.memory_space<vmem>>[vector<16xi32>, vector<16xi32>], vector<16xf32>,
      %select_n3A_1368 = arith.select %lt3A_1347, %gather3A_1353, %gather3A_1363 : vector<16xf32>
      %select_n3A_1369 = arith.select %lt3A_1347, %gather3A_1362, %gather3A_1367 : vector<16xf32>
      %min3A_1370 = arith.constant 999935 : i32
      %min3A_1371 = arith.minsi %squeeze3A_1332, %min3A_1370 : i32
      %shift_right_arithmetic3A_1372 = arith.constant 7 : i32
      %shift_right_arithmetic3A_1373 = arith.shrsi %min3A_1371, %shift_right_arithmetic3A_1372 : i32
      %mul3A_1374 = arith.constant 128 : i32
      %mul3A_1375 = arith.muli %shift_right_arithmetic3A_1373, %mul3A_1374 : i32
      %sub3A_1376 = arith.subi %min3A_1371, %mul3A_1375 : i32
      %broadcast_in_dim3A_1377 = vector.broadcast %sub3A_1376 : i32 to vector<16xi32>
      %sub3A_1378 = arith.constant 999936 : i32
      %sub3A_1379 = arith.subi %squeeze3A_1332, %sub3A_1378 : i32
      %max3A_1380 = arith.constant 0 : i32
      %max3A_1381 = arith.maxsi %sub3A_1379, %max3A_1380 : i32
      %broadcast_in_dim3A_1382 = vector.broadcast %max3A_1381 : i32 to vector<16xi32>
      %lt3A_1383 = arith.constant 999936 : i32
      %lt3A_1384 = arith.cmpi slt, %squeeze3A_1332, %lt3A_1383 : i32
      %gather3A_1385 = arith.constant 2 : i32
      %gather3A_1386 = arith.constant 0 : i32
      %gather3A_1387 = arith.constant 0 : i32
      %gather3A_1388 = tpu.memref_slice %arg12[%gather3A_1385, %gather3A_1386, %gather3A_1387] : memref<8x32x128xf32, #tpu.memory_space<vmem>> -> memref<1x32x128xf32, #tpu.memory_space<vmem>>
      %gather3A_1389 = tpu.memref_squeeze %gather3A_1388 : memref<1x32x128xf32, #tpu.memory_space<vmem>> -> memref<32x128xf32, #tpu.memory_space<vmem>>
      %gather3A_1390 = tpu.vector_load_idx %gather3A_1389[%iota3A, %broadcast_in_dim3A_1377] : memref<32x128xf32, #tpu.memory_space<vmem>>[vector<16xi32>, vector<16xi32>], vector<16xf32>,
      %add3A_1391 = arith.constant 16 : i32
      %add3A_1392 = vector.broadcast %add3A_1391 : i32 to vector<16xi32>
      %add3A_1393 = arith.addi %iota3A, %add3A_1392 : vector<16xi32>
      %gather3A_1394 = arith.constant 2 : i32
      %gather3A_1395 = arith.constant 0 : i32
      %gather3A_1396 = arith.constant 0 : i32
      %gather3A_1397 = tpu.memref_slice %arg12[%gather3A_1394, %gather3A_1395, %gather3A_1396] : memref<8x32x128xf32, #tpu.memory_space<vmem>> -> memref<1x32x128xf32, #tpu.memory_space<vmem>>
      %gather3A_1398 = tpu.memref_squeeze %gather3A_1397 : memref<1x32x128xf32, #tpu.memory_space<vmem>> -> memref<32x128xf32, #tpu.memory_space<vmem>>
      %gather3A_1399 = tpu.vector_load_idx %gather3A_1398[%add3A_1393, %broadcast_in_dim3A_1377] : memref<32x128xf32, #tpu.memory_space<vmem>>[vector<16xi32>, vector<16xi32>], vector<16xf32>,
      %gather3A_1400 = tpu.vector_load_idx %arg14[%iota3A, %broadcast_in_dim3A_1382] : memref<32x128xf32, #tpu.memory_space<vmem>>[vector<16xi32>, vector<16xi32>], vector<16xf32>,
      %add3A_1401 = arith.constant 16 : i32
      %add3A_1402 = vector.broadcast %add3A_1401 : i32 to vector<16xi32>
      %add3A_1403 = arith.addi %iota3A, %add3A_1402 : vector<16xi32>
      %gather3A_1404 = tpu.vector_load_idx %arg14[%add3A_1403, %broadcast_in_dim3A_1382] : memref<32x128xf32, #tpu.memory_space<vmem>>[vector<16xi32>, vector<16xi32>], vector<16xf32>,
      %select_n3A_1405 = arith.select %lt3A_1384, %gather3A_1390, %gather3A_1400 : vector<16xf32>
      %select_n3A_1406 = arith.select %lt3A_1384, %gather3A_1399, %gather3A_1404 : vector<16xf32>
      %mul3A_1407 = arith.mulf %select_n3A_1368, %select_n3A_1405 : vector<16xf32>
      %mul3A_1408 = arith.mulf %select_n3A_1369, %select_n3A_1406 : vector<16xf32>
      %add3A_1409 = arith.addf %mul3A_1407, %mul3A_1408 : vector<16xf32>
      %reduce_sum3A_1410 = arith.constant true
      %reduce_sum3A_1411 = vector.broadcast %reduce_sum3A_1410 : i1 to vector<16xi1>
      %reduce_sum3A_1412 = tpu.scan <sum>, %add3A_1409 masked %reduce_sum3A_1411 : vector<16xf32>, vector<16xi1> -> vector<16xf32>
      %reduce_sum3A_1413 = vector.extract %reduce_sum3A_1412[15] : f32 from vector<16xf32>
      %eq3A_1414 = arith.constant 10 : i32
      %eq3A_1415 = vector.broadcast %eq3A_1414 : i32 to vector<16xi32>
      %eq3A_1416 = arith.cmpi eq, %iota3A, %eq3A_1415 : vector<16xi32>
      %broadcast_in_dim3A_1417 = vector.broadcast %reduce_sum3A_1413 : f32 to vector<16xf32>
      %select_n3A_1418 = arith.select %eq3A_1416, %broadcast_in_dim3A_1417, %select_n3A_1266 : vector<16xi1>, vector<16xf32>
      %gt3A_1419 = arith.constant 0 : i32
      %gt3A_1420 = arith.cmpi sgt, %scan3A_1008, %gt3A_1419 : i32
      %select_n3A_1421 = arith.select %gt3A_1420, %select_n3A_1418, %select_n3A_1266 : vector<16xf32>
      %slice3A_1422 = vector.extract_strided_slice %select_n3A_1421 {offsets = [2], sizes = [1], strides = [1]} : vector<16xf32> to vector<1xf32>
      %squeeze3A_1423 = vector.extract %slice3A_1422[0] : f32 from vector<1xf32>
      %mul3A_1424 = arith.constant 0.000000e+00 : f32
      %mul3A_1425 = arith.mulf %squeeze3A_1423, %mul3A_1424 : f32
      %convert_element_type3A_1426 = arith.fptosi %mul3A_1425 : f32 to i32
      %slice3A_1427 = vector.extract_strided_slice %get3A_1014 {offsets = [2], sizes = [1], strides = [1]} : vector<16xi32> to vector<1xi32>
      %squeeze3A_1428 = vector.extract %slice3A_1427[0] : i32 from vector<1xi32>
      %add3A_1429 = arith.addi %squeeze3A_1428, %convert_element_type3A_1426 : i32
      %min3A_1430 = arith.constant 999935 : i32
      %min3A_1431 = arith.minsi %add3A_1429, %min3A_1430 : i32
      %shift_right_arithmetic3A_1432 = arith.constant 7 : i32
      %shift_right_arithmetic3A_1433 = arith.shrsi %min3A_1431, %shift_right_arithmetic3A_1432 : i32
      %mul3A_1434 = arith.constant 128 : i32
      %mul3A_1435 = arith.muli %shift_right_arithmetic3A_1433, %mul3A_1434 : i32
      %multiple_of3A_1436 = tpu.assume_multiple %mul3A_1435, 128 : i32
      %dma_start3A_1437 = arith.constant 2 : i32
      %dma_start3A_1438 = arith.constant 2 : i32
      %dma_start3A_1439 = arith.constant 0 : i32
      %dma_start3A_1440 = arith.constant 0 : i32
      %dma_start3A_1441 = tpu.memref_slice %arg11[%dma_start3A_1437, %dma_start3A_1439, %dma_start3A_1440] : memref<8x32x128xf32, #tpu.memory_space<vmem>> -> memref<1x32x128xf32, #tpu.memory_space<vmem>>
      %dma_start3A_1442 = tpu.memref_squeeze %dma_start3A_1441 : memref<1x32x128xf32, #tpu.memory_space<vmem>> -> memref<32x128xf32, #tpu.memory_space<vmem>>
      %dma_start3A_1443 = arith.constant 0 : i32
      %dma_start3A_1444 = tpu.memref_slice %arg4[%dma_start3A_1443, %multiple_of3A_1436] : memref<32x1000000xf32, #tpu.memory_space<hbm>> -> memref<32x128xf32, #tpu.memory_space<hbm>>
      %dma_start3A_1445 = tpu.memref_slice %arg16[%dma_start3A_1438] : memref<8x!tpu.dma_semaphore, #tpu.memory_space<semaphore_mem>> -> memref<1x!tpu.dma_semaphore, #tpu.memory_space<semaphore_mem>>
      %dma_start3A_1446 = tpu.memref_squeeze %dma_start3A_1445 : memref<1x!tpu.dma_semaphore, #tpu.memory_space<semaphore_mem>> -> memref<!tpu.dma_semaphore, #tpu.memory_space<semaphore_mem>>
      %dma_start3A_1447 = arith.constant 0 : i32
      %dma_start3A_1448 = arith.constant 0 : i32
      %dma_start3A_1449 = tpu.memref_slice %arg11[%dma_start3A_1437, %dma_start3A_1447, %dma_start3A_1448] : memref<8x32x128xf32, #tpu.memory_space<vmem>> -> memref<1x32x128xf32, #tpu.memory_space<vmem>>
      %dma_start3A_1450 = tpu.memref_squeeze %dma_start3A_1449 : memref<1x32x128xf32, #tpu.memory_space<vmem>> -> memref<32x128xf32, #tpu.memory_space<vmem>>
      %dma_start3A_1451 = arith.constant 0 : i32
      %dma_start3A_1452 = tpu.memref_slice %arg4[%dma_start3A_1451, %multiple_of3A_1436] : memref<32x1000000xf32, #tpu.memory_space<hbm>> -> memref<32x128xf32, #tpu.memory_space<hbm>>
      tpu.enqueue_dma source(%dma_start3A_1452 : memref<32x128xf32, #tpu.memory_space<hbm>>) target(%dma_start3A_1450 : memref<32x128xf32, #tpu.memory_space<vmem>>) target_semaphore(%dma_start3A_1446 : memref<!tpu.dma_semaphore, #tpu.memory_space<semaphore_mem>>)
      %slice3A_1453 = vector.extract_strided_slice %get3A_1017 {offsets = [2], sizes = [1], strides = [1]} : vector<16xi32> to vector<1xi32>
      %squeeze3A_1454 = vector.extract %slice3A_1453[0] : i32 from vector<1xi32>
      %add3A_1455 = arith.addi %squeeze3A_1454, %convert_element_type3A_1426 : i32
      %min3A_1456 = arith.constant 999935 : i32
      %min3A_1457 = arith.minsi %add3A_1455, %min3A_1456 : i32
      %shift_right_arithmetic3A_1458 = arith.constant 7 : i32
      %shift_right_arithmetic3A_1459 = arith.shrsi %min3A_1457, %shift_right_arithmetic3A_1458 : i32
      %mul3A_1460 = arith.constant 128 : i32
      %mul3A_1461 = arith.muli %shift_right_arithmetic3A_1459, %mul3A_1460 : i32
      %multiple_of3A_1462 = tpu.assume_multiple %mul3A_1461, 128 : i32
      %dma_start3A_1463 = arith.constant 2 : i32
      %dma_start3A_1464 = arith.constant 2 : i32
      %dma_start3A_1465 = arith.constant 0 : i32
      %dma_start3A_1466 = arith.constant 0 : i32
      %dma_start3A_1467 = tpu.memref_slice %arg12[%dma_start3A_1463, %dma_start3A_1465, %dma_start3A_1466] : memref<8x32x128xf32, #tpu.memory_space<vmem>> -> memref<1x32x128xf32, #tpu.memory_space<vmem>>
      %dma_start3A_1468 = tpu.memref_squeeze %dma_start3A_1467 : memref<1x32x128xf32, #tpu.memory_space<vmem>> -> memref<32x128xf32, #tpu.memory_space<vmem>>
      %dma_start3A_1469 = arith.constant 0 : i32
      %dma_start3A_1470 = tpu.memref_slice %arg5[%dma_start3A_1469, %multiple_of3A_1462] : memref<32x1000000xf32, #tpu.memory_space<hbm>> -> memref<32x128xf32, #tpu.memory_space<hbm>>
      %dma_start3A_1471 = tpu.memref_slice %arg16[%dma_start3A_1464] : memref<8x!tpu.dma_semaphore, #tpu.memory_space<semaphore_mem>> -> memref<1x!tpu.dma_semaphore, #tpu.memory_space<semaphore_mem>>
      %dma_start3A_1472 = tpu.memref_squeeze %dma_start3A_1471 : memref<1x!tpu.dma_semaphore, #tpu.memory_space<semaphore_mem>> -> memref<!tpu.dma_semaphore, #tpu.memory_space<semaphore_mem>>
      %dma_start3A_1473 = arith.constant 0 : i32
      %dma_start3A_1474 = arith.constant 0 : i32
      %dma_start3A_1475 = tpu.memref_slice %arg12[%dma_start3A_1463, %dma_start3A_1473, %dma_start3A_1474] : memref<8x32x128xf32, #tpu.memory_space<vmem>> -> memref<1x32x128xf32, #tpu.memory_space<vmem>>
      %dma_start3A_1476 = tpu.memref_squeeze %dma_start3A_1475 : memref<1x32x128xf32, #tpu.memory_space<vmem>> -> memref<32x128xf32, #tpu.memory_space<vmem>>
      %dma_start3A_1477 = arith.constant 0 : i32
      %dma_start3A_1478 = tpu.memref_slice %arg5[%dma_start3A_1477, %multiple_of3A_1462] : memref<32x1000000xf32, #tpu.memory_space<hbm>> -> memref<32x128xf32, #tpu.memory_space<hbm>>
      tpu.enqueue_dma source(%dma_start3A_1478 : memref<32x128xf32, #tpu.memory_space<hbm>>) target(%dma_start3A_1476 : memref<32x128xf32, #tpu.memory_space<vmem>>) target_semaphore(%dma_start3A_1472 : memref<!tpu.dma_semaphore, #tpu.memory_space<semaphore_mem>>)
      %gt3A_1479 = arith.constant 0 : i32
      %gt3A_1480 = arith.cmpi sgt, %scan3A_1008, %gt3A_1479 : i32
      %convert_element_type3A_1481 = arith.extui %gt3A_1480 : i1 to i32
      %cond3A_1482 = arith.constant 0 : i32
      %cond3A_1483 = arith.cmpi ne, %convert_element_type3A_1481, %cond3A_1482 : i32
      scf.if %cond3A_1483 {
        %dma_wait3A_3723 = arith.constant 3 : i32
        %dma_wait3A_3724 = arith.constant 3 : i32
        %dma_wait3A_3725 = arith.constant 0 : i32
        %dma_wait3A_3726 = arith.constant 0 : i32
        %dma_wait3A_3727 = tpu.memref_slice %arg11[%dma_wait3A_3723, %dma_wait3A_3725, %dma_wait3A_3726] : memref<8x32x128xf32, #tpu.memory_space<vmem>> -> memref<1x32x128xf32, #tpu.memory_space<vmem>>
        %dma_wait3A_3728 = tpu.memref_squeeze %dma_wait3A_3727 : memref<1x32x128xf32, #tpu.memory_space<vmem>> -> memref<32x128xf32, #tpu.memory_space<vmem>>
        %dma_wait3A_3729 = arith.constant 0 : i32
        %dma_wait3A_3730 = arith.constant 0 : i32
        %dma_wait3A_3731 = tpu.memref_slice %arg4[%dma_wait3A_3729, %dma_wait3A_3730] : memref<32x1000000xf32, #tpu.memory_space<hbm>> -> memref<32x128xf32, #tpu.memory_space<hbm>>
        %dma_wait3A_3732 = tpu.memref_slice %arg16[%dma_wait3A_3724] : memref<8x!tpu.dma_semaphore, #tpu.memory_space<semaphore_mem>> -> memref<1x!tpu.dma_semaphore, #tpu.memory_space<semaphore_mem>>
        %dma_wait3A_3733 = tpu.memref_squeeze %dma_wait3A_3732 : memref<1x!tpu.dma_semaphore, #tpu.memory_space<semaphore_mem>> -> memref<!tpu.dma_semaphore, #tpu.memory_space<semaphore_mem>>
        %dma_wait3A_3734 = arith.constant 0 : i32
        %dma_wait3A_3735 = arith.constant 0 : i32
        %dma_wait3A_3736 = tpu.memref_slice %arg11[%dma_wait3A_3723, %dma_wait3A_3734, %dma_wait3A_3735] : memref<8x32x128xf32, #tpu.memory_space<vmem>> -> memref<1x32x128xf32, #tpu.memory_space<vmem>>
        %dma_wait3A_3737 = tpu.memref_squeeze %dma_wait3A_3736 : memref<1x32x128xf32, #tpu.memory_space<vmem>> -> memref<32x128xf32, #tpu.memory_space<vmem>>
        %dma_wait3A_3738 = arith.constant 0 : i32
        %dma_wait3A_3739 = arith.constant 0 : i32
        %dma_wait3A_3740 = tpu.memref_slice %arg4[%dma_wait3A_3738, %dma_wait3A_3739] : memref<32x1000000xf32, #tpu.memory_space<hbm>> -> memref<32x128xf32, #tpu.memory_space<hbm>>
        tpu.wait_dma2 semaphore(%dma_wait3A_3733 : memref<!tpu.dma_semaphore, #tpu.memory_space<semaphore_mem>>) src(%dma_wait3A_3740 : memref<32x128xf32, #tpu.memory_space<hbm>>) dst(%dma_wait3A_3737 : memref<32x128xf32, #tpu.memory_space<vmem>>)
        %dma_wait3A_3741 = arith.constant 3 : i32
        %dma_wait3A_3742 = arith.constant 3 : i32
        %dma_wait3A_3743 = arith.constant 0 : i32
        %dma_wait3A_3744 = arith.constant 0 : i32
        %dma_wait3A_3745 = tpu.memref_slice %arg12[%dma_wait3A_3741, %dma_wait3A_3743, %dma_wait3A_3744] : memref<8x32x128xf32, #tpu.memory_space<vmem>> -> memref<1x32x128xf32, #tpu.memory_space<vmem>>
        %dma_wait3A_3746 = tpu.memref_squeeze %dma_wait3A_3745 : memref<1x32x128xf32, #tpu.memory_space<vmem>> -> memref<32x128xf32, #tpu.memory_space<vmem>>
        %dma_wait3A_3747 = arith.constant 0 : i32
        %dma_wait3A_3748 = arith.constant 0 : i32
        %dma_wait3A_3749 = tpu.memref_slice %arg5[%dma_wait3A_3747, %dma_wait3A_3748] : memref<32x1000000xf32, #tpu.memory_space<hbm>> -> memref<32x128xf32, #tpu.memory_space<hbm>>
        %dma_wait3A_3750 = tpu.memref_slice %arg16[%dma_wait3A_3742] : memref<8x!tpu.dma_semaphore, #tpu.memory_space<semaphore_mem>> -> memref<1x!tpu.dma_semaphore, #tpu.memory_space<semaphore_mem>>
        %dma_wait3A_3751 = tpu.memref_squeeze %dma_wait3A_3750 : memref<1x!tpu.dma_semaphore, #tpu.memory_space<semaphore_mem>> -> memref<!tpu.dma_semaphore, #tpu.memory_space<semaphore_mem>>
        %dma_wait3A_3752 = arith.constant 0 : i32
        %dma_wait3A_3753 = arith.constant 0 : i32
        %dma_wait3A_3754 = tpu.memref_slice %arg12[%dma_wait3A_3741, %dma_wait3A_3752, %dma_wait3A_3753] : memref<8x32x128xf32, #tpu.memory_space<vmem>> -> memref<1x32x128xf32, #tpu.memory_space<vmem>>
        %dma_wait3A_3755 = tpu.memref_squeeze %dma_wait3A_3754 : memref<1x32x128xf32, #tpu.memory_space<vmem>> -> memref<32x128xf32, #tpu.memory_space<vmem>>
        %dma_wait3A_3756 = arith.constant 0 : i32
        %dma_wait3A_3757 = arith.constant 0 : i32
        %dma_wait3A_3758 = tpu.memref_slice %arg5[%dma_wait3A_3756, %dma_wait3A_3757] : memref<32x1000000xf32, #tpu.memory_space<hbm>> -> memref<32x128xf32, #tpu.memory_space<hbm>>
        tpu.wait_dma2 semaphore(%dma_wait3A_3751 : memref<!tpu.dma_semaphore, #tpu.memory_space<semaphore_mem>>) src(%dma_wait3A_3758 : memref<32x128xf32, #tpu.memory_space<hbm>>) dst(%dma_wait3A_3755 : memref<32x128xf32, #tpu.memory_space<vmem>>)
      } else {
      }
      %slice3A_1484 = vector.extract_strided_slice %scan3A_1009 {offsets = [11], sizes = [1], strides = [1]} : vector<16xi32> to vector<1xi32>
      %squeeze3A_1485 = vector.extract %slice3A_1484[0] : i32 from vector<1xi32>
      %slice3A_1486 = vector.extract_strided_slice %scan3A_1010 {offsets = [11], sizes = [1], strides = [1]} : vector<16xi32> to vector<1xi32>
      %squeeze3A_1487 = vector.extract %slice3A_1486[0] : i32 from vector<1xi32>
      %min3A_1488 = arith.constant 999935 : i32
      %min3A_1489 = arith.minsi %squeeze3A_1485, %min3A_1488 : i32
      %shift_right_arithmetic3A_1490 = arith.constant 7 : i32
      %shift_right_arithmetic3A_1491 = arith.shrsi %min3A_1489, %shift_right_arithmetic3A_1490 : i32
      %mul3A_1492 = arith.constant 128 : i32
      %mul3A_1493 = arith.muli %shift_right_arithmetic3A_1491, %mul3A_1492 : i32
      %sub3A_1494 = arith.subi %min3A_1489, %mul3A_1493 : i32
      %broadcast_in_dim3A_1495 = vector.broadcast %sub3A_1494 : i32 to vector<16xi32>
      %sub3A_1496 = arith.constant 999936 : i32
      %sub3A_1497 = arith.subi %squeeze3A_1485, %sub3A_1496 : i32
      %max3A_1498 = arith.constant 0 : i32
      %max3A_1499 = arith.maxsi %sub3A_1497, %max3A_1498 : i32
      %broadcast_in_dim3A_1500 = vector.broadcast %max3A_1499 : i32 to vector<16xi32>
      %lt3A_1501 = arith.constant 999936 : i32
      %lt3A_1502 = arith.cmpi slt, %squeeze3A_1485, %lt3A_1501 : i32
      %gather3A_1503 = arith.constant 3 : i32
      %gather3A_1504 = arith.constant 0 : i32
      %gather3A_1505 = arith.constant 0 : i32
      %gather3A_1506 = tpu.memref_slice %arg11[%gather3A_1503, %gather3A_1504, %gather3A_1505] : memref<8x32x128xf32, #tpu.memory_space<vmem>> -> memref<1x32x128xf32, #tpu.memory_space<vmem>>
      %gather3A_1507 = tpu.memref_squeeze %gather3A_1506 : memref<1x32x128xf32, #tpu.memory_space<vmem>> -> memref<32x128xf32, #tpu.memory_space<vmem>>
      %gather3A_1508 = tpu.vector_load_idx %gather3A_1507[%iota3A, %broadcast_in_dim3A_1495] : memref<32x128xf32, #tpu.memory_space<vmem>>[vector<16xi32>, vector<16xi32>], vector<16xf32>,
      %add3A_1509 = arith.constant 16 : i32
      %add3A_1510 = vector.broadcast %add3A_1509 : i32 to vector<16xi32>
      %add3A_1511 = arith.addi %iota3A, %add3A_1510 : vector<16xi32>
      %gather3A_1512 = arith.constant 3 : i32
      %gather3A_1513 = arith.constant 0 : i32
      %gather3A_1514 = arith.constant 0 : i32
      %gather3A_1515 = tpu.memref_slice %arg11[%gather3A_1512, %gather3A_1513, %gather3A_1514] : memref<8x32x128xf32, #tpu.memory_space<vmem>> -> memref<1x32x128xf32, #tpu.memory_space<vmem>>
      %gather3A_1516 = tpu.memref_squeeze %gather3A_1515 : memref<1x32x128xf32, #tpu.memory_space<vmem>> -> memref<32x128xf32, #tpu.memory_space<vmem>>
      %gather3A_1517 = tpu.vector_load_idx %gather3A_1516[%add3A_1511, %broadcast_in_dim3A_1495] : memref<32x128xf32, #tpu.memory_space<vmem>>[vector<16xi32>, vector<16xi32>], vector<16xf32>,
      %gather3A_1518 = tpu.vector_load_idx %arg13[%iota3A, %broadcast_in_dim3A_1500] : memref<32x128xf32, #tpu.memory_space<vmem>>[vector<16xi32>, vector<16xi32>], vector<16xf32>,
      %add3A_1519 = arith.constant 16 : i32
      %add3A_1520 = vector.broadcast %add3A_1519 : i32 to vector<16xi32>
      %add3A_1521 = arith.addi %iota3A, %add3A_1520 : vector<16xi32>
      %gather3A_1522 = tpu.vector_load_idx %arg13[%add3A_1521, %broadcast_in_dim3A_1500] : memref<32x128xf32, #tpu.memory_space<vmem>>[vector<16xi32>, vector<16xi32>], vector<16xf32>,
      %select_n3A_1523 = arith.select %lt3A_1502, %gather3A_1508, %gather3A_1518 : vector<16xf32>
      %select_n3A_1524 = arith.select %lt3A_1502, %gather3A_1517, %gather3A_1522 : vector<16xf32>
      %min3A_1525 = arith.constant 999935 : i32
      %min3A_1526 = arith.minsi %squeeze3A_1487, %min3A_1525 : i32
      %shift_right_arithmetic3A_1527 = arith.constant 7 : i32
      %shift_right_arithmetic3A_1528 = arith.shrsi %min3A_1526, %shift_right_arithmetic3A_1527 : i32
      %mul3A_1529 = arith.constant 128 : i32
      %mul3A_1530 = arith.muli %shift_right_arithmetic3A_1528, %mul3A_1529 : i32
      %sub3A_1531 = arith.subi %min3A_1526, %mul3A_1530 : i32
      %broadcast_in_dim3A_1532 = vector.broadcast %sub3A_1531 : i32 to vector<16xi32>
      %sub3A_1533 = arith.constant 999936 : i32
      %sub3A_1534 = arith.subi %squeeze3A_1487, %sub3A_1533 : i32
      %max3A_1535 = arith.constant 0 : i32
      %max3A_1536 = arith.maxsi %sub3A_1534, %max3A_1535 : i32
      %broadcast_in_dim3A_1537 = vector.broadcast %max3A_1536 : i32 to vector<16xi32>
      %lt3A_1538 = arith.constant 999936 : i32
      %lt3A_1539 = arith.cmpi slt, %squeeze3A_1487, %lt3A_1538 : i32
      %gather3A_1540 = arith.constant 3 : i32
      %gather3A_1541 = arith.constant 0 : i32
      %gather3A_1542 = arith.constant 0 : i32
      %gather3A_1543 = tpu.memref_slice %arg12[%gather3A_1540, %gather3A_1541, %gather3A_1542] : memref<8x32x128xf32, #tpu.memory_space<vmem>> -> memref<1x32x128xf32, #tpu.memory_space<vmem>>
      %gather3A_1544 = tpu.memref_squeeze %gather3A_1543 : memref<1x32x128xf32, #tpu.memory_space<vmem>> -> memref<32x128xf32, #tpu.memory_space<vmem>>
      %gather3A_1545 = tpu.vector_load_idx %gather3A_1544[%iota3A, %broadcast_in_dim3A_1532] : memref<32x128xf32, #tpu.memory_space<vmem>>[vector<16xi32>, vector<16xi32>], vector<16xf32>,
      %add3A_1546 = arith.constant 16 : i32
      %add3A_1547 = vector.broadcast %add3A_1546 : i32 to vector<16xi32>
      %add3A_1548 = arith.addi %iota3A, %add3A_1547 : vector<16xi32>
      %gather3A_1549 = arith.constant 3 : i32
      %gather3A_1550 = arith.constant 0 : i32
      %gather3A_1551 = arith.constant 0 : i32
      %gather3A_1552 = tpu.memref_slice %arg12[%gather3A_1549, %gather3A_1550, %gather3A_1551] : memref<8x32x128xf32, #tpu.memory_space<vmem>> -> memref<1x32x128xf32, #tpu.memory_space<vmem>>
      %gather3A_1553 = tpu.memref_squeeze %gather3A_1552 : memref<1x32x128xf32, #tpu.memory_space<vmem>> -> memref<32x128xf32, #tpu.memory_space<vmem>>
      %gather3A_1554 = tpu.vector_load_idx %gather3A_1553[%add3A_1548, %broadcast_in_dim3A_1532] : memref<32x128xf32, #tpu.memory_space<vmem>>[vector<16xi32>, vector<16xi32>], vector<16xf32>,
      %gather3A_1555 = tpu.vector_load_idx %arg14[%iota3A, %broadcast_in_dim3A_1537] : memref<32x128xf32, #tpu.memory_space<vmem>>[vector<16xi32>, vector<16xi32>], vector<16xf32>,
      %add3A_1556 = arith.constant 16 : i32
      %add3A_1557 = vector.broadcast %add3A_1556 : i32 to vector<16xi32>
      %add3A_1558 = arith.addi %iota3A, %add3A_1557 : vector<16xi32>
      %gather3A_1559 = tpu.vector_load_idx %arg14[%add3A_1558, %broadcast_in_dim3A_1537] : memref<32x128xf32, #tpu.memory_space<vmem>>[vector<16xi32>, vector<16xi32>], vector<16xf32>,
      %select_n3A_1560 = arith.select %lt3A_1539, %gather3A_1545, %gather3A_1555 : vector<16xf32>
      %select_n3A_1561 = arith.select %lt3A_1539, %gather3A_1554, %gather3A_1559 : vector<16xf32>
      %mul3A_1562 = arith.mulf %select_n3A_1523, %select_n3A_1560 : vector<16xf32>
      %mul3A_1563 = arith.mulf %select_n3A_1524, %select_n3A_1561 : vector<16xf32>
      %add3A_1564 = arith.addf %mul3A_1562, %mul3A_1563 : vector<16xf32>
      %reduce_sum3A_1565 = arith.constant true
      %reduce_sum3A_1566 = vector.broadcast %reduce_sum3A_1565 : i1 to vector<16xi1>
      %reduce_sum3A_1567 = tpu.scan <sum>, %add3A_1564 masked %reduce_sum3A_1566 : vector<16xf32>, vector<16xi1> -> vector<16xf32>
      %reduce_sum3A_1568 = vector.extract %reduce_sum3A_1567[15] : f32 from vector<16xf32>
      %eq3A_1569 = arith.constant 11 : i32
      %eq3A_1570 = vector.broadcast %eq3A_1569 : i32 to vector<16xi32>
      %eq3A_1571 = arith.cmpi eq, %iota3A, %eq3A_1570 : vector<16xi32>
      %broadcast_in_dim3A_1572 = vector.broadcast %reduce_sum3A_1568 : f32 to vector<16xf32>
      %select_n3A_1573 = arith.select %eq3A_1571, %broadcast_in_dim3A_1572, %select_n3A_1421 : vector<16xi1>, vector<16xf32>
      %gt3A_1574 = arith.constant 0 : i32
      %gt3A_1575 = arith.cmpi sgt, %scan3A_1008, %gt3A_1574 : i32
      %select_n3A_1576 = arith.select %gt3A_1575, %select_n3A_1573, %select_n3A_1421 : vector<16xf32>
      %slice3A_1577 = vector.extract_strided_slice %select_n3A_1576 {offsets = [3], sizes = [1], strides = [1]} : vector<16xf32> to vector<1xf32>
      %squeeze3A_1578 = vector.extract %slice3A_1577[0] : f32 from vector<1xf32>
      %mul3A_1579 = arith.constant 0.000000e+00 : f32
      %mul3A_1580 = arith.mulf %squeeze3A_1578, %mul3A_1579 : f32
      %convert_element_type3A_1581 = arith.fptosi %mul3A_1580 : f32 to i32
      %slice3A_1582 = vector.extract_strided_slice %get3A_1014 {offsets = [3], sizes = [1], strides = [1]} : vector<16xi32> to vector<1xi32>
      %squeeze3A_1583 = vector.extract %slice3A_1582[0] : i32 from vector<1xi32>
      %add3A_1584 = arith.addi %squeeze3A_1583, %convert_element_type3A_1581 : i32
      %min3A_1585 = arith.constant 999935 : i32
      %min3A_1586 = arith.minsi %add3A_1584, %min3A_1585 : i32
      %shift_right_arithmetic3A_1587 = arith.constant 7 : i32
      %shift_right_arithmetic3A_1588 = arith.shrsi %min3A_1586, %shift_right_arithmetic3A_1587 : i32
      %mul3A_1589 = arith.constant 128 : i32
      %mul3A_1590 = arith.muli %shift_right_arithmetic3A_1588, %mul3A_1589 : i32
      %multiple_of3A_1591 = tpu.assume_multiple %mul3A_1590, 128 : i32
      %dma_start3A_1592 = arith.constant 3 : i32
      %dma_start3A_1593 = arith.constant 3 : i32
      %dma_start3A_1594 = arith.constant 0 : i32
      %dma_start3A_1595 = arith.constant 0 : i32
      %dma_start3A_1596 = tpu.memref_slice %arg11[%dma_start3A_1592, %dma_start3A_1594, %dma_start3A_1595] : memref<8x32x128xf32, #tpu.memory_space<vmem>> -> memref<1x32x128xf32, #tpu.memory_space<vmem>>
      %dma_start3A_1597 = tpu.memref_squeeze %dma_start3A_1596 : memref<1x32x128xf32, #tpu.memory_space<vmem>> -> memref<32x128xf32, #tpu.memory_space<vmem>>
      %dma_start3A_1598 = arith.constant 0 : i32
      %dma_start3A_1599 = tpu.memref_slice %arg4[%dma_start3A_1598, %multiple_of3A_1591] : memref<32x1000000xf32, #tpu.memory_space<hbm>> -> memref<32x128xf32, #tpu.memory_space<hbm>>
      %dma_start3A_1600 = tpu.memref_slice %arg16[%dma_start3A_1593] : memref<8x!tpu.dma_semaphore, #tpu.memory_space<semaphore_mem>> -> memref<1x!tpu.dma_semaphore, #tpu.memory_space<semaphore_mem>>
      %dma_start3A_1601 = tpu.memref_squeeze %dma_start3A_1600 : memref<1x!tpu.dma_semaphore, #tpu.memory_space<semaphore_mem>> -> memref<!tpu.dma_semaphore, #tpu.memory_space<semaphore_mem>>
      %dma_start3A_1602 = arith.constant 0 : i32
      %dma_start3A_1603 = arith.constant 0 : i32
      %dma_start3A_1604 = tpu.memref_slice %arg11[%dma_start3A_1592, %dma_start3A_1602, %dma_start3A_1603] : memref<8x32x128xf32, #tpu.memory_space<vmem>> -> memref<1x32x128xf32, #tpu.memory_space<vmem>>
      %dma_start3A_1605 = tpu.memref_squeeze %dma_start3A_1604 : memref<1x32x128xf32, #tpu.memory_space<vmem>> -> memref<32x128xf32, #tpu.memory_space<vmem>>
      %dma_start3A_1606 = arith.constant 0 : i32
      %dma_start3A_1607 = tpu.memref_slice %arg4[%dma_start3A_1606, %multiple_of3A_1591] : memref<32x1000000xf32, #tpu.memory_space<hbm>> -> memref<32x128xf32, #tpu.memory_space<hbm>>
      tpu.enqueue_dma source(%dma_start3A_1607 : memref<32x128xf32, #tpu.memory_space<hbm>>) target(%dma_start3A_1605 : memref<32x128xf32, #tpu.memory_space<vmem>>) target_semaphore(%dma_start3A_1601 : memref<!tpu.dma_semaphore, #tpu.memory_space<semaphore_mem>>)
      %slice3A_1608 = vector.extract_strided_slice %get3A_1017 {offsets = [3], sizes = [1], strides = [1]} : vector<16xi32> to vector<1xi32>
      %squeeze3A_1609 = vector.extract %slice3A_1608[0] : i32 from vector<1xi32>
      %add3A_1610 = arith.addi %squeeze3A_1609, %convert_element_type3A_1581 : i32
      %min3A_1611 = arith.constant 999935 : i32
      %min3A_1612 = arith.minsi %add3A_1610, %min3A_1611 : i32
      %shift_right_arithmetic3A_1613 = arith.constant 7 : i32
      %shift_right_arithmetic3A_1614 = arith.shrsi %min3A_1612, %shift_right_arithmetic3A_1613 : i32
      %mul3A_1615 = arith.constant 128 : i32
      %mul3A_1616 = arith.muli %shift_right_arithmetic3A_1614, %mul3A_1615 : i32
      %multiple_of3A_1617 = tpu.assume_multiple %mul3A_1616, 128 : i32
      %dma_start3A_1618 = arith.constant 3 : i32
      %dma_start3A_1619 = arith.constant 3 : i32
      %dma_start3A_1620 = arith.constant 0 : i32
      %dma_start3A_1621 = arith.constant 0 : i32
      %dma_start3A_1622 = tpu.memref_slice %arg12[%dma_start3A_1618, %dma_start3A_1620, %dma_start3A_1621] : memref<8x32x128xf32, #tpu.memory_space<vmem>> -> memref<1x32x128xf32, #tpu.memory_space<vmem>>
      %dma_start3A_1623 = tpu.memref_squeeze %dma_start3A_1622 : memref<1x32x128xf32, #tpu.memory_space<vmem>> -> memref<32x128xf32, #tpu.memory_space<vmem>>
      %dma_start3A_1624 = arith.constant 0 : i32
      %dma_start3A_1625 = tpu.memref_slice %arg5[%dma_start3A_1624, %multiple_of3A_1617] : memref<32x1000000xf32, #tpu.memory_space<hbm>> -> memref<32x128xf32, #tpu.memory_space<hbm>>
      %dma_start3A_1626 = tpu.memref_slice %arg16[%dma_start3A_1619] : memref<8x!tpu.dma_semaphore, #tpu.memory_space<semaphore_mem>> -> memref<1x!tpu.dma_semaphore, #tpu.memory_space<semaphore_mem>>
      %dma_start3A_1627 = tpu.memref_squeeze %dma_start3A_1626 : memref<1x!tpu.dma_semaphore, #tpu.memory_space<semaphore_mem>> -> memref<!tpu.dma_semaphore, #tpu.memory_space<semaphore_mem>>
      %dma_start3A_1628 = arith.constant 0 : i32
      %dma_start3A_1629 = arith.constant 0 : i32
      %dma_start3A_1630 = tpu.memref_slice %arg12[%dma_start3A_1618, %dma_start3A_1628, %dma_start3A_1629] : memref<8x32x128xf32, #tpu.memory_space<vmem>> -> memref<1x32x128xf32, #tpu.memory_space<vmem>>
      %dma_start3A_1631 = tpu.memref_squeeze %dma_start3A_1630 : memref<1x32x128xf32, #tpu.memory_space<vmem>> -> memref<32x128xf32, #tpu.memory_space<vmem>>
      %dma_start3A_1632 = arith.constant 0 : i32
      %dma_start3A_1633 = tpu.memref_slice %arg5[%dma_start3A_1632, %multiple_of3A_1617] : memref<32x1000000xf32, #tpu.memory_space<hbm>> -> memref<32x128xf32, #tpu.memory_space<hbm>>
      tpu.enqueue_dma source(%dma_start3A_1633 : memref<32x128xf32, #tpu.memory_space<hbm>>) target(%dma_start3A_1631 : memref<32x128xf32, #tpu.memory_space<vmem>>) target_semaphore(%dma_start3A_1627 : memref<!tpu.dma_semaphore, #tpu.memory_space<semaphore_mem>>)
      %gt3A_1634 = arith.constant 0 : i32
      %gt3A_1635 = arith.cmpi sgt, %scan3A_1008, %gt3A_1634 : i32
      %convert_element_type3A_1636 = arith.extui %gt3A_1635 : i1 to i32
      %cond3A_1637 = arith.constant 0 : i32
      %cond3A_1638 = arith.cmpi ne, %convert_element_type3A_1636, %cond3A_1637 : i32
      scf.if %cond3A_1638 {
        %dma_wait3A_3723 = arith.constant 4 : i32
        %dma_wait3A_3724 = arith.constant 4 : i32
        %dma_wait3A_3725 = arith.constant 0 : i32
        %dma_wait3A_3726 = arith.constant 0 : i32
        %dma_wait3A_3727 = tpu.memref_slice %arg11[%dma_wait3A_3723, %dma_wait3A_3725, %dma_wait3A_3726] : memref<8x32x128xf32, #tpu.memory_space<vmem>> -> memref<1x32x128xf32, #tpu.memory_space<vmem>>
        %dma_wait3A_3728 = tpu.memref_squeeze %dma_wait3A_3727 : memref<1x32x128xf32, #tpu.memory_space<vmem>> -> memref<32x128xf32, #tpu.memory_space<vmem>>
        %dma_wait3A_3729 = arith.constant 0 : i32
        %dma_wait3A_3730 = arith.constant 0 : i32
        %dma_wait3A_3731 = tpu.memref_slice %arg4[%dma_wait3A_3729, %dma_wait3A_3730] : memref<32x1000000xf32, #tpu.memory_space<hbm>> -> memref<32x128xf32, #tpu.memory_space<hbm>>
        %dma_wait3A_3732 = tpu.memref_slice %arg16[%dma_wait3A_3724] : memref<8x!tpu.dma_semaphore, #tpu.memory_space<semaphore_mem>> -> memref<1x!tpu.dma_semaphore, #tpu.memory_space<semaphore_mem>>
        %dma_wait3A_3733 = tpu.memref_squeeze %dma_wait3A_3732 : memref<1x!tpu.dma_semaphore, #tpu.memory_space<semaphore_mem>> -> memref<!tpu.dma_semaphore, #tpu.memory_space<semaphore_mem>>
        %dma_wait3A_3734 = arith.constant 0 : i32
        %dma_wait3A_3735 = arith.constant 0 : i32
        %dma_wait3A_3736 = tpu.memref_slice %arg11[%dma_wait3A_3723, %dma_wait3A_3734, %dma_wait3A_3735] : memref<8x32x128xf32, #tpu.memory_space<vmem>> -> memref<1x32x128xf32, #tpu.memory_space<vmem>>
        %dma_wait3A_3737 = tpu.memref_squeeze %dma_wait3A_3736 : memref<1x32x128xf32, #tpu.memory_space<vmem>> -> memref<32x128xf32, #tpu.memory_space<vmem>>
        %dma_wait3A_3738 = arith.constant 0 : i32
        %dma_wait3A_3739 = arith.constant 0 : i32
        %dma_wait3A_3740 = tpu.memref_slice %arg4[%dma_wait3A_3738, %dma_wait3A_3739] : memref<32x1000000xf32, #tpu.memory_space<hbm>> -> memref<32x128xf32, #tpu.memory_space<hbm>>
        tpu.wait_dma2 semaphore(%dma_wait3A_3733 : memref<!tpu.dma_semaphore, #tpu.memory_space<semaphore_mem>>) src(%dma_wait3A_3740 : memref<32x128xf32, #tpu.memory_space<hbm>>) dst(%dma_wait3A_3737 : memref<32x128xf32, #tpu.memory_space<vmem>>)
        %dma_wait3A_3741 = arith.constant 4 : i32
        %dma_wait3A_3742 = arith.constant 4 : i32
        %dma_wait3A_3743 = arith.constant 0 : i32
        %dma_wait3A_3744 = arith.constant 0 : i32
        %dma_wait3A_3745 = tpu.memref_slice %arg12[%dma_wait3A_3741, %dma_wait3A_3743, %dma_wait3A_3744] : memref<8x32x128xf32, #tpu.memory_space<vmem>> -> memref<1x32x128xf32, #tpu.memory_space<vmem>>
        %dma_wait3A_3746 = tpu.memref_squeeze %dma_wait3A_3745 : memref<1x32x128xf32, #tpu.memory_space<vmem>> -> memref<32x128xf32, #tpu.memory_space<vmem>>
        %dma_wait3A_3747 = arith.constant 0 : i32
        %dma_wait3A_3748 = arith.constant 0 : i32
        %dma_wait3A_3749 = tpu.memref_slice %arg5[%dma_wait3A_3747, %dma_wait3A_3748] : memref<32x1000000xf32, #tpu.memory_space<hbm>> -> memref<32x128xf32, #tpu.memory_space<hbm>>
        %dma_wait3A_3750 = tpu.memref_slice %arg16[%dma_wait3A_3742] : memref<8x!tpu.dma_semaphore, #tpu.memory_space<semaphore_mem>> -> memref<1x!tpu.dma_semaphore, #tpu.memory_space<semaphore_mem>>
        %dma_wait3A_3751 = tpu.memref_squeeze %dma_wait3A_3750 : memref<1x!tpu.dma_semaphore, #tpu.memory_space<semaphore_mem>> -> memref<!tpu.dma_semaphore, #tpu.memory_space<semaphore_mem>>
        %dma_wait3A_3752 = arith.constant 0 : i32
        %dma_wait3A_3753 = arith.constant 0 : i32
        %dma_wait3A_3754 = tpu.memref_slice %arg12[%dma_wait3A_3741, %dma_wait3A_3752, %dma_wait3A_3753] : memref<8x32x128xf32, #tpu.memory_space<vmem>> -> memref<1x32x128xf32, #tpu.memory_space<vmem>>
        %dma_wait3A_3755 = tpu.memref_squeeze %dma_wait3A_3754 : memref<1x32x128xf32, #tpu.memory_space<vmem>> -> memref<32x128xf32, #tpu.memory_space<vmem>>
        %dma_wait3A_3756 = arith.constant 0 : i32
        %dma_wait3A_3757 = arith.constant 0 : i32
        %dma_wait3A_3758 = tpu.memref_slice %arg5[%dma_wait3A_3756, %dma_wait3A_3757] : memref<32x1000000xf32, #tpu.memory_space<hbm>> -> memref<32x128xf32, #tpu.memory_space<hbm>>
        tpu.wait_dma2 semaphore(%dma_wait3A_3751 : memref<!tpu.dma_semaphore, #tpu.memory_space<semaphore_mem>>) src(%dma_wait3A_3758 : memref<32x128xf32, #tpu.memory_space<hbm>>) dst(%dma_wait3A_3755 : memref<32x128xf32, #tpu.memory_space<vmem>>)
      } else {
      }
      %slice3A_1639 = vector.extract_strided_slice %scan3A_1009 {offsets = [12], sizes = [1], strides = [1]} : vector<16xi32> to vector<1xi32>
      %squeeze3A_1640 = vector.extract %slice3A_1639[0] : i32 from vector<1xi32>
      %slice3A_1641 = vector.extract_strided_slice %scan3A_1010 {offsets = [12], sizes = [1], strides = [1]} : vector<16xi32> to vector<1xi32>
      %squeeze3A_1642 = vector.extract %slice3A_1641[0] : i32 from vector<1xi32>
      %min3A_1643 = arith.constant 999935 : i32
      %min3A_1644 = arith.minsi %squeeze3A_1640, %min3A_1643 : i32
      %shift_right_arithmetic3A_1645 = arith.constant 7 : i32
      %shift_right_arithmetic3A_1646 = arith.shrsi %min3A_1644, %shift_right_arithmetic3A_1645 : i32
      %mul3A_1647 = arith.constant 128 : i32
      %mul3A_1648 = arith.muli %shift_right_arithmetic3A_1646, %mul3A_1647 : i32
      %sub3A_1649 = arith.subi %min3A_1644, %mul3A_1648 : i32
      %broadcast_in_dim3A_1650 = vector.broadcast %sub3A_1649 : i32 to vector<16xi32>
      %sub3A_1651 = arith.constant 999936 : i32
      %sub3A_1652 = arith.subi %squeeze3A_1640, %sub3A_1651 : i32
      %max3A_1653 = arith.constant 0 : i32
      %max3A_1654 = arith.maxsi %sub3A_1652, %max3A_1653 : i32
      %broadcast_in_dim3A_1655 = vector.broadcast %max3A_1654 : i32 to vector<16xi32>
      %lt3A_1656 = arith.constant 999936 : i32
      %lt3A_1657 = arith.cmpi slt, %squeeze3A_1640, %lt3A_1656 : i32
      %gather3A_1658 = arith.constant 4 : i32
      %gather3A_1659 = arith.constant 0 : i32
      %gather3A_1660 = arith.constant 0 : i32
      %gather3A_1661 = tpu.memref_slice %arg11[%gather3A_1658, %gather3A_1659, %gather3A_1660] : memref<8x32x128xf32, #tpu.memory_space<vmem>> -> memref<1x32x128xf32, #tpu.memory_space<vmem>>
      %gather3A_1662 = tpu.memref_squeeze %gather3A_1661 : memref<1x32x128xf32, #tpu.memory_space<vmem>> -> memref<32x128xf32, #tpu.memory_space<vmem>>
      %gather3A_1663 = tpu.vector_load_idx %gather3A_1662[%iota3A, %broadcast_in_dim3A_1650] : memref<32x128xf32, #tpu.memory_space<vmem>>[vector<16xi32>, vector<16xi32>], vector<16xf32>,
      %add3A_1664 = arith.constant 16 : i32
      %add3A_1665 = vector.broadcast %add3A_1664 : i32 to vector<16xi32>
      %add3A_1666 = arith.addi %iota3A, %add3A_1665 : vector<16xi32>
      %gather3A_1667 = arith.constant 4 : i32
      %gather3A_1668 = arith.constant 0 : i32
      %gather3A_1669 = arith.constant 0 : i32
      %gather3A_1670 = tpu.memref_slice %arg11[%gather3A_1667, %gather3A_1668, %gather3A_1669] : memref<8x32x128xf32, #tpu.memory_space<vmem>> -> memref<1x32x128xf32, #tpu.memory_space<vmem>>
      %gather3A_1671 = tpu.memref_squeeze %gather3A_1670 : memref<1x32x128xf32, #tpu.memory_space<vmem>> -> memref<32x128xf32, #tpu.memory_space<vmem>>
      %gather3A_1672 = tpu.vector_load_idx %gather3A_1671[%add3A_1666, %broadcast_in_dim3A_1650] : memref<32x128xf32, #tpu.memory_space<vmem>>[vector<16xi32>, vector<16xi32>], vector<16xf32>,
      %gather3A_1673 = tpu.vector_load_idx %arg13[%iota3A, %broadcast_in_dim3A_1655] : memref<32x128xf32, #tpu.memory_space<vmem>>[vector<16xi32>, vector<16xi32>], vector<16xf32>,
      %add3A_1674 = arith.constant 16 : i32
      %add3A_1675 = vector.broadcast %add3A_1674 : i32 to vector<16xi32>
      %add3A_1676 = arith.addi %iota3A, %add3A_1675 : vector<16xi32>
      %gather3A_1677 = tpu.vector_load_idx %arg13[%add3A_1676, %broadcast_in_dim3A_1655] : memref<32x128xf32, #tpu.memory_space<vmem>>[vector<16xi32>, vector<16xi32>], vector<16xf32>,
      %select_n3A_1678 = arith.select %lt3A_1657, %gather3A_1663, %gather3A_1673 : vector<16xf32>
      %select_n3A_1679 = arith.select %lt3A_1657, %gather3A_1672, %gather3A_1677 : vector<16xf32>
      %min3A_1680 = arith.constant 999935 : i32
      %min3A_1681 = arith.minsi %squeeze3A_1642, %min3A_1680 : i32
      %shift_right_arithmetic3A_1682 = arith.constant 7 : i32
      %shift_right_arithmetic3A_1683 = arith.shrsi %min3A_1681, %shift_right_arithmetic3A_1682 : i32
      %mul3A_1684 = arith.constant 128 : i32
      %mul3A_1685 = arith.muli %shift_right_arithmetic3A_1683, %mul3A_1684 : i32
      %sub3A_1686 = arith.subi %min3A_1681, %mul3A_1685 : i32
      %broadcast_in_dim3A_1687 = vector.broadcast %sub3A_1686 : i32 to vector<16xi32>
      %sub3A_1688 = arith.constant 999936 : i32
      %sub3A_1689 = arith.subi %squeeze3A_1642, %sub3A_1688 : i32
      %max3A_1690 = arith.constant 0 : i32
      %max3A_1691 = arith.maxsi %sub3A_1689, %max3A_1690 : i32
      %broadcast_in_dim3A_1692 = vector.broadcast %max3A_1691 : i32 to vector<16xi32>
      %lt3A_1693 = arith.constant 999936 : i32
      %lt3A_1694 = arith.cmpi slt, %squeeze3A_1642, %lt3A_1693 : i32
      %gather3A_1695 = arith.constant 4 : i32
      %gather3A_1696 = arith.constant 0 : i32
      %gather3A_1697 = arith.constant 0 : i32
      %gather3A_1698 = tpu.memref_slice %arg12[%gather3A_1695, %gather3A_1696, %gather3A_1697] : memref<8x32x128xf32, #tpu.memory_space<vmem>> -> memref<1x32x128xf32, #tpu.memory_space<vmem>>
      %gather3A_1699 = tpu.memref_squeeze %gather3A_1698 : memref<1x32x128xf32, #tpu.memory_space<vmem>> -> memref<32x128xf32, #tpu.memory_space<vmem>>
      %gather3A_1700 = tpu.vector_load_idx %gather3A_1699[%iota3A, %broadcast_in_dim3A_1687] : memref<32x128xf32, #tpu.memory_space<vmem>>[vector<16xi32>, vector<16xi32>], vector<16xf32>,
      %add3A_1701 = arith.constant 16 : i32
      %add3A_1702 = vector.broadcast %add3A_1701 : i32 to vector<16xi32>
      %add3A_1703 = arith.addi %iota3A, %add3A_1702 : vector<16xi32>
      %gather3A_1704 = arith.constant 4 : i32
      %gather3A_1705 = arith.constant 0 : i32
      %gather3A_1706 = arith.constant 0 : i32
      %gather3A_1707 = tpu.memref_slice %arg12[%gather3A_1704, %gather3A_1705, %gather3A_1706] : memref<8x32x128xf32, #tpu.memory_space<vmem>> -> memref<1x32x128xf32, #tpu.memory_space<vmem>>
      %gather3A_1708 = tpu.memref_squeeze %gather3A_1707 : memref<1x32x128xf32, #tpu.memory_space<vmem>> -> memref<32x128xf32, #tpu.memory_space<vmem>>
      %gather3A_1709 = tpu.vector_load_idx %gather3A_1708[%add3A_1703, %broadcast_in_dim3A_1687] : memref<32x128xf32, #tpu.memory_space<vmem>>[vector<16xi32>, vector<16xi32>], vector<16xf32>,
      %gather3A_1710 = tpu.vector_load_idx %arg14[%iota3A, %broadcast_in_dim3A_1692] : memref<32x128xf32, #tpu.memory_space<vmem>>[vector<16xi32>, vector<16xi32>], vector<16xf32>,
      %add3A_1711 = arith.constant 16 : i32
      %add3A_1712 = vector.broadcast %add3A_1711 : i32 to vector<16xi32>
      %add3A_1713 = arith.addi %iota3A, %add3A_1712 : vector<16xi32>
      %gather3A_1714 = tpu.vector_load_idx %arg14[%add3A_1713, %broadcast_in_dim3A_1692] : memref<32x128xf32, #tpu.memory_space<vmem>>[vector<16xi32>, vector<16xi32>], vector<16xf32>,
      %select_n3A_1715 = arith.select %lt3A_1694, %gather3A_1700, %gather3A_1710 : vector<16xf32>
      %select_n3A_1716 = arith.select %lt3A_1694, %gather3A_1709, %gather3A_1714 : vector<16xf32>
      %mul3A_1717 = arith.mulf %select_n3A_1678, %select_n3A_1715 : vector<16xf32>
      %mul3A_1718 = arith.mulf %select_n3A_1679, %select_n3A_1716 : vector<16xf32>
      %add3A_1719 = arith.addf %mul3A_1717, %mul3A_1718 : vector<16xf32>
      %reduce_sum3A_1720 = arith.constant true
      %reduce_sum3A_1721 = vector.broadcast %reduce_sum3A_1720 : i1 to vector<16xi1>
      %reduce_sum3A_1722 = tpu.scan <sum>, %add3A_1719 masked %reduce_sum3A_1721 : vector<16xf32>, vector<16xi1> -> vector<16xf32>
      %reduce_sum3A_1723 = vector.extract %reduce_sum3A_1722[15] : f32 from vector<16xf32>
      %eq3A_1724 = arith.constant 12 : i32
      %eq3A_1725 = vector.broadcast %eq3A_1724 : i32 to vector<16xi32>
      %eq3A_1726 = arith.cmpi eq, %iota3A, %eq3A_1725 : vector<16xi32>
      %broadcast_in_dim3A_1727 = vector.broadcast %reduce_sum3A_1723 : f32 to vector<16xf32>
      %select_n3A_1728 = arith.select %eq3A_1726, %broadcast_in_dim3A_1727, %select_n3A_1576 : vector<16xi1>, vector<16xf32>
      %gt3A_1729 = arith.constant 0 : i32
      %gt3A_1730 = arith.cmpi sgt, %scan3A_1008, %gt3A_1729 : i32
      %select_n3A_1731 = arith.select %gt3A_1730, %select_n3A_1728, %select_n3A_1576 : vector<16xf32>
      %slice3A_1732 = vector.extract_strided_slice %select_n3A_1731 {offsets = [4], sizes = [1], strides = [1]} : vector<16xf32> to vector<1xf32>
      %squeeze3A_1733 = vector.extract %slice3A_1732[0] : f32 from vector<1xf32>
      %mul3A_1734 = arith.constant 0.000000e+00 : f32
      %mul3A_1735 = arith.mulf %squeeze3A_1733, %mul3A_1734 : f32
      %convert_element_type3A_1736 = arith.fptosi %mul3A_1735 : f32 to i32
      %slice3A_1737 = vector.extract_strided_slice %get3A_1014 {offsets = [4], sizes = [1], strides = [1]} : vector<16xi32> to vector<1xi32>
      %squeeze3A_1738 = vector.extract %slice3A_1737[0] : i32 from vector<1xi32>
      %add3A_1739 = arith.addi %squeeze3A_1738, %convert_element_type3A_1736 : i32
      %min3A_1740 = arith.constant 999935 : i32
      %min3A_1741 = arith.minsi %add3A_1739, %min3A_1740 : i32
      %shift_right_arithmetic3A_1742 = arith.constant 7 : i32
      %shift_right_arithmetic3A_1743 = arith.shrsi %min3A_1741, %shift_right_arithmetic3A_1742 : i32
      %mul3A_1744 = arith.constant 128 : i32
      %mul3A_1745 = arith.muli %shift_right_arithmetic3A_1743, %mul3A_1744 : i32
      %multiple_of3A_1746 = tpu.assume_multiple %mul3A_1745, 128 : i32
      %dma_start3A_1747 = arith.constant 4 : i32
      %dma_start3A_1748 = arith.constant 4 : i32
      %dma_start3A_1749 = arith.constant 0 : i32
      %dma_start3A_1750 = arith.constant 0 : i32
      %dma_start3A_1751 = tpu.memref_slice %arg11[%dma_start3A_1747, %dma_start3A_1749, %dma_start3A_1750] : memref<8x32x128xf32, #tpu.memory_space<vmem>> -> memref<1x32x128xf32, #tpu.memory_space<vmem>>
      %dma_start3A_1752 = tpu.memref_squeeze %dma_start3A_1751 : memref<1x32x128xf32, #tpu.memory_space<vmem>> -> memref<32x128xf32, #tpu.memory_space<vmem>>
      %dma_start3A_1753 = arith.constant 0 : i32
      %dma_start3A_1754 = tpu.memref_slice %arg4[%dma_start3A_1753, %multiple_of3A_1746] : memref<32x1000000xf32, #tpu.memory_space<hbm>> -> memref<32x128xf32, #tpu.memory_space<hbm>>
      %dma_start3A_1755 = tpu.memref_slice %arg16[%dma_start3A_1748] : memref<8x!tpu.dma_semaphore, #tpu.memory_space<semaphore_mem>> -> memref<1x!tpu.dma_semaphore, #tpu.memory_space<semaphore_mem>>
      %dma_start3A_1756 = tpu.memref_squeeze %dma_start3A_1755 : memref<1x!tpu.dma_semaphore, #tpu.memory_space<semaphore_mem>> -> memref<!tpu.dma_semaphore, #tpu.memory_space<semaphore_mem>>
      %dma_start3A_1757 = arith.constant 0 : i32
      %dma_start3A_1758 = arith.constant 0 : i32
      %dma_start3A_1759 = tpu.memref_slice %arg11[%dma_start3A_1747, %dma_start3A_1757, %dma_start3A_1758] : memref<8x32x128xf32, #tpu.memory_space<vmem>> -> memref<1x32x128xf32, #tpu.memory_space<vmem>>
      %dma_start3A_1760 = tpu.memref_squeeze %dma_start3A_1759 : memref<1x32x128xf32, #tpu.memory_space<vmem>> -> memref<32x128xf32, #tpu.memory_space<vmem>>
      %dma_start3A_1761 = arith.constant 0 : i32
      %dma_start3A_1762 = tpu.memref_slice %arg4[%dma_start3A_1761, %multiple_of3A_1746] : memref<32x1000000xf32, #tpu.memory_space<hbm>> -> memref<32x128xf32, #tpu.memory_space<hbm>>
      tpu.enqueue_dma source(%dma_start3A_1762 : memref<32x128xf32, #tpu.memory_space<hbm>>) target(%dma_start3A_1760 : memref<32x128xf32, #tpu.memory_space<vmem>>) target_semaphore(%dma_start3A_1756 : memref<!tpu.dma_semaphore, #tpu.memory_space<semaphore_mem>>)
      %slice3A_1763 = vector.extract_strided_slice %get3A_1017 {offsets = [4], sizes = [1], strides = [1]} : vector<16xi32> to vector<1xi32>
      %squeeze3A_1764 = vector.extract %slice3A_1763[0] : i32 from vector<1xi32>
      %add3A_1765 = arith.addi %squeeze3A_1764, %convert_element_type3A_1736 : i32
      %min3A_1766 = arith.constant 999935 : i32
      %min3A_1767 = arith.minsi %add3A_1765, %min3A_1766 : i32
      %shift_right_arithmetic3A_1768 = arith.constant 7 : i32
      %shift_right_arithmetic3A_1769 = arith.shrsi %min3A_1767, %shift_right_arithmetic3A_1768 : i32
      %mul3A_1770 = arith.constant 128 : i32
      %mul3A_1771 = arith.muli %shift_right_arithmetic3A_1769, %mul3A_1770 : i32
      %multiple_of3A_1772 = tpu.assume_multiple %mul3A_1771, 128 : i32
      %dma_start3A_1773 = arith.constant 4 : i32
      %dma_start3A_1774 = arith.constant 4 : i32
      %dma_start3A_1775 = arith.constant 0 : i32
      %dma_start3A_1776 = arith.constant 0 : i32
      %dma_start3A_1777 = tpu.memref_slice %arg12[%dma_start3A_1773, %dma_start3A_1775, %dma_start3A_1776] : memref<8x32x128xf32, #tpu.memory_space<vmem>> -> memref<1x32x128xf32, #tpu.memory_space<vmem>>
      %dma_start3A_1778 = tpu.memref_squeeze %dma_start3A_1777 : memref<1x32x128xf32, #tpu.memory_space<vmem>> -> memref<32x128xf32, #tpu.memory_space<vmem>>
      %dma_start3A_1779 = arith.constant 0 : i32
      %dma_start3A_1780 = tpu.memref_slice %arg5[%dma_start3A_1779, %multiple_of3A_1772] : memref<32x1000000xf32, #tpu.memory_space<hbm>> -> memref<32x128xf32, #tpu.memory_space<hbm>>
      %dma_start3A_1781 = tpu.memref_slice %arg16[%dma_start3A_1774] : memref<8x!tpu.dma_semaphore, #tpu.memory_space<semaphore_mem>> -> memref<1x!tpu.dma_semaphore, #tpu.memory_space<semaphore_mem>>
      %dma_start3A_1782 = tpu.memref_squeeze %dma_start3A_1781 : memref<1x!tpu.dma_semaphore, #tpu.memory_space<semaphore_mem>> -> memref<!tpu.dma_semaphore, #tpu.memory_space<semaphore_mem>>
      %dma_start3A_1783 = arith.constant 0 : i32
      %dma_start3A_1784 = arith.constant 0 : i32
      %dma_start3A_1785 = tpu.memref_slice %arg12[%dma_start3A_1773, %dma_start3A_1783, %dma_start3A_1784] : memref<8x32x128xf32, #tpu.memory_space<vmem>> -> memref<1x32x128xf32, #tpu.memory_space<vmem>>
      %dma_start3A_1786 = tpu.memref_squeeze %dma_start3A_1785 : memref<1x32x128xf32, #tpu.memory_space<vmem>> -> memref<32x128xf32, #tpu.memory_space<vmem>>
      %dma_start3A_1787 = arith.constant 0 : i32
      %dma_start3A_1788 = tpu.memref_slice %arg5[%dma_start3A_1787, %multiple_of3A_1772] : memref<32x1000000xf32, #tpu.memory_space<hbm>> -> memref<32x128xf32, #tpu.memory_space<hbm>>
      tpu.enqueue_dma source(%dma_start3A_1788 : memref<32x128xf32, #tpu.memory_space<hbm>>) target(%dma_start3A_1786 : memref<32x128xf32, #tpu.memory_space<vmem>>) target_semaphore(%dma_start3A_1782 : memref<!tpu.dma_semaphore, #tpu.memory_space<semaphore_mem>>)
      %gt3A_1789 = arith.constant 0 : i32
      %gt3A_1790 = arith.cmpi sgt, %scan3A_1008, %gt3A_1789 : i32
      %convert_element_type3A_1791 = arith.extui %gt3A_1790 : i1 to i32
      %cond3A_1792 = arith.constant 0 : i32
      %cond3A_1793 = arith.cmpi ne, %convert_element_type3A_1791, %cond3A_1792 : i32
      scf.if %cond3A_1793 {
        %dma_wait3A_3723 = arith.constant 5 : i32
        %dma_wait3A_3724 = arith.constant 5 : i32
        %dma_wait3A_3725 = arith.constant 0 : i32
        %dma_wait3A_3726 = arith.constant 0 : i32
        %dma_wait3A_3727 = tpu.memref_slice %arg11[%dma_wait3A_3723, %dma_wait3A_3725, %dma_wait3A_3726] : memref<8x32x128xf32, #tpu.memory_space<vmem>> -> memref<1x32x128xf32, #tpu.memory_space<vmem>>
        %dma_wait3A_3728 = tpu.memref_squeeze %dma_wait3A_3727 : memref<1x32x128xf32, #tpu.memory_space<vmem>> -> memref<32x128xf32, #tpu.memory_space<vmem>>
        %dma_wait3A_3729 = arith.constant 0 : i32
        %dma_wait3A_3730 = arith.constant 0 : i32
        %dma_wait3A_3731 = tpu.memref_slice %arg4[%dma_wait3A_3729, %dma_wait3A_3730] : memref<32x1000000xf32, #tpu.memory_space<hbm>> -> memref<32x128xf32, #tpu.memory_space<hbm>>
        %dma_wait3A_3732 = tpu.memref_slice %arg16[%dma_wait3A_3724] : memref<8x!tpu.dma_semaphore, #tpu.memory_space<semaphore_mem>> -> memref<1x!tpu.dma_semaphore, #tpu.memory_space<semaphore_mem>>
        %dma_wait3A_3733 = tpu.memref_squeeze %dma_wait3A_3732 : memref<1x!tpu.dma_semaphore, #tpu.memory_space<semaphore_mem>> -> memref<!tpu.dma_semaphore, #tpu.memory_space<semaphore_mem>>
        %dma_wait3A_3734 = arith.constant 0 : i32
        %dma_wait3A_3735 = arith.constant 0 : i32
        %dma_wait3A_3736 = tpu.memref_slice %arg11[%dma_wait3A_3723, %dma_wait3A_3734, %dma_wait3A_3735] : memref<8x32x128xf32, #tpu.memory_space<vmem>> -> memref<1x32x128xf32, #tpu.memory_space<vmem>>
        %dma_wait3A_3737 = tpu.memref_squeeze %dma_wait3A_3736 : memref<1x32x128xf32, #tpu.memory_space<vmem>> -> memref<32x128xf32, #tpu.memory_space<vmem>>
        %dma_wait3A_3738 = arith.constant 0 : i32
        %dma_wait3A_3739 = arith.constant 0 : i32
        %dma_wait3A_3740 = tpu.memref_slice %arg4[%dma_wait3A_3738, %dma_wait3A_3739] : memref<32x1000000xf32, #tpu.memory_space<hbm>> -> memref<32x128xf32, #tpu.memory_space<hbm>>
        tpu.wait_dma2 semaphore(%dma_wait3A_3733 : memref<!tpu.dma_semaphore, #tpu.memory_space<semaphore_mem>>) src(%dma_wait3A_3740 : memref<32x128xf32, #tpu.memory_space<hbm>>) dst(%dma_wait3A_3737 : memref<32x128xf32, #tpu.memory_space<vmem>>)
        %dma_wait3A_3741 = arith.constant 5 : i32
        %dma_wait3A_3742 = arith.constant 5 : i32
        %dma_wait3A_3743 = arith.constant 0 : i32
        %dma_wait3A_3744 = arith.constant 0 : i32
        %dma_wait3A_3745 = tpu.memref_slice %arg12[%dma_wait3A_3741, %dma_wait3A_3743, %dma_wait3A_3744] : memref<8x32x128xf32, #tpu.memory_space<vmem>> -> memref<1x32x128xf32, #tpu.memory_space<vmem>>
        %dma_wait3A_3746 = tpu.memref_squeeze %dma_wait3A_3745 : memref<1x32x128xf32, #tpu.memory_space<vmem>> -> memref<32x128xf32, #tpu.memory_space<vmem>>
        %dma_wait3A_3747 = arith.constant 0 : i32
        %dma_wait3A_3748 = arith.constant 0 : i32
        %dma_wait3A_3749 = tpu.memref_slice %arg5[%dma_wait3A_3747, %dma_wait3A_3748] : memref<32x1000000xf32, #tpu.memory_space<hbm>> -> memref<32x128xf32, #tpu.memory_space<hbm>>
        %dma_wait3A_3750 = tpu.memref_slice %arg16[%dma_wait3A_3742] : memref<8x!tpu.dma_semaphore, #tpu.memory_space<semaphore_mem>> -> memref<1x!tpu.dma_semaphore, #tpu.memory_space<semaphore_mem>>
        %dma_wait3A_3751 = tpu.memref_squeeze %dma_wait3A_3750 : memref<1x!tpu.dma_semaphore, #tpu.memory_space<semaphore_mem>> -> memref<!tpu.dma_semaphore, #tpu.memory_space<semaphore_mem>>
        %dma_wait3A_3752 = arith.constant 0 : i32
        %dma_wait3A_3753 = arith.constant 0 : i32
        %dma_wait3A_3754 = tpu.memref_slice %arg12[%dma_wait3A_3741, %dma_wait3A_3752, %dma_wait3A_3753] : memref<8x32x128xf32, #tpu.memory_space<vmem>> -> memref<1x32x128xf32, #tpu.memory_space<vmem>>
        %dma_wait3A_3755 = tpu.memref_squeeze %dma_wait3A_3754 : memref<1x32x128xf32, #tpu.memory_space<vmem>> -> memref<32x128xf32, #tpu.memory_space<vmem>>
        %dma_wait3A_3756 = arith.constant 0 : i32
        %dma_wait3A_3757 = arith.constant 0 : i32
        %dma_wait3A_3758 = tpu.memref_slice %arg5[%dma_wait3A_3756, %dma_wait3A_3757] : memref<32x1000000xf32, #tpu.memory_space<hbm>> -> memref<32x128xf32, #tpu.memory_space<hbm>>
        tpu.wait_dma2 semaphore(%dma_wait3A_3751 : memref<!tpu.dma_semaphore, #tpu.memory_space<semaphore_mem>>) src(%dma_wait3A_3758 : memref<32x128xf32, #tpu.memory_space<hbm>>) dst(%dma_wait3A_3755 : memref<32x128xf32, #tpu.memory_space<vmem>>)
      } else {
      }
      %slice3A_1794 = vector.extract_strided_slice %scan3A_1009 {offsets = [13], sizes = [1], strides = [1]} : vector<16xi32> to vector<1xi32>
      %squeeze3A_1795 = vector.extract %slice3A_1794[0] : i32 from vector<1xi32>
      %slice3A_1796 = vector.extract_strided_slice %scan3A_1010 {offsets = [13], sizes = [1], strides = [1]} : vector<16xi32> to vector<1xi32>
      %squeeze3A_1797 = vector.extract %slice3A_1796[0] : i32 from vector<1xi32>
      %min3A_1798 = arith.constant 999935 : i32
      %min3A_1799 = arith.minsi %squeeze3A_1795, %min3A_1798 : i32
      %shift_right_arithmetic3A_1800 = arith.constant 7 : i32
      %shift_right_arithmetic3A_1801 = arith.shrsi %min3A_1799, %shift_right_arithmetic3A_1800 : i32
      %mul3A_1802 = arith.constant 128 : i32
      %mul3A_1803 = arith.muli %shift_right_arithmetic3A_1801, %mul3A_1802 : i32
      %sub3A_1804 = arith.subi %min3A_1799, %mul3A_1803 : i32
      %broadcast_in_dim3A_1805 = vector.broadcast %sub3A_1804 : i32 to vector<16xi32>
      %sub3A_1806 = arith.constant 999936 : i32
      %sub3A_1807 = arith.subi %squeeze3A_1795, %sub3A_1806 : i32
      %max3A_1808 = arith.constant 0 : i32
      %max3A_1809 = arith.maxsi %sub3A_1807, %max3A_1808 : i32
      %broadcast_in_dim3A_1810 = vector.broadcast %max3A_1809 : i32 to vector<16xi32>
      %lt3A_1811 = arith.constant 999936 : i32
      %lt3A_1812 = arith.cmpi slt, %squeeze3A_1795, %lt3A_1811 : i32
      %gather3A_1813 = arith.constant 5 : i32
      %gather3A_1814 = arith.constant 0 : i32
      %gather3A_1815 = arith.constant 0 : i32
      %gather3A_1816 = tpu.memref_slice %arg11[%gather3A_1813, %gather3A_1814, %gather3A_1815] : memref<8x32x128xf32, #tpu.memory_space<vmem>> -> memref<1x32x128xf32, #tpu.memory_space<vmem>>
      %gather3A_1817 = tpu.memref_squeeze %gather3A_1816 : memref<1x32x128xf32, #tpu.memory_space<vmem>> -> memref<32x128xf32, #tpu.memory_space<vmem>>
      %gather3A_1818 = tpu.vector_load_idx %gather3A_1817[%iota3A, %broadcast_in_dim3A_1805] : memref<32x128xf32, #tpu.memory_space<vmem>>[vector<16xi32>, vector<16xi32>], vector<16xf32>,
      %add3A_1819 = arith.constant 16 : i32
      %add3A_1820 = vector.broadcast %add3A_1819 : i32 to vector<16xi32>
      %add3A_1821 = arith.addi %iota3A, %add3A_1820 : vector<16xi32>
      %gather3A_1822 = arith.constant 5 : i32
      %gather3A_1823 = arith.constant 0 : i32
      %gather3A_1824 = arith.constant 0 : i32
      %gather3A_1825 = tpu.memref_slice %arg11[%gather3A_1822, %gather3A_1823, %gather3A_1824] : memref<8x32x128xf32, #tpu.memory_space<vmem>> -> memref<1x32x128xf32, #tpu.memory_space<vmem>>
      %gather3A_1826 = tpu.memref_squeeze %gather3A_1825 : memref<1x32x128xf32, #tpu.memory_space<vmem>> -> memref<32x128xf32, #tpu.memory_space<vmem>>
      %gather3A_1827 = tpu.vector_load_idx %gather3A_1826[%add3A_1821, %broadcast_in_dim3A_1805] : memref<32x128xf32, #tpu.memory_space<vmem>>[vector<16xi32>, vector<16xi32>], vector<16xf32>,
      %gather3A_1828 = tpu.vector_load_idx %arg13[%iota3A, %broadcast_in_dim3A_1810] : memref<32x128xf32, #tpu.memory_space<vmem>>[vector<16xi32>, vector<16xi32>], vector<16xf32>,
      %add3A_1829 = arith.constant 16 : i32
      %add3A_1830 = vector.broadcast %add3A_1829 : i32 to vector<16xi32>
      %add3A_1831 = arith.addi %iota3A, %add3A_1830 : vector<16xi32>
      %gather3A_1832 = tpu.vector_load_idx %arg13[%add3A_1831, %broadcast_in_dim3A_1810] : memref<32x128xf32, #tpu.memory_space<vmem>>[vector<16xi32>, vector<16xi32>], vector<16xf32>,
      %select_n3A_1833 = arith.select %lt3A_1812, %gather3A_1818, %gather3A_1828 : vector<16xf32>
      %select_n3A_1834 = arith.select %lt3A_1812, %gather3A_1827, %gather3A_1832 : vector<16xf32>
      %min3A_1835 = arith.constant 999935 : i32
      %min3A_1836 = arith.minsi %squeeze3A_1797, %min3A_1835 : i32
      %shift_right_arithmetic3A_1837 = arith.constant 7 : i32
      %shift_right_arithmetic3A_1838 = arith.shrsi %min3A_1836, %shift_right_arithmetic3A_1837 : i32
      %mul3A_1839 = arith.constant 128 : i32
      %mul3A_1840 = arith.muli %shift_right_arithmetic3A_1838, %mul3A_1839 : i32
      %sub3A_1841 = arith.subi %min3A_1836, %mul3A_1840 : i32
      %broadcast_in_dim3A_1842 = vector.broadcast %sub3A_1841 : i32 to vector<16xi32>
      %sub3A_1843 = arith.constant 999936 : i32
      %sub3A_1844 = arith.subi %squeeze3A_1797, %sub3A_1843 : i32
      %max3A_1845 = arith.constant 0 : i32
      %max3A_1846 = arith.maxsi %sub3A_1844, %max3A_1845 : i32
      %broadcast_in_dim3A_1847 = vector.broadcast %max3A_1846 : i32 to vector<16xi32>
      %lt3A_1848 = arith.constant 999936 : i32
      %lt3A_1849 = arith.cmpi slt, %squeeze3A_1797, %lt3A_1848 : i32
      %gather3A_1850 = arith.constant 5 : i32
      %gather3A_1851 = arith.constant 0 : i32
      %gather3A_1852 = arith.constant 0 : i32
      %gather3A_1853 = tpu.memref_slice %arg12[%gather3A_1850, %gather3A_1851, %gather3A_1852] : memref<8x32x128xf32, #tpu.memory_space<vmem>> -> memref<1x32x128xf32, #tpu.memory_space<vmem>>
      %gather3A_1854 = tpu.memref_squeeze %gather3A_1853 : memref<1x32x128xf32, #tpu.memory_space<vmem>> -> memref<32x128xf32, #tpu.memory_space<vmem>>
      %gather3A_1855 = tpu.vector_load_idx %gather3A_1854[%iota3A, %broadcast_in_dim3A_1842] : memref<32x128xf32, #tpu.memory_space<vmem>>[vector<16xi32>, vector<16xi32>], vector<16xf32>,
      %add3A_1856 = arith.constant 16 : i32
      %add3A_1857 = vector.broadcast %add3A_1856 : i32 to vector<16xi32>
      %add3A_1858 = arith.addi %iota3A, %add3A_1857 : vector<16xi32>
      %gather3A_1859 = arith.constant 5 : i32
      %gather3A_1860 = arith.constant 0 : i32
      %gather3A_1861 = arith.constant 0 : i32
      %gather3A_1862 = tpu.memref_slice %arg12[%gather3A_1859, %gather3A_1860, %gather3A_1861] : memref<8x32x128xf32, #tpu.memory_space<vmem>> -> memref<1x32x128xf32, #tpu.memory_space<vmem>>
      %gather3A_1863 = tpu.memref_squeeze %gather3A_1862 : memref<1x32x128xf32, #tpu.memory_space<vmem>> -> memref<32x128xf32, #tpu.memory_space<vmem>>
      %gather3A_1864 = tpu.vector_load_idx %gather3A_1863[%add3A_1858, %broadcast_in_dim3A_1842] : memref<32x128xf32, #tpu.memory_space<vmem>>[vector<16xi32>, vector<16xi32>], vector<16xf32>,
      %gather3A_1865 = tpu.vector_load_idx %arg14[%iota3A, %broadcast_in_dim3A_1847] : memref<32x128xf32, #tpu.memory_space<vmem>>[vector<16xi32>, vector<16xi32>], vector<16xf32>,
      %add3A_1866 = arith.constant 16 : i32
      %add3A_1867 = vector.broadcast %add3A_1866 : i32 to vector<16xi32>
      %add3A_1868 = arith.addi %iota3A, %add3A_1867 : vector<16xi32>
      %gather3A_1869 = tpu.vector_load_idx %arg14[%add3A_1868, %broadcast_in_dim3A_1847] : memref<32x128xf32, #tpu.memory_space<vmem>>[vector<16xi32>, vector<16xi32>], vector<16xf32>,
      %select_n3A_1870 = arith.select %lt3A_1849, %gather3A_1855, %gather3A_1865 : vector<16xf32>
      %select_n3A_1871 = arith.select %lt3A_1849, %gather3A_1864, %gather3A_1869 : vector<16xf32>
      %mul3A_1872 = arith.mulf %select_n3A_1833, %select_n3A_1870 : vector<16xf32>
      %mul3A_1873 = arith.mulf %select_n3A_1834, %select_n3A_1871 : vector<16xf32>
      %add3A_1874 = arith.addf %mul3A_1872, %mul3A_1873 : vector<16xf32>
      %reduce_sum3A_1875 = arith.constant true
      %reduce_sum3A_1876 = vector.broadcast %reduce_sum3A_1875 : i1 to vector<16xi1>
      %reduce_sum3A_1877 = tpu.scan <sum>, %add3A_1874 masked %reduce_sum3A_1876 : vector<16xf32>, vector<16xi1> -> vector<16xf32>
      %reduce_sum3A_1878 = vector.extract %reduce_sum3A_1877[15] : f32 from vector<16xf32>
      %eq3A_1879 = arith.constant 13 : i32
      %eq3A_1880 = vector.broadcast %eq3A_1879 : i32 to vector<16xi32>
      %eq3A_1881 = arith.cmpi eq, %iota3A, %eq3A_1880 : vector<16xi32>
      %broadcast_in_dim3A_1882 = vector.broadcast %reduce_sum3A_1878 : f32 to vector<16xf32>
      %select_n3A_1883 = arith.select %eq3A_1881, %broadcast_in_dim3A_1882, %select_n3A_1731 : vector<16xi1>, vector<16xf32>
      %gt3A_1884 = arith.constant 0 : i32
      %gt3A_1885 = arith.cmpi sgt, %scan3A_1008, %gt3A_1884 : i32
      %select_n3A_1886 = arith.select %gt3A_1885, %select_n3A_1883, %select_n3A_1731 : vector<16xf32>
      %slice3A_1887 = vector.extract_strided_slice %select_n3A_1886 {offsets = [5], sizes = [1], strides = [1]} : vector<16xf32> to vector<1xf32>
      %squeeze3A_1888 = vector.extract %slice3A_1887[0] : f32 from vector<1xf32>
      %mul3A_1889 = arith.constant 0.000000e+00 : f32
      %mul3A_1890 = arith.mulf %squeeze3A_1888, %mul3A_1889 : f32
      %convert_element_type3A_1891 = arith.fptosi %mul3A_1890 : f32 to i32
      %slice3A_1892 = vector.extract_strided_slice %get3A_1014 {offsets = [5], sizes = [1], strides = [1]} : vector<16xi32> to vector<1xi32>
      %squeeze3A_1893 = vector.extract %slice3A_1892[0] : i32 from vector<1xi32>
      %add3A_1894 = arith.addi %squeeze3A_1893, %convert_element_type3A_1891 : i32
      %min3A_1895 = arith.constant 999935 : i32
      %min3A_1896 = arith.minsi %add3A_1894, %min3A_1895 : i32
      %shift_right_arithmetic3A_1897 = arith.constant 7 : i32
      %shift_right_arithmetic3A_1898 = arith.shrsi %min3A_1896, %shift_right_arithmetic3A_1897 : i32
      %mul3A_1899 = arith.constant 128 : i32
      %mul3A_1900 = arith.muli %shift_right_arithmetic3A_1898, %mul3A_1899 : i32
      %multiple_of3A_1901 = tpu.assume_multiple %mul3A_1900, 128 : i32
      %dma_start3A_1902 = arith.constant 5 : i32
      %dma_start3A_1903 = arith.constant 5 : i32
      %dma_start3A_1904 = arith.constant 0 : i32
      %dma_start3A_1905 = arith.constant 0 : i32
      %dma_start3A_1906 = tpu.memref_slice %arg11[%dma_start3A_1902, %dma_start3A_1904, %dma_start3A_1905] : memref<8x32x128xf32, #tpu.memory_space<vmem>> -> memref<1x32x128xf32, #tpu.memory_space<vmem>>
      %dma_start3A_1907 = tpu.memref_squeeze %dma_start3A_1906 : memref<1x32x128xf32, #tpu.memory_space<vmem>> -> memref<32x128xf32, #tpu.memory_space<vmem>>
      %dma_start3A_1908 = arith.constant 0 : i32
      %dma_start3A_1909 = tpu.memref_slice %arg4[%dma_start3A_1908, %multiple_of3A_1901] : memref<32x1000000xf32, #tpu.memory_space<hbm>> -> memref<32x128xf32, #tpu.memory_space<hbm>>
      %dma_start3A_1910 = tpu.memref_slice %arg16[%dma_start3A_1903] : memref<8x!tpu.dma_semaphore, #tpu.memory_space<semaphore_mem>> -> memref<1x!tpu.dma_semaphore, #tpu.memory_space<semaphore_mem>>
      %dma_start3A_1911 = tpu.memref_squeeze %dma_start3A_1910 : memref<1x!tpu.dma_semaphore, #tpu.memory_space<semaphore_mem>> -> memref<!tpu.dma_semaphore, #tpu.memory_space<semaphore_mem>>
      %dma_start3A_1912 = arith.constant 0 : i32
      %dma_start3A_1913 = arith.constant 0 : i32
      %dma_start3A_1914 = tpu.memref_slice %arg11[%dma_start3A_1902, %dma_start3A_1912, %dma_start3A_1913] : memref<8x32x128xf32, #tpu.memory_space<vmem>> -> memref<1x32x128xf32, #tpu.memory_space<vmem>>
      %dma_start3A_1915 = tpu.memref_squeeze %dma_start3A_1914 : memref<1x32x128xf32, #tpu.memory_space<vmem>> -> memref<32x128xf32, #tpu.memory_space<vmem>>
      %dma_start3A_1916 = arith.constant 0 : i32
      %dma_start3A_1917 = tpu.memref_slice %arg4[%dma_start3A_1916, %multiple_of3A_1901] : memref<32x1000000xf32, #tpu.memory_space<hbm>> -> memref<32x128xf32, #tpu.memory_space<hbm>>
      tpu.enqueue_dma source(%dma_start3A_1917 : memref<32x128xf32, #tpu.memory_space<hbm>>) target(%dma_start3A_1915 : memref<32x128xf32, #tpu.memory_space<vmem>>) target_semaphore(%dma_start3A_1911 : memref<!tpu.dma_semaphore, #tpu.memory_space<semaphore_mem>>)
      %slice3A_1918 = vector.extract_strided_slice %get3A_1017 {offsets = [5], sizes = [1], strides = [1]} : vector<16xi32> to vector<1xi32>
      %squeeze3A_1919 = vector.extract %slice3A_1918[0] : i32 from vector<1xi32>
      %add3A_1920 = arith.addi %squeeze3A_1919, %convert_element_type3A_1891 : i32
      %min3A_1921 = arith.constant 999935 : i32
      %min3A_1922 = arith.minsi %add3A_1920, %min3A_1921 : i32
      %shift_right_arithmetic3A_1923 = arith.constant 7 : i32
      %shift_right_arithmetic3A_1924 = arith.shrsi %min3A_1922, %shift_right_arithmetic3A_1923 : i32
      %mul3A_1925 = arith.constant 128 : i32
      %mul3A_1926 = arith.muli %shift_right_arithmetic3A_1924, %mul3A_1925 : i32
      %multiple_of3A_1927 = tpu.assume_multiple %mul3A_1926, 128 : i32
      %dma_start3A_1928 = arith.constant 5 : i32
      %dma_start3A_1929 = arith.constant 5 : i32
      %dma_start3A_1930 = arith.constant 0 : i32
      %dma_start3A_1931 = arith.constant 0 : i32
      %dma_start3A_1932 = tpu.memref_slice %arg12[%dma_start3A_1928, %dma_start3A_1930, %dma_start3A_1931] : memref<8x32x128xf32, #tpu.memory_space<vmem>> -> memref<1x32x128xf32, #tpu.memory_space<vmem>>
      %dma_start3A_1933 = tpu.memref_squeeze %dma_start3A_1932 : memref<1x32x128xf32, #tpu.memory_space<vmem>> -> memref<32x128xf32, #tpu.memory_space<vmem>>
      %dma_start3A_1934 = arith.constant 0 : i32
      %dma_start3A_1935 = tpu.memref_slice %arg5[%dma_start3A_1934, %multiple_of3A_1927] : memref<32x1000000xf32, #tpu.memory_space<hbm>> -> memref<32x128xf32, #tpu.memory_space<hbm>>
      %dma_start3A_1936 = tpu.memref_slice %arg16[%dma_start3A_1929] : memref<8x!tpu.dma_semaphore, #tpu.memory_space<semaphore_mem>> -> memref<1x!tpu.dma_semaphore, #tpu.memory_space<semaphore_mem>>
      %dma_start3A_1937 = tpu.memref_squeeze %dma_start3A_1936 : memref<1x!tpu.dma_semaphore, #tpu.memory_space<semaphore_mem>> -> memref<!tpu.dma_semaphore, #tpu.memory_space<semaphore_mem>>
      %dma_start3A_1938 = arith.constant 0 : i32
      %dma_start3A_1939 = arith.constant 0 : i32
      %dma_start3A_1940 = tpu.memref_slice %arg12[%dma_start3A_1928, %dma_start3A_1938, %dma_start3A_1939] : memref<8x32x128xf32, #tpu.memory_space<vmem>> -> memref<1x32x128xf32, #tpu.memory_space<vmem>>
      %dma_start3A_1941 = tpu.memref_squeeze %dma_start3A_1940 : memref<1x32x128xf32, #tpu.memory_space<vmem>> -> memref<32x128xf32, #tpu.memory_space<vmem>>
      %dma_start3A_1942 = arith.constant 0 : i32
      %dma_start3A_1943 = tpu.memref_slice %arg5[%dma_start3A_1942, %multiple_of3A_1927] : memref<32x1000000xf32, #tpu.memory_space<hbm>> -> memref<32x128xf32, #tpu.memory_space<hbm>>
      tpu.enqueue_dma source(%dma_start3A_1943 : memref<32x128xf32, #tpu.memory_space<hbm>>) target(%dma_start3A_1941 : memref<32x128xf32, #tpu.memory_space<vmem>>) target_semaphore(%dma_start3A_1937 : memref<!tpu.dma_semaphore, #tpu.memory_space<semaphore_mem>>)
      %gt3A_1944 = arith.constant 0 : i32
      %gt3A_1945 = arith.cmpi sgt, %scan3A_1008, %gt3A_1944 : i32
      %convert_element_type3A_1946 = arith.extui %gt3A_1945 : i1 to i32
      %cond3A_1947 = arith.constant 0 : i32
      %cond3A_1948 = arith.cmpi ne, %convert_element_type3A_1946, %cond3A_1947 : i32
      scf.if %cond3A_1948 {
        %dma_wait3A_3723 = arith.constant 6 : i32
        %dma_wait3A_3724 = arith.constant 6 : i32
        %dma_wait3A_3725 = arith.constant 0 : i32
        %dma_wait3A_3726 = arith.constant 0 : i32
        %dma_wait3A_3727 = tpu.memref_slice %arg11[%dma_wait3A_3723, %dma_wait3A_3725, %dma_wait3A_3726] : memref<8x32x128xf32, #tpu.memory_space<vmem>> -> memref<1x32x128xf32, #tpu.memory_space<vmem>>
        %dma_wait3A_3728 = tpu.memref_squeeze %dma_wait3A_3727 : memref<1x32x128xf32, #tpu.memory_space<vmem>> -> memref<32x128xf32, #tpu.memory_space<vmem>>
        %dma_wait3A_3729 = arith.constant 0 : i32
        %dma_wait3A_3730 = arith.constant 0 : i32
        %dma_wait3A_3731 = tpu.memref_slice %arg4[%dma_wait3A_3729, %dma_wait3A_3730] : memref<32x1000000xf32, #tpu.memory_space<hbm>> -> memref<32x128xf32, #tpu.memory_space<hbm>>
        %dma_wait3A_3732 = tpu.memref_slice %arg16[%dma_wait3A_3724] : memref<8x!tpu.dma_semaphore, #tpu.memory_space<semaphore_mem>> -> memref<1x!tpu.dma_semaphore, #tpu.memory_space<semaphore_mem>>
        %dma_wait3A_3733 = tpu.memref_squeeze %dma_wait3A_3732 : memref<1x!tpu.dma_semaphore, #tpu.memory_space<semaphore_mem>> -> memref<!tpu.dma_semaphore, #tpu.memory_space<semaphore_mem>>
        %dma_wait3A_3734 = arith.constant 0 : i32
        %dma_wait3A_3735 = arith.constant 0 : i32
        %dma_wait3A_3736 = tpu.memref_slice %arg11[%dma_wait3A_3723, %dma_wait3A_3734, %dma_wait3A_3735] : memref<8x32x128xf32, #tpu.memory_space<vmem>> -> memref<1x32x128xf32, #tpu.memory_space<vmem>>
        %dma_wait3A_3737 = tpu.memref_squeeze %dma_wait3A_3736 : memref<1x32x128xf32, #tpu.memory_space<vmem>> -> memref<32x128xf32, #tpu.memory_space<vmem>>
        %dma_wait3A_3738 = arith.constant 0 : i32
        %dma_wait3A_3739 = arith.constant 0 : i32
        %dma_wait3A_3740 = tpu.memref_slice %arg4[%dma_wait3A_3738, %dma_wait3A_3739] : memref<32x1000000xf32, #tpu.memory_space<hbm>> -> memref<32x128xf32, #tpu.memory_space<hbm>>
        tpu.wait_dma2 semaphore(%dma_wait3A_3733 : memref<!tpu.dma_semaphore, #tpu.memory_space<semaphore_mem>>) src(%dma_wait3A_3740 : memref<32x128xf32, #tpu.memory_space<hbm>>) dst(%dma_wait3A_3737 : memref<32x128xf32, #tpu.memory_space<vmem>>)
        %dma_wait3A_3741 = arith.constant 6 : i32
        %dma_wait3A_3742 = arith.constant 6 : i32
        %dma_wait3A_3743 = arith.constant 0 : i32
        %dma_wait3A_3744 = arith.constant 0 : i32
        %dma_wait3A_3745 = tpu.memref_slice %arg12[%dma_wait3A_3741, %dma_wait3A_3743, %dma_wait3A_3744] : memref<8x32x128xf32, #tpu.memory_space<vmem>> -> memref<1x32x128xf32, #tpu.memory_space<vmem>>
        %dma_wait3A_3746 = tpu.memref_squeeze %dma_wait3A_3745 : memref<1x32x128xf32, #tpu.memory_space<vmem>> -> memref<32x128xf32, #tpu.memory_space<vmem>>
        %dma_wait3A_3747 = arith.constant 0 : i32
        %dma_wait3A_3748 = arith.constant 0 : i32
        %dma_wait3A_3749 = tpu.memref_slice %arg5[%dma_wait3A_3747, %dma_wait3A_3748] : memref<32x1000000xf32, #tpu.memory_space<hbm>> -> memref<32x128xf32, #tpu.memory_space<hbm>>
        %dma_wait3A_3750 = tpu.memref_slice %arg16[%dma_wait3A_3742] : memref<8x!tpu.dma_semaphore, #tpu.memory_space<semaphore_mem>> -> memref<1x!tpu.dma_semaphore, #tpu.memory_space<semaphore_mem>>
        %dma_wait3A_3751 = tpu.memref_squeeze %dma_wait3A_3750 : memref<1x!tpu.dma_semaphore, #tpu.memory_space<semaphore_mem>> -> memref<!tpu.dma_semaphore, #tpu.memory_space<semaphore_mem>>
        %dma_wait3A_3752 = arith.constant 0 : i32
        %dma_wait3A_3753 = arith.constant 0 : i32
        %dma_wait3A_3754 = tpu.memref_slice %arg12[%dma_wait3A_3741, %dma_wait3A_3752, %dma_wait3A_3753] : memref<8x32x128xf32, #tpu.memory_space<vmem>> -> memref<1x32x128xf32, #tpu.memory_space<vmem>>
        %dma_wait3A_3755 = tpu.memref_squeeze %dma_wait3A_3754 : memref<1x32x128xf32, #tpu.memory_space<vmem>> -> memref<32x128xf32, #tpu.memory_space<vmem>>
        %dma_wait3A_3756 = arith.constant 0 : i32
        %dma_wait3A_3757 = arith.constant 0 : i32
        %dma_wait3A_3758 = tpu.memref_slice %arg5[%dma_wait3A_3756, %dma_wait3A_3757] : memref<32x1000000xf32, #tpu.memory_space<hbm>> -> memref<32x128xf32, #tpu.memory_space<hbm>>
        tpu.wait_dma2 semaphore(%dma_wait3A_3751 : memref<!tpu.dma_semaphore, #tpu.memory_space<semaphore_mem>>) src(%dma_wait3A_3758 : memref<32x128xf32, #tpu.memory_space<hbm>>) dst(%dma_wait3A_3755 : memref<32x128xf32, #tpu.memory_space<vmem>>)
      } else {
      }
      %slice3A_1949 = vector.extract_strided_slice %scan3A_1009 {offsets = [14], sizes = [1], strides = [1]} : vector<16xi32> to vector<1xi32>
      %squeeze3A_1950 = vector.extract %slice3A_1949[0] : i32 from vector<1xi32>
      %slice3A_1951 = vector.extract_strided_slice %scan3A_1010 {offsets = [14], sizes = [1], strides = [1]} : vector<16xi32> to vector<1xi32>
      %squeeze3A_1952 = vector.extract %slice3A_1951[0] : i32 from vector<1xi32>
      %min3A_1953 = arith.constant 999935 : i32
      %min3A_1954 = arith.minsi %squeeze3A_1950, %min3A_1953 : i32
      %shift_right_arithmetic3A_1955 = arith.constant 7 : i32
      %shift_right_arithmetic3A_1956 = arith.shrsi %min3A_1954, %shift_right_arithmetic3A_1955 : i32
      %mul3A_1957 = arith.constant 128 : i32
      %mul3A_1958 = arith.muli %shift_right_arithmetic3A_1956, %mul3A_1957 : i32
      %sub3A_1959 = arith.subi %min3A_1954, %mul3A_1958 : i32
      %broadcast_in_dim3A_1960 = vector.broadcast %sub3A_1959 : i32 to vector<16xi32>
      %sub3A_1961 = arith.constant 999936 : i32
      %sub3A_1962 = arith.subi %squeeze3A_1950, %sub3A_1961 : i32
      %max3A_1963 = arith.constant 0 : i32
      %max3A_1964 = arith.maxsi %sub3A_1962, %max3A_1963 : i32
      %broadcast_in_dim3A_1965 = vector.broadcast %max3A_1964 : i32 to vector<16xi32>
      %lt3A_1966 = arith.constant 999936 : i32
      %lt3A_1967 = arith.cmpi slt, %squeeze3A_1950, %lt3A_1966 : i32
      %gather3A_1968 = arith.constant 6 : i32
      %gather3A_1969 = arith.constant 0 : i32
      %gather3A_1970 = arith.constant 0 : i32
      %gather3A_1971 = tpu.memref_slice %arg11[%gather3A_1968, %gather3A_1969, %gather3A_1970] : memref<8x32x128xf32, #tpu.memory_space<vmem>> -> memref<1x32x128xf32, #tpu.memory_space<vmem>>
      %gather3A_1972 = tpu.memref_squeeze %gather3A_1971 : memref<1x32x128xf32, #tpu.memory_space<vmem>> -> memref<32x128xf32, #tpu.memory_space<vmem>>
      %gather3A_1973 = tpu.vector_load_idx %gather3A_1972[%iota3A, %broadcast_in_dim3A_1960] : memref<32x128xf32, #tpu.memory_space<vmem>>[vector<16xi32>, vector<16xi32>], vector<16xf32>,
      %add3A_1974 = arith.constant 16 : i32
      %add3A_1975 = vector.broadcast %add3A_1974 : i32 to vector<16xi32>
      %add3A_1976 = arith.addi %iota3A, %add3A_1975 : vector<16xi32>
      %gather3A_1977 = arith.constant 6 : i32
      %gather3A_1978 = arith.constant 0 : i32
      %gather3A_1979 = arith.constant 0 : i32
      %gather3A_1980 = tpu.memref_slice %arg11[%gather3A_1977, %gather3A_1978, %gather3A_1979] : memref<8x32x128xf32, #tpu.memory_space<vmem>> -> memref<1x32x128xf32, #tpu.memory_space<vmem>>
      %gather3A_1981 = tpu.memref_squeeze %gather3A_1980 : memref<1x32x128xf32, #tpu.memory_space<vmem>> -> memref<32x128xf32, #tpu.memory_space<vmem>>
      %gather3A_1982 = tpu.vector_load_idx %gather3A_1981[%add3A_1976, %broadcast_in_dim3A_1960] : memref<32x128xf32, #tpu.memory_space<vmem>>[vector<16xi32>, vector<16xi32>], vector<16xf32>,
      %gather3A_1983 = tpu.vector_load_idx %arg13[%iota3A, %broadcast_in_dim3A_1965] : memref<32x128xf32, #tpu.memory_space<vmem>>[vector<16xi32>, vector<16xi32>], vector<16xf32>,
      %add3A_1984 = arith.constant 16 : i32
      %add3A_1985 = vector.broadcast %add3A_1984 : i32 to vector<16xi32>
      %add3A_1986 = arith.addi %iota3A, %add3A_1985 : vector<16xi32>
      %gather3A_1987 = tpu.vector_load_idx %arg13[%add3A_1986, %broadcast_in_dim3A_1965] : memref<32x128xf32, #tpu.memory_space<vmem>>[vector<16xi32>, vector<16xi32>], vector<16xf32>,
      %select_n3A_1988 = arith.select %lt3A_1967, %gather3A_1973, %gather3A_1983 : vector<16xf32>
      %select_n3A_1989 = arith.select %lt3A_1967, %gather3A_1982, %gather3A_1987 : vector<16xf32>
      %min3A_1990 = arith.constant 999935 : i32
      %min3A_1991 = arith.minsi %squeeze3A_1952, %min3A_1990 : i32
      %shift_right_arithmetic3A_1992 = arith.constant 7 : i32
      %shift_right_arithmetic3A_1993 = arith.shrsi %min3A_1991, %shift_right_arithmetic3A_1992 : i32
      %mul3A_1994 = arith.constant 128 : i32
      %mul3A_1995 = arith.muli %shift_right_arithmetic3A_1993, %mul3A_1994 : i32
      %sub3A_1996 = arith.subi %min3A_1991, %mul3A_1995 : i32
      %broadcast_in_dim3A_1997 = vector.broadcast %sub3A_1996 : i32 to vector<16xi32>
      %sub3A_1998 = arith.constant 999936 : i32
      %sub3A_1999 = arith.subi %squeeze3A_1952, %sub3A_1998 : i32
      %max3A_2000 = arith.constant 0 : i32
      %max3A_2001 = arith.maxsi %sub3A_1999, %max3A_2000 : i32
      %broadcast_in_dim3A_2002 = vector.broadcast %max3A_2001 : i32 to vector<16xi32>
      %lt3A_2003 = arith.constant 999936 : i32
      %lt3A_2004 = arith.cmpi slt, %squeeze3A_1952, %lt3A_2003 : i32
      %gather3A_2005 = arith.constant 6 : i32
      %gather3A_2006 = arith.constant 0 : i32
      %gather3A_2007 = arith.constant 0 : i32
      %gather3A_2008 = tpu.memref_slice %arg12[%gather3A_2005, %gather3A_2006, %gather3A_2007] : memref<8x32x128xf32, #tpu.memory_space<vmem>> -> memref<1x32x128xf32, #tpu.memory_space<vmem>>
      %gather3A_2009 = tpu.memref_squeeze %gather3A_2008 : memref<1x32x128xf32, #tpu.memory_space<vmem>> -> memref<32x128xf32, #tpu.memory_space<vmem>>
      %gather3A_2010 = tpu.vector_load_idx %gather3A_2009[%iota3A, %broadcast_in_dim3A_1997] : memref<32x128xf32, #tpu.memory_space<vmem>>[vector<16xi32>, vector<16xi32>], vector<16xf32>,
      %add3A_2011 = arith.constant 16 : i32
      %add3A_2012 = vector.broadcast %add3A_2011 : i32 to vector<16xi32>
      %add3A_2013 = arith.addi %iota3A, %add3A_2012 : vector<16xi32>
      %gather3A_2014 = arith.constant 6 : i32
      %gather3A_2015 = arith.constant 0 : i32
      %gather3A_2016 = arith.constant 0 : i32
      %gather3A_2017 = tpu.memref_slice %arg12[%gather3A_2014, %gather3A_2015, %gather3A_2016] : memref<8x32x128xf32, #tpu.memory_space<vmem>> -> memref<1x32x128xf32, #tpu.memory_space<vmem>>
      %gather3A_2018 = tpu.memref_squeeze %gather3A_2017 : memref<1x32x128xf32, #tpu.memory_space<vmem>> -> memref<32x128xf32, #tpu.memory_space<vmem>>
      %gather3A_2019 = tpu.vector_load_idx %gather3A_2018[%add3A_2013, %broadcast_in_dim3A_1997] : memref<32x128xf32, #tpu.memory_space<vmem>>[vector<16xi32>, vector<16xi32>], vector<16xf32>,
      %gather3A_2020 = tpu.vector_load_idx %arg14[%iota3A, %broadcast_in_dim3A_2002] : memref<32x128xf32, #tpu.memory_space<vmem>>[vector<16xi32>, vector<16xi32>], vector<16xf32>,
      %add3A_2021 = arith.constant 16 : i32
      %add3A_2022 = vector.broadcast %add3A_2021 : i32 to vector<16xi32>
      %add3A_2023 = arith.addi %iota3A, %add3A_2022 : vector<16xi32>
      %gather3A_2024 = tpu.vector_load_idx %arg14[%add3A_2023, %broadcast_in_dim3A_2002] : memref<32x128xf32, #tpu.memory_space<vmem>>[vector<16xi32>, vector<16xi32>], vector<16xf32>,
      %select_n3A_2025 = arith.select %lt3A_2004, %gather3A_2010, %gather3A_2020 : vector<16xf32>
      %select_n3A_2026 = arith.select %lt3A_2004, %gather3A_2019, %gather3A_2024 : vector<16xf32>
      %mul3A_2027 = arith.mulf %select_n3A_1988, %select_n3A_2025 : vector<16xf32>
      %mul3A_2028 = arith.mulf %select_n3A_1989, %select_n3A_2026 : vector<16xf32>
      %add3A_2029 = arith.addf %mul3A_2027, %mul3A_2028 : vector<16xf32>
      %reduce_sum3A_2030 = arith.constant true
      %reduce_sum3A_2031 = vector.broadcast %reduce_sum3A_2030 : i1 to vector<16xi1>
      %reduce_sum3A_2032 = tpu.scan <sum>, %add3A_2029 masked %reduce_sum3A_2031 : vector<16xf32>, vector<16xi1> -> vector<16xf32>
      %reduce_sum3A_2033 = vector.extract %reduce_sum3A_2032[15] : f32 from vector<16xf32>
      %eq3A_2034 = arith.constant 14 : i32
      %eq3A_2035 = vector.broadcast %eq3A_2034 : i32 to vector<16xi32>
      %eq3A_2036 = arith.cmpi eq, %iota3A, %eq3A_2035 : vector<16xi32>
      %broadcast_in_dim3A_2037 = vector.broadcast %reduce_sum3A_2033 : f32 to vector<16xf32>
      %select_n3A_2038 = arith.select %eq3A_2036, %broadcast_in_dim3A_2037, %select_n3A_1886 : vector<16xi1>, vector<16xf32>
      %gt3A_2039 = arith.constant 0 : i32
      %gt3A_2040 = arith.cmpi sgt, %scan3A_1008, %gt3A_2039 : i32
      %select_n3A_2041 = arith.select %gt3A_2040, %select_n3A_2038, %select_n3A_1886 : vector<16xf32>
      %slice3A_2042 = vector.extract_strided_slice %select_n3A_2041 {offsets = [6], sizes = [1], strides = [1]} : vector<16xf32> to vector<1xf32>
      %squeeze3A_2043 = vector.extract %slice3A_2042[0] : f32 from vector<1xf32>
      %mul3A_2044 = arith.constant 0.000000e+00 : f32
      %mul3A_2045 = arith.mulf %squeeze3A_2043, %mul3A_2044 : f32
      %convert_element_type3A_2046 = arith.fptosi %mul3A_2045 : f32 to i32
      %slice3A_2047 = vector.extract_strided_slice %get3A_1014 {offsets = [6], sizes = [1], strides = [1]} : vector<16xi32> to vector<1xi32>
      %squeeze3A_2048 = vector.extract %slice3A_2047[0] : i32 from vector<1xi32>
      %add3A_2049 = arith.addi %squeeze3A_2048, %convert_element_type3A_2046 : i32
      %min3A_2050 = arith.constant 999935 : i32
      %min3A_2051 = arith.minsi %add3A_2049, %min3A_2050 : i32
      %shift_right_arithmetic3A_2052 = arith.constant 7 : i32
      %shift_right_arithmetic3A_2053 = arith.shrsi %min3A_2051, %shift_right_arithmetic3A_2052 : i32
      %mul3A_2054 = arith.constant 128 : i32
      %mul3A_2055 = arith.muli %shift_right_arithmetic3A_2053, %mul3A_2054 : i32
      %multiple_of3A_2056 = tpu.assume_multiple %mul3A_2055, 128 : i32
      %dma_start3A_2057 = arith.constant 6 : i32
      %dma_start3A_2058 = arith.constant 6 : i32
      %dma_start3A_2059 = arith.constant 0 : i32
      %dma_start3A_2060 = arith.constant 0 : i32
      %dma_start3A_2061 = tpu.memref_slice %arg11[%dma_start3A_2057, %dma_start3A_2059, %dma_start3A_2060] : memref<8x32x128xf32, #tpu.memory_space<vmem>> -> memref<1x32x128xf32, #tpu.memory_space<vmem>>
      %dma_start3A_2062 = tpu.memref_squeeze %dma_start3A_2061 : memref<1x32x128xf32, #tpu.memory_space<vmem>> -> memref<32x128xf32, #tpu.memory_space<vmem>>
      %dma_start3A_2063 = arith.constant 0 : i32
      %dma_start3A_2064 = tpu.memref_slice %arg4[%dma_start3A_2063, %multiple_of3A_2056] : memref<32x1000000xf32, #tpu.memory_space<hbm>> -> memref<32x128xf32, #tpu.memory_space<hbm>>
      %dma_start3A_2065 = tpu.memref_slice %arg16[%dma_start3A_2058] : memref<8x!tpu.dma_semaphore, #tpu.memory_space<semaphore_mem>> -> memref<1x!tpu.dma_semaphore, #tpu.memory_space<semaphore_mem>>
      %dma_start3A_2066 = tpu.memref_squeeze %dma_start3A_2065 : memref<1x!tpu.dma_semaphore, #tpu.memory_space<semaphore_mem>> -> memref<!tpu.dma_semaphore, #tpu.memory_space<semaphore_mem>>
      %dma_start3A_2067 = arith.constant 0 : i32
      %dma_start3A_2068 = arith.constant 0 : i32
      %dma_start3A_2069 = tpu.memref_slice %arg11[%dma_start3A_2057, %dma_start3A_2067, %dma_start3A_2068] : memref<8x32x128xf32, #tpu.memory_space<vmem>> -> memref<1x32x128xf32, #tpu.memory_space<vmem>>
      %dma_start3A_2070 = tpu.memref_squeeze %dma_start3A_2069 : memref<1x32x128xf32, #tpu.memory_space<vmem>> -> memref<32x128xf32, #tpu.memory_space<vmem>>
      %dma_start3A_2071 = arith.constant 0 : i32
      %dma_start3A_2072 = tpu.memref_slice %arg4[%dma_start3A_2071, %multiple_of3A_2056] : memref<32x1000000xf32, #tpu.memory_space<hbm>> -> memref<32x128xf32, #tpu.memory_space<hbm>>
      tpu.enqueue_dma source(%dma_start3A_2072 : memref<32x128xf32, #tpu.memory_space<hbm>>) target(%dma_start3A_2070 : memref<32x128xf32, #tpu.memory_space<vmem>>) target_semaphore(%dma_start3A_2066 : memref<!tpu.dma_semaphore, #tpu.memory_space<semaphore_mem>>)
      %slice3A_2073 = vector.extract_strided_slice %get3A_1017 {offsets = [6], sizes = [1], strides = [1]} : vector<16xi32> to vector<1xi32>
      %squeeze3A_2074 = vector.extract %slice3A_2073[0] : i32 from vector<1xi32>
      %add3A_2075 = arith.addi %squeeze3A_2074, %convert_element_type3A_2046 : i32
      %min3A_2076 = arith.constant 999935 : i32
      %min3A_2077 = arith.minsi %add3A_2075, %min3A_2076 : i32
      %shift_right_arithmetic3A_2078 = arith.constant 7 : i32
      %shift_right_arithmetic3A_2079 = arith.shrsi %min3A_2077, %shift_right_arithmetic3A_2078 : i32
      %mul3A_2080 = arith.constant 128 : i32
      %mul3A_2081 = arith.muli %shift_right_arithmetic3A_2079, %mul3A_2080 : i32
      %multiple_of3A_2082 = tpu.assume_multiple %mul3A_2081, 128 : i32
      %dma_start3A_2083 = arith.constant 6 : i32
      %dma_start3A_2084 = arith.constant 6 : i32
      %dma_start3A_2085 = arith.constant 0 : i32
      %dma_start3A_2086 = arith.constant 0 : i32
      %dma_start3A_2087 = tpu.memref_slice %arg12[%dma_start3A_2083, %dma_start3A_2085, %dma_start3A_2086] : memref<8x32x128xf32, #tpu.memory_space<vmem>> -> memref<1x32x128xf32, #tpu.memory_space<vmem>>
      %dma_start3A_2088 = tpu.memref_squeeze %dma_start3A_2087 : memref<1x32x128xf32, #tpu.memory_space<vmem>> -> memref<32x128xf32, #tpu.memory_space<vmem>>
      %dma_start3A_2089 = arith.constant 0 : i32
      %dma_start3A_2090 = tpu.memref_slice %arg5[%dma_start3A_2089, %multiple_of3A_2082] : memref<32x1000000xf32, #tpu.memory_space<hbm>> -> memref<32x128xf32, #tpu.memory_space<hbm>>
      %dma_start3A_2091 = tpu.memref_slice %arg16[%dma_start3A_2084] : memref<8x!tpu.dma_semaphore, #tpu.memory_space<semaphore_mem>> -> memref<1x!tpu.dma_semaphore, #tpu.memory_space<semaphore_mem>>
      %dma_start3A_2092 = tpu.memref_squeeze %dma_start3A_2091 : memref<1x!tpu.dma_semaphore, #tpu.memory_space<semaphore_mem>> -> memref<!tpu.dma_semaphore, #tpu.memory_space<semaphore_mem>>
      %dma_start3A_2093 = arith.constant 0 : i32
      %dma_start3A_2094 = arith.constant 0 : i32
      %dma_start3A_2095 = tpu.memref_slice %arg12[%dma_start3A_2083, %dma_start3A_2093, %dma_start3A_2094] : memref<8x32x128xf32, #tpu.memory_space<vmem>> -> memref<1x32x128xf32, #tpu.memory_space<vmem>>
      %dma_start3A_2096 = tpu.memref_squeeze %dma_start3A_2095 : memref<1x32x128xf32, #tpu.memory_space<vmem>> -> memref<32x128xf32, #tpu.memory_space<vmem>>
      %dma_start3A_2097 = arith.constant 0 : i32
      %dma_start3A_2098 = tpu.memref_slice %arg5[%dma_start3A_2097, %multiple_of3A_2082] : memref<32x1000000xf32, #tpu.memory_space<hbm>> -> memref<32x128xf32, #tpu.memory_space<hbm>>
      tpu.enqueue_dma source(%dma_start3A_2098 : memref<32x128xf32, #tpu.memory_space<hbm>>) target(%dma_start3A_2096 : memref<32x128xf32, #tpu.memory_space<vmem>>) target_semaphore(%dma_start3A_2092 : memref<!tpu.dma_semaphore, #tpu.memory_space<semaphore_mem>>)
      %gt3A_2099 = arith.constant 0 : i32
      %gt3A_2100 = arith.cmpi sgt, %scan3A_1008, %gt3A_2099 : i32
      %convert_element_type3A_2101 = arith.extui %gt3A_2100 : i1 to i32
      %cond3A_2102 = arith.constant 0 : i32
      %cond3A_2103 = arith.cmpi ne, %convert_element_type3A_2101, %cond3A_2102 : i32
      scf.if %cond3A_2103 {
        %dma_wait3A_3723 = arith.constant 7 : i32
        %dma_wait3A_3724 = arith.constant 7 : i32
        %dma_wait3A_3725 = arith.constant 0 : i32
        %dma_wait3A_3726 = arith.constant 0 : i32
        %dma_wait3A_3727 = tpu.memref_slice %arg11[%dma_wait3A_3723, %dma_wait3A_3725, %dma_wait3A_3726] : memref<8x32x128xf32, #tpu.memory_space<vmem>> -> memref<1x32x128xf32, #tpu.memory_space<vmem>>
        %dma_wait3A_3728 = tpu.memref_squeeze %dma_wait3A_3727 : memref<1x32x128xf32, #tpu.memory_space<vmem>> -> memref<32x128xf32, #tpu.memory_space<vmem>>
        %dma_wait3A_3729 = arith.constant 0 : i32
        %dma_wait3A_3730 = arith.constant 0 : i32
        %dma_wait3A_3731 = tpu.memref_slice %arg4[%dma_wait3A_3729, %dma_wait3A_3730] : memref<32x1000000xf32, #tpu.memory_space<hbm>> -> memref<32x128xf32, #tpu.memory_space<hbm>>
        %dma_wait3A_3732 = tpu.memref_slice %arg16[%dma_wait3A_3724] : memref<8x!tpu.dma_semaphore, #tpu.memory_space<semaphore_mem>> -> memref<1x!tpu.dma_semaphore, #tpu.memory_space<semaphore_mem>>
        %dma_wait3A_3733 = tpu.memref_squeeze %dma_wait3A_3732 : memref<1x!tpu.dma_semaphore, #tpu.memory_space<semaphore_mem>> -> memref<!tpu.dma_semaphore, #tpu.memory_space<semaphore_mem>>
        %dma_wait3A_3734 = arith.constant 0 : i32
        %dma_wait3A_3735 = arith.constant 0 : i32
        %dma_wait3A_3736 = tpu.memref_slice %arg11[%dma_wait3A_3723, %dma_wait3A_3734, %dma_wait3A_3735] : memref<8x32x128xf32, #tpu.memory_space<vmem>> -> memref<1x32x128xf32, #tpu.memory_space<vmem>>
        %dma_wait3A_3737 = tpu.memref_squeeze %dma_wait3A_3736 : memref<1x32x128xf32, #tpu.memory_space<vmem>> -> memref<32x128xf32, #tpu.memory_space<vmem>>
        %dma_wait3A_3738 = arith.constant 0 : i32
        %dma_wait3A_3739 = arith.constant 0 : i32
        %dma_wait3A_3740 = tpu.memref_slice %arg4[%dma_wait3A_3738, %dma_wait3A_3739] : memref<32x1000000xf32, #tpu.memory_space<hbm>> -> memref<32x128xf32, #tpu.memory_space<hbm>>
        tpu.wait_dma2 semaphore(%dma_wait3A_3733 : memref<!tpu.dma_semaphore, #tpu.memory_space<semaphore_mem>>) src(%dma_wait3A_3740 : memref<32x128xf32, #tpu.memory_space<hbm>>) dst(%dma_wait3A_3737 : memref<32x128xf32, #tpu.memory_space<vmem>>)
        %dma_wait3A_3741 = arith.constant 7 : i32
        %dma_wait3A_3742 = arith.constant 7 : i32
        %dma_wait3A_3743 = arith.constant 0 : i32
        %dma_wait3A_3744 = arith.constant 0 : i32
        %dma_wait3A_3745 = tpu.memref_slice %arg12[%dma_wait3A_3741, %dma_wait3A_3743, %dma_wait3A_3744] : memref<8x32x128xf32, #tpu.memory_space<vmem>> -> memref<1x32x128xf32, #tpu.memory_space<vmem>>
        %dma_wait3A_3746 = tpu.memref_squeeze %dma_wait3A_3745 : memref<1x32x128xf32, #tpu.memory_space<vmem>> -> memref<32x128xf32, #tpu.memory_space<vmem>>
        %dma_wait3A_3747 = arith.constant 0 : i32
        %dma_wait3A_3748 = arith.constant 0 : i32
        %dma_wait3A_3749 = tpu.memref_slice %arg5[%dma_wait3A_3747, %dma_wait3A_3748] : memref<32x1000000xf32, #tpu.memory_space<hbm>> -> memref<32x128xf32, #tpu.memory_space<hbm>>
        %dma_wait3A_3750 = tpu.memref_slice %arg16[%dma_wait3A_3742] : memref<8x!tpu.dma_semaphore, #tpu.memory_space<semaphore_mem>> -> memref<1x!tpu.dma_semaphore, #tpu.memory_space<semaphore_mem>>
        %dma_wait3A_3751 = tpu.memref_squeeze %dma_wait3A_3750 : memref<1x!tpu.dma_semaphore, #tpu.memory_space<semaphore_mem>> -> memref<!tpu.dma_semaphore, #tpu.memory_space<semaphore_mem>>
        %dma_wait3A_3752 = arith.constant 0 : i32
        %dma_wait3A_3753 = arith.constant 0 : i32
        %dma_wait3A_3754 = tpu.memref_slice %arg12[%dma_wait3A_3741, %dma_wait3A_3752, %dma_wait3A_3753] : memref<8x32x128xf32, #tpu.memory_space<vmem>> -> memref<1x32x128xf32, #tpu.memory_space<vmem>>
        %dma_wait3A_3755 = tpu.memref_squeeze %dma_wait3A_3754 : memref<1x32x128xf32, #tpu.memory_space<vmem>> -> memref<32x128xf32, #tpu.memory_space<vmem>>
        %dma_wait3A_3756 = arith.constant 0 : i32
        %dma_wait3A_3757 = arith.constant 0 : i32
        %dma_wait3A_3758 = tpu.memref_slice %arg5[%dma_wait3A_3756, %dma_wait3A_3757] : memref<32x1000000xf32, #tpu.memory_space<hbm>> -> memref<32x128xf32, #tpu.memory_space<hbm>>
        tpu.wait_dma2 semaphore(%dma_wait3A_3751 : memref<!tpu.dma_semaphore, #tpu.memory_space<semaphore_mem>>) src(%dma_wait3A_3758 : memref<32x128xf32, #tpu.memory_space<hbm>>) dst(%dma_wait3A_3755 : memref<32x128xf32, #tpu.memory_space<vmem>>)
      } else {
      }
      %slice3A_2104 = vector.extract_strided_slice %scan3A_1009 {offsets = [15], sizes = [1], strides = [1]} : vector<16xi32> to vector<1xi32>
      %squeeze3A_2105 = vector.extract %slice3A_2104[0] : i32 from vector<1xi32>
      %slice3A_2106 = vector.extract_strided_slice %scan3A_1010 {offsets = [15], sizes = [1], strides = [1]} : vector<16xi32> to vector<1xi32>
      %squeeze3A_2107 = vector.extract %slice3A_2106[0] : i32 from vector<1xi32>
      %min3A_2108 = arith.constant 999935 : i32
      %min3A_2109 = arith.minsi %squeeze3A_2105, %min3A_2108 : i32
      %shift_right_arithmetic3A_2110 = arith.constant 7 : i32
      %shift_right_arithmetic3A_2111 = arith.shrsi %min3A_2109, %shift_right_arithmetic3A_2110 : i32
      %mul3A_2112 = arith.constant 128 : i32
      %mul3A_2113 = arith.muli %shift_right_arithmetic3A_2111, %mul3A_2112 : i32
      %sub3A_2114 = arith.subi %min3A_2109, %mul3A_2113 : i32
      %broadcast_in_dim3A_2115 = vector.broadcast %sub3A_2114 : i32 to vector<16xi32>
      %sub3A_2116 = arith.constant 999936 : i32
      %sub3A_2117 = arith.subi %squeeze3A_2105, %sub3A_2116 : i32
      %max3A_2118 = arith.constant 0 : i32
      %max3A_2119 = arith.maxsi %sub3A_2117, %max3A_2118 : i32
      %broadcast_in_dim3A_2120 = vector.broadcast %max3A_2119 : i32 to vector<16xi32>
      %lt3A_2121 = arith.constant 999936 : i32
      %lt3A_2122 = arith.cmpi slt, %squeeze3A_2105, %lt3A_2121 : i32
      %gather3A_2123 = arith.constant 7 : i32
      %gather3A_2124 = arith.constant 0 : i32
      %gather3A_2125 = arith.constant 0 : i32
      %gather3A_2126 = tpu.memref_slice %arg11[%gather3A_2123, %gather3A_2124, %gather3A_2125] : memref<8x32x128xf32, #tpu.memory_space<vmem>> -> memref<1x32x128xf32, #tpu.memory_space<vmem>>
      %gather3A_2127 = tpu.memref_squeeze %gather3A_2126 : memref<1x32x128xf32, #tpu.memory_space<vmem>> -> memref<32x128xf32, #tpu.memory_space<vmem>>
      %gather3A_2128 = tpu.vector_load_idx %gather3A_2127[%iota3A, %broadcast_in_dim3A_2115] : memref<32x128xf32, #tpu.memory_space<vmem>>[vector<16xi32>, vector<16xi32>], vector<16xf32>,
      %add3A_2129 = arith.constant 16 : i32
      %add3A_2130 = vector.broadcast %add3A_2129 : i32 to vector<16xi32>
      %add3A_2131 = arith.addi %iota3A, %add3A_2130 : vector<16xi32>
      %gather3A_2132 = arith.constant 7 : i32
      %gather3A_2133 = arith.constant 0 : i32
      %gather3A_2134 = arith.constant 0 : i32
      %gather3A_2135 = tpu.memref_slice %arg11[%gather3A_2132, %gather3A_2133, %gather3A_2134] : memref<8x32x128xf32, #tpu.memory_space<vmem>> -> memref<1x32x128xf32, #tpu.memory_space<vmem>>
      %gather3A_2136 = tpu.memref_squeeze %gather3A_2135 : memref<1x32x128xf32, #tpu.memory_space<vmem>> -> memref<32x128xf32, #tpu.memory_space<vmem>>
      %gather3A_2137 = tpu.vector_load_idx %gather3A_2136[%add3A_2131, %broadcast_in_dim3A_2115] : memref<32x128xf32, #tpu.memory_space<vmem>>[vector<16xi32>, vector<16xi32>], vector<16xf32>,
      %gather3A_2138 = tpu.vector_load_idx %arg13[%iota3A, %broadcast_in_dim3A_2120] : memref<32x128xf32, #tpu.memory_space<vmem>>[vector<16xi32>, vector<16xi32>], vector<16xf32>,
      %add3A_2139 = arith.constant 16 : i32
      %add3A_2140 = vector.broadcast %add3A_2139 : i32 to vector<16xi32>
      %add3A_2141 = arith.addi %iota3A, %add3A_2140 : vector<16xi32>
      %gather3A_2142 = tpu.vector_load_idx %arg13[%add3A_2141, %broadcast_in_dim3A_2120] : memref<32x128xf32, #tpu.memory_space<vmem>>[vector<16xi32>, vector<16xi32>], vector<16xf32>,
      %select_n3A_2143 = arith.select %lt3A_2122, %gather3A_2128, %gather3A_2138 : vector<16xf32>
      %select_n3A_2144 = arith.select %lt3A_2122, %gather3A_2137, %gather3A_2142 : vector<16xf32>
      %min3A_2145 = arith.constant 999935 : i32
      %min3A_2146 = arith.minsi %squeeze3A_2107, %min3A_2145 : i32
      %shift_right_arithmetic3A_2147 = arith.constant 7 : i32
      %shift_right_arithmetic3A_2148 = arith.shrsi %min3A_2146, %shift_right_arithmetic3A_2147 : i32
      %mul3A_2149 = arith.constant 128 : i32
      %mul3A_2150 = arith.muli %shift_right_arithmetic3A_2148, %mul3A_2149 : i32
      %sub3A_2151 = arith.subi %min3A_2146, %mul3A_2150 : i32
      %broadcast_in_dim3A_2152 = vector.broadcast %sub3A_2151 : i32 to vector<16xi32>
      %sub3A_2153 = arith.constant 999936 : i32
      %sub3A_2154 = arith.subi %squeeze3A_2107, %sub3A_2153 : i32
      %max3A_2155 = arith.constant 0 : i32
      %max3A_2156 = arith.maxsi %sub3A_2154, %max3A_2155 : i32
      %broadcast_in_dim3A_2157 = vector.broadcast %max3A_2156 : i32 to vector<16xi32>
      %lt3A_2158 = arith.constant 999936 : i32
      %lt3A_2159 = arith.cmpi slt, %squeeze3A_2107, %lt3A_2158 : i32
      %gather3A_2160 = arith.constant 7 : i32
      %gather3A_2161 = arith.constant 0 : i32
      %gather3A_2162 = arith.constant 0 : i32
      %gather3A_2163 = tpu.memref_slice %arg12[%gather3A_2160, %gather3A_2161, %gather3A_2162] : memref<8x32x128xf32, #tpu.memory_space<vmem>> -> memref<1x32x128xf32, #tpu.memory_space<vmem>>
      %gather3A_2164 = tpu.memref_squeeze %gather3A_2163 : memref<1x32x128xf32, #tpu.memory_space<vmem>> -> memref<32x128xf32, #tpu.memory_space<vmem>>
      %gather3A_2165 = tpu.vector_load_idx %gather3A_2164[%iota3A, %broadcast_in_dim3A_2152] : memref<32x128xf32, #tpu.memory_space<vmem>>[vector<16xi32>, vector<16xi32>], vector<16xf32>,
      %add3A_2166 = arith.constant 16 : i32
      %add3A_2167 = vector.broadcast %add3A_2166 : i32 to vector<16xi32>
      %add3A_2168 = arith.addi %iota3A, %add3A_2167 : vector<16xi32>
      %gather3A_2169 = arith.constant 7 : i32
      %gather3A_2170 = arith.constant 0 : i32
      %gather3A_2171 = arith.constant 0 : i32
      %gather3A_2172 = tpu.memref_slice %arg12[%gather3A_2169, %gather3A_2170, %gather3A_2171] : memref<8x32x128xf32, #tpu.memory_space<vmem>> -> memref<1x32x128xf32, #tpu.memory_space<vmem>>
      %gather3A_2173 = tpu.memref_squeeze %gather3A_2172 : memref<1x32x128xf32, #tpu.memory_space<vmem>> -> memref<32x128xf32, #tpu.memory_space<vmem>>
      %gather3A_2174 = tpu.vector_load_idx %gather3A_2173[%add3A_2168, %broadcast_in_dim3A_2152] : memref<32x128xf32, #tpu.memory_space<vmem>>[vector<16xi32>, vector<16xi32>], vector<16xf32>,
      %gather3A_2175 = tpu.vector_load_idx %arg14[%iota3A, %broadcast_in_dim3A_2157] : memref<32x128xf32, #tpu.memory_space<vmem>>[vector<16xi32>, vector<16xi32>], vector<16xf32>,
      %add3A_2176 = arith.constant 16 : i32
      %add3A_2177 = vector.broadcast %add3A_2176 : i32 to vector<16xi32>
      %add3A_2178 = arith.addi %iota3A, %add3A_2177 : vector<16xi32>
      %gather3A_2179 = tpu.vector_load_idx %arg14[%add3A_2178, %broadcast_in_dim3A_2157] : memref<32x128xf32, #tpu.memory_space<vmem>>[vector<16xi32>, vector<16xi32>], vector<16xf32>,
      %select_n3A_2180 = arith.select %lt3A_2159, %gather3A_2165, %gather3A_2175 : vector<16xf32>
      %select_n3A_2181 = arith.select %lt3A_2159, %gather3A_2174, %gather3A_2179 : vector<16xf32>
      %mul3A_2182 = arith.mulf %select_n3A_2143, %select_n3A_2180 : vector<16xf32>
      %mul3A_2183 = arith.mulf %select_n3A_2144, %select_n3A_2181 : vector<16xf32>
      %add3A_2184 = arith.addf %mul3A_2182, %mul3A_2183 : vector<16xf32>
      %reduce_sum3A_2185 = arith.constant true
      %reduce_sum3A_2186 = vector.broadcast %reduce_sum3A_2185 : i1 to vector<16xi1>
      %reduce_sum3A_2187 = tpu.scan <sum>, %add3A_2184 masked %reduce_sum3A_2186 : vector<16xf32>, vector<16xi1> -> vector<16xf32>
      %reduce_sum3A_2188 = vector.extract %reduce_sum3A_2187[15] : f32 from vector<16xf32>
      %eq3A_2189 = arith.constant 15 : i32
      %eq3A_2190 = vector.broadcast %eq3A_2189 : i32 to vector<16xi32>
      %eq3A_2191 = arith.cmpi eq, %iota3A, %eq3A_2190 : vector<16xi32>
      %broadcast_in_dim3A_2192 = vector.broadcast %reduce_sum3A_2188 : f32 to vector<16xf32>
      %select_n3A_2193 = arith.select %eq3A_2191, %broadcast_in_dim3A_2192, %select_n3A_2041 : vector<16xi1>, vector<16xf32>
      %gt3A_2194 = arith.constant 0 : i32
      %gt3A_2195 = arith.cmpi sgt, %scan3A_1008, %gt3A_2194 : i32
      %select_n3A_2196 = arith.select %gt3A_2195, %select_n3A_2193, %select_n3A_2041 : vector<16xf32>
      %slice3A_2197 = vector.extract_strided_slice %select_n3A_2196 {offsets = [7], sizes = [1], strides = [1]} : vector<16xf32> to vector<1xf32>
      %squeeze3A_2198 = vector.extract %slice3A_2197[0] : f32 from vector<1xf32>
      %mul3A_2199 = arith.constant 0.000000e+00 : f32
      %mul3A_2200 = arith.mulf %squeeze3A_2198, %mul3A_2199 : f32
      %convert_element_type3A_2201 = arith.fptosi %mul3A_2200 : f32 to i32
      %slice3A_2202 = vector.extract_strided_slice %get3A_1014 {offsets = [7], sizes = [1], strides = [1]} : vector<16xi32> to vector<1xi32>
      %squeeze3A_2203 = vector.extract %slice3A_2202[0] : i32 from vector<1xi32>
      %add3A_2204 = arith.addi %squeeze3A_2203, %convert_element_type3A_2201 : i32
      %min3A_2205 = arith.constant 999935 : i32
      %min3A_2206 = arith.minsi %add3A_2204, %min3A_2205 : i32
      %shift_right_arithmetic3A_2207 = arith.constant 7 : i32
      %shift_right_arithmetic3A_2208 = arith.shrsi %min3A_2206, %shift_right_arithmetic3A_2207 : i32
      %mul3A_2209 = arith.constant 128 : i32
      %mul3A_2210 = arith.muli %shift_right_arithmetic3A_2208, %mul3A_2209 : i32
      %multiple_of3A_2211 = tpu.assume_multiple %mul3A_2210, 128 : i32
      %dma_start3A_2212 = arith.constant 7 : i32
      %dma_start3A_2213 = arith.constant 7 : i32
      %dma_start3A_2214 = arith.constant 0 : i32
      %dma_start3A_2215 = arith.constant 0 : i32
      %dma_start3A_2216 = tpu.memref_slice %arg11[%dma_start3A_2212, %dma_start3A_2214, %dma_start3A_2215] : memref<8x32x128xf32, #tpu.memory_space<vmem>> -> memref<1x32x128xf32, #tpu.memory_space<vmem>>
      %dma_start3A_2217 = tpu.memref_squeeze %dma_start3A_2216 : memref<1x32x128xf32, #tpu.memory_space<vmem>> -> memref<32x128xf32, #tpu.memory_space<vmem>>
      %dma_start3A_2218 = arith.constant 0 : i32
      %dma_start3A_2219 = tpu.memref_slice %arg4[%dma_start3A_2218, %multiple_of3A_2211] : memref<32x1000000xf32, #tpu.memory_space<hbm>> -> memref<32x128xf32, #tpu.memory_space<hbm>>
      %dma_start3A_2220 = tpu.memref_slice %arg16[%dma_start3A_2213] : memref<8x!tpu.dma_semaphore, #tpu.memory_space<semaphore_mem>> -> memref<1x!tpu.dma_semaphore, #tpu.memory_space<semaphore_mem>>
      %dma_start3A_2221 = tpu.memref_squeeze %dma_start3A_2220 : memref<1x!tpu.dma_semaphore, #tpu.memory_space<semaphore_mem>> -> memref<!tpu.dma_semaphore, #tpu.memory_space<semaphore_mem>>
      %dma_start3A_2222 = arith.constant 0 : i32
      %dma_start3A_2223 = arith.constant 0 : i32
      %dma_start3A_2224 = tpu.memref_slice %arg11[%dma_start3A_2212, %dma_start3A_2222, %dma_start3A_2223] : memref<8x32x128xf32, #tpu.memory_space<vmem>> -> memref<1x32x128xf32, #tpu.memory_space<vmem>>
      %dma_start3A_2225 = tpu.memref_squeeze %dma_start3A_2224 : memref<1x32x128xf32, #tpu.memory_space<vmem>> -> memref<32x128xf32, #tpu.memory_space<vmem>>
      %dma_start3A_2226 = arith.constant 0 : i32
      %dma_start3A_2227 = tpu.memref_slice %arg4[%dma_start3A_2226, %multiple_of3A_2211] : memref<32x1000000xf32, #tpu.memory_space<hbm>> -> memref<32x128xf32, #tpu.memory_space<hbm>>
      tpu.enqueue_dma source(%dma_start3A_2227 : memref<32x128xf32, #tpu.memory_space<hbm>>) target(%dma_start3A_2225 : memref<32x128xf32, #tpu.memory_space<vmem>>) target_semaphore(%dma_start3A_2221 : memref<!tpu.dma_semaphore, #tpu.memory_space<semaphore_mem>>)
      %slice3A_2228 = vector.extract_strided_slice %get3A_1017 {offsets = [7], sizes = [1], strides = [1]} : vector<16xi32> to vector<1xi32>
      %squeeze3A_2229 = vector.extract %slice3A_2228[0] : i32 from vector<1xi32>
      %add3A_2230 = arith.addi %squeeze3A_2229, %convert_element_type3A_2201 : i32
      %min3A_2231 = arith.constant 999935 : i32
      %min3A_2232 = arith.minsi %add3A_2230, %min3A_2231 : i32
      %shift_right_arithmetic3A_2233 = arith.constant 7 : i32
      %shift_right_arithmetic3A_2234 = arith.shrsi %min3A_2232, %shift_right_arithmetic3A_2233 : i32
      %mul3A_2235 = arith.constant 128 : i32
      %mul3A_2236 = arith.muli %shift_right_arithmetic3A_2234, %mul3A_2235 : i32
      %multiple_of3A_2237 = tpu.assume_multiple %mul3A_2236, 128 : i32
      %dma_start3A_2238 = arith.constant 7 : i32
      %dma_start3A_2239 = arith.constant 7 : i32
      %dma_start3A_2240 = arith.constant 0 : i32
      %dma_start3A_2241 = arith.constant 0 : i32
      %dma_start3A_2242 = tpu.memref_slice %arg12[%dma_start3A_2238, %dma_start3A_2240, %dma_start3A_2241] : memref<8x32x128xf32, #tpu.memory_space<vmem>> -> memref<1x32x128xf32, #tpu.memory_space<vmem>>
      %dma_start3A_2243 = tpu.memref_squeeze %dma_start3A_2242 : memref<1x32x128xf32, #tpu.memory_space<vmem>> -> memref<32x128xf32, #tpu.memory_space<vmem>>
      %dma_start3A_2244 = arith.constant 0 : i32
      %dma_start3A_2245 = tpu.memref_slice %arg5[%dma_start3A_2244, %multiple_of3A_2237] : memref<32x1000000xf32, #tpu.memory_space<hbm>> -> memref<32x128xf32, #tpu.memory_space<hbm>>
      %dma_start3A_2246 = tpu.memref_slice %arg16[%dma_start3A_2239] : memref<8x!tpu.dma_semaphore, #tpu.memory_space<semaphore_mem>> -> memref<1x!tpu.dma_semaphore, #tpu.memory_space<semaphore_mem>>
      %dma_start3A_2247 = tpu.memref_squeeze %dma_start3A_2246 : memref<1x!tpu.dma_semaphore, #tpu.memory_space<semaphore_mem>> -> memref<!tpu.dma_semaphore, #tpu.memory_space<semaphore_mem>>
      %dma_start3A_2248 = arith.constant 0 : i32
      %dma_start3A_2249 = arith.constant 0 : i32
      %dma_start3A_2250 = tpu.memref_slice %arg12[%dma_start3A_2238, %dma_start3A_2248, %dma_start3A_2249] : memref<8x32x128xf32, #tpu.memory_space<vmem>> -> memref<1x32x128xf32, #tpu.memory_space<vmem>>
      %dma_start3A_2251 = tpu.memref_squeeze %dma_start3A_2250 : memref<1x32x128xf32, #tpu.memory_space<vmem>> -> memref<32x128xf32, #tpu.memory_space<vmem>>
      %dma_start3A_2252 = arith.constant 0 : i32
      %dma_start3A_2253 = tpu.memref_slice %arg5[%dma_start3A_2252, %multiple_of3A_2237] : memref<32x1000000xf32, #tpu.memory_space<hbm>> -> memref<32x128xf32, #tpu.memory_space<hbm>>
      tpu.enqueue_dma source(%dma_start3A_2253 : memref<32x128xf32, #tpu.memory_space<hbm>>) target(%dma_start3A_2251 : memref<32x128xf32, #tpu.memory_space<vmem>>) target_semaphore(%dma_start3A_2247 : memref<!tpu.dma_semaphore, #tpu.memory_space<semaphore_mem>>)
      %gt3A_2254 = arith.constant 0 : i32
      %gt3A_2255 = arith.cmpi sgt, %scan3A_1008, %gt3A_2254 : i32
      %convert_element_type3A_2256 = arith.extui %gt3A_2255 : i1 to i32
      %cond3A_2257 = arith.constant 0 : i32
      %cond3A_2258 = arith.cmpi ne, %convert_element_type3A_2256, %cond3A_2257 : i32
      scf.if %cond3A_2258 {
        %sub3A_3723 = arith.constant 1 : i32
        %sub3A_3724 = arith.subi %scan3A_1008, %sub3A_3723 : i32
        %mul3A_3725 = arith.constant 16 : i32
        %mul3A_3726 = arith.muli %sub3A_3724, %mul3A_3725 : i32
        %multiple_of3A_3727 = tpu.assume_multiple %mul3A_3726, 16 : i32
        %swap3A_3728 = arith.index_cast %multiple_of3A_3727 : i32 to index
        %swap3A_3729 = tpu.vector_load %arg15[%swap3A_3728] {strides = array<i32>} : memref<512xf32, #tpu.memory_space<vmem>>, vector<16xf32>,
        tpu.vector_store %arg15[%swap3A_3728], %select_n3A_2196 {strides = array<i32>} : memref<512xf32, #tpu.memory_space<vmem>>, vector<16xf32>,
      } else {
      }
      %dma_wait3A_2259 = arith.constant 0 : i32
      %dma_wait3A_2260 = arith.constant 0 : i32
      %dma_wait3A_2261 = arith.constant 0 : i32
      %dma_wait3A_2262 = arith.constant 0 : i32
      %dma_wait3A_2263 = tpu.memref_slice %arg11[%dma_wait3A_2259, %dma_wait3A_2261, %dma_wait3A_2262] : memref<8x32x128xf32, #tpu.memory_space<vmem>> -> memref<1x32x128xf32, #tpu.memory_space<vmem>>
      %dma_wait3A_2264 = tpu.memref_squeeze %dma_wait3A_2263 : memref<1x32x128xf32, #tpu.memory_space<vmem>> -> memref<32x128xf32, #tpu.memory_space<vmem>>
      %dma_wait3A_2265 = arith.constant 0 : i32
      %dma_wait3A_2266 = arith.constant 0 : i32
      %dma_wait3A_2267 = tpu.memref_slice %arg4[%dma_wait3A_2265, %dma_wait3A_2266] : memref<32x1000000xf32, #tpu.memory_space<hbm>> -> memref<32x128xf32, #tpu.memory_space<hbm>>
      %dma_wait3A_2268 = tpu.memref_slice %arg16[%dma_wait3A_2260] : memref<8x!tpu.dma_semaphore, #tpu.memory_space<semaphore_mem>> -> memref<1x!tpu.dma_semaphore, #tpu.memory_space<semaphore_mem>>
      %dma_wait3A_2269 = tpu.memref_squeeze %dma_wait3A_2268 : memref<1x!tpu.dma_semaphore, #tpu.memory_space<semaphore_mem>> -> memref<!tpu.dma_semaphore, #tpu.memory_space<semaphore_mem>>
      %dma_wait3A_2270 = arith.constant 0 : i32
      %dma_wait3A_2271 = arith.constant 0 : i32
      %dma_wait3A_2272 = tpu.memref_slice %arg11[%dma_wait3A_2259, %dma_wait3A_2270, %dma_wait3A_2271] : memref<8x32x128xf32, #tpu.memory_space<vmem>> -> memref<1x32x128xf32, #tpu.memory_space<vmem>>
      %dma_wait3A_2273 = tpu.memref_squeeze %dma_wait3A_2272 : memref<1x32x128xf32, #tpu.memory_space<vmem>> -> memref<32x128xf32, #tpu.memory_space<vmem>>
      %dma_wait3A_2274 = arith.constant 0 : i32
      %dma_wait3A_2275 = arith.constant 0 : i32
      %dma_wait3A_2276 = tpu.memref_slice %arg4[%dma_wait3A_2274, %dma_wait3A_2275] : memref<32x1000000xf32, #tpu.memory_space<hbm>> -> memref<32x128xf32, #tpu.memory_space<hbm>>
      tpu.wait_dma2 semaphore(%dma_wait3A_2269 : memref<!tpu.dma_semaphore, #tpu.memory_space<semaphore_mem>>) src(%dma_wait3A_2276 : memref<32x128xf32, #tpu.memory_space<hbm>>) dst(%dma_wait3A_2273 : memref<32x128xf32, #tpu.memory_space<vmem>>)
      %dma_wait3A_2277 = arith.constant 0 : i32
      %dma_wait3A_2278 = arith.constant 0 : i32
      %dma_wait3A_2279 = arith.constant 0 : i32
      %dma_wait3A_2280 = arith.constant 0 : i32
      %dma_wait3A_2281 = tpu.memref_slice %arg12[%dma_wait3A_2277, %dma_wait3A_2279, %dma_wait3A_2280] : memref<8x32x128xf32, #tpu.memory_space<vmem>> -> memref<1x32x128xf32, #tpu.memory_space<vmem>>
      %dma_wait3A_2282 = tpu.memref_squeeze %dma_wait3A_2281 : memref<1x32x128xf32, #tpu.memory_space<vmem>> -> memref<32x128xf32, #tpu.memory_space<vmem>>
      %dma_wait3A_2283 = arith.constant 0 : i32
      %dma_wait3A_2284 = arith.constant 0 : i32
      %dma_wait3A_2285 = tpu.memref_slice %arg5[%dma_wait3A_2283, %dma_wait3A_2284] : memref<32x1000000xf32, #tpu.memory_space<hbm>> -> memref<32x128xf32, #tpu.memory_space<hbm>>
      %dma_wait3A_2286 = tpu.memref_slice %arg16[%dma_wait3A_2278] : memref<8x!tpu.dma_semaphore, #tpu.memory_space<semaphore_mem>> -> memref<1x!tpu.dma_semaphore, #tpu.memory_space<semaphore_mem>>
      %dma_wait3A_2287 = tpu.memref_squeeze %dma_wait3A_2286 : memref<1x!tpu.dma_semaphore, #tpu.memory_space<semaphore_mem>> -> memref<!tpu.dma_semaphore, #tpu.memory_space<semaphore_mem>>
      %dma_wait3A_2288 = arith.constant 0 : i32
      %dma_wait3A_2289 = arith.constant 0 : i32
      %dma_wait3A_2290 = tpu.memref_slice %arg12[%dma_wait3A_2277, %dma_wait3A_2288, %dma_wait3A_2289] : memref<8x32x128xf32, #tpu.memory_space<vmem>> -> memref<1x32x128xf32, #tpu.memory_space<vmem>>
      %dma_wait3A_2291 = tpu.memref_squeeze %dma_wait3A_2290 : memref<1x32x128xf32, #tpu.memory_space<vmem>> -> memref<32x128xf32, #tpu.memory_space<vmem>>
      %dma_wait3A_2292 = arith.constant 0 : i32
      %dma_wait3A_2293 = arith.constant 0 : i32
      %dma_wait3A_2294 = tpu.memref_slice %arg5[%dma_wait3A_2292, %dma_wait3A_2293] : memref<32x1000000xf32, #tpu.memory_space<hbm>> -> memref<32x128xf32, #tpu.memory_space<hbm>>
      tpu.wait_dma2 semaphore(%dma_wait3A_2287 : memref<!tpu.dma_semaphore, #tpu.memory_space<semaphore_mem>>) src(%dma_wait3A_2294 : memref<32x128xf32, #tpu.memory_space<hbm>>) dst(%dma_wait3A_2291 : memref<32x128xf32, #tpu.memory_space<vmem>>)
      %slice3A_2295 = vector.extract_strided_slice %get3A_1014 {offsets = [0], sizes = [1], strides = [1]} : vector<16xi32> to vector<1xi32>
      %squeeze3A_2296 = vector.extract %slice3A_2295[0] : i32 from vector<1xi32>
      %slice3A_2297 = vector.extract_strided_slice %get3A_1017 {offsets = [0], sizes = [1], strides = [1]} : vector<16xi32> to vector<1xi32>
      %squeeze3A_2298 = vector.extract %slice3A_2297[0] : i32 from vector<1xi32>
      %min3A_2299 = arith.constant 999935 : i32
      %min3A_2300 = arith.minsi %squeeze3A_2296, %min3A_2299 : i32
      %shift_right_arithmetic3A_2301 = arith.constant 7 : i32
      %shift_right_arithmetic3A_2302 = arith.shrsi %min3A_2300, %shift_right_arithmetic3A_2301 : i32
      %mul3A_2303 = arith.constant 128 : i32
      %mul3A_2304 = arith.muli %shift_right_arithmetic3A_2302, %mul3A_2303 : i32
      %sub3A_2305 = arith.subi %min3A_2300, %mul3A_2304 : i32
      %broadcast_in_dim3A_2306 = vector.broadcast %sub3A_2305 : i32 to vector<16xi32>
      %sub3A_2307 = arith.constant 999936 : i32
      %sub3A_2308 = arith.subi %squeeze3A_2296, %sub3A_2307 : i32
      %max3A_2309 = arith.constant 0 : i32
      %max3A_2310 = arith.maxsi %sub3A_2308, %max3A_2309 : i32
      %broadcast_in_dim3A_2311 = vector.broadcast %max3A_2310 : i32 to vector<16xi32>
      %lt3A_2312 = arith.constant 999936 : i32
      %lt3A_2313 = arith.cmpi slt, %squeeze3A_2296, %lt3A_2312 : i32
      %gather3A_2314 = arith.constant 0 : i32
      %gather3A_2315 = arith.constant 0 : i32
      %gather3A_2316 = arith.constant 0 : i32
      %gather3A_2317 = tpu.memref_slice %arg11[%gather3A_2314, %gather3A_2315, %gather3A_2316] : memref<8x32x128xf32, #tpu.memory_space<vmem>> -> memref<1x32x128xf32, #tpu.memory_space<vmem>>
      %gather3A_2318 = tpu.memref_squeeze %gather3A_2317 : memref<1x32x128xf32, #tpu.memory_space<vmem>> -> memref<32x128xf32, #tpu.memory_space<vmem>>
      %gather3A_2319 = tpu.vector_load_idx %gather3A_2318[%iota3A, %broadcast_in_dim3A_2306] : memref<32x128xf32, #tpu.memory_space<vmem>>[vector<16xi32>, vector<16xi32>], vector<16xf32>,
      %add3A_2320 = arith.constant 16 : i32
      %add3A_2321 = vector.broadcast %add3A_2320 : i32 to vector<16xi32>
      %add3A_2322 = arith.addi %iota3A, %add3A_2321 : vector<16xi32>
      %gather3A_2323 = arith.constant 0 : i32
      %gather3A_2324 = arith.constant 0 : i32
      %gather3A_2325 = arith.constant 0 : i32
      %gather3A_2326 = tpu.memref_slice %arg11[%gather3A_2323, %gather3A_2324, %gather3A_2325] : memref<8x32x128xf32, #tpu.memory_space<vmem>> -> memref<1x32x128xf32, #tpu.memory_space<vmem>>
      %gather3A_2327 = tpu.memref_squeeze %gather3A_2326 : memref<1x32x128xf32, #tpu.memory_space<vmem>> -> memref<32x128xf32, #tpu.memory_space<vmem>>
      %gather3A_2328 = tpu.vector_load_idx %gather3A_2327[%add3A_2322, %broadcast_in_dim3A_2306] : memref<32x128xf32, #tpu.memory_space<vmem>>[vector<16xi32>, vector<16xi32>], vector<16xf32>,
      %gather3A_2329 = tpu.vector_load_idx %arg13[%iota3A, %broadcast_in_dim3A_2311] : memref<32x128xf32, #tpu.memory_space<vmem>>[vector<16xi32>, vector<16xi32>], vector<16xf32>,
      %add3A_2330 = arith.constant 16 : i32
      %add3A_2331 = vector.broadcast %add3A_2330 : i32 to vector<16xi32>
      %add3A_2332 = arith.addi %iota3A, %add3A_2331 : vector<16xi32>
      %gather3A_2333 = tpu.vector_load_idx %arg13[%add3A_2332, %broadcast_in_dim3A_2311] : memref<32x128xf32, #tpu.memory_space<vmem>>[vector<16xi32>, vector<16xi32>], vector<16xf32>,
      %select_n3A_2334 = arith.select %lt3A_2313, %gather3A_2319, %gather3A_2329 : vector<16xf32>
      %select_n3A_2335 = arith.select %lt3A_2313, %gather3A_2328, %gather3A_2333 : vector<16xf32>
      %min3A_2336 = arith.constant 999935 : i32
      %min3A_2337 = arith.minsi %squeeze3A_2298, %min3A_2336 : i32
      %shift_right_arithmetic3A_2338 = arith.constant 7 : i32
      %shift_right_arithmetic3A_2339 = arith.shrsi %min3A_2337, %shift_right_arithmetic3A_2338 : i32
      %mul3A_2340 = arith.constant 128 : i32
      %mul3A_2341 = arith.muli %shift_right_arithmetic3A_2339, %mul3A_2340 : i32
      %sub3A_2342 = arith.subi %min3A_2337, %mul3A_2341 : i32
      %broadcast_in_dim3A_2343 = vector.broadcast %sub3A_2342 : i32 to vector<16xi32>
      %sub3A_2344 = arith.constant 999936 : i32
      %sub3A_2345 = arith.subi %squeeze3A_2298, %sub3A_2344 : i32
      %max3A_2346 = arith.constant 0 : i32
      %max3A_2347 = arith.maxsi %sub3A_2345, %max3A_2346 : i32
      %broadcast_in_dim3A_2348 = vector.broadcast %max3A_2347 : i32 to vector<16xi32>
      %lt3A_2349 = arith.constant 999936 : i32
      %lt3A_2350 = arith.cmpi slt, %squeeze3A_2298, %lt3A_2349 : i32
      %gather3A_2351 = arith.constant 0 : i32
      %gather3A_2352 = arith.constant 0 : i32
      %gather3A_2353 = arith.constant 0 : i32
      %gather3A_2354 = tpu.memref_slice %arg12[%gather3A_2351, %gather3A_2352, %gather3A_2353] : memref<8x32x128xf32, #tpu.memory_space<vmem>> -> memref<1x32x128xf32, #tpu.memory_space<vmem>>
      %gather3A_2355 = tpu.memref_squeeze %gather3A_2354 : memref<1x32x128xf32, #tpu.memory_space<vmem>> -> memref<32x128xf32, #tpu.memory_space<vmem>>
      %gather3A_2356 = tpu.vector_load_idx %gather3A_2355[%iota3A, %broadcast_in_dim3A_2343] : memref<32x128xf32, #tpu.memory_space<vmem>>[vector<16xi32>, vector<16xi32>], vector<16xf32>,
      %add3A_2357 = arith.constant 16 : i32
      %add3A_2358 = vector.broadcast %add3A_2357 : i32 to vector<16xi32>
      %add3A_2359 = arith.addi %iota3A, %add3A_2358 : vector<16xi32>
      %gather3A_2360 = arith.constant 0 : i32
      %gather3A_2361 = arith.constant 0 : i32
      %gather3A_2362 = arith.constant 0 : i32
      %gather3A_2363 = tpu.memref_slice %arg12[%gather3A_2360, %gather3A_2361, %gather3A_2362] : memref<8x32x128xf32, #tpu.memory_space<vmem>> -> memref<1x32x128xf32, #tpu.memory_space<vmem>>
      %gather3A_2364 = tpu.memref_squeeze %gather3A_2363 : memref<1x32x128xf32, #tpu.memory_space<vmem>> -> memref<32x128xf32, #tpu.memory_space<vmem>>
      %gather3A_2365 = tpu.vector_load_idx %gather3A_2364[%add3A_2359, %broadcast_in_dim3A_2343] : memref<32x128xf32, #tpu.memory_space<vmem>>[vector<16xi32>, vector<16xi32>], vector<16xf32>,
      %gather3A_2366 = tpu.vector_load_idx %arg14[%iota3A, %broadcast_in_dim3A_2348] : memref<32x128xf32, #tpu.memory_space<vmem>>[vector<16xi32>, vector<16xi32>], vector<16xf32>,
      %add3A_2367 = arith.constant 16 : i32
      %add3A_2368 = vector.broadcast %add3A_2367 : i32 to vector<16xi32>
      %add3A_2369 = arith.addi %iota3A, %add3A_2368 : vector<16xi32>
      %gather3A_2370 = tpu.vector_load_idx %arg14[%add3A_2369, %broadcast_in_dim3A_2348] : memref<32x128xf32, #tpu.memory_space<vmem>>[vector<16xi32>, vector<16xi32>], vector<16xf32>,
      %select_n3A_2371 = arith.select %lt3A_2350, %gather3A_2356, %gather3A_2366 : vector<16xf32>
      %select_n3A_2372 = arith.select %lt3A_2350, %gather3A_2365, %gather3A_2370 : vector<16xf32>
      %mul3A_2373 = arith.mulf %select_n3A_2334, %select_n3A_2371 : vector<16xf32>
      %mul3A_2374 = arith.mulf %select_n3A_2335, %select_n3A_2372 : vector<16xf32>
      %add3A_2375 = arith.addf %mul3A_2373, %mul3A_2374 : vector<16xf32>
      %reduce_sum3A_2376 = arith.constant true
      %reduce_sum3A_2377 = vector.broadcast %reduce_sum3A_2376 : i1 to vector<16xi1>
      %reduce_sum3A_2378 = tpu.scan <sum>, %add3A_2375 masked %reduce_sum3A_2377 : vector<16xf32>, vector<16xi1> -> vector<16xf32>
      %reduce_sum3A_2379 = vector.extract %reduce_sum3A_2378[15] : f32 from vector<16xf32>
      %eq3A_2380 = arith.constant 0 : i32
      %eq3A_2381 = vector.broadcast %eq3A_2380 : i32 to vector<16xi32>
      %eq3A_2382 = arith.cmpi eq, %iota3A, %eq3A_2381 : vector<16xi32>
      %broadcast_in_dim3A_2383 = vector.broadcast %reduce_sum3A_2379 : f32 to vector<16xf32>
      %select_n3A_2384 = arith.select %eq3A_2382, %broadcast_in_dim3A_2383, %select_n3A_2196 : vector<16xi1>, vector<16xf32>
      %slice3A_2385 = vector.extract_strided_slice %select_n3A_2384 {offsets = [8], sizes = [1], strides = [1]} : vector<16xf32> to vector<1xf32>
      %squeeze3A_2386 = vector.extract %slice3A_2385[0] : f32 from vector<1xf32>
      %mul3A_2387 = arith.constant 0.000000e+00 : f32
      %mul3A_2388 = arith.mulf %squeeze3A_2386, %mul3A_2387 : f32
      %convert_element_type3A_2389 = arith.fptosi %mul3A_2388 : f32 to i32
      %slice3A_2390 = vector.extract_strided_slice %get3A_1014 {offsets = [8], sizes = [1], strides = [1]} : vector<16xi32> to vector<1xi32>
      %squeeze3A_2391 = vector.extract %slice3A_2390[0] : i32 from vector<1xi32>
      %add3A_2392 = arith.addi %squeeze3A_2391, %convert_element_type3A_2389 : i32
      %min3A_2393 = arith.constant 999935 : i32
      %min3A_2394 = arith.minsi %add3A_2392, %min3A_2393 : i32
      %shift_right_arithmetic3A_2395 = arith.constant 7 : i32
      %shift_right_arithmetic3A_2396 = arith.shrsi %min3A_2394, %shift_right_arithmetic3A_2395 : i32
      %mul3A_2397 = arith.constant 128 : i32
      %mul3A_2398 = arith.muli %shift_right_arithmetic3A_2396, %mul3A_2397 : i32
      %multiple_of3A_2399 = tpu.assume_multiple %mul3A_2398, 128 : i32
      %dma_start3A_2400 = arith.constant 0 : i32
      %dma_start3A_2401 = arith.constant 0 : i32
      %dma_start3A_2402 = arith.constant 0 : i32
      %dma_start3A_2403 = arith.constant 0 : i32
      %dma_start3A_2404 = tpu.memref_slice %arg11[%dma_start3A_2400, %dma_start3A_2402, %dma_start3A_2403] : memref<8x32x128xf32, #tpu.memory_space<vmem>> -> memref<1x32x128xf32, #tpu.memory_space<vmem>>
      %dma_start3A_2405 = tpu.memref_squeeze %dma_start3A_2404 : memref<1x32x128xf32, #tpu.memory_space<vmem>> -> memref<32x128xf32, #tpu.memory_space<vmem>>
      %dma_start3A_2406 = arith.constant 0 : i32
      %dma_start3A_2407 = tpu.memref_slice %arg4[%dma_start3A_2406, %multiple_of3A_2399] : memref<32x1000000xf32, #tpu.memory_space<hbm>> -> memref<32x128xf32, #tpu.memory_space<hbm>>
      %dma_start3A_2408 = tpu.memref_slice %arg16[%dma_start3A_2401] : memref<8x!tpu.dma_semaphore, #tpu.memory_space<semaphore_mem>> -> memref<1x!tpu.dma_semaphore, #tpu.memory_space<semaphore_mem>>
      %dma_start3A_2409 = tpu.memref_squeeze %dma_start3A_2408 : memref<1x!tpu.dma_semaphore, #tpu.memory_space<semaphore_mem>> -> memref<!tpu.dma_semaphore, #tpu.memory_space<semaphore_mem>>
      %dma_start3A_2410 = arith.constant 0 : i32
      %dma_start3A_2411 = arith.constant 0 : i32
      %dma_start3A_2412 = tpu.memref_slice %arg11[%dma_start3A_2400, %dma_start3A_2410, %dma_start3A_2411] : memref<8x32x128xf32, #tpu.memory_space<vmem>> -> memref<1x32x128xf32, #tpu.memory_space<vmem>>
      %dma_start3A_2413 = tpu.memref_squeeze %dma_start3A_2412 : memref<1x32x128xf32, #tpu.memory_space<vmem>> -> memref<32x128xf32, #tpu.memory_space<vmem>>
      %dma_start3A_2414 = arith.constant 0 : i32
      %dma_start3A_2415 = tpu.memref_slice %arg4[%dma_start3A_2414, %multiple_of3A_2399] : memref<32x1000000xf32, #tpu.memory_space<hbm>> -> memref<32x128xf32, #tpu.memory_space<hbm>>
      tpu.enqueue_dma source(%dma_start3A_2415 : memref<32x128xf32, #tpu.memory_space<hbm>>) target(%dma_start3A_2413 : memref<32x128xf32, #tpu.memory_space<vmem>>) target_semaphore(%dma_start3A_2409 : memref<!tpu.dma_semaphore, #tpu.memory_space<semaphore_mem>>)
      %slice3A_2416 = vector.extract_strided_slice %get3A_1017 {offsets = [8], sizes = [1], strides = [1]} : vector<16xi32> to vector<1xi32>
      %squeeze3A_2417 = vector.extract %slice3A_2416[0] : i32 from vector<1xi32>
      %add3A_2418 = arith.addi %squeeze3A_2417, %convert_element_type3A_2389 : i32
      %min3A_2419 = arith.constant 999935 : i32
      %min3A_2420 = arith.minsi %add3A_2418, %min3A_2419 : i32
      %shift_right_arithmetic3A_2421 = arith.constant 7 : i32
      %shift_right_arithmetic3A_2422 = arith.shrsi %min3A_2420, %shift_right_arithmetic3A_2421 : i32
      %mul3A_2423 = arith.constant 128 : i32
      %mul3A_2424 = arith.muli %shift_right_arithmetic3A_2422, %mul3A_2423 : i32
      %multiple_of3A_2425 = tpu.assume_multiple %mul3A_2424, 128 : i32
      %dma_start3A_2426 = arith.constant 0 : i32
      %dma_start3A_2427 = arith.constant 0 : i32
      %dma_start3A_2428 = arith.constant 0 : i32
      %dma_start3A_2429 = arith.constant 0 : i32
      %dma_start3A_2430 = tpu.memref_slice %arg12[%dma_start3A_2426, %dma_start3A_2428, %dma_start3A_2429] : memref<8x32x128xf32, #tpu.memory_space<vmem>> -> memref<1x32x128xf32, #tpu.memory_space<vmem>>
      %dma_start3A_2431 = tpu.memref_squeeze %dma_start3A_2430 : memref<1x32x128xf32, #tpu.memory_space<vmem>> -> memref<32x128xf32, #tpu.memory_space<vmem>>
      %dma_start3A_2432 = arith.constant 0 : i32
      %dma_start3A_2433 = tpu.memref_slice %arg5[%dma_start3A_2432, %multiple_of3A_2425] : memref<32x1000000xf32, #tpu.memory_space<hbm>> -> memref<32x128xf32, #tpu.memory_space<hbm>>
      %dma_start3A_2434 = tpu.memref_slice %arg16[%dma_start3A_2427] : memref<8x!tpu.dma_semaphore, #tpu.memory_space<semaphore_mem>> -> memref<1x!tpu.dma_semaphore, #tpu.memory_space<semaphore_mem>>
      %dma_start3A_2435 = tpu.memref_squeeze %dma_start3A_2434 : memref<1x!tpu.dma_semaphore, #tpu.memory_space<semaphore_mem>> -> memref<!tpu.dma_semaphore, #tpu.memory_space<semaphore_mem>>
      %dma_start3A_2436 = arith.constant 0 : i32
      %dma_start3A_2437 = arith.constant 0 : i32
      %dma_start3A_2438 = tpu.memref_slice %arg12[%dma_start3A_2426, %dma_start3A_2436, %dma_start3A_2437] : memref<8x32x128xf32, #tpu.memory_space<vmem>> -> memref<1x32x128xf32, #tpu.memory_space<vmem>>
      %dma_start3A_2439 = tpu.memref_squeeze %dma_start3A_2438 : memref<1x32x128xf32, #tpu.memory_space<vmem>> -> memref<32x128xf32, #tpu.memory_space<vmem>>
      %dma_start3A_2440 = arith.constant 0 : i32
      %dma_start3A_2441 = tpu.memref_slice %arg5[%dma_start3A_2440, %multiple_of3A_2425] : memref<32x1000000xf32, #tpu.memory_space<hbm>> -> memref<32x128xf32, #tpu.memory_space<hbm>>
      tpu.enqueue_dma source(%dma_start3A_2441 : memref<32x128xf32, #tpu.memory_space<hbm>>) target(%dma_start3A_2439 : memref<32x128xf32, #tpu.memory_space<vmem>>) target_semaphore(%dma_start3A_2435 : memref<!tpu.dma_semaphore, #tpu.memory_space<semaphore_mem>>)
      %dma_wait3A_2442 = arith.constant 1 : i32
      %dma_wait3A_2443 = arith.constant 1 : i32
      %dma_wait3A_2444 = arith.constant 0 : i32
      %dma_wait3A_2445 = arith.constant 0 : i32
      %dma_wait3A_2446 = tpu.memref_slice %arg11[%dma_wait3A_2442, %dma_wait3A_2444, %dma_wait3A_2445] : memref<8x32x128xf32, #tpu.memory_space<vmem>> -> memref<1x32x128xf32, #tpu.memory_space<vmem>>
      %dma_wait3A_2447 = tpu.memref_squeeze %dma_wait3A_2446 : memref<1x32x128xf32, #tpu.memory_space<vmem>> -> memref<32x128xf32, #tpu.memory_space<vmem>>
      %dma_wait3A_2448 = arith.constant 0 : i32
      %dma_wait3A_2449 = arith.constant 0 : i32
      %dma_wait3A_2450 = tpu.memref_slice %arg4[%dma_wait3A_2448, %dma_wait3A_2449] : memref<32x1000000xf32, #tpu.memory_space<hbm>> -> memref<32x128xf32, #tpu.memory_space<hbm>>
      %dma_wait3A_2451 = tpu.memref_slice %arg16[%dma_wait3A_2443] : memref<8x!tpu.dma_semaphore, #tpu.memory_space<semaphore_mem>> -> memref<1x!tpu.dma_semaphore, #tpu.memory_space<semaphore_mem>>
      %dma_wait3A_2452 = tpu.memref_squeeze %dma_wait3A_2451 : memref<1x!tpu.dma_semaphore, #tpu.memory_space<semaphore_mem>> -> memref<!tpu.dma_semaphore, #tpu.memory_space<semaphore_mem>>
      %dma_wait3A_2453 = arith.constant 0 : i32
      %dma_wait3A_2454 = arith.constant 0 : i32
      %dma_wait3A_2455 = tpu.memref_slice %arg11[%dma_wait3A_2442, %dma_wait3A_2453, %dma_wait3A_2454] : memref<8x32x128xf32, #tpu.memory_space<vmem>> -> memref<1x32x128xf32, #tpu.memory_space<vmem>>
      %dma_wait3A_2456 = tpu.memref_squeeze %dma_wait3A_2455 : memref<1x32x128xf32, #tpu.memory_space<vmem>> -> memref<32x128xf32, #tpu.memory_space<vmem>>
      %dma_wait3A_2457 = arith.constant 0 : i32
      %dma_wait3A_2458 = arith.constant 0 : i32
      %dma_wait3A_2459 = tpu.memref_slice %arg4[%dma_wait3A_2457, %dma_wait3A_2458] : memref<32x1000000xf32, #tpu.memory_space<hbm>> -> memref<32x128xf32, #tpu.memory_space<hbm>>
      tpu.wait_dma2 semaphore(%dma_wait3A_2452 : memref<!tpu.dma_semaphore, #tpu.memory_space<semaphore_mem>>) src(%dma_wait3A_2459 : memref<32x128xf32, #tpu.memory_space<hbm>>) dst(%dma_wait3A_2456 : memref<32x128xf32, #tpu.memory_space<vmem>>)
      %dma_wait3A_2460 = arith.constant 1 : i32
      %dma_wait3A_2461 = arith.constant 1 : i32
      %dma_wait3A_2462 = arith.constant 0 : i32
      %dma_wait3A_2463 = arith.constant 0 : i32
      %dma_wait3A_2464 = tpu.memref_slice %arg12[%dma_wait3A_2460, %dma_wait3A_2462, %dma_wait3A_2463] : memref<8x32x128xf32, #tpu.memory_space<vmem>> -> memref<1x32x128xf32, #tpu.memory_space<vmem>>
      %dma_wait3A_2465 = tpu.memref_squeeze %dma_wait3A_2464 : memref<1x32x128xf32, #tpu.memory_space<vmem>> -> memref<32x128xf32, #tpu.memory_space<vmem>>
      %dma_wait3A_2466 = arith.constant 0 : i32
      %dma_wait3A_2467 = arith.constant 0 : i32
      %dma_wait3A_2468 = tpu.memref_slice %arg5[%dma_wait3A_2466, %dma_wait3A_2467] : memref<32x1000000xf32, #tpu.memory_space<hbm>> -> memref<32x128xf32, #tpu.memory_space<hbm>>
      %dma_wait3A_2469 = tpu.memref_slice %arg16[%dma_wait3A_2461] : memref<8x!tpu.dma_semaphore, #tpu.memory_space<semaphore_mem>> -> memref<1x!tpu.dma_semaphore, #tpu.memory_space<semaphore_mem>>
      %dma_wait3A_2470 = tpu.memref_squeeze %dma_wait3A_2469 : memref<1x!tpu.dma_semaphore, #tpu.memory_space<semaphore_mem>> -> memref<!tpu.dma_semaphore, #tpu.memory_space<semaphore_mem>>
      %dma_wait3A_2471 = arith.constant 0 : i32
      %dma_wait3A_2472 = arith.constant 0 : i32
      %dma_wait3A_2473 = tpu.memref_slice %arg12[%dma_wait3A_2460, %dma_wait3A_2471, %dma_wait3A_2472] : memref<8x32x128xf32, #tpu.memory_space<vmem>> -> memref<1x32x128xf32, #tpu.memory_space<vmem>>
      %dma_wait3A_2474 = tpu.memref_squeeze %dma_wait3A_2473 : memref<1x32x128xf32, #tpu.memory_space<vmem>> -> memref<32x128xf32, #tpu.memory_space<vmem>>
      %dma_wait3A_2475 = arith.constant 0 : i32
      %dma_wait3A_2476 = arith.constant 0 : i32
      %dma_wait3A_2477 = tpu.memref_slice %arg5[%dma_wait3A_2475, %dma_wait3A_2476] : memref<32x1000000xf32, #tpu.memory_space<hbm>> -> memref<32x128xf32, #tpu.memory_space<hbm>>
      tpu.wait_dma2 semaphore(%dma_wait3A_2470 : memref<!tpu.dma_semaphore, #tpu.memory_space<semaphore_mem>>) src(%dma_wait3A_2477 : memref<32x128xf32, #tpu.memory_space<hbm>>) dst(%dma_wait3A_2474 : memref<32x128xf32, #tpu.memory_space<vmem>>)
      %slice3A_2478 = vector.extract_strided_slice %get3A_1014 {offsets = [1], sizes = [1], strides = [1]} : vector<16xi32> to vector<1xi32>
      %squeeze3A_2479 = vector.extract %slice3A_2478[0] : i32 from vector<1xi32>
      %slice3A_2480 = vector.extract_strided_slice %get3A_1017 {offsets = [1], sizes = [1], strides = [1]} : vector<16xi32> to vector<1xi32>
      %squeeze3A_2481 = vector.extract %slice3A_2480[0] : i32 from vector<1xi32>
      %min3A_2482 = arith.constant 999935 : i32
      %min3A_2483 = arith.minsi %squeeze3A_2479, %min3A_2482 : i32
      %shift_right_arithmetic3A_2484 = arith.constant 7 : i32
      %shift_right_arithmetic3A_2485 = arith.shrsi %min3A_2483, %shift_right_arithmetic3A_2484 : i32
      %mul3A_2486 = arith.constant 128 : i32
      %mul3A_2487 = arith.muli %shift_right_arithmetic3A_2485, %mul3A_2486 : i32
      %sub3A_2488 = arith.subi %min3A_2483, %mul3A_2487 : i32
      %broadcast_in_dim3A_2489 = vector.broadcast %sub3A_2488 : i32 to vector<16xi32>
      %sub3A_2490 = arith.constant 999936 : i32
      %sub3A_2491 = arith.subi %squeeze3A_2479, %sub3A_2490 : i32
      %max3A_2492 = arith.constant 0 : i32
      %max3A_2493 = arith.maxsi %sub3A_2491, %max3A_2492 : i32
      %broadcast_in_dim3A_2494 = vector.broadcast %max3A_2493 : i32 to vector<16xi32>
      %lt3A_2495 = arith.constant 999936 : i32
      %lt3A_2496 = arith.cmpi slt, %squeeze3A_2479, %lt3A_2495 : i32
      %gather3A_2497 = arith.constant 1 : i32
      %gather3A_2498 = arith.constant 0 : i32
      %gather3A_2499 = arith.constant 0 : i32
      %gather3A_2500 = tpu.memref_slice %arg11[%gather3A_2497, %gather3A_2498, %gather3A_2499] : memref<8x32x128xf32, #tpu.memory_space<vmem>> -> memref<1x32x128xf32, #tpu.memory_space<vmem>>
      %gather3A_2501 = tpu.memref_squeeze %gather3A_2500 : memref<1x32x128xf32, #tpu.memory_space<vmem>> -> memref<32x128xf32, #tpu.memory_space<vmem>>
      %gather3A_2502 = tpu.vector_load_idx %gather3A_2501[%iota3A, %broadcast_in_dim3A_2489] : memref<32x128xf32, #tpu.memory_space<vmem>>[vector<16xi32>, vector<16xi32>], vector<16xf32>,
      %add3A_2503 = arith.constant 16 : i32
      %add3A_2504 = vector.broadcast %add3A_2503 : i32 to vector<16xi32>
      %add3A_2505 = arith.addi %iota3A, %add3A_2504 : vector<16xi32>
      %gather3A_2506 = arith.constant 1 : i32
      %gather3A_2507 = arith.constant 0 : i32
      %gather3A_2508 = arith.constant 0 : i32
      %gather3A_2509 = tpu.memref_slice %arg11[%gather3A_2506, %gather3A_2507, %gather3A_2508] : memref<8x32x128xf32, #tpu.memory_space<vmem>> -> memref<1x32x128xf32, #tpu.memory_space<vmem>>
      %gather3A_2510 = tpu.memref_squeeze %gather3A_2509 : memref<1x32x128xf32, #tpu.memory_space<vmem>> -> memref<32x128xf32, #tpu.memory_space<vmem>>
      %gather3A_2511 = tpu.vector_load_idx %gather3A_2510[%add3A_2505, %broadcast_in_dim3A_2489] : memref<32x128xf32, #tpu.memory_space<vmem>>[vector<16xi32>, vector<16xi32>], vector<16xf32>,
      %gather3A_2512 = tpu.vector_load_idx %arg13[%iota3A, %broadcast_in_dim3A_2494] : memref<32x128xf32, #tpu.memory_space<vmem>>[vector<16xi32>, vector<16xi32>], vector<16xf32>,
      %add3A_2513 = arith.constant 16 : i32
      %add3A_2514 = vector.broadcast %add3A_2513 : i32 to vector<16xi32>
      %add3A_2515 = arith.addi %iota3A, %add3A_2514 : vector<16xi32>
      %gather3A_2516 = tpu.vector_load_idx %arg13[%add3A_2515, %broadcast_in_dim3A_2494] : memref<32x128xf32, #tpu.memory_space<vmem>>[vector<16xi32>, vector<16xi32>], vector<16xf32>,
      %select_n3A_2517 = arith.select %lt3A_2496, %gather3A_2502, %gather3A_2512 : vector<16xf32>
      %select_n3A_2518 = arith.select %lt3A_2496, %gather3A_2511, %gather3A_2516 : vector<16xf32>
      %min3A_2519 = arith.constant 999935 : i32
      %min3A_2520 = arith.minsi %squeeze3A_2481, %min3A_2519 : i32
      %shift_right_arithmetic3A_2521 = arith.constant 7 : i32
      %shift_right_arithmetic3A_2522 = arith.shrsi %min3A_2520, %shift_right_arithmetic3A_2521 : i32
      %mul3A_2523 = arith.constant 128 : i32
      %mul3A_2524 = arith.muli %shift_right_arithmetic3A_2522, %mul3A_2523 : i32
      %sub3A_2525 = arith.subi %min3A_2520, %mul3A_2524 : i32
      %broadcast_in_dim3A_2526 = vector.broadcast %sub3A_2525 : i32 to vector<16xi32>
      %sub3A_2527 = arith.constant 999936 : i32
      %sub3A_2528 = arith.subi %squeeze3A_2481, %sub3A_2527 : i32
      %max3A_2529 = arith.constant 0 : i32
      %max3A_2530 = arith.maxsi %sub3A_2528, %max3A_2529 : i32
      %broadcast_in_dim3A_2531 = vector.broadcast %max3A_2530 : i32 to vector<16xi32>
      %lt3A_2532 = arith.constant 999936 : i32
      %lt3A_2533 = arith.cmpi slt, %squeeze3A_2481, %lt3A_2532 : i32
      %gather3A_2534 = arith.constant 1 : i32
      %gather3A_2535 = arith.constant 0 : i32
      %gather3A_2536 = arith.constant 0 : i32
      %gather3A_2537 = tpu.memref_slice %arg12[%gather3A_2534, %gather3A_2535, %gather3A_2536] : memref<8x32x128xf32, #tpu.memory_space<vmem>> -> memref<1x32x128xf32, #tpu.memory_space<vmem>>
      %gather3A_2538 = tpu.memref_squeeze %gather3A_2537 : memref<1x32x128xf32, #tpu.memory_space<vmem>> -> memref<32x128xf32, #tpu.memory_space<vmem>>
      %gather3A_2539 = tpu.vector_load_idx %gather3A_2538[%iota3A, %broadcast_in_dim3A_2526] : memref<32x128xf32, #tpu.memory_space<vmem>>[vector<16xi32>, vector<16xi32>], vector<16xf32>,
      %add3A_2540 = arith.constant 16 : i32
      %add3A_2541 = vector.broadcast %add3A_2540 : i32 to vector<16xi32>
      %add3A_2542 = arith.addi %iota3A, %add3A_2541 : vector<16xi32>
      %gather3A_2543 = arith.constant 1 : i32
      %gather3A_2544 = arith.constant 0 : i32
      %gather3A_2545 = arith.constant 0 : i32
      %gather3A_2546 = tpu.memref_slice %arg12[%gather3A_2543, %gather3A_2544, %gather3A_2545] : memref<8x32x128xf32, #tpu.memory_space<vmem>> -> memref<1x32x128xf32, #tpu.memory_space<vmem>>
      %gather3A_2547 = tpu.memref_squeeze %gather3A_2546 : memref<1x32x128xf32, #tpu.memory_space<vmem>> -> memref<32x128xf32, #tpu.memory_space<vmem>>
      %gather3A_2548 = tpu.vector_load_idx %gather3A_2547[%add3A_2542, %broadcast_in_dim3A_2526] : memref<32x128xf32, #tpu.memory_space<vmem>>[vector<16xi32>, vector<16xi32>], vector<16xf32>,
      %gather3A_2549 = tpu.vector_load_idx %arg14[%iota3A, %broadcast_in_dim3A_2531] : memref<32x128xf32, #tpu.memory_space<vmem>>[vector<16xi32>, vector<16xi32>], vector<16xf32>,
      %add3A_2550 = arith.constant 16 : i32
      %add3A_2551 = vector.broadcast %add3A_2550 : i32 to vector<16xi32>
      %add3A_2552 = arith.addi %iota3A, %add3A_2551 : vector<16xi32>
      %gather3A_2553 = tpu.vector_load_idx %arg14[%add3A_2552, %broadcast_in_dim3A_2531] : memref<32x128xf32, #tpu.memory_space<vmem>>[vector<16xi32>, vector<16xi32>], vector<16xf32>,
      %select_n3A_2554 = arith.select %lt3A_2533, %gather3A_2539, %gather3A_2549 : vector<16xf32>
      %select_n3A_2555 = arith.select %lt3A_2533, %gather3A_2548, %gather3A_2553 : vector<16xf32>
      %mul3A_2556 = arith.mulf %select_n3A_2517, %select_n3A_2554 : vector<16xf32>
      %mul3A_2557 = arith.mulf %select_n3A_2518, %select_n3A_2555 : vector<16xf32>
      %add3A_2558 = arith.addf %mul3A_2556, %mul3A_2557 : vector<16xf32>
      %reduce_sum3A_2559 = arith.constant true
      %reduce_sum3A_2560 = vector.broadcast %reduce_sum3A_2559 : i1 to vector<16xi1>
      %reduce_sum3A_2561 = tpu.scan <sum>, %add3A_2558 masked %reduce_sum3A_2560 : vector<16xf32>, vector<16xi1> -> vector<16xf32>
      %reduce_sum3A_2562 = vector.extract %reduce_sum3A_2561[15] : f32 from vector<16xf32>
      %eq3A_2563 = arith.constant 1 : i32
      %eq3A_2564 = vector.broadcast %eq3A_2563 : i32 to vector<16xi32>
      %eq3A_2565 = arith.cmpi eq, %iota3A, %eq3A_2564 : vector<16xi32>
      %broadcast_in_dim3A_2566 = vector.broadcast %reduce_sum3A_2562 : f32 to vector<16xf32>
      %select_n3A_2567 = arith.select %eq3A_2565, %broadcast_in_dim3A_2566, %select_n3A_2384 : vector<16xi1>, vector<16xf32>
      %slice3A_2568 = vector.extract_strided_slice %select_n3A_2567 {offsets = [9], sizes = [1], strides = [1]} : vector<16xf32> to vector<1xf32>
      %squeeze3A_2569 = vector.extract %slice3A_2568[0] : f32 from vector<1xf32>
      %mul3A_2570 = arith.constant 0.000000e+00 : f32
      %mul3A_2571 = arith.mulf %squeeze3A_2569, %mul3A_2570 : f32
      %convert_element_type3A_2572 = arith.fptosi %mul3A_2571 : f32 to i32
      %slice3A_2573 = vector.extract_strided_slice %get3A_1014 {offsets = [9], sizes = [1], strides = [1]} : vector<16xi32> to vector<1xi32>
      %squeeze3A_2574 = vector.extract %slice3A_2573[0] : i32 from vector<1xi32>
      %add3A_2575 = arith.addi %squeeze3A_2574, %convert_element_type3A_2572 : i32
      %min3A_2576 = arith.constant 999935 : i32
      %min3A_2577 = arith.minsi %add3A_2575, %min3A_2576 : i32
      %shift_right_arithmetic3A_2578 = arith.constant 7 : i32
      %shift_right_arithmetic3A_2579 = arith.shrsi %min3A_2577, %shift_right_arithmetic3A_2578 : i32
      %mul3A_2580 = arith.constant 128 : i32
      %mul3A_2581 = arith.muli %shift_right_arithmetic3A_2579, %mul3A_2580 : i32
      %multiple_of3A_2582 = tpu.assume_multiple %mul3A_2581, 128 : i32
      %dma_start3A_2583 = arith.constant 1 : i32
      %dma_start3A_2584 = arith.constant 1 : i32
      %dma_start3A_2585 = arith.constant 0 : i32
      %dma_start3A_2586 = arith.constant 0 : i32
      %dma_start3A_2587 = tpu.memref_slice %arg11[%dma_start3A_2583, %dma_start3A_2585, %dma_start3A_2586] : memref<8x32x128xf32, #tpu.memory_space<vmem>> -> memref<1x32x128xf32, #tpu.memory_space<vmem>>
      %dma_start3A_2588 = tpu.memref_squeeze %dma_start3A_2587 : memref<1x32x128xf32, #tpu.memory_space<vmem>> -> memref<32x128xf32, #tpu.memory_space<vmem>>
      %dma_start3A_2589 = arith.constant 0 : i32
      %dma_start3A_2590 = tpu.memref_slice %arg4[%dma_start3A_2589, %multiple_of3A_2582] : memref<32x1000000xf32, #tpu.memory_space<hbm>> -> memref<32x128xf32, #tpu.memory_space<hbm>>
      %dma_start3A_2591 = tpu.memref_slice %arg16[%dma_start3A_2584] : memref<8x!tpu.dma_semaphore, #tpu.memory_space<semaphore_mem>> -> memref<1x!tpu.dma_semaphore, #tpu.memory_space<semaphore_mem>>
      %dma_start3A_2592 = tpu.memref_squeeze %dma_start3A_2591 : memref<1x!tpu.dma_semaphore, #tpu.memory_space<semaphore_mem>> -> memref<!tpu.dma_semaphore, #tpu.memory_space<semaphore_mem>>
      %dma_start3A_2593 = arith.constant 0 : i32
      %dma_start3A_2594 = arith.constant 0 : i32
      %dma_start3A_2595 = tpu.memref_slice %arg11[%dma_start3A_2583, %dma_start3A_2593, %dma_start3A_2594] : memref<8x32x128xf32, #tpu.memory_space<vmem>> -> memref<1x32x128xf32, #tpu.memory_space<vmem>>
      %dma_start3A_2596 = tpu.memref_squeeze %dma_start3A_2595 : memref<1x32x128xf32, #tpu.memory_space<vmem>> -> memref<32x128xf32, #tpu.memory_space<vmem>>
      %dma_start3A_2597 = arith.constant 0 : i32
      %dma_start3A_2598 = tpu.memref_slice %arg4[%dma_start3A_2597, %multiple_of3A_2582] : memref<32x1000000xf32, #tpu.memory_space<hbm>> -> memref<32x128xf32, #tpu.memory_space<hbm>>
      tpu.enqueue_dma source(%dma_start3A_2598 : memref<32x128xf32, #tpu.memory_space<hbm>>) target(%dma_start3A_2596 : memref<32x128xf32, #tpu.memory_space<vmem>>) target_semaphore(%dma_start3A_2592 : memref<!tpu.dma_semaphore, #tpu.memory_space<semaphore_mem>>)
      %slice3A_2599 = vector.extract_strided_slice %get3A_1017 {offsets = [9], sizes = [1], strides = [1]} : vector<16xi32> to vector<1xi32>
      %squeeze3A_2600 = vector.extract %slice3A_2599[0] : i32 from vector<1xi32>
      %add3A_2601 = arith.addi %squeeze3A_2600, %convert_element_type3A_2572 : i32
      %min3A_2602 = arith.constant 999935 : i32
      %min3A_2603 = arith.minsi %add3A_2601, %min3A_2602 : i32
      %shift_right_arithmetic3A_2604 = arith.constant 7 : i32
      %shift_right_arithmetic3A_2605 = arith.shrsi %min3A_2603, %shift_right_arithmetic3A_2604 : i32
      %mul3A_2606 = arith.constant 128 : i32
      %mul3A_2607 = arith.muli %shift_right_arithmetic3A_2605, %mul3A_2606 : i32
      %multiple_of3A_2608 = tpu.assume_multiple %mul3A_2607, 128 : i32
      %dma_start3A_2609 = arith.constant 1 : i32
      %dma_start3A_2610 = arith.constant 1 : i32
      %dma_start3A_2611 = arith.constant 0 : i32
      %dma_start3A_2612 = arith.constant 0 : i32
      %dma_start3A_2613 = tpu.memref_slice %arg12[%dma_start3A_2609, %dma_start3A_2611, %dma_start3A_2612] : memref<8x32x128xf32, #tpu.memory_space<vmem>> -> memref<1x32x128xf32, #tpu.memory_space<vmem>>
      %dma_start3A_2614 = tpu.memref_squeeze %dma_start3A_2613 : memref<1x32x128xf32, #tpu.memory_space<vmem>> -> memref<32x128xf32, #tpu.memory_space<vmem>>
      %dma_start3A_2615 = arith.constant 0 : i32
      %dma_start3A_2616 = tpu.memref_slice %arg5[%dma_start3A_2615, %multiple_of3A_2608] : memref<32x1000000xf32, #tpu.memory_space<hbm>> -> memref<32x128xf32, #tpu.memory_space<hbm>>
      %dma_start3A_2617 = tpu.memref_slice %arg16[%dma_start3A_2610] : memref<8x!tpu.dma_semaphore, #tpu.memory_space<semaphore_mem>> -> memref<1x!tpu.dma_semaphore, #tpu.memory_space<semaphore_mem>>
      %dma_start3A_2618 = tpu.memref_squeeze %dma_start3A_2617 : memref<1x!tpu.dma_semaphore, #tpu.memory_space<semaphore_mem>> -> memref<!tpu.dma_semaphore, #tpu.memory_space<semaphore_mem>>
      %dma_start3A_2619 = arith.constant 0 : i32
      %dma_start3A_2620 = arith.constant 0 : i32
      %dma_start3A_2621 = tpu.memref_slice %arg12[%dma_start3A_2609, %dma_start3A_2619, %dma_start3A_2620] : memref<8x32x128xf32, #tpu.memory_space<vmem>> -> memref<1x32x128xf32, #tpu.memory_space<vmem>>
      %dma_start3A_2622 = tpu.memref_squeeze %dma_start3A_2621 : memref<1x32x128xf32, #tpu.memory_space<vmem>> -> memref<32x128xf32, #tpu.memory_space<vmem>>
      %dma_start3A_2623 = arith.constant 0 : i32
      %dma_start3A_2624 = tpu.memref_slice %arg5[%dma_start3A_2623, %multiple_of3A_2608] : memref<32x1000000xf32, #tpu.memory_space<hbm>> -> memref<32x128xf32, #tpu.memory_space<hbm>>
      tpu.enqueue_dma source(%dma_start3A_2624 : memref<32x128xf32, #tpu.memory_space<hbm>>) target(%dma_start3A_2622 : memref<32x128xf32, #tpu.memory_space<vmem>>) target_semaphore(%dma_start3A_2618 : memref<!tpu.dma_semaphore, #tpu.memory_space<semaphore_mem>>)
      %dma_wait3A_2625 = arith.constant 2 : i32
      %dma_wait3A_2626 = arith.constant 2 : i32
      %dma_wait3A_2627 = arith.constant 0 : i32
      %dma_wait3A_2628 = arith.constant 0 : i32
      %dma_wait3A_2629 = tpu.memref_slice %arg11[%dma_wait3A_2625, %dma_wait3A_2627, %dma_wait3A_2628] : memref<8x32x128xf32, #tpu.memory_space<vmem>> -> memref<1x32x128xf32, #tpu.memory_space<vmem>>
      %dma_wait3A_2630 = tpu.memref_squeeze %dma_wait3A_2629 : memref<1x32x128xf32, #tpu.memory_space<vmem>> -> memref<32x128xf32, #tpu.memory_space<vmem>>
      %dma_wait3A_2631 = arith.constant 0 : i32
      %dma_wait3A_2632 = arith.constant 0 : i32
      %dma_wait3A_2633 = tpu.memref_slice %arg4[%dma_wait3A_2631, %dma_wait3A_2632] : memref<32x1000000xf32, #tpu.memory_space<hbm>> -> memref<32x128xf32, #tpu.memory_space<hbm>>
      %dma_wait3A_2634 = tpu.memref_slice %arg16[%dma_wait3A_2626] : memref<8x!tpu.dma_semaphore, #tpu.memory_space<semaphore_mem>> -> memref<1x!tpu.dma_semaphore, #tpu.memory_space<semaphore_mem>>
      %dma_wait3A_2635 = tpu.memref_squeeze %dma_wait3A_2634 : memref<1x!tpu.dma_semaphore, #tpu.memory_space<semaphore_mem>> -> memref<!tpu.dma_semaphore, #tpu.memory_space<semaphore_mem>>
      %dma_wait3A_2636 = arith.constant 0 : i32
      %dma_wait3A_2637 = arith.constant 0 : i32
      %dma_wait3A_2638 = tpu.memref_slice %arg11[%dma_wait3A_2625, %dma_wait3A_2636, %dma_wait3A_2637] : memref<8x32x128xf32, #tpu.memory_space<vmem>> -> memref<1x32x128xf32, #tpu.memory_space<vmem>>
      %dma_wait3A_2639 = tpu.memref_squeeze %dma_wait3A_2638 : memref<1x32x128xf32, #tpu.memory_space<vmem>> -> memref<32x128xf32, #tpu.memory_space<vmem>>
      %dma_wait3A_2640 = arith.constant 0 : i32
      %dma_wait3A_2641 = arith.constant 0 : i32
      %dma_wait3A_2642 = tpu.memref_slice %arg4[%dma_wait3A_2640, %dma_wait3A_2641] : memref<32x1000000xf32, #tpu.memory_space<hbm>> -> memref<32x128xf32, #tpu.memory_space<hbm>>
      tpu.wait_dma2 semaphore(%dma_wait3A_2635 : memref<!tpu.dma_semaphore, #tpu.memory_space<semaphore_mem>>) src(%dma_wait3A_2642 : memref<32x128xf32, #tpu.memory_space<hbm>>) dst(%dma_wait3A_2639 : memref<32x128xf32, #tpu.memory_space<vmem>>)
      %dma_wait3A_2643 = arith.constant 2 : i32
      %dma_wait3A_2644 = arith.constant 2 : i32
      %dma_wait3A_2645 = arith.constant 0 : i32
      %dma_wait3A_2646 = arith.constant 0 : i32
      %dma_wait3A_2647 = tpu.memref_slice %arg12[%dma_wait3A_2643, %dma_wait3A_2645, %dma_wait3A_2646] : memref<8x32x128xf32, #tpu.memory_space<vmem>> -> memref<1x32x128xf32, #tpu.memory_space<vmem>>
      %dma_wait3A_2648 = tpu.memref_squeeze %dma_wait3A_2647 : memref<1x32x128xf32, #tpu.memory_space<vmem>> -> memref<32x128xf32, #tpu.memory_space<vmem>>
      %dma_wait3A_2649 = arith.constant 0 : i32
      %dma_wait3A_2650 = arith.constant 0 : i32
      %dma_wait3A_2651 = tpu.memref_slice %arg5[%dma_wait3A_2649, %dma_wait3A_2650] : memref<32x1000000xf32, #tpu.memory_space<hbm>> -> memref<32x128xf32, #tpu.memory_space<hbm>>
      %dma_wait3A_2652 = tpu.memref_slice %arg16[%dma_wait3A_2644] : memref<8x!tpu.dma_semaphore, #tpu.memory_space<semaphore_mem>> -> memref<1x!tpu.dma_semaphore, #tpu.memory_space<semaphore_mem>>
      %dma_wait3A_2653 = tpu.memref_squeeze %dma_wait3A_2652 : memref<1x!tpu.dma_semaphore, #tpu.memory_space<semaphore_mem>> -> memref<!tpu.dma_semaphore, #tpu.memory_space<semaphore_mem>>
      %dma_wait3A_2654 = arith.constant 0 : i32
      %dma_wait3A_2655 = arith.constant 0 : i32
      %dma_wait3A_2656 = tpu.memref_slice %arg12[%dma_wait3A_2643, %dma_wait3A_2654, %dma_wait3A_2655] : memref<8x32x128xf32, #tpu.memory_space<vmem>> -> memref<1x32x128xf32, #tpu.memory_space<vmem>>
      %dma_wait3A_2657 = tpu.memref_squeeze %dma_wait3A_2656 : memref<1x32x128xf32, #tpu.memory_space<vmem>> -> memref<32x128xf32, #tpu.memory_space<vmem>>
      %dma_wait3A_2658 = arith.constant 0 : i32
      %dma_wait3A_2659 = arith.constant 0 : i32
      %dma_wait3A_2660 = tpu.memref_slice %arg5[%dma_wait3A_2658, %dma_wait3A_2659] : memref<32x1000000xf32, #tpu.memory_space<hbm>> -> memref<32x128xf32, #tpu.memory_space<hbm>>
      tpu.wait_dma2 semaphore(%dma_wait3A_2653 : memref<!tpu.dma_semaphore, #tpu.memory_space<semaphore_mem>>) src(%dma_wait3A_2660 : memref<32x128xf32, #tpu.memory_space<hbm>>) dst(%dma_wait3A_2657 : memref<32x128xf32, #tpu.memory_space<vmem>>)
      %slice3A_2661 = vector.extract_strided_slice %get3A_1014 {offsets = [2], sizes = [1], strides = [1]} : vector<16xi32> to vector<1xi32>
      %squeeze3A_2662 = vector.extract %slice3A_2661[0] : i32 from vector<1xi32>
      %slice3A_2663 = vector.extract_strided_slice %get3A_1017 {offsets = [2], sizes = [1], strides = [1]} : vector<16xi32> to vector<1xi32>
      %squeeze3A_2664 = vector.extract %slice3A_2663[0] : i32 from vector<1xi32>
      %min3A_2665 = arith.constant 999935 : i32
      %min3A_2666 = arith.minsi %squeeze3A_2662, %min3A_2665 : i32
      %shift_right_arithmetic3A_2667 = arith.constant 7 : i32
      %shift_right_arithmetic3A_2668 = arith.shrsi %min3A_2666, %shift_right_arithmetic3A_2667 : i32
      %mul3A_2669 = arith.constant 128 : i32
      %mul3A_2670 = arith.muli %shift_right_arithmetic3A_2668, %mul3A_2669 : i32
      %sub3A_2671 = arith.subi %min3A_2666, %mul3A_2670 : i32
      %broadcast_in_dim3A_2672 = vector.broadcast %sub3A_2671 : i32 to vector<16xi32>
      %sub3A_2673 = arith.constant 999936 : i32
      %sub3A_2674 = arith.subi %squeeze3A_2662, %sub3A_2673 : i32
      %max3A_2675 = arith.constant 0 : i32
      %max3A_2676 = arith.maxsi %sub3A_2674, %max3A_2675 : i32
      %broadcast_in_dim3A_2677 = vector.broadcast %max3A_2676 : i32 to vector<16xi32>
      %lt3A_2678 = arith.constant 999936 : i32
      %lt3A_2679 = arith.cmpi slt, %squeeze3A_2662, %lt3A_2678 : i32
      %gather3A_2680 = arith.constant 2 : i32
      %gather3A_2681 = arith.constant 0 : i32
      %gather3A_2682 = arith.constant 0 : i32
      %gather3A_2683 = tpu.memref_slice %arg11[%gather3A_2680, %gather3A_2681, %gather3A_2682] : memref<8x32x128xf32, #tpu.memory_space<vmem>> -> memref<1x32x128xf32, #tpu.memory_space<vmem>>
      %gather3A_2684 = tpu.memref_squeeze %gather3A_2683 : memref<1x32x128xf32, #tpu.memory_space<vmem>> -> memref<32x128xf32, #tpu.memory_space<vmem>>
      %gather3A_2685 = tpu.vector_load_idx %gather3A_2684[%iota3A, %broadcast_in_dim3A_2672] : memref<32x128xf32, #tpu.memory_space<vmem>>[vector<16xi32>, vector<16xi32>], vector<16xf32>,
      %add3A_2686 = arith.constant 16 : i32
      %add3A_2687 = vector.broadcast %add3A_2686 : i32 to vector<16xi32>
      %add3A_2688 = arith.addi %iota3A, %add3A_2687 : vector<16xi32>
      %gather3A_2689 = arith.constant 2 : i32
      %gather3A_2690 = arith.constant 0 : i32
      %gather3A_2691 = arith.constant 0 : i32
      %gather3A_2692 = tpu.memref_slice %arg11[%gather3A_2689, %gather3A_2690, %gather3A_2691] : memref<8x32x128xf32, #tpu.memory_space<vmem>> -> memref<1x32x128xf32, #tpu.memory_space<vmem>>
      %gather3A_2693 = tpu.memref_squeeze %gather3A_2692 : memref<1x32x128xf32, #tpu.memory_space<vmem>> -> memref<32x128xf32, #tpu.memory_space<vmem>>
      %gather3A_2694 = tpu.vector_load_idx %gather3A_2693[%add3A_2688, %broadcast_in_dim3A_2672] : memref<32x128xf32, #tpu.memory_space<vmem>>[vector<16xi32>, vector<16xi32>], vector<16xf32>,
      %gather3A_2695 = tpu.vector_load_idx %arg13[%iota3A, %broadcast_in_dim3A_2677] : memref<32x128xf32, #tpu.memory_space<vmem>>[vector<16xi32>, vector<16xi32>], vector<16xf32>,
      %add3A_2696 = arith.constant 16 : i32
      %add3A_2697 = vector.broadcast %add3A_2696 : i32 to vector<16xi32>
      %add3A_2698 = arith.addi %iota3A, %add3A_2697 : vector<16xi32>
      %gather3A_2699 = tpu.vector_load_idx %arg13[%add3A_2698, %broadcast_in_dim3A_2677] : memref<32x128xf32, #tpu.memory_space<vmem>>[vector<16xi32>, vector<16xi32>], vector<16xf32>,
      %select_n3A_2700 = arith.select %lt3A_2679, %gather3A_2685, %gather3A_2695 : vector<16xf32>
      %select_n3A_2701 = arith.select %lt3A_2679, %gather3A_2694, %gather3A_2699 : vector<16xf32>
      %min3A_2702 = arith.constant 999935 : i32
      %min3A_2703 = arith.minsi %squeeze3A_2664, %min3A_2702 : i32
      %shift_right_arithmetic3A_2704 = arith.constant 7 : i32
      %shift_right_arithmetic3A_2705 = arith.shrsi %min3A_2703, %shift_right_arithmetic3A_2704 : i32
      %mul3A_2706 = arith.constant 128 : i32
      %mul3A_2707 = arith.muli %shift_right_arithmetic3A_2705, %mul3A_2706 : i32
      %sub3A_2708 = arith.subi %min3A_2703, %mul3A_2707 : i32
      %broadcast_in_dim3A_2709 = vector.broadcast %sub3A_2708 : i32 to vector<16xi32>
      %sub3A_2710 = arith.constant 999936 : i32
      %sub3A_2711 = arith.subi %squeeze3A_2664, %sub3A_2710 : i32
      %max3A_2712 = arith.constant 0 : i32
      %max3A_2713 = arith.maxsi %sub3A_2711, %max3A_2712 : i32
      %broadcast_in_dim3A_2714 = vector.broadcast %max3A_2713 : i32 to vector<16xi32>
      %lt3A_2715 = arith.constant 999936 : i32
      %lt3A_2716 = arith.cmpi slt, %squeeze3A_2664, %lt3A_2715 : i32
      %gather3A_2717 = arith.constant 2 : i32
      %gather3A_2718 = arith.constant 0 : i32
      %gather3A_2719 = arith.constant 0 : i32
      %gather3A_2720 = tpu.memref_slice %arg12[%gather3A_2717, %gather3A_2718, %gather3A_2719] : memref<8x32x128xf32, #tpu.memory_space<vmem>> -> memref<1x32x128xf32, #tpu.memory_space<vmem>>
      %gather3A_2721 = tpu.memref_squeeze %gather3A_2720 : memref<1x32x128xf32, #tpu.memory_space<vmem>> -> memref<32x128xf32, #tpu.memory_space<vmem>>
      %gather3A_2722 = tpu.vector_load_idx %gather3A_2721[%iota3A, %broadcast_in_dim3A_2709] : memref<32x128xf32, #tpu.memory_space<vmem>>[vector<16xi32>, vector<16xi32>], vector<16xf32>,
      %add3A_2723 = arith.constant 16 : i32
      %add3A_2724 = vector.broadcast %add3A_2723 : i32 to vector<16xi32>
      %add3A_2725 = arith.addi %iota3A, %add3A_2724 : vector<16xi32>
      %gather3A_2726 = arith.constant 2 : i32
      %gather3A_2727 = arith.constant 0 : i32
      %gather3A_2728 = arith.constant 0 : i32
      %gather3A_2729 = tpu.memref_slice %arg12[%gather3A_2726, %gather3A_2727, %gather3A_2728] : memref<8x32x128xf32, #tpu.memory_space<vmem>> -> memref<1x32x128xf32, #tpu.memory_space<vmem>>
      %gather3A_2730 = tpu.memref_squeeze %gather3A_2729 : memref<1x32x128xf32, #tpu.memory_space<vmem>> -> memref<32x128xf32, #tpu.memory_space<vmem>>
      %gather3A_2731 = tpu.vector_load_idx %gather3A_2730[%add3A_2725, %broadcast_in_dim3A_2709] : memref<32x128xf32, #tpu.memory_space<vmem>>[vector<16xi32>, vector<16xi32>], vector<16xf32>,
      %gather3A_2732 = tpu.vector_load_idx %arg14[%iota3A, %broadcast_in_dim3A_2714] : memref<32x128xf32, #tpu.memory_space<vmem>>[vector<16xi32>, vector<16xi32>], vector<16xf32>,
      %add3A_2733 = arith.constant 16 : i32
      %add3A_2734 = vector.broadcast %add3A_2733 : i32 to vector<16xi32>
      %add3A_2735 = arith.addi %iota3A, %add3A_2734 : vector<16xi32>
      %gather3A_2736 = tpu.vector_load_idx %arg14[%add3A_2735, %broadcast_in_dim3A_2714] : memref<32x128xf32, #tpu.memory_space<vmem>>[vector<16xi32>, vector<16xi32>], vector<16xf32>,
      %select_n3A_2737 = arith.select %lt3A_2716, %gather3A_2722, %gather3A_2732 : vector<16xf32>
      %select_n3A_2738 = arith.select %lt3A_2716, %gather3A_2731, %gather3A_2736 : vector<16xf32>
      %mul3A_2739 = arith.mulf %select_n3A_2700, %select_n3A_2737 : vector<16xf32>
      %mul3A_2740 = arith.mulf %select_n3A_2701, %select_n3A_2738 : vector<16xf32>
      %add3A_2741 = arith.addf %mul3A_2739, %mul3A_2740 : vector<16xf32>
      %reduce_sum3A_2742 = arith.constant true
      %reduce_sum3A_2743 = vector.broadcast %reduce_sum3A_2742 : i1 to vector<16xi1>
      %reduce_sum3A_2744 = tpu.scan <sum>, %add3A_2741 masked %reduce_sum3A_2743 : vector<16xf32>, vector<16xi1> -> vector<16xf32>
      %reduce_sum3A_2745 = vector.extract %reduce_sum3A_2744[15] : f32 from vector<16xf32>
      %eq3A_2746 = arith.constant 2 : i32
      %eq3A_2747 = vector.broadcast %eq3A_2746 : i32 to vector<16xi32>
      %eq3A_2748 = arith.cmpi eq, %iota3A, %eq3A_2747 : vector<16xi32>
      %broadcast_in_dim3A_2749 = vector.broadcast %reduce_sum3A_2745 : f32 to vector<16xf32>
      %select_n3A_2750 = arith.select %eq3A_2748, %broadcast_in_dim3A_2749, %select_n3A_2567 : vector<16xi1>, vector<16xf32>
      %slice3A_2751 = vector.extract_strided_slice %select_n3A_2750 {offsets = [10], sizes = [1], strides = [1]} : vector<16xf32> to vector<1xf32>
      %squeeze3A_2752 = vector.extract %slice3A_2751[0] : f32 from vector<1xf32>
      %mul3A_2753 = arith.constant 0.000000e+00 : f32
      %mul3A_2754 = arith.mulf %squeeze3A_2752, %mul3A_2753 : f32
      %convert_element_type3A_2755 = arith.fptosi %mul3A_2754 : f32 to i32
      %slice3A_2756 = vector.extract_strided_slice %get3A_1014 {offsets = [10], sizes = [1], strides = [1]} : vector<16xi32> to vector<1xi32>
      %squeeze3A_2757 = vector.extract %slice3A_2756[0] : i32 from vector<1xi32>
      %add3A_2758 = arith.addi %squeeze3A_2757, %convert_element_type3A_2755 : i32
      %min3A_2759 = arith.constant 999935 : i32
      %min3A_2760 = arith.minsi %add3A_2758, %min3A_2759 : i32
      %shift_right_arithmetic3A_2761 = arith.constant 7 : i32
      %shift_right_arithmetic3A_2762 = arith.shrsi %min3A_2760, %shift_right_arithmetic3A_2761 : i32
      %mul3A_2763 = arith.constant 128 : i32
      %mul3A_2764 = arith.muli %shift_right_arithmetic3A_2762, %mul3A_2763 : i32
      %multiple_of3A_2765 = tpu.assume_multiple %mul3A_2764, 128 : i32
      %dma_start3A_2766 = arith.constant 2 : i32
      %dma_start3A_2767 = arith.constant 2 : i32
      %dma_start3A_2768 = arith.constant 0 : i32
      %dma_start3A_2769 = arith.constant 0 : i32
      %dma_start3A_2770 = tpu.memref_slice %arg11[%dma_start3A_2766, %dma_start3A_2768, %dma_start3A_2769] : memref<8x32x128xf32, #tpu.memory_space<vmem>> -> memref<1x32x128xf32, #tpu.memory_space<vmem>>
      %dma_start3A_2771 = tpu.memref_squeeze %dma_start3A_2770 : memref<1x32x128xf32, #tpu.memory_space<vmem>> -> memref<32x128xf32, #tpu.memory_space<vmem>>
      %dma_start3A_2772 = arith.constant 0 : i32
      %dma_start3A_2773 = tpu.memref_slice %arg4[%dma_start3A_2772, %multiple_of3A_2765] : memref<32x1000000xf32, #tpu.memory_space<hbm>> -> memref<32x128xf32, #tpu.memory_space<hbm>>
      %dma_start3A_2774 = tpu.memref_slice %arg16[%dma_start3A_2767] : memref<8x!tpu.dma_semaphore, #tpu.memory_space<semaphore_mem>> -> memref<1x!tpu.dma_semaphore, #tpu.memory_space<semaphore_mem>>
      %dma_start3A_2775 = tpu.memref_squeeze %dma_start3A_2774 : memref<1x!tpu.dma_semaphore, #tpu.memory_space<semaphore_mem>> -> memref<!tpu.dma_semaphore, #tpu.memory_space<semaphore_mem>>
      %dma_start3A_2776 = arith.constant 0 : i32
      %dma_start3A_2777 = arith.constant 0 : i32
      %dma_start3A_2778 = tpu.memref_slice %arg11[%dma_start3A_2766, %dma_start3A_2776, %dma_start3A_2777] : memref<8x32x128xf32, #tpu.memory_space<vmem>> -> memref<1x32x128xf32, #tpu.memory_space<vmem>>
      %dma_start3A_2779 = tpu.memref_squeeze %dma_start3A_2778 : memref<1x32x128xf32, #tpu.memory_space<vmem>> -> memref<32x128xf32, #tpu.memory_space<vmem>>
      %dma_start3A_2780 = arith.constant 0 : i32
      %dma_start3A_2781 = tpu.memref_slice %arg4[%dma_start3A_2780, %multiple_of3A_2765] : memref<32x1000000xf32, #tpu.memory_space<hbm>> -> memref<32x128xf32, #tpu.memory_space<hbm>>
      tpu.enqueue_dma source(%dma_start3A_2781 : memref<32x128xf32, #tpu.memory_space<hbm>>) target(%dma_start3A_2779 : memref<32x128xf32, #tpu.memory_space<vmem>>) target_semaphore(%dma_start3A_2775 : memref<!tpu.dma_semaphore, #tpu.memory_space<semaphore_mem>>)
      %slice3A_2782 = vector.extract_strided_slice %get3A_1017 {offsets = [10], sizes = [1], strides = [1]} : vector<16xi32> to vector<1xi32>
      %squeeze3A_2783 = vector.extract %slice3A_2782[0] : i32 from vector<1xi32>
      %add3A_2784 = arith.addi %squeeze3A_2783, %convert_element_type3A_2755 : i32
      %min3A_2785 = arith.constant 999935 : i32
      %min3A_2786 = arith.minsi %add3A_2784, %min3A_2785 : i32
      %shift_right_arithmetic3A_2787 = arith.constant 7 : i32
      %shift_right_arithmetic3A_2788 = arith.shrsi %min3A_2786, %shift_right_arithmetic3A_2787 : i32
      %mul3A_2789 = arith.constant 128 : i32
      %mul3A_2790 = arith.muli %shift_right_arithmetic3A_2788, %mul3A_2789 : i32
      %multiple_of3A_2791 = tpu.assume_multiple %mul3A_2790, 128 : i32
      %dma_start3A_2792 = arith.constant 2 : i32
      %dma_start3A_2793 = arith.constant 2 : i32
      %dma_start3A_2794 = arith.constant 0 : i32
      %dma_start3A_2795 = arith.constant 0 : i32
      %dma_start3A_2796 = tpu.memref_slice %arg12[%dma_start3A_2792, %dma_start3A_2794, %dma_start3A_2795] : memref<8x32x128xf32, #tpu.memory_space<vmem>> -> memref<1x32x128xf32, #tpu.memory_space<vmem>>
      %dma_start3A_2797 = tpu.memref_squeeze %dma_start3A_2796 : memref<1x32x128xf32, #tpu.memory_space<vmem>> -> memref<32x128xf32, #tpu.memory_space<vmem>>
      %dma_start3A_2798 = arith.constant 0 : i32
      %dma_start3A_2799 = tpu.memref_slice %arg5[%dma_start3A_2798, %multiple_of3A_2791] : memref<32x1000000xf32, #tpu.memory_space<hbm>> -> memref<32x128xf32, #tpu.memory_space<hbm>>
      %dma_start3A_2800 = tpu.memref_slice %arg16[%dma_start3A_2793] : memref<8x!tpu.dma_semaphore, #tpu.memory_space<semaphore_mem>> -> memref<1x!tpu.dma_semaphore, #tpu.memory_space<semaphore_mem>>
      %dma_start3A_2801 = tpu.memref_squeeze %dma_start3A_2800 : memref<1x!tpu.dma_semaphore, #tpu.memory_space<semaphore_mem>> -> memref<!tpu.dma_semaphore, #tpu.memory_space<semaphore_mem>>
      %dma_start3A_2802 = arith.constant 0 : i32
      %dma_start3A_2803 = arith.constant 0 : i32
      %dma_start3A_2804 = tpu.memref_slice %arg12[%dma_start3A_2792, %dma_start3A_2802, %dma_start3A_2803] : memref<8x32x128xf32, #tpu.memory_space<vmem>> -> memref<1x32x128xf32, #tpu.memory_space<vmem>>
      %dma_start3A_2805 = tpu.memref_squeeze %dma_start3A_2804 : memref<1x32x128xf32, #tpu.memory_space<vmem>> -> memref<32x128xf32, #tpu.memory_space<vmem>>
      %dma_start3A_2806 = arith.constant 0 : i32
      %dma_start3A_2807 = tpu.memref_slice %arg5[%dma_start3A_2806, %multiple_of3A_2791] : memref<32x1000000xf32, #tpu.memory_space<hbm>> -> memref<32x128xf32, #tpu.memory_space<hbm>>
      tpu.enqueue_dma source(%dma_start3A_2807 : memref<32x128xf32, #tpu.memory_space<hbm>>) target(%dma_start3A_2805 : memref<32x128xf32, #tpu.memory_space<vmem>>) target_semaphore(%dma_start3A_2801 : memref<!tpu.dma_semaphore, #tpu.memory_space<semaphore_mem>>)
      %dma_wait3A_2808 = arith.constant 3 : i32
      %dma_wait3A_2809 = arith.constant 3 : i32
      %dma_wait3A_2810 = arith.constant 0 : i32
      %dma_wait3A_2811 = arith.constant 0 : i32
      %dma_wait3A_2812 = tpu.memref_slice %arg11[%dma_wait3A_2808, %dma_wait3A_2810, %dma_wait3A_2811] : memref<8x32x128xf32, #tpu.memory_space<vmem>> -> memref<1x32x128xf32, #tpu.memory_space<vmem>>
      %dma_wait3A_2813 = tpu.memref_squeeze %dma_wait3A_2812 : memref<1x32x128xf32, #tpu.memory_space<vmem>> -> memref<32x128xf32, #tpu.memory_space<vmem>>
      %dma_wait3A_2814 = arith.constant 0 : i32
      %dma_wait3A_2815 = arith.constant 0 : i32
      %dma_wait3A_2816 = tpu.memref_slice %arg4[%dma_wait3A_2814, %dma_wait3A_2815] : memref<32x1000000xf32, #tpu.memory_space<hbm>> -> memref<32x128xf32, #tpu.memory_space<hbm>>
      %dma_wait3A_2817 = tpu.memref_slice %arg16[%dma_wait3A_2809] : memref<8x!tpu.dma_semaphore, #tpu.memory_space<semaphore_mem>> -> memref<1x!tpu.dma_semaphore, #tpu.memory_space<semaphore_mem>>
      %dma_wait3A_2818 = tpu.memref_squeeze %dma_wait3A_2817 : memref<1x!tpu.dma_semaphore, #tpu.memory_space<semaphore_mem>> -> memref<!tpu.dma_semaphore, #tpu.memory_space<semaphore_mem>>
      %dma_wait3A_2819 = arith.constant 0 : i32
      %dma_wait3A_2820 = arith.constant 0 : i32
      %dma_wait3A_2821 = tpu.memref_slice %arg11[%dma_wait3A_2808, %dma_wait3A_2819, %dma_wait3A_2820] : memref<8x32x128xf32, #tpu.memory_space<vmem>> -> memref<1x32x128xf32, #tpu.memory_space<vmem>>
      %dma_wait3A_2822 = tpu.memref_squeeze %dma_wait3A_2821 : memref<1x32x128xf32, #tpu.memory_space<vmem>> -> memref<32x128xf32, #tpu.memory_space<vmem>>
      %dma_wait3A_2823 = arith.constant 0 : i32
      %dma_wait3A_2824 = arith.constant 0 : i32
      %dma_wait3A_2825 = tpu.memref_slice %arg4[%dma_wait3A_2823, %dma_wait3A_2824] : memref<32x1000000xf32, #tpu.memory_space<hbm>> -> memref<32x128xf32, #tpu.memory_space<hbm>>
      tpu.wait_dma2 semaphore(%dma_wait3A_2818 : memref<!tpu.dma_semaphore, #tpu.memory_space<semaphore_mem>>) src(%dma_wait3A_2825 : memref<32x128xf32, #tpu.memory_space<hbm>>) dst(%dma_wait3A_2822 : memref<32x128xf32, #tpu.memory_space<vmem>>)
      %dma_wait3A_2826 = arith.constant 3 : i32
      %dma_wait3A_2827 = arith.constant 3 : i32
      %dma_wait3A_2828 = arith.constant 0 : i32
      %dma_wait3A_2829 = arith.constant 0 : i32
      %dma_wait3A_2830 = tpu.memref_slice %arg12[%dma_wait3A_2826, %dma_wait3A_2828, %dma_wait3A_2829] : memref<8x32x128xf32, #tpu.memory_space<vmem>> -> memref<1x32x128xf32, #tpu.memory_space<vmem>>
      %dma_wait3A_2831 = tpu.memref_squeeze %dma_wait3A_2830 : memref<1x32x128xf32, #tpu.memory_space<vmem>> -> memref<32x128xf32, #tpu.memory_space<vmem>>
      %dma_wait3A_2832 = arith.constant 0 : i32
      %dma_wait3A_2833 = arith.constant 0 : i32
      %dma_wait3A_2834 = tpu.memref_slice %arg5[%dma_wait3A_2832, %dma_wait3A_2833] : memref<32x1000000xf32, #tpu.memory_space<hbm>> -> memref<32x128xf32, #tpu.memory_space<hbm>>
      %dma_wait3A_2835 = tpu.memref_slice %arg16[%dma_wait3A_2827] : memref<8x!tpu.dma_semaphore, #tpu.memory_space<semaphore_mem>> -> memref<1x!tpu.dma_semaphore, #tpu.memory_space<semaphore_mem>>
      %dma_wait3A_2836 = tpu.memref_squeeze %dma_wait3A_2835 : memref<1x!tpu.dma_semaphore, #tpu.memory_space<semaphore_mem>> -> memref<!tpu.dma_semaphore, #tpu.memory_space<semaphore_mem>>
      %dma_wait3A_2837 = arith.constant 0 : i32
      %dma_wait3A_2838 = arith.constant 0 : i32
      %dma_wait3A_2839 = tpu.memref_slice %arg12[%dma_wait3A_2826, %dma_wait3A_2837, %dma_wait3A_2838] : memref<8x32x128xf32, #tpu.memory_space<vmem>> -> memref<1x32x128xf32, #tpu.memory_space<vmem>>
      %dma_wait3A_2840 = tpu.memref_squeeze %dma_wait3A_2839 : memref<1x32x128xf32, #tpu.memory_space<vmem>> -> memref<32x128xf32, #tpu.memory_space<vmem>>
      %dma_wait3A_2841 = arith.constant 0 : i32
      %dma_wait3A_2842 = arith.constant 0 : i32
      %dma_wait3A_2843 = tpu.memref_slice %arg5[%dma_wait3A_2841, %dma_wait3A_2842] : memref<32x1000000xf32, #tpu.memory_space<hbm>> -> memref<32x128xf32, #tpu.memory_space<hbm>>
      tpu.wait_dma2 semaphore(%dma_wait3A_2836 : memref<!tpu.dma_semaphore, #tpu.memory_space<semaphore_mem>>) src(%dma_wait3A_2843 : memref<32x128xf32, #tpu.memory_space<hbm>>) dst(%dma_wait3A_2840 : memref<32x128xf32, #tpu.memory_space<vmem>>)
      %slice3A_2844 = vector.extract_strided_slice %get3A_1014 {offsets = [3], sizes = [1], strides = [1]} : vector<16xi32> to vector<1xi32>
      %squeeze3A_2845 = vector.extract %slice3A_2844[0] : i32 from vector<1xi32>
      %slice3A_2846 = vector.extract_strided_slice %get3A_1017 {offsets = [3], sizes = [1], strides = [1]} : vector<16xi32> to vector<1xi32>
      %squeeze3A_2847 = vector.extract %slice3A_2846[0] : i32 from vector<1xi32>
      %min3A_2848 = arith.constant 999935 : i32
      %min3A_2849 = arith.minsi %squeeze3A_2845, %min3A_2848 : i32
      %shift_right_arithmetic3A_2850 = arith.constant 7 : i32
      %shift_right_arithmetic3A_2851 = arith.shrsi %min3A_2849, %shift_right_arithmetic3A_2850 : i32
      %mul3A_2852 = arith.constant 128 : i32
      %mul3A_2853 = arith.muli %shift_right_arithmetic3A_2851, %mul3A_2852 : i32
      %sub3A_2854 = arith.subi %min3A_2849, %mul3A_2853 : i32
      %broadcast_in_dim3A_2855 = vector.broadcast %sub3A_2854 : i32 to vector<16xi32>
      %sub3A_2856 = arith.constant 999936 : i32
      %sub3A_2857 = arith.subi %squeeze3A_2845, %sub3A_2856 : i32
      %max3A_2858 = arith.constant 0 : i32
      %max3A_2859 = arith.maxsi %sub3A_2857, %max3A_2858 : i32
      %broadcast_in_dim3A_2860 = vector.broadcast %max3A_2859 : i32 to vector<16xi32>
      %lt3A_2861 = arith.constant 999936 : i32
      %lt3A_2862 = arith.cmpi slt, %squeeze3A_2845, %lt3A_2861 : i32
      %gather3A_2863 = arith.constant 3 : i32
      %gather3A_2864 = arith.constant 0 : i32
      %gather3A_2865 = arith.constant 0 : i32
      %gather3A_2866 = tpu.memref_slice %arg11[%gather3A_2863, %gather3A_2864, %gather3A_2865] : memref<8x32x128xf32, #tpu.memory_space<vmem>> -> memref<1x32x128xf32, #tpu.memory_space<vmem>>
      %gather3A_2867 = tpu.memref_squeeze %gather3A_2866 : memref<1x32x128xf32, #tpu.memory_space<vmem>> -> memref<32x128xf32, #tpu.memory_space<vmem>>
      %gather3A_2868 = tpu.vector_load_idx %gather3A_2867[%iota3A, %broadcast_in_dim3A_2855] : memref<32x128xf32, #tpu.memory_space<vmem>>[vector<16xi32>, vector<16xi32>], vector<16xf32>,
      %add3A_2869 = arith.constant 16 : i32
      %add3A_2870 = vector.broadcast %add3A_2869 : i32 to vector<16xi32>
      %add3A_2871 = arith.addi %iota3A, %add3A_2870 : vector<16xi32>
      %gather3A_2872 = arith.constant 3 : i32
      %gather3A_2873 = arith.constant 0 : i32
      %gather3A_2874 = arith.constant 0 : i32
      %gather3A_2875 = tpu.memref_slice %arg11[%gather3A_2872, %gather3A_2873, %gather3A_2874] : memref<8x32x128xf32, #tpu.memory_space<vmem>> -> memref<1x32x128xf32, #tpu.memory_space<vmem>>
      %gather3A_2876 = tpu.memref_squeeze %gather3A_2875 : memref<1x32x128xf32, #tpu.memory_space<vmem>> -> memref<32x128xf32, #tpu.memory_space<vmem>>
      %gather3A_2877 = tpu.vector_load_idx %gather3A_2876[%add3A_2871, %broadcast_in_dim3A_2855] : memref<32x128xf32, #tpu.memory_space<vmem>>[vector<16xi32>, vector<16xi32>], vector<16xf32>,
      %gather3A_2878 = tpu.vector_load_idx %arg13[%iota3A, %broadcast_in_dim3A_2860] : memref<32x128xf32, #tpu.memory_space<vmem>>[vector<16xi32>, vector<16xi32>], vector<16xf32>,
      %add3A_2879 = arith.constant 16 : i32
      %add3A_2880 = vector.broadcast %add3A_2879 : i32 to vector<16xi32>
      %add3A_2881 = arith.addi %iota3A, %add3A_2880 : vector<16xi32>
      %gather3A_2882 = tpu.vector_load_idx %arg13[%add3A_2881, %broadcast_in_dim3A_2860] : memref<32x128xf32, #tpu.memory_space<vmem>>[vector<16xi32>, vector<16xi32>], vector<16xf32>,
      %select_n3A_2883 = arith.select %lt3A_2862, %gather3A_2868, %gather3A_2878 : vector<16xf32>
      %select_n3A_2884 = arith.select %lt3A_2862, %gather3A_2877, %gather3A_2882 : vector<16xf32>
      %min3A_2885 = arith.constant 999935 : i32
      %min3A_2886 = arith.minsi %squeeze3A_2847, %min3A_2885 : i32
      %shift_right_arithmetic3A_2887 = arith.constant 7 : i32
      %shift_right_arithmetic3A_2888 = arith.shrsi %min3A_2886, %shift_right_arithmetic3A_2887 : i32
      %mul3A_2889 = arith.constant 128 : i32
      %mul3A_2890 = arith.muli %shift_right_arithmetic3A_2888, %mul3A_2889 : i32
      %sub3A_2891 = arith.subi %min3A_2886, %mul3A_2890 : i32
      %broadcast_in_dim3A_2892 = vector.broadcast %sub3A_2891 : i32 to vector<16xi32>
      %sub3A_2893 = arith.constant 999936 : i32
      %sub3A_2894 = arith.subi %squeeze3A_2847, %sub3A_2893 : i32
      %max3A_2895 = arith.constant 0 : i32
      %max3A_2896 = arith.maxsi %sub3A_2894, %max3A_2895 : i32
      %broadcast_in_dim3A_2897 = vector.broadcast %max3A_2896 : i32 to vector<16xi32>
      %lt3A_2898 = arith.constant 999936 : i32
      %lt3A_2899 = arith.cmpi slt, %squeeze3A_2847, %lt3A_2898 : i32
      %gather3A_2900 = arith.constant 3 : i32
      %gather3A_2901 = arith.constant 0 : i32
      %gather3A_2902 = arith.constant 0 : i32
      %gather3A_2903 = tpu.memref_slice %arg12[%gather3A_2900, %gather3A_2901, %gather3A_2902] : memref<8x32x128xf32, #tpu.memory_space<vmem>> -> memref<1x32x128xf32, #tpu.memory_space<vmem>>
      %gather3A_2904 = tpu.memref_squeeze %gather3A_2903 : memref<1x32x128xf32, #tpu.memory_space<vmem>> -> memref<32x128xf32, #tpu.memory_space<vmem>>
      %gather3A_2905 = tpu.vector_load_idx %gather3A_2904[%iota3A, %broadcast_in_dim3A_2892] : memref<32x128xf32, #tpu.memory_space<vmem>>[vector<16xi32>, vector<16xi32>], vector<16xf32>,
      %add3A_2906 = arith.constant 16 : i32
      %add3A_2907 = vector.broadcast %add3A_2906 : i32 to vector<16xi32>
      %add3A_2908 = arith.addi %iota3A, %add3A_2907 : vector<16xi32>
      %gather3A_2909 = arith.constant 3 : i32
      %gather3A_2910 = arith.constant 0 : i32
      %gather3A_2911 = arith.constant 0 : i32
      %gather3A_2912 = tpu.memref_slice %arg12[%gather3A_2909, %gather3A_2910, %gather3A_2911] : memref<8x32x128xf32, #tpu.memory_space<vmem>> -> memref<1x32x128xf32, #tpu.memory_space<vmem>>
      %gather3A_2913 = tpu.memref_squeeze %gather3A_2912 : memref<1x32x128xf32, #tpu.memory_space<vmem>> -> memref<32x128xf32, #tpu.memory_space<vmem>>
      %gather3A_2914 = tpu.vector_load_idx %gather3A_2913[%add3A_2908, %broadcast_in_dim3A_2892] : memref<32x128xf32, #tpu.memory_space<vmem>>[vector<16xi32>, vector<16xi32>], vector<16xf32>,
      %gather3A_2915 = tpu.vector_load_idx %arg14[%iota3A, %broadcast_in_dim3A_2897] : memref<32x128xf32, #tpu.memory_space<vmem>>[vector<16xi32>, vector<16xi32>], vector<16xf32>,
      %add3A_2916 = arith.constant 16 : i32
      %add3A_2917 = vector.broadcast %add3A_2916 : i32 to vector<16xi32>
      %add3A_2918 = arith.addi %iota3A, %add3A_2917 : vector<16xi32>
      %gather3A_2919 = tpu.vector_load_idx %arg14[%add3A_2918, %broadcast_in_dim3A_2897] : memref<32x128xf32, #tpu.memory_space<vmem>>[vector<16xi32>, vector<16xi32>], vector<16xf32>,
      %select_n3A_2920 = arith.select %lt3A_2899, %gather3A_2905, %gather3A_2915 : vector<16xf32>
      %select_n3A_2921 = arith.select %lt3A_2899, %gather3A_2914, %gather3A_2919 : vector<16xf32>
      %mul3A_2922 = arith.mulf %select_n3A_2883, %select_n3A_2920 : vector<16xf32>
      %mul3A_2923 = arith.mulf %select_n3A_2884, %select_n3A_2921 : vector<16xf32>
      %add3A_2924 = arith.addf %mul3A_2922, %mul3A_2923 : vector<16xf32>
      %reduce_sum3A_2925 = arith.constant true
      %reduce_sum3A_2926 = vector.broadcast %reduce_sum3A_2925 : i1 to vector<16xi1>
      %reduce_sum3A_2927 = tpu.scan <sum>, %add3A_2924 masked %reduce_sum3A_2926 : vector<16xf32>, vector<16xi1> -> vector<16xf32>
      %reduce_sum3A_2928 = vector.extract %reduce_sum3A_2927[15] : f32 from vector<16xf32>
      %eq3A_2929 = arith.constant 3 : i32
      %eq3A_2930 = vector.broadcast %eq3A_2929 : i32 to vector<16xi32>
      %eq3A_2931 = arith.cmpi eq, %iota3A, %eq3A_2930 : vector<16xi32>
      %broadcast_in_dim3A_2932 = vector.broadcast %reduce_sum3A_2928 : f32 to vector<16xf32>
      %select_n3A_2933 = arith.select %eq3A_2931, %broadcast_in_dim3A_2932, %select_n3A_2750 : vector<16xi1>, vector<16xf32>
      %slice3A_2934 = vector.extract_strided_slice %select_n3A_2933 {offsets = [11], sizes = [1], strides = [1]} : vector<16xf32> to vector<1xf32>
      %squeeze3A_2935 = vector.extract %slice3A_2934[0] : f32 from vector<1xf32>
      %mul3A_2936 = arith.constant 0.000000e+00 : f32
      %mul3A_2937 = arith.mulf %squeeze3A_2935, %mul3A_2936 : f32
      %convert_element_type3A_2938 = arith.fptosi %mul3A_2937 : f32 to i32
      %slice3A_2939 = vector.extract_strided_slice %get3A_1014 {offsets = [11], sizes = [1], strides = [1]} : vector<16xi32> to vector<1xi32>
      %squeeze3A_2940 = vector.extract %slice3A_2939[0] : i32 from vector<1xi32>
      %add3A_2941 = arith.addi %squeeze3A_2940, %convert_element_type3A_2938 : i32
      %min3A_2942 = arith.constant 999935 : i32
      %min3A_2943 = arith.minsi %add3A_2941, %min3A_2942 : i32
      %shift_right_arithmetic3A_2944 = arith.constant 7 : i32
      %shift_right_arithmetic3A_2945 = arith.shrsi %min3A_2943, %shift_right_arithmetic3A_2944 : i32
      %mul3A_2946 = arith.constant 128 : i32
      %mul3A_2947 = arith.muli %shift_right_arithmetic3A_2945, %mul3A_2946 : i32
      %multiple_of3A_2948 = tpu.assume_multiple %mul3A_2947, 128 : i32
      %dma_start3A_2949 = arith.constant 3 : i32
      %dma_start3A_2950 = arith.constant 3 : i32
      %dma_start3A_2951 = arith.constant 0 : i32
      %dma_start3A_2952 = arith.constant 0 : i32
      %dma_start3A_2953 = tpu.memref_slice %arg11[%dma_start3A_2949, %dma_start3A_2951, %dma_start3A_2952] : memref<8x32x128xf32, #tpu.memory_space<vmem>> -> memref<1x32x128xf32, #tpu.memory_space<vmem>>
      %dma_start3A_2954 = tpu.memref_squeeze %dma_start3A_2953 : memref<1x32x128xf32, #tpu.memory_space<vmem>> -> memref<32x128xf32, #tpu.memory_space<vmem>>
      %dma_start3A_2955 = arith.constant 0 : i32
      %dma_start3A_2956 = tpu.memref_slice %arg4[%dma_start3A_2955, %multiple_of3A_2948] : memref<32x1000000xf32, #tpu.memory_space<hbm>> -> memref<32x128xf32, #tpu.memory_space<hbm>>
      %dma_start3A_2957 = tpu.memref_slice %arg16[%dma_start3A_2950] : memref<8x!tpu.dma_semaphore, #tpu.memory_space<semaphore_mem>> -> memref<1x!tpu.dma_semaphore, #tpu.memory_space<semaphore_mem>>
      %dma_start3A_2958 = tpu.memref_squeeze %dma_start3A_2957 : memref<1x!tpu.dma_semaphore, #tpu.memory_space<semaphore_mem>> -> memref<!tpu.dma_semaphore, #tpu.memory_space<semaphore_mem>>
      %dma_start3A_2959 = arith.constant 0 : i32
      %dma_start3A_2960 = arith.constant 0 : i32
      %dma_start3A_2961 = tpu.memref_slice %arg11[%dma_start3A_2949, %dma_start3A_2959, %dma_start3A_2960] : memref<8x32x128xf32, #tpu.memory_space<vmem>> -> memref<1x32x128xf32, #tpu.memory_space<vmem>>
      %dma_start3A_2962 = tpu.memref_squeeze %dma_start3A_2961 : memref<1x32x128xf32, #tpu.memory_space<vmem>> -> memref<32x128xf32, #tpu.memory_space<vmem>>
      %dma_start3A_2963 = arith.constant 0 : i32
      %dma_start3A_2964 = tpu.memref_slice %arg4[%dma_start3A_2963, %multiple_of3A_2948] : memref<32x1000000xf32, #tpu.memory_space<hbm>> -> memref<32x128xf32, #tpu.memory_space<hbm>>
      tpu.enqueue_dma source(%dma_start3A_2964 : memref<32x128xf32, #tpu.memory_space<hbm>>) target(%dma_start3A_2962 : memref<32x128xf32, #tpu.memory_space<vmem>>) target_semaphore(%dma_start3A_2958 : memref<!tpu.dma_semaphore, #tpu.memory_space<semaphore_mem>>)
      %slice3A_2965 = vector.extract_strided_slice %get3A_1017 {offsets = [11], sizes = [1], strides = [1]} : vector<16xi32> to vector<1xi32>
      %squeeze3A_2966 = vector.extract %slice3A_2965[0] : i32 from vector<1xi32>
      %add3A_2967 = arith.addi %squeeze3A_2966, %convert_element_type3A_2938 : i32
      %min3A_2968 = arith.constant 999935 : i32
      %min3A_2969 = arith.minsi %add3A_2967, %min3A_2968 : i32
      %shift_right_arithmetic3A_2970 = arith.constant 7 : i32
      %shift_right_arithmetic3A_2971 = arith.shrsi %min3A_2969, %shift_right_arithmetic3A_2970 : i32
      %mul3A_2972 = arith.constant 128 : i32
      %mul3A_2973 = arith.muli %shift_right_arithmetic3A_2971, %mul3A_2972 : i32
      %multiple_of3A_2974 = tpu.assume_multiple %mul3A_2973, 128 : i32
      %dma_start3A_2975 = arith.constant 3 : i32
      %dma_start3A_2976 = arith.constant 3 : i32
      %dma_start3A_2977 = arith.constant 0 : i32
      %dma_start3A_2978 = arith.constant 0 : i32
      %dma_start3A_2979 = tpu.memref_slice %arg12[%dma_start3A_2975, %dma_start3A_2977, %dma_start3A_2978] : memref<8x32x128xf32, #tpu.memory_space<vmem>> -> memref<1x32x128xf32, #tpu.memory_space<vmem>>
      %dma_start3A_2980 = tpu.memref_squeeze %dma_start3A_2979 : memref<1x32x128xf32, #tpu.memory_space<vmem>> -> memref<32x128xf32, #tpu.memory_space<vmem>>
      %dma_start3A_2981 = arith.constant 0 : i32
      %dma_start3A_2982 = tpu.memref_slice %arg5[%dma_start3A_2981, %multiple_of3A_2974] : memref<32x1000000xf32, #tpu.memory_space<hbm>> -> memref<32x128xf32, #tpu.memory_space<hbm>>
      %dma_start3A_2983 = tpu.memref_slice %arg16[%dma_start3A_2976] : memref<8x!tpu.dma_semaphore, #tpu.memory_space<semaphore_mem>> -> memref<1x!tpu.dma_semaphore, #tpu.memory_space<semaphore_mem>>
      %dma_start3A_2984 = tpu.memref_squeeze %dma_start3A_2983 : memref<1x!tpu.dma_semaphore, #tpu.memory_space<semaphore_mem>> -> memref<!tpu.dma_semaphore, #tpu.memory_space<semaphore_mem>>
      %dma_start3A_2985 = arith.constant 0 : i32
      %dma_start3A_2986 = arith.constant 0 : i32
      %dma_start3A_2987 = tpu.memref_slice %arg12[%dma_start3A_2975, %dma_start3A_2985, %dma_start3A_2986] : memref<8x32x128xf32, #tpu.memory_space<vmem>> -> memref<1x32x128xf32, #tpu.memory_space<vmem>>
      %dma_start3A_2988 = tpu.memref_squeeze %dma_start3A_2987 : memref<1x32x128xf32, #tpu.memory_space<vmem>> -> memref<32x128xf32, #tpu.memory_space<vmem>>
      %dma_start3A_2989 = arith.constant 0 : i32
      %dma_start3A_2990 = tpu.memref_slice %arg5[%dma_start3A_2989, %multiple_of3A_2974] : memref<32x1000000xf32, #tpu.memory_space<hbm>> -> memref<32x128xf32, #tpu.memory_space<hbm>>
      tpu.enqueue_dma source(%dma_start3A_2990 : memref<32x128xf32, #tpu.memory_space<hbm>>) target(%dma_start3A_2988 : memref<32x128xf32, #tpu.memory_space<vmem>>) target_semaphore(%dma_start3A_2984 : memref<!tpu.dma_semaphore, #tpu.memory_space<semaphore_mem>>)
      %dma_wait3A_2991 = arith.constant 4 : i32
      %dma_wait3A_2992 = arith.constant 4 : i32
      %dma_wait3A_2993 = arith.constant 0 : i32
      %dma_wait3A_2994 = arith.constant 0 : i32
      %dma_wait3A_2995 = tpu.memref_slice %arg11[%dma_wait3A_2991, %dma_wait3A_2993, %dma_wait3A_2994] : memref<8x32x128xf32, #tpu.memory_space<vmem>> -> memref<1x32x128xf32, #tpu.memory_space<vmem>>
      %dma_wait3A_2996 = tpu.memref_squeeze %dma_wait3A_2995 : memref<1x32x128xf32, #tpu.memory_space<vmem>> -> memref<32x128xf32, #tpu.memory_space<vmem>>
      %dma_wait3A_2997 = arith.constant 0 : i32
      %dma_wait3A_2998 = arith.constant 0 : i32
      %dma_wait3A_2999 = tpu.memref_slice %arg4[%dma_wait3A_2997, %dma_wait3A_2998] : memref<32x1000000xf32, #tpu.memory_space<hbm>> -> memref<32x128xf32, #tpu.memory_space<hbm>>
      %dma_wait3A_3000 = tpu.memref_slice %arg16[%dma_wait3A_2992] : memref<8x!tpu.dma_semaphore, #tpu.memory_space<semaphore_mem>> -> memref<1x!tpu.dma_semaphore, #tpu.memory_space<semaphore_mem>>
      %dma_wait3A_3001 = tpu.memref_squeeze %dma_wait3A_3000 : memref<1x!tpu.dma_semaphore, #tpu.memory_space<semaphore_mem>> -> memref<!tpu.dma_semaphore, #tpu.memory_space<semaphore_mem>>
      %dma_wait3A_3002 = arith.constant 0 : i32
      %dma_wait3A_3003 = arith.constant 0 : i32
      %dma_wait3A_3004 = tpu.memref_slice %arg11[%dma_wait3A_2991, %dma_wait3A_3002, %dma_wait3A_3003] : memref<8x32x128xf32, #tpu.memory_space<vmem>> -> memref<1x32x128xf32, #tpu.memory_space<vmem>>
      %dma_wait3A_3005 = tpu.memref_squeeze %dma_wait3A_3004 : memref<1x32x128xf32, #tpu.memory_space<vmem>> -> memref<32x128xf32, #tpu.memory_space<vmem>>
      %dma_wait3A_3006 = arith.constant 0 : i32
      %dma_wait3A_3007 = arith.constant 0 : i32
      %dma_wait3A_3008 = tpu.memref_slice %arg4[%dma_wait3A_3006, %dma_wait3A_3007] : memref<32x1000000xf32, #tpu.memory_space<hbm>> -> memref<32x128xf32, #tpu.memory_space<hbm>>
      tpu.wait_dma2 semaphore(%dma_wait3A_3001 : memref<!tpu.dma_semaphore, #tpu.memory_space<semaphore_mem>>) src(%dma_wait3A_3008 : memref<32x128xf32, #tpu.memory_space<hbm>>) dst(%dma_wait3A_3005 : memref<32x128xf32, #tpu.memory_space<vmem>>)
      %dma_wait3A_3009 = arith.constant 4 : i32
      %dma_wait3A_3010 = arith.constant 4 : i32
      %dma_wait3A_3011 = arith.constant 0 : i32
      %dma_wait3A_3012 = arith.constant 0 : i32
      %dma_wait3A_3013 = tpu.memref_slice %arg12[%dma_wait3A_3009, %dma_wait3A_3011, %dma_wait3A_3012] : memref<8x32x128xf32, #tpu.memory_space<vmem>> -> memref<1x32x128xf32, #tpu.memory_space<vmem>>
      %dma_wait3A_3014 = tpu.memref_squeeze %dma_wait3A_3013 : memref<1x32x128xf32, #tpu.memory_space<vmem>> -> memref<32x128xf32, #tpu.memory_space<vmem>>
      %dma_wait3A_3015 = arith.constant 0 : i32
      %dma_wait3A_3016 = arith.constant 0 : i32
      %dma_wait3A_3017 = tpu.memref_slice %arg5[%dma_wait3A_3015, %dma_wait3A_3016] : memref<32x1000000xf32, #tpu.memory_space<hbm>> -> memref<32x128xf32, #tpu.memory_space<hbm>>
      %dma_wait3A_3018 = tpu.memref_slice %arg16[%dma_wait3A_3010] : memref<8x!tpu.dma_semaphore, #tpu.memory_space<semaphore_mem>> -> memref<1x!tpu.dma_semaphore, #tpu.memory_space<semaphore_mem>>
      %dma_wait3A_3019 = tpu.memref_squeeze %dma_wait3A_3018 : memref<1x!tpu.dma_semaphore, #tpu.memory_space<semaphore_mem>> -> memref<!tpu.dma_semaphore, #tpu.memory_space<semaphore_mem>>
      %dma_wait3A_3020 = arith.constant 0 : i32
      %dma_wait3A_3021 = arith.constant 0 : i32
      %dma_wait3A_3022 = tpu.memref_slice %arg12[%dma_wait3A_3009, %dma_wait3A_3020, %dma_wait3A_3021] : memref<8x32x128xf32, #tpu.memory_space<vmem>> -> memref<1x32x128xf32, #tpu.memory_space<vmem>>
      %dma_wait3A_3023 = tpu.memref_squeeze %dma_wait3A_3022 : memref<1x32x128xf32, #tpu.memory_space<vmem>> -> memref<32x128xf32, #tpu.memory_space<vmem>>
      %dma_wait3A_3024 = arith.constant 0 : i32
      %dma_wait3A_3025 = arith.constant 0 : i32
      %dma_wait3A_3026 = tpu.memref_slice %arg5[%dma_wait3A_3024, %dma_wait3A_3025] : memref<32x1000000xf32, #tpu.memory_space<hbm>> -> memref<32x128xf32, #tpu.memory_space<hbm>>
      tpu.wait_dma2 semaphore(%dma_wait3A_3019 : memref<!tpu.dma_semaphore, #tpu.memory_space<semaphore_mem>>) src(%dma_wait3A_3026 : memref<32x128xf32, #tpu.memory_space<hbm>>) dst(%dma_wait3A_3023 : memref<32x128xf32, #tpu.memory_space<vmem>>)
      %slice3A_3027 = vector.extract_strided_slice %get3A_1014 {offsets = [4], sizes = [1], strides = [1]} : vector<16xi32> to vector<1xi32>
      %squeeze3A_3028 = vector.extract %slice3A_3027[0] : i32 from vector<1xi32>
      %slice3A_3029 = vector.extract_strided_slice %get3A_1017 {offsets = [4], sizes = [1], strides = [1]} : vector<16xi32> to vector<1xi32>
      %squeeze3A_3030 = vector.extract %slice3A_3029[0] : i32 from vector<1xi32>
      %min3A_3031 = arith.constant 999935 : i32
      %min3A_3032 = arith.minsi %squeeze3A_3028, %min3A_3031 : i32
      %shift_right_arithmetic3A_3033 = arith.constant 7 : i32
      %shift_right_arithmetic3A_3034 = arith.shrsi %min3A_3032, %shift_right_arithmetic3A_3033 : i32
      %mul3A_3035 = arith.constant 128 : i32
      %mul3A_3036 = arith.muli %shift_right_arithmetic3A_3034, %mul3A_3035 : i32
      %sub3A_3037 = arith.subi %min3A_3032, %mul3A_3036 : i32
      %broadcast_in_dim3A_3038 = vector.broadcast %sub3A_3037 : i32 to vector<16xi32>
      %sub3A_3039 = arith.constant 999936 : i32
      %sub3A_3040 = arith.subi %squeeze3A_3028, %sub3A_3039 : i32
      %max3A_3041 = arith.constant 0 : i32
      %max3A_3042 = arith.maxsi %sub3A_3040, %max3A_3041 : i32
      %broadcast_in_dim3A_3043 = vector.broadcast %max3A_3042 : i32 to vector<16xi32>
      %lt3A_3044 = arith.constant 999936 : i32
      %lt3A_3045 = arith.cmpi slt, %squeeze3A_3028, %lt3A_3044 : i32
      %gather3A_3046 = arith.constant 4 : i32
      %gather3A_3047 = arith.constant 0 : i32
      %gather3A_3048 = arith.constant 0 : i32
      %gather3A_3049 = tpu.memref_slice %arg11[%gather3A_3046, %gather3A_3047, %gather3A_3048] : memref<8x32x128xf32, #tpu.memory_space<vmem>> -> memref<1x32x128xf32, #tpu.memory_space<vmem>>
      %gather3A_3050 = tpu.memref_squeeze %gather3A_3049 : memref<1x32x128xf32, #tpu.memory_space<vmem>> -> memref<32x128xf32, #tpu.memory_space<vmem>>
      %gather3A_3051 = tpu.vector_load_idx %gather3A_3050[%iota3A, %broadcast_in_dim3A_3038] : memref<32x128xf32, #tpu.memory_space<vmem>>[vector<16xi32>, vector<16xi32>], vector<16xf32>,
      %add3A_3052 = arith.constant 16 : i32
      %add3A_3053 = vector.broadcast %add3A_3052 : i32 to vector<16xi32>
      %add3A_3054 = arith.addi %iota3A, %add3A_3053 : vector<16xi32>
      %gather3A_3055 = arith.constant 4 : i32
      %gather3A_3056 = arith.constant 0 : i32
      %gather3A_3057 = arith.constant 0 : i32
      %gather3A_3058 = tpu.memref_slice %arg11[%gather3A_3055, %gather3A_3056, %gather3A_3057] : memref<8x32x128xf32, #tpu.memory_space<vmem>> -> memref<1x32x128xf32, #tpu.memory_space<vmem>>
      %gather3A_3059 = tpu.memref_squeeze %gather3A_3058 : memref<1x32x128xf32, #tpu.memory_space<vmem>> -> memref<32x128xf32, #tpu.memory_space<vmem>>
      %gather3A_3060 = tpu.vector_load_idx %gather3A_3059[%add3A_3054, %broadcast_in_dim3A_3038] : memref<32x128xf32, #tpu.memory_space<vmem>>[vector<16xi32>, vector<16xi32>], vector<16xf32>,
      %gather3A_3061 = tpu.vector_load_idx %arg13[%iota3A, %broadcast_in_dim3A_3043] : memref<32x128xf32, #tpu.memory_space<vmem>>[vector<16xi32>, vector<16xi32>], vector<16xf32>,
      %add3A_3062 = arith.constant 16 : i32
      %add3A_3063 = vector.broadcast %add3A_3062 : i32 to vector<16xi32>
      %add3A_3064 = arith.addi %iota3A, %add3A_3063 : vector<16xi32>
      %gather3A_3065 = tpu.vector_load_idx %arg13[%add3A_3064, %broadcast_in_dim3A_3043] : memref<32x128xf32, #tpu.memory_space<vmem>>[vector<16xi32>, vector<16xi32>], vector<16xf32>,
      %select_n3A_3066 = arith.select %lt3A_3045, %gather3A_3051, %gather3A_3061 : vector<16xf32>
      %select_n3A_3067 = arith.select %lt3A_3045, %gather3A_3060, %gather3A_3065 : vector<16xf32>
      %min3A_3068 = arith.constant 999935 : i32
      %min3A_3069 = arith.minsi %squeeze3A_3030, %min3A_3068 : i32
      %shift_right_arithmetic3A_3070 = arith.constant 7 : i32
      %shift_right_arithmetic3A_3071 = arith.shrsi %min3A_3069, %shift_right_arithmetic3A_3070 : i32
      %mul3A_3072 = arith.constant 128 : i32
      %mul3A_3073 = arith.muli %shift_right_arithmetic3A_3071, %mul3A_3072 : i32
      %sub3A_3074 = arith.subi %min3A_3069, %mul3A_3073 : i32
      %broadcast_in_dim3A_3075 = vector.broadcast %sub3A_3074 : i32 to vector<16xi32>
      %sub3A_3076 = arith.constant 999936 : i32
      %sub3A_3077 = arith.subi %squeeze3A_3030, %sub3A_3076 : i32
      %max3A_3078 = arith.constant 0 : i32
      %max3A_3079 = arith.maxsi %sub3A_3077, %max3A_3078 : i32
      %broadcast_in_dim3A_3080 = vector.broadcast %max3A_3079 : i32 to vector<16xi32>
      %lt3A_3081 = arith.constant 999936 : i32
      %lt3A_3082 = arith.cmpi slt, %squeeze3A_3030, %lt3A_3081 : i32
      %gather3A_3083 = arith.constant 4 : i32
      %gather3A_3084 = arith.constant 0 : i32
      %gather3A_3085 = arith.constant 0 : i32
      %gather3A_3086 = tpu.memref_slice %arg12[%gather3A_3083, %gather3A_3084, %gather3A_3085] : memref<8x32x128xf32, #tpu.memory_space<vmem>> -> memref<1x32x128xf32, #tpu.memory_space<vmem>>
      %gather3A_3087 = tpu.memref_squeeze %gather3A_3086 : memref<1x32x128xf32, #tpu.memory_space<vmem>> -> memref<32x128xf32, #tpu.memory_space<vmem>>
      %gather3A_3088 = tpu.vector_load_idx %gather3A_3087[%iota3A, %broadcast_in_dim3A_3075] : memref<32x128xf32, #tpu.memory_space<vmem>>[vector<16xi32>, vector<16xi32>], vector<16xf32>,
      %add3A_3089 = arith.constant 16 : i32
      %add3A_3090 = vector.broadcast %add3A_3089 : i32 to vector<16xi32>
      %add3A_3091 = arith.addi %iota3A, %add3A_3090 : vector<16xi32>
      %gather3A_3092 = arith.constant 4 : i32
      %gather3A_3093 = arith.constant 0 : i32
      %gather3A_3094 = arith.constant 0 : i32
      %gather3A_3095 = tpu.memref_slice %arg12[%gather3A_3092, %gather3A_3093, %gather3A_3094] : memref<8x32x128xf32, #tpu.memory_space<vmem>> -> memref<1x32x128xf32, #tpu.memory_space<vmem>>
      %gather3A_3096 = tpu.memref_squeeze %gather3A_3095 : memref<1x32x128xf32, #tpu.memory_space<vmem>> -> memref<32x128xf32, #tpu.memory_space<vmem>>
      %gather3A_3097 = tpu.vector_load_idx %gather3A_3096[%add3A_3091, %broadcast_in_dim3A_3075] : memref<32x128xf32, #tpu.memory_space<vmem>>[vector<16xi32>, vector<16xi32>], vector<16xf32>,
      %gather3A_3098 = tpu.vector_load_idx %arg14[%iota3A, %broadcast_in_dim3A_3080] : memref<32x128xf32, #tpu.memory_space<vmem>>[vector<16xi32>, vector<16xi32>], vector<16xf32>,
      %add3A_3099 = arith.constant 16 : i32
      %add3A_3100 = vector.broadcast %add3A_3099 : i32 to vector<16xi32>
      %add3A_3101 = arith.addi %iota3A, %add3A_3100 : vector<16xi32>
      %gather3A_3102 = tpu.vector_load_idx %arg14[%add3A_3101, %broadcast_in_dim3A_3080] : memref<32x128xf32, #tpu.memory_space<vmem>>[vector<16xi32>, vector<16xi32>], vector<16xf32>,
      %select_n3A_3103 = arith.select %lt3A_3082, %gather3A_3088, %gather3A_3098 : vector<16xf32>
      %select_n3A_3104 = arith.select %lt3A_3082, %gather3A_3097, %gather3A_3102 : vector<16xf32>
      %mul3A_3105 = arith.mulf %select_n3A_3066, %select_n3A_3103 : vector<16xf32>
      %mul3A_3106 = arith.mulf %select_n3A_3067, %select_n3A_3104 : vector<16xf32>
      %add3A_3107 = arith.addf %mul3A_3105, %mul3A_3106 : vector<16xf32>
      %reduce_sum3A_3108 = arith.constant true
      %reduce_sum3A_3109 = vector.broadcast %reduce_sum3A_3108 : i1 to vector<16xi1>
      %reduce_sum3A_3110 = tpu.scan <sum>, %add3A_3107 masked %reduce_sum3A_3109 : vector<16xf32>, vector<16xi1> -> vector<16xf32>
      %reduce_sum3A_3111 = vector.extract %reduce_sum3A_3110[15] : f32 from vector<16xf32>
      %eq3A_3112 = arith.constant 4 : i32
      %eq3A_3113 = vector.broadcast %eq3A_3112 : i32 to vector<16xi32>
      %eq3A_3114 = arith.cmpi eq, %iota3A, %eq3A_3113 : vector<16xi32>
      %broadcast_in_dim3A_3115 = vector.broadcast %reduce_sum3A_3111 : f32 to vector<16xf32>
      %select_n3A_3116 = arith.select %eq3A_3114, %broadcast_in_dim3A_3115, %select_n3A_2933 : vector<16xi1>, vector<16xf32>
      %slice3A_3117 = vector.extract_strided_slice %select_n3A_3116 {offsets = [12], sizes = [1], strides = [1]} : vector<16xf32> to vector<1xf32>
      %squeeze3A_3118 = vector.extract %slice3A_3117[0] : f32 from vector<1xf32>
      %mul3A_3119 = arith.constant 0.000000e+00 : f32
      %mul3A_3120 = arith.mulf %squeeze3A_3118, %mul3A_3119 : f32
      %convert_element_type3A_3121 = arith.fptosi %mul3A_3120 : f32 to i32
      %slice3A_3122 = vector.extract_strided_slice %get3A_1014 {offsets = [12], sizes = [1], strides = [1]} : vector<16xi32> to vector<1xi32>
      %squeeze3A_3123 = vector.extract %slice3A_3122[0] : i32 from vector<1xi32>
      %add3A_3124 = arith.addi %squeeze3A_3123, %convert_element_type3A_3121 : i32
      %min3A_3125 = arith.constant 999935 : i32
      %min3A_3126 = arith.minsi %add3A_3124, %min3A_3125 : i32
      %shift_right_arithmetic3A_3127 = arith.constant 7 : i32
      %shift_right_arithmetic3A_3128 = arith.shrsi %min3A_3126, %shift_right_arithmetic3A_3127 : i32
      %mul3A_3129 = arith.constant 128 : i32
      %mul3A_3130 = arith.muli %shift_right_arithmetic3A_3128, %mul3A_3129 : i32
      %multiple_of3A_3131 = tpu.assume_multiple %mul3A_3130, 128 : i32
      %dma_start3A_3132 = arith.constant 4 : i32
      %dma_start3A_3133 = arith.constant 4 : i32
      %dma_start3A_3134 = arith.constant 0 : i32
      %dma_start3A_3135 = arith.constant 0 : i32
      %dma_start3A_3136 = tpu.memref_slice %arg11[%dma_start3A_3132, %dma_start3A_3134, %dma_start3A_3135] : memref<8x32x128xf32, #tpu.memory_space<vmem>> -> memref<1x32x128xf32, #tpu.memory_space<vmem>>
      %dma_start3A_3137 = tpu.memref_squeeze %dma_start3A_3136 : memref<1x32x128xf32, #tpu.memory_space<vmem>> -> memref<32x128xf32, #tpu.memory_space<vmem>>
      %dma_start3A_3138 = arith.constant 0 : i32
      %dma_start3A_3139 = tpu.memref_slice %arg4[%dma_start3A_3138, %multiple_of3A_3131] : memref<32x1000000xf32, #tpu.memory_space<hbm>> -> memref<32x128xf32, #tpu.memory_space<hbm>>
      %dma_start3A_3140 = tpu.memref_slice %arg16[%dma_start3A_3133] : memref<8x!tpu.dma_semaphore, #tpu.memory_space<semaphore_mem>> -> memref<1x!tpu.dma_semaphore, #tpu.memory_space<semaphore_mem>>
      %dma_start3A_3141 = tpu.memref_squeeze %dma_start3A_3140 : memref<1x!tpu.dma_semaphore, #tpu.memory_space<semaphore_mem>> -> memref<!tpu.dma_semaphore, #tpu.memory_space<semaphore_mem>>
      %dma_start3A_3142 = arith.constant 0 : i32
      %dma_start3A_3143 = arith.constant 0 : i32
      %dma_start3A_3144 = tpu.memref_slice %arg11[%dma_start3A_3132, %dma_start3A_3142, %dma_start3A_3143] : memref<8x32x128xf32, #tpu.memory_space<vmem>> -> memref<1x32x128xf32, #tpu.memory_space<vmem>>
      %dma_start3A_3145 = tpu.memref_squeeze %dma_start3A_3144 : memref<1x32x128xf32, #tpu.memory_space<vmem>> -> memref<32x128xf32, #tpu.memory_space<vmem>>
      %dma_start3A_3146 = arith.constant 0 : i32
      %dma_start3A_3147 = tpu.memref_slice %arg4[%dma_start3A_3146, %multiple_of3A_3131] : memref<32x1000000xf32, #tpu.memory_space<hbm>> -> memref<32x128xf32, #tpu.memory_space<hbm>>
      tpu.enqueue_dma source(%dma_start3A_3147 : memref<32x128xf32, #tpu.memory_space<hbm>>) target(%dma_start3A_3145 : memref<32x128xf32, #tpu.memory_space<vmem>>) target_semaphore(%dma_start3A_3141 : memref<!tpu.dma_semaphore, #tpu.memory_space<semaphore_mem>>)
      %slice3A_3148 = vector.extract_strided_slice %get3A_1017 {offsets = [12], sizes = [1], strides = [1]} : vector<16xi32> to vector<1xi32>
      %squeeze3A_3149 = vector.extract %slice3A_3148[0] : i32 from vector<1xi32>
      %add3A_3150 = arith.addi %squeeze3A_3149, %convert_element_type3A_3121 : i32
      %min3A_3151 = arith.constant 999935 : i32
      %min3A_3152 = arith.minsi %add3A_3150, %min3A_3151 : i32
      %shift_right_arithmetic3A_3153 = arith.constant 7 : i32
      %shift_right_arithmetic3A_3154 = arith.shrsi %min3A_3152, %shift_right_arithmetic3A_3153 : i32
      %mul3A_3155 = arith.constant 128 : i32
      %mul3A_3156 = arith.muli %shift_right_arithmetic3A_3154, %mul3A_3155 : i32
      %multiple_of3A_3157 = tpu.assume_multiple %mul3A_3156, 128 : i32
      %dma_start3A_3158 = arith.constant 4 : i32
      %dma_start3A_3159 = arith.constant 4 : i32
      %dma_start3A_3160 = arith.constant 0 : i32
      %dma_start3A_3161 = arith.constant 0 : i32
      %dma_start3A_3162 = tpu.memref_slice %arg12[%dma_start3A_3158, %dma_start3A_3160, %dma_start3A_3161] : memref<8x32x128xf32, #tpu.memory_space<vmem>> -> memref<1x32x128xf32, #tpu.memory_space<vmem>>
      %dma_start3A_3163 = tpu.memref_squeeze %dma_start3A_3162 : memref<1x32x128xf32, #tpu.memory_space<vmem>> -> memref<32x128xf32, #tpu.memory_space<vmem>>
      %dma_start3A_3164 = arith.constant 0 : i32
      %dma_start3A_3165 = tpu.memref_slice %arg5[%dma_start3A_3164, %multiple_of3A_3157] : memref<32x1000000xf32, #tpu.memory_space<hbm>> -> memref<32x128xf32, #tpu.memory_space<hbm>>
      %dma_start3A_3166 = tpu.memref_slice %arg16[%dma_start3A_3159] : memref<8x!tpu.dma_semaphore, #tpu.memory_space<semaphore_mem>> -> memref<1x!tpu.dma_semaphore, #tpu.memory_space<semaphore_mem>>
      %dma_start3A_3167 = tpu.memref_squeeze %dma_start3A_3166 : memref<1x!tpu.dma_semaphore, #tpu.memory_space<semaphore_mem>> -> memref<!tpu.dma_semaphore, #tpu.memory_space<semaphore_mem>>
      %dma_start3A_3168 = arith.constant 0 : i32
      %dma_start3A_3169 = arith.constant 0 : i32
      %dma_start3A_3170 = tpu.memref_slice %arg12[%dma_start3A_3158, %dma_start3A_3168, %dma_start3A_3169] : memref<8x32x128xf32, #tpu.memory_space<vmem>> -> memref<1x32x128xf32, #tpu.memory_space<vmem>>
      %dma_start3A_3171 = tpu.memref_squeeze %dma_start3A_3170 : memref<1x32x128xf32, #tpu.memory_space<vmem>> -> memref<32x128xf32, #tpu.memory_space<vmem>>
      %dma_start3A_3172 = arith.constant 0 : i32
      %dma_start3A_3173 = tpu.memref_slice %arg5[%dma_start3A_3172, %multiple_of3A_3157] : memref<32x1000000xf32, #tpu.memory_space<hbm>> -> memref<32x128xf32, #tpu.memory_space<hbm>>
      tpu.enqueue_dma source(%dma_start3A_3173 : memref<32x128xf32, #tpu.memory_space<hbm>>) target(%dma_start3A_3171 : memref<32x128xf32, #tpu.memory_space<vmem>>) target_semaphore(%dma_start3A_3167 : memref<!tpu.dma_semaphore, #tpu.memory_space<semaphore_mem>>)
      %dma_wait3A_3174 = arith.constant 5 : i32
      %dma_wait3A_3175 = arith.constant 5 : i32
      %dma_wait3A_3176 = arith.constant 0 : i32
      %dma_wait3A_3177 = arith.constant 0 : i32
      %dma_wait3A_3178 = tpu.memref_slice %arg11[%dma_wait3A_3174, %dma_wait3A_3176, %dma_wait3A_3177] : memref<8x32x128xf32, #tpu.memory_space<vmem>> -> memref<1x32x128xf32, #tpu.memory_space<vmem>>
      %dma_wait3A_3179 = tpu.memref_squeeze %dma_wait3A_3178 : memref<1x32x128xf32, #tpu.memory_space<vmem>> -> memref<32x128xf32, #tpu.memory_space<vmem>>
      %dma_wait3A_3180 = arith.constant 0 : i32
      %dma_wait3A_3181 = arith.constant 0 : i32
      %dma_wait3A_3182 = tpu.memref_slice %arg4[%dma_wait3A_3180, %dma_wait3A_3181] : memref<32x1000000xf32, #tpu.memory_space<hbm>> -> memref<32x128xf32, #tpu.memory_space<hbm>>
      %dma_wait3A_3183 = tpu.memref_slice %arg16[%dma_wait3A_3175] : memref<8x!tpu.dma_semaphore, #tpu.memory_space<semaphore_mem>> -> memref<1x!tpu.dma_semaphore, #tpu.memory_space<semaphore_mem>>
      %dma_wait3A_3184 = tpu.memref_squeeze %dma_wait3A_3183 : memref<1x!tpu.dma_semaphore, #tpu.memory_space<semaphore_mem>> -> memref<!tpu.dma_semaphore, #tpu.memory_space<semaphore_mem>>
      %dma_wait3A_3185 = arith.constant 0 : i32
      %dma_wait3A_3186 = arith.constant 0 : i32
      %dma_wait3A_3187 = tpu.memref_slice %arg11[%dma_wait3A_3174, %dma_wait3A_3185, %dma_wait3A_3186] : memref<8x32x128xf32, #tpu.memory_space<vmem>> -> memref<1x32x128xf32, #tpu.memory_space<vmem>>
      %dma_wait3A_3188 = tpu.memref_squeeze %dma_wait3A_3187 : memref<1x32x128xf32, #tpu.memory_space<vmem>> -> memref<32x128xf32, #tpu.memory_space<vmem>>
      %dma_wait3A_3189 = arith.constant 0 : i32
      %dma_wait3A_3190 = arith.constant 0 : i32
      %dma_wait3A_3191 = tpu.memref_slice %arg4[%dma_wait3A_3189, %dma_wait3A_3190] : memref<32x1000000xf32, #tpu.memory_space<hbm>> -> memref<32x128xf32, #tpu.memory_space<hbm>>
      tpu.wait_dma2 semaphore(%dma_wait3A_3184 : memref<!tpu.dma_semaphore, #tpu.memory_space<semaphore_mem>>) src(%dma_wait3A_3191 : memref<32x128xf32, #tpu.memory_space<hbm>>) dst(%dma_wait3A_3188 : memref<32x128xf32, #tpu.memory_space<vmem>>)
      %dma_wait3A_3192 = arith.constant 5 : i32
      %dma_wait3A_3193 = arith.constant 5 : i32
      %dma_wait3A_3194 = arith.constant 0 : i32
      %dma_wait3A_3195 = arith.constant 0 : i32
      %dma_wait3A_3196 = tpu.memref_slice %arg12[%dma_wait3A_3192, %dma_wait3A_3194, %dma_wait3A_3195] : memref<8x32x128xf32, #tpu.memory_space<vmem>> -> memref<1x32x128xf32, #tpu.memory_space<vmem>>
      %dma_wait3A_3197 = tpu.memref_squeeze %dma_wait3A_3196 : memref<1x32x128xf32, #tpu.memory_space<vmem>> -> memref<32x128xf32, #tpu.memory_space<vmem>>
      %dma_wait3A_3198 = arith.constant 0 : i32
      %dma_wait3A_3199 = arith.constant 0 : i32
      %dma_wait3A_3200 = tpu.memref_slice %arg5[%dma_wait3A_3198, %dma_wait3A_3199] : memref<32x1000000xf32, #tpu.memory_space<hbm>> -> memref<32x128xf32, #tpu.memory_space<hbm>>
      %dma_wait3A_3201 = tpu.memref_slice %arg16[%dma_wait3A_3193] : memref<8x!tpu.dma_semaphore, #tpu.memory_space<semaphore_mem>> -> memref<1x!tpu.dma_semaphore, #tpu.memory_space<semaphore_mem>>
      %dma_wait3A_3202 = tpu.memref_squeeze %dma_wait3A_3201 : memref<1x!tpu.dma_semaphore, #tpu.memory_space<semaphore_mem>> -> memref<!tpu.dma_semaphore, #tpu.memory_space<semaphore_mem>>
      %dma_wait3A_3203 = arith.constant 0 : i32
      %dma_wait3A_3204 = arith.constant 0 : i32
      %dma_wait3A_3205 = tpu.memref_slice %arg12[%dma_wait3A_3192, %dma_wait3A_3203, %dma_wait3A_3204] : memref<8x32x128xf32, #tpu.memory_space<vmem>> -> memref<1x32x128xf32, #tpu.memory_space<vmem>>
      %dma_wait3A_3206 = tpu.memref_squeeze %dma_wait3A_3205 : memref<1x32x128xf32, #tpu.memory_space<vmem>> -> memref<32x128xf32, #tpu.memory_space<vmem>>
      %dma_wait3A_3207 = arith.constant 0 : i32
      %dma_wait3A_3208 = arith.constant 0 : i32
      %dma_wait3A_3209 = tpu.memref_slice %arg5[%dma_wait3A_3207, %dma_wait3A_3208] : memref<32x1000000xf32, #tpu.memory_space<hbm>> -> memref<32x128xf32, #tpu.memory_space<hbm>>
      tpu.wait_dma2 semaphore(%dma_wait3A_3202 : memref<!tpu.dma_semaphore, #tpu.memory_space<semaphore_mem>>) src(%dma_wait3A_3209 : memref<32x128xf32, #tpu.memory_space<hbm>>) dst(%dma_wait3A_3206 : memref<32x128xf32, #tpu.memory_space<vmem>>)
      %slice3A_3210 = vector.extract_strided_slice %get3A_1014 {offsets = [5], sizes = [1], strides = [1]} : vector<16xi32> to vector<1xi32>
      %squeeze3A_3211 = vector.extract %slice3A_3210[0] : i32 from vector<1xi32>
      %slice3A_3212 = vector.extract_strided_slice %get3A_1017 {offsets = [5], sizes = [1], strides = [1]} : vector<16xi32> to vector<1xi32>
      %squeeze3A_3213 = vector.extract %slice3A_3212[0] : i32 from vector<1xi32>
      %min3A_3214 = arith.constant 999935 : i32
      %min3A_3215 = arith.minsi %squeeze3A_3211, %min3A_3214 : i32
      %shift_right_arithmetic3A_3216 = arith.constant 7 : i32
      %shift_right_arithmetic3A_3217 = arith.shrsi %min3A_3215, %shift_right_arithmetic3A_3216 : i32
      %mul3A_3218 = arith.constant 128 : i32
      %mul3A_3219 = arith.muli %shift_right_arithmetic3A_3217, %mul3A_3218 : i32
      %sub3A_3220 = arith.subi %min3A_3215, %mul3A_3219 : i32
      %broadcast_in_dim3A_3221 = vector.broadcast %sub3A_3220 : i32 to vector<16xi32>
      %sub3A_3222 = arith.constant 999936 : i32
      %sub3A_3223 = arith.subi %squeeze3A_3211, %sub3A_3222 : i32
      %max3A_3224 = arith.constant 0 : i32
      %max3A_3225 = arith.maxsi %sub3A_3223, %max3A_3224 : i32
      %broadcast_in_dim3A_3226 = vector.broadcast %max3A_3225 : i32 to vector<16xi32>
      %lt3A_3227 = arith.constant 999936 : i32
      %lt3A_3228 = arith.cmpi slt, %squeeze3A_3211, %lt3A_3227 : i32
      %gather3A_3229 = arith.constant 5 : i32
      %gather3A_3230 = arith.constant 0 : i32
      %gather3A_3231 = arith.constant 0 : i32
      %gather3A_3232 = tpu.memref_slice %arg11[%gather3A_3229, %gather3A_3230, %gather3A_3231] : memref<8x32x128xf32, #tpu.memory_space<vmem>> -> memref<1x32x128xf32, #tpu.memory_space<vmem>>
      %gather3A_3233 = tpu.memref_squeeze %gather3A_3232 : memref<1x32x128xf32, #tpu.memory_space<vmem>> -> memref<32x128xf32, #tpu.memory_space<vmem>>
      %gather3A_3234 = tpu.vector_load_idx %gather3A_3233[%iota3A, %broadcast_in_dim3A_3221] : memref<32x128xf32, #tpu.memory_space<vmem>>[vector<16xi32>, vector<16xi32>], vector<16xf32>,
      %add3A_3235 = arith.constant 16 : i32
      %add3A_3236 = vector.broadcast %add3A_3235 : i32 to vector<16xi32>
      %add3A_3237 = arith.addi %iota3A, %add3A_3236 : vector<16xi32>
      %gather3A_3238 = arith.constant 5 : i32
      %gather3A_3239 = arith.constant 0 : i32
      %gather3A_3240 = arith.constant 0 : i32
      %gather3A_3241 = tpu.memref_slice %arg11[%gather3A_3238, %gather3A_3239, %gather3A_3240] : memref<8x32x128xf32, #tpu.memory_space<vmem>> -> memref<1x32x128xf32, #tpu.memory_space<vmem>>
      %gather3A_3242 = tpu.memref_squeeze %gather3A_3241 : memref<1x32x128xf32, #tpu.memory_space<vmem>> -> memref<32x128xf32, #tpu.memory_space<vmem>>
      %gather3A_3243 = tpu.vector_load_idx %gather3A_3242[%add3A_3237, %broadcast_in_dim3A_3221] : memref<32x128xf32, #tpu.memory_space<vmem>>[vector<16xi32>, vector<16xi32>], vector<16xf32>,
      %gather3A_3244 = tpu.vector_load_idx %arg13[%iota3A, %broadcast_in_dim3A_3226] : memref<32x128xf32, #tpu.memory_space<vmem>>[vector<16xi32>, vector<16xi32>], vector<16xf32>,
      %add3A_3245 = arith.constant 16 : i32
      %add3A_3246 = vector.broadcast %add3A_3245 : i32 to vector<16xi32>
      %add3A_3247 = arith.addi %iota3A, %add3A_3246 : vector<16xi32>
      %gather3A_3248 = tpu.vector_load_idx %arg13[%add3A_3247, %broadcast_in_dim3A_3226] : memref<32x128xf32, #tpu.memory_space<vmem>>[vector<16xi32>, vector<16xi32>], vector<16xf32>,
      %select_n3A_3249 = arith.select %lt3A_3228, %gather3A_3234, %gather3A_3244 : vector<16xf32>
      %select_n3A_3250 = arith.select %lt3A_3228, %gather3A_3243, %gather3A_3248 : vector<16xf32>
      %min3A_3251 = arith.constant 999935 : i32
      %min3A_3252 = arith.minsi %squeeze3A_3213, %min3A_3251 : i32
      %shift_right_arithmetic3A_3253 = arith.constant 7 : i32
      %shift_right_arithmetic3A_3254 = arith.shrsi %min3A_3252, %shift_right_arithmetic3A_3253 : i32
      %mul3A_3255 = arith.constant 128 : i32
      %mul3A_3256 = arith.muli %shift_right_arithmetic3A_3254, %mul3A_3255 : i32
      %sub3A_3257 = arith.subi %min3A_3252, %mul3A_3256 : i32
      %broadcast_in_dim3A_3258 = vector.broadcast %sub3A_3257 : i32 to vector<16xi32>
      %sub3A_3259 = arith.constant 999936 : i32
      %sub3A_3260 = arith.subi %squeeze3A_3213, %sub3A_3259 : i32
      %max3A_3261 = arith.constant 0 : i32
      %max3A_3262 = arith.maxsi %sub3A_3260, %max3A_3261 : i32
      %broadcast_in_dim3A_3263 = vector.broadcast %max3A_3262 : i32 to vector<16xi32>
      %lt3A_3264 = arith.constant 999936 : i32
      %lt3A_3265 = arith.cmpi slt, %squeeze3A_3213, %lt3A_3264 : i32
      %gather3A_3266 = arith.constant 5 : i32
      %gather3A_3267 = arith.constant 0 : i32
      %gather3A_3268 = arith.constant 0 : i32
      %gather3A_3269 = tpu.memref_slice %arg12[%gather3A_3266, %gather3A_3267, %gather3A_3268] : memref<8x32x128xf32, #tpu.memory_space<vmem>> -> memref<1x32x128xf32, #tpu.memory_space<vmem>>
      %gather3A_3270 = tpu.memref_squeeze %gather3A_3269 : memref<1x32x128xf32, #tpu.memory_space<vmem>> -> memref<32x128xf32, #tpu.memory_space<vmem>>
      %gather3A_3271 = tpu.vector_load_idx %gather3A_3270[%iota3A, %broadcast_in_dim3A_3258] : memref<32x128xf32, #tpu.memory_space<vmem>>[vector<16xi32>, vector<16xi32>], vector<16xf32>,
      %add3A_3272 = arith.constant 16 : i32
      %add3A_3273 = vector.broadcast %add3A_3272 : i32 to vector<16xi32>
      %add3A_3274 = arith.addi %iota3A, %add3A_3273 : vector<16xi32>
      %gather3A_3275 = arith.constant 5 : i32
      %gather3A_3276 = arith.constant 0 : i32
      %gather3A_3277 = arith.constant 0 : i32
      %gather3A_3278 = tpu.memref_slice %arg12[%gather3A_3275, %gather3A_3276, %gather3A_3277] : memref<8x32x128xf32, #tpu.memory_space<vmem>> -> memref<1x32x128xf32, #tpu.memory_space<vmem>>
      %gather3A_3279 = tpu.memref_squeeze %gather3A_3278 : memref<1x32x128xf32, #tpu.memory_space<vmem>> -> memref<32x128xf32, #tpu.memory_space<vmem>>
      %gather3A_3280 = tpu.vector_load_idx %gather3A_3279[%add3A_3274, %broadcast_in_dim3A_3258] : memref<32x128xf32, #tpu.memory_space<vmem>>[vector<16xi32>, vector<16xi32>], vector<16xf32>,
      %gather3A_3281 = tpu.vector_load_idx %arg14[%iota3A, %broadcast_in_dim3A_3263] : memref<32x128xf32, #tpu.memory_space<vmem>>[vector<16xi32>, vector<16xi32>], vector<16xf32>,
      %add3A_3282 = arith.constant 16 : i32
      %add3A_3283 = vector.broadcast %add3A_3282 : i32 to vector<16xi32>
      %add3A_3284 = arith.addi %iota3A, %add3A_3283 : vector<16xi32>
      %gather3A_3285 = tpu.vector_load_idx %arg14[%add3A_3284, %broadcast_in_dim3A_3263] : memref<32x128xf32, #tpu.memory_space<vmem>>[vector<16xi32>, vector<16xi32>], vector<16xf32>,
      %select_n3A_3286 = arith.select %lt3A_3265, %gather3A_3271, %gather3A_3281 : vector<16xf32>
      %select_n3A_3287 = arith.select %lt3A_3265, %gather3A_3280, %gather3A_3285 : vector<16xf32>
      %mul3A_3288 = arith.mulf %select_n3A_3249, %select_n3A_3286 : vector<16xf32>
      %mul3A_3289 = arith.mulf %select_n3A_3250, %select_n3A_3287 : vector<16xf32>
      %add3A_3290 = arith.addf %mul3A_3288, %mul3A_3289 : vector<16xf32>
      %reduce_sum3A_3291 = arith.constant true
      %reduce_sum3A_3292 = vector.broadcast %reduce_sum3A_3291 : i1 to vector<16xi1>
      %reduce_sum3A_3293 = tpu.scan <sum>, %add3A_3290 masked %reduce_sum3A_3292 : vector<16xf32>, vector<16xi1> -> vector<16xf32>
      %reduce_sum3A_3294 = vector.extract %reduce_sum3A_3293[15] : f32 from vector<16xf32>
      %eq3A_3295 = arith.constant 5 : i32
      %eq3A_3296 = vector.broadcast %eq3A_3295 : i32 to vector<16xi32>
      %eq3A_3297 = arith.cmpi eq, %iota3A, %eq3A_3296 : vector<16xi32>
      %broadcast_in_dim3A_3298 = vector.broadcast %reduce_sum3A_3294 : f32 to vector<16xf32>
      %select_n3A_3299 = arith.select %eq3A_3297, %broadcast_in_dim3A_3298, %select_n3A_3116 : vector<16xi1>, vector<16xf32>
      %slice3A_3300 = vector.extract_strided_slice %select_n3A_3299 {offsets = [13], sizes = [1], strides = [1]} : vector<16xf32> to vector<1xf32>
      %squeeze3A_3301 = vector.extract %slice3A_3300[0] : f32 from vector<1xf32>
      %mul3A_3302 = arith.constant 0.000000e+00 : f32
      %mul3A_3303 = arith.mulf %squeeze3A_3301, %mul3A_3302 : f32
      %convert_element_type3A_3304 = arith.fptosi %mul3A_3303 : f32 to i32
      %slice3A_3305 = vector.extract_strided_slice %get3A_1014 {offsets = [13], sizes = [1], strides = [1]} : vector<16xi32> to vector<1xi32>
      %squeeze3A_3306 = vector.extract %slice3A_3305[0] : i32 from vector<1xi32>
      %add3A_3307 = arith.addi %squeeze3A_3306, %convert_element_type3A_3304 : i32
      %min3A_3308 = arith.constant 999935 : i32
      %min3A_3309 = arith.minsi %add3A_3307, %min3A_3308 : i32
      %shift_right_arithmetic3A_3310 = arith.constant 7 : i32
      %shift_right_arithmetic3A_3311 = arith.shrsi %min3A_3309, %shift_right_arithmetic3A_3310 : i32
      %mul3A_3312 = arith.constant 128 : i32
      %mul3A_3313 = arith.muli %shift_right_arithmetic3A_3311, %mul3A_3312 : i32
      %multiple_of3A_3314 = tpu.assume_multiple %mul3A_3313, 128 : i32
      %dma_start3A_3315 = arith.constant 5 : i32
      %dma_start3A_3316 = arith.constant 5 : i32
      %dma_start3A_3317 = arith.constant 0 : i32
      %dma_start3A_3318 = arith.constant 0 : i32
      %dma_start3A_3319 = tpu.memref_slice %arg11[%dma_start3A_3315, %dma_start3A_3317, %dma_start3A_3318] : memref<8x32x128xf32, #tpu.memory_space<vmem>> -> memref<1x32x128xf32, #tpu.memory_space<vmem>>
      %dma_start3A_3320 = tpu.memref_squeeze %dma_start3A_3319 : memref<1x32x128xf32, #tpu.memory_space<vmem>> -> memref<32x128xf32, #tpu.memory_space<vmem>>
      %dma_start3A_3321 = arith.constant 0 : i32
      %dma_start3A_3322 = tpu.memref_slice %arg4[%dma_start3A_3321, %multiple_of3A_3314] : memref<32x1000000xf32, #tpu.memory_space<hbm>> -> memref<32x128xf32, #tpu.memory_space<hbm>>
      %dma_start3A_3323 = tpu.memref_slice %arg16[%dma_start3A_3316] : memref<8x!tpu.dma_semaphore, #tpu.memory_space<semaphore_mem>> -> memref<1x!tpu.dma_semaphore, #tpu.memory_space<semaphore_mem>>
      %dma_start3A_3324 = tpu.memref_squeeze %dma_start3A_3323 : memref<1x!tpu.dma_semaphore, #tpu.memory_space<semaphore_mem>> -> memref<!tpu.dma_semaphore, #tpu.memory_space<semaphore_mem>>
      %dma_start3A_3325 = arith.constant 0 : i32
      %dma_start3A_3326 = arith.constant 0 : i32
      %dma_start3A_3327 = tpu.memref_slice %arg11[%dma_start3A_3315, %dma_start3A_3325, %dma_start3A_3326] : memref<8x32x128xf32, #tpu.memory_space<vmem>> -> memref<1x32x128xf32, #tpu.memory_space<vmem>>
      %dma_start3A_3328 = tpu.memref_squeeze %dma_start3A_3327 : memref<1x32x128xf32, #tpu.memory_space<vmem>> -> memref<32x128xf32, #tpu.memory_space<vmem>>
      %dma_start3A_3329 = arith.constant 0 : i32
      %dma_start3A_3330 = tpu.memref_slice %arg4[%dma_start3A_3329, %multiple_of3A_3314] : memref<32x1000000xf32, #tpu.memory_space<hbm>> -> memref<32x128xf32, #tpu.memory_space<hbm>>
      tpu.enqueue_dma source(%dma_start3A_3330 : memref<32x128xf32, #tpu.memory_space<hbm>>) target(%dma_start3A_3328 : memref<32x128xf32, #tpu.memory_space<vmem>>) target_semaphore(%dma_start3A_3324 : memref<!tpu.dma_semaphore, #tpu.memory_space<semaphore_mem>>)
      %slice3A_3331 = vector.extract_strided_slice %get3A_1017 {offsets = [13], sizes = [1], strides = [1]} : vector<16xi32> to vector<1xi32>
      %squeeze3A_3332 = vector.extract %slice3A_3331[0] : i32 from vector<1xi32>
      %add3A_3333 = arith.addi %squeeze3A_3332, %convert_element_type3A_3304 : i32
      %min3A_3334 = arith.constant 999935 : i32
      %min3A_3335 = arith.minsi %add3A_3333, %min3A_3334 : i32
      %shift_right_arithmetic3A_3336 = arith.constant 7 : i32
      %shift_right_arithmetic3A_3337 = arith.shrsi %min3A_3335, %shift_right_arithmetic3A_3336 : i32
      %mul3A_3338 = arith.constant 128 : i32
      %mul3A_3339 = arith.muli %shift_right_arithmetic3A_3337, %mul3A_3338 : i32
      %multiple_of3A_3340 = tpu.assume_multiple %mul3A_3339, 128 : i32
      %dma_start3A_3341 = arith.constant 5 : i32
      %dma_start3A_3342 = arith.constant 5 : i32
      %dma_start3A_3343 = arith.constant 0 : i32
      %dma_start3A_3344 = arith.constant 0 : i32
      %dma_start3A_3345 = tpu.memref_slice %arg12[%dma_start3A_3341, %dma_start3A_3343, %dma_start3A_3344] : memref<8x32x128xf32, #tpu.memory_space<vmem>> -> memref<1x32x128xf32, #tpu.memory_space<vmem>>
      %dma_start3A_3346 = tpu.memref_squeeze %dma_start3A_3345 : memref<1x32x128xf32, #tpu.memory_space<vmem>> -> memref<32x128xf32, #tpu.memory_space<vmem>>
      %dma_start3A_3347 = arith.constant 0 : i32
      %dma_start3A_3348 = tpu.memref_slice %arg5[%dma_start3A_3347, %multiple_of3A_3340] : memref<32x1000000xf32, #tpu.memory_space<hbm>> -> memref<32x128xf32, #tpu.memory_space<hbm>>
      %dma_start3A_3349 = tpu.memref_slice %arg16[%dma_start3A_3342] : memref<8x!tpu.dma_semaphore, #tpu.memory_space<semaphore_mem>> -> memref<1x!tpu.dma_semaphore, #tpu.memory_space<semaphore_mem>>
      %dma_start3A_3350 = tpu.memref_squeeze %dma_start3A_3349 : memref<1x!tpu.dma_semaphore, #tpu.memory_space<semaphore_mem>> -> memref<!tpu.dma_semaphore, #tpu.memory_space<semaphore_mem>>
      %dma_start3A_3351 = arith.constant 0 : i32
      %dma_start3A_3352 = arith.constant 0 : i32
      %dma_start3A_3353 = tpu.memref_slice %arg12[%dma_start3A_3341, %dma_start3A_3351, %dma_start3A_3352] : memref<8x32x128xf32, #tpu.memory_space<vmem>> -> memref<1x32x128xf32, #tpu.memory_space<vmem>>
      %dma_start3A_3354 = tpu.memref_squeeze %dma_start3A_3353 : memref<1x32x128xf32, #tpu.memory_space<vmem>> -> memref<32x128xf32, #tpu.memory_space<vmem>>
      %dma_start3A_3355 = arith.constant 0 : i32
      %dma_start3A_3356 = tpu.memref_slice %arg5[%dma_start3A_3355, %multiple_of3A_3340] : memref<32x1000000xf32, #tpu.memory_space<hbm>> -> memref<32x128xf32, #tpu.memory_space<hbm>>
      tpu.enqueue_dma source(%dma_start3A_3356 : memref<32x128xf32, #tpu.memory_space<hbm>>) target(%dma_start3A_3354 : memref<32x128xf32, #tpu.memory_space<vmem>>) target_semaphore(%dma_start3A_3350 : memref<!tpu.dma_semaphore, #tpu.memory_space<semaphore_mem>>)
      %dma_wait3A_3357 = arith.constant 6 : i32
      %dma_wait3A_3358 = arith.constant 6 : i32
      %dma_wait3A_3359 = arith.constant 0 : i32
      %dma_wait3A_3360 = arith.constant 0 : i32
      %dma_wait3A_3361 = tpu.memref_slice %arg11[%dma_wait3A_3357, %dma_wait3A_3359, %dma_wait3A_3360] : memref<8x32x128xf32, #tpu.memory_space<vmem>> -> memref<1x32x128xf32, #tpu.memory_space<vmem>>
      %dma_wait3A_3362 = tpu.memref_squeeze %dma_wait3A_3361 : memref<1x32x128xf32, #tpu.memory_space<vmem>> -> memref<32x128xf32, #tpu.memory_space<vmem>>
      %dma_wait3A_3363 = arith.constant 0 : i32
      %dma_wait3A_3364 = arith.constant 0 : i32
      %dma_wait3A_3365 = tpu.memref_slice %arg4[%dma_wait3A_3363, %dma_wait3A_3364] : memref<32x1000000xf32, #tpu.memory_space<hbm>> -> memref<32x128xf32, #tpu.memory_space<hbm>>
      %dma_wait3A_3366 = tpu.memref_slice %arg16[%dma_wait3A_3358] : memref<8x!tpu.dma_semaphore, #tpu.memory_space<semaphore_mem>> -> memref<1x!tpu.dma_semaphore, #tpu.memory_space<semaphore_mem>>
      %dma_wait3A_3367 = tpu.memref_squeeze %dma_wait3A_3366 : memref<1x!tpu.dma_semaphore, #tpu.memory_space<semaphore_mem>> -> memref<!tpu.dma_semaphore, #tpu.memory_space<semaphore_mem>>
      %dma_wait3A_3368 = arith.constant 0 : i32
      %dma_wait3A_3369 = arith.constant 0 : i32
      %dma_wait3A_3370 = tpu.memref_slice %arg11[%dma_wait3A_3357, %dma_wait3A_3368, %dma_wait3A_3369] : memref<8x32x128xf32, #tpu.memory_space<vmem>> -> memref<1x32x128xf32, #tpu.memory_space<vmem>>
      %dma_wait3A_3371 = tpu.memref_squeeze %dma_wait3A_3370 : memref<1x32x128xf32, #tpu.memory_space<vmem>> -> memref<32x128xf32, #tpu.memory_space<vmem>>
      %dma_wait3A_3372 = arith.constant 0 : i32
      %dma_wait3A_3373 = arith.constant 0 : i32
      %dma_wait3A_3374 = tpu.memref_slice %arg4[%dma_wait3A_3372, %dma_wait3A_3373] : memref<32x1000000xf32, #tpu.memory_space<hbm>> -> memref<32x128xf32, #tpu.memory_space<hbm>>
      tpu.wait_dma2 semaphore(%dma_wait3A_3367 : memref<!tpu.dma_semaphore, #tpu.memory_space<semaphore_mem>>) src(%dma_wait3A_3374 : memref<32x128xf32, #tpu.memory_space<hbm>>) dst(%dma_wait3A_3371 : memref<32x128xf32, #tpu.memory_space<vmem>>)
      %dma_wait3A_3375 = arith.constant 6 : i32
      %dma_wait3A_3376 = arith.constant 6 : i32
      %dma_wait3A_3377 = arith.constant 0 : i32
      %dma_wait3A_3378 = arith.constant 0 : i32
      %dma_wait3A_3379 = tpu.memref_slice %arg12[%dma_wait3A_3375, %dma_wait3A_3377, %dma_wait3A_3378] : memref<8x32x128xf32, #tpu.memory_space<vmem>> -> memref<1x32x128xf32, #tpu.memory_space<vmem>>
      %dma_wait3A_3380 = tpu.memref_squeeze %dma_wait3A_3379 : memref<1x32x128xf32, #tpu.memory_space<vmem>> -> memref<32x128xf32, #tpu.memory_space<vmem>>
      %dma_wait3A_3381 = arith.constant 0 : i32
      %dma_wait3A_3382 = arith.constant 0 : i32
      %dma_wait3A_3383 = tpu.memref_slice %arg5[%dma_wait3A_3381, %dma_wait3A_3382] : memref<32x1000000xf32, #tpu.memory_space<hbm>> -> memref<32x128xf32, #tpu.memory_space<hbm>>
      %dma_wait3A_3384 = tpu.memref_slice %arg16[%dma_wait3A_3376] : memref<8x!tpu.dma_semaphore, #tpu.memory_space<semaphore_mem>> -> memref<1x!tpu.dma_semaphore, #tpu.memory_space<semaphore_mem>>
      %dma_wait3A_3385 = tpu.memref_squeeze %dma_wait3A_3384 : memref<1x!tpu.dma_semaphore, #tpu.memory_space<semaphore_mem>> -> memref<!tpu.dma_semaphore, #tpu.memory_space<semaphore_mem>>
      %dma_wait3A_3386 = arith.constant 0 : i32
      %dma_wait3A_3387 = arith.constant 0 : i32
      %dma_wait3A_3388 = tpu.memref_slice %arg12[%dma_wait3A_3375, %dma_wait3A_3386, %dma_wait3A_3387] : memref<8x32x128xf32, #tpu.memory_space<vmem>> -> memref<1x32x128xf32, #tpu.memory_space<vmem>>
      %dma_wait3A_3389 = tpu.memref_squeeze %dma_wait3A_3388 : memref<1x32x128xf32, #tpu.memory_space<vmem>> -> memref<32x128xf32, #tpu.memory_space<vmem>>
      %dma_wait3A_3390 = arith.constant 0 : i32
      %dma_wait3A_3391 = arith.constant 0 : i32
      %dma_wait3A_3392 = tpu.memref_slice %arg5[%dma_wait3A_3390, %dma_wait3A_3391] : memref<32x1000000xf32, #tpu.memory_space<hbm>> -> memref<32x128xf32, #tpu.memory_space<hbm>>
      tpu.wait_dma2 semaphore(%dma_wait3A_3385 : memref<!tpu.dma_semaphore, #tpu.memory_space<semaphore_mem>>) src(%dma_wait3A_3392 : memref<32x128xf32, #tpu.memory_space<hbm>>) dst(%dma_wait3A_3389 : memref<32x128xf32, #tpu.memory_space<vmem>>)
      %slice3A_3393 = vector.extract_strided_slice %get3A_1014 {offsets = [6], sizes = [1], strides = [1]} : vector<16xi32> to vector<1xi32>
      %squeeze3A_3394 = vector.extract %slice3A_3393[0] : i32 from vector<1xi32>
      %slice3A_3395 = vector.extract_strided_slice %get3A_1017 {offsets = [6], sizes = [1], strides = [1]} : vector<16xi32> to vector<1xi32>
      %squeeze3A_3396 = vector.extract %slice3A_3395[0] : i32 from vector<1xi32>
      %min3A_3397 = arith.constant 999935 : i32
      %min3A_3398 = arith.minsi %squeeze3A_3394, %min3A_3397 : i32
      %shift_right_arithmetic3A_3399 = arith.constant 7 : i32
      %shift_right_arithmetic3A_3400 = arith.shrsi %min3A_3398, %shift_right_arithmetic3A_3399 : i32
      %mul3A_3401 = arith.constant 128 : i32
      %mul3A_3402 = arith.muli %shift_right_arithmetic3A_3400, %mul3A_3401 : i32
      %sub3A_3403 = arith.subi %min3A_3398, %mul3A_3402 : i32
      %broadcast_in_dim3A_3404 = vector.broadcast %sub3A_3403 : i32 to vector<16xi32>
      %sub3A_3405 = arith.constant 999936 : i32
      %sub3A_3406 = arith.subi %squeeze3A_3394, %sub3A_3405 : i32
      %max3A_3407 = arith.constant 0 : i32
      %max3A_3408 = arith.maxsi %sub3A_3406, %max3A_3407 : i32
      %broadcast_in_dim3A_3409 = vector.broadcast %max3A_3408 : i32 to vector<16xi32>
      %lt3A_3410 = arith.constant 999936 : i32
      %lt3A_3411 = arith.cmpi slt, %squeeze3A_3394, %lt3A_3410 : i32
      %gather3A_3412 = arith.constant 6 : i32
      %gather3A_3413 = arith.constant 0 : i32
      %gather3A_3414 = arith.constant 0 : i32
      %gather3A_3415 = tpu.memref_slice %arg11[%gather3A_3412, %gather3A_3413, %gather3A_3414] : memref<8x32x128xf32, #tpu.memory_space<vmem>> -> memref<1x32x128xf32, #tpu.memory_space<vmem>>
      %gather3A_3416 = tpu.memref_squeeze %gather3A_3415 : memref<1x32x128xf32, #tpu.memory_space<vmem>> -> memref<32x128xf32, #tpu.memory_space<vmem>>
      %gather3A_3417 = tpu.vector_load_idx %gather3A_3416[%iota3A, %broadcast_in_dim3A_3404] : memref<32x128xf32, #tpu.memory_space<vmem>>[vector<16xi32>, vector<16xi32>], vector<16xf32>,
      %add3A_3418 = arith.constant 16 : i32
      %add3A_3419 = vector.broadcast %add3A_3418 : i32 to vector<16xi32>
      %add3A_3420 = arith.addi %iota3A, %add3A_3419 : vector<16xi32>
      %gather3A_3421 = arith.constant 6 : i32
      %gather3A_3422 = arith.constant 0 : i32
      %gather3A_3423 = arith.constant 0 : i32
      %gather3A_3424 = tpu.memref_slice %arg11[%gather3A_3421, %gather3A_3422, %gather3A_3423] : memref<8x32x128xf32, #tpu.memory_space<vmem>> -> memref<1x32x128xf32, #tpu.memory_space<vmem>>
      %gather3A_3425 = tpu.memref_squeeze %gather3A_3424 : memref<1x32x128xf32, #tpu.memory_space<vmem>> -> memref<32x128xf32, #tpu.memory_space<vmem>>
      %gather3A_3426 = tpu.vector_load_idx %gather3A_3425[%add3A_3420, %broadcast_in_dim3A_3404] : memref<32x128xf32, #tpu.memory_space<vmem>>[vector<16xi32>, vector<16xi32>], vector<16xf32>,
      %gather3A_3427 = tpu.vector_load_idx %arg13[%iota3A, %broadcast_in_dim3A_3409] : memref<32x128xf32, #tpu.memory_space<vmem>>[vector<16xi32>, vector<16xi32>], vector<16xf32>,
      %add3A_3428 = arith.constant 16 : i32
      %add3A_3429 = vector.broadcast %add3A_3428 : i32 to vector<16xi32>
      %add3A_3430 = arith.addi %iota3A, %add3A_3429 : vector<16xi32>
      %gather3A_3431 = tpu.vector_load_idx %arg13[%add3A_3430, %broadcast_in_dim3A_3409] : memref<32x128xf32, #tpu.memory_space<vmem>>[vector<16xi32>, vector<16xi32>], vector<16xf32>,
      %select_n3A_3432 = arith.select %lt3A_3411, %gather3A_3417, %gather3A_3427 : vector<16xf32>
      %select_n3A_3433 = arith.select %lt3A_3411, %gather3A_3426, %gather3A_3431 : vector<16xf32>
      %min3A_3434 = arith.constant 999935 : i32
      %min3A_3435 = arith.minsi %squeeze3A_3396, %min3A_3434 : i32
      %shift_right_arithmetic3A_3436 = arith.constant 7 : i32
      %shift_right_arithmetic3A_3437 = arith.shrsi %min3A_3435, %shift_right_arithmetic3A_3436 : i32
      %mul3A_3438 = arith.constant 128 : i32
      %mul3A_3439 = arith.muli %shift_right_arithmetic3A_3437, %mul3A_3438 : i32
      %sub3A_3440 = arith.subi %min3A_3435, %mul3A_3439 : i32
      %broadcast_in_dim3A_3441 = vector.broadcast %sub3A_3440 : i32 to vector<16xi32>
      %sub3A_3442 = arith.constant 999936 : i32
      %sub3A_3443 = arith.subi %squeeze3A_3396, %sub3A_3442 : i32
      %max3A_3444 = arith.constant 0 : i32
      %max3A_3445 = arith.maxsi %sub3A_3443, %max3A_3444 : i32
      %broadcast_in_dim3A_3446 = vector.broadcast %max3A_3445 : i32 to vector<16xi32>
      %lt3A_3447 = arith.constant 999936 : i32
      %lt3A_3448 = arith.cmpi slt, %squeeze3A_3396, %lt3A_3447 : i32
      %gather3A_3449 = arith.constant 6 : i32
      %gather3A_3450 = arith.constant 0 : i32
      %gather3A_3451 = arith.constant 0 : i32
      %gather3A_3452 = tpu.memref_slice %arg12[%gather3A_3449, %gather3A_3450, %gather3A_3451] : memref<8x32x128xf32, #tpu.memory_space<vmem>> -> memref<1x32x128xf32, #tpu.memory_space<vmem>>
      %gather3A_3453 = tpu.memref_squeeze %gather3A_3452 : memref<1x32x128xf32, #tpu.memory_space<vmem>> -> memref<32x128xf32, #tpu.memory_space<vmem>>
      %gather3A_3454 = tpu.vector_load_idx %gather3A_3453[%iota3A, %broadcast_in_dim3A_3441] : memref<32x128xf32, #tpu.memory_space<vmem>>[vector<16xi32>, vector<16xi32>], vector<16xf32>,
      %add3A_3455 = arith.constant 16 : i32
      %add3A_3456 = vector.broadcast %add3A_3455 : i32 to vector<16xi32>
      %add3A_3457 = arith.addi %iota3A, %add3A_3456 : vector<16xi32>
      %gather3A_3458 = arith.constant 6 : i32
      %gather3A_3459 = arith.constant 0 : i32
      %gather3A_3460 = arith.constant 0 : i32
      %gather3A_3461 = tpu.memref_slice %arg12[%gather3A_3458, %gather3A_3459, %gather3A_3460] : memref<8x32x128xf32, #tpu.memory_space<vmem>> -> memref<1x32x128xf32, #tpu.memory_space<vmem>>
      %gather3A_3462 = tpu.memref_squeeze %gather3A_3461 : memref<1x32x128xf32, #tpu.memory_space<vmem>> -> memref<32x128xf32, #tpu.memory_space<vmem>>
      %gather3A_3463 = tpu.vector_load_idx %gather3A_3462[%add3A_3457, %broadcast_in_dim3A_3441] : memref<32x128xf32, #tpu.memory_space<vmem>>[vector<16xi32>, vector<16xi32>], vector<16xf32>,
      %gather3A_3464 = tpu.vector_load_idx %arg14[%iota3A, %broadcast_in_dim3A_3446] : memref<32x128xf32, #tpu.memory_space<vmem>>[vector<16xi32>, vector<16xi32>], vector<16xf32>,
      %add3A_3465 = arith.constant 16 : i32
      %add3A_3466 = vector.broadcast %add3A_3465 : i32 to vector<16xi32>
      %add3A_3467 = arith.addi %iota3A, %add3A_3466 : vector<16xi32>
      %gather3A_3468 = tpu.vector_load_idx %arg14[%add3A_3467, %broadcast_in_dim3A_3446] : memref<32x128xf32, #tpu.memory_space<vmem>>[vector<16xi32>, vector<16xi32>], vector<16xf32>,
      %select_n3A_3469 = arith.select %lt3A_3448, %gather3A_3454, %gather3A_3464 : vector<16xf32>
      %select_n3A_3470 = arith.select %lt3A_3448, %gather3A_3463, %gather3A_3468 : vector<16xf32>
      %mul3A_3471 = arith.mulf %select_n3A_3432, %select_n3A_3469 : vector<16xf32>
      %mul3A_3472 = arith.mulf %select_n3A_3433, %select_n3A_3470 : vector<16xf32>
      %add3A_3473 = arith.addf %mul3A_3471, %mul3A_3472 : vector<16xf32>
      %reduce_sum3A_3474 = arith.constant true
      %reduce_sum3A_3475 = vector.broadcast %reduce_sum3A_3474 : i1 to vector<16xi1>
      %reduce_sum3A_3476 = tpu.scan <sum>, %add3A_3473 masked %reduce_sum3A_3475 : vector<16xf32>, vector<16xi1> -> vector<16xf32>
      %reduce_sum3A_3477 = vector.extract %reduce_sum3A_3476[15] : f32 from vector<16xf32>
      %eq3A_3478 = arith.constant 6 : i32
      %eq3A_3479 = vector.broadcast %eq3A_3478 : i32 to vector<16xi32>
      %eq3A_3480 = arith.cmpi eq, %iota3A, %eq3A_3479 : vector<16xi32>
      %broadcast_in_dim3A_3481 = vector.broadcast %reduce_sum3A_3477 : f32 to vector<16xf32>
      %select_n3A_3482 = arith.select %eq3A_3480, %broadcast_in_dim3A_3481, %select_n3A_3299 : vector<16xi1>, vector<16xf32>
      %slice3A_3483 = vector.extract_strided_slice %select_n3A_3482 {offsets = [14], sizes = [1], strides = [1]} : vector<16xf32> to vector<1xf32>
      %squeeze3A_3484 = vector.extract %slice3A_3483[0] : f32 from vector<1xf32>
      %mul3A_3485 = arith.constant 0.000000e+00 : f32
      %mul3A_3486 = arith.mulf %squeeze3A_3484, %mul3A_3485 : f32
      %convert_element_type3A_3487 = arith.fptosi %mul3A_3486 : f32 to i32
      %slice3A_3488 = vector.extract_strided_slice %get3A_1014 {offsets = [14], sizes = [1], strides = [1]} : vector<16xi32> to vector<1xi32>
      %squeeze3A_3489 = vector.extract %slice3A_3488[0] : i32 from vector<1xi32>
      %add3A_3490 = arith.addi %squeeze3A_3489, %convert_element_type3A_3487 : i32
      %min3A_3491 = arith.constant 999935 : i32
      %min3A_3492 = arith.minsi %add3A_3490, %min3A_3491 : i32
      %shift_right_arithmetic3A_3493 = arith.constant 7 : i32
      %shift_right_arithmetic3A_3494 = arith.shrsi %min3A_3492, %shift_right_arithmetic3A_3493 : i32
      %mul3A_3495 = arith.constant 128 : i32
      %mul3A_3496 = arith.muli %shift_right_arithmetic3A_3494, %mul3A_3495 : i32
      %multiple_of3A_3497 = tpu.assume_multiple %mul3A_3496, 128 : i32
      %dma_start3A_3498 = arith.constant 6 : i32
      %dma_start3A_3499 = arith.constant 6 : i32
      %dma_start3A_3500 = arith.constant 0 : i32
      %dma_start3A_3501 = arith.constant 0 : i32
      %dma_start3A_3502 = tpu.memref_slice %arg11[%dma_start3A_3498, %dma_start3A_3500, %dma_start3A_3501] : memref<8x32x128xf32, #tpu.memory_space<vmem>> -> memref<1x32x128xf32, #tpu.memory_space<vmem>>
      %dma_start3A_3503 = tpu.memref_squeeze %dma_start3A_3502 : memref<1x32x128xf32, #tpu.memory_space<vmem>> -> memref<32x128xf32, #tpu.memory_space<vmem>>
      %dma_start3A_3504 = arith.constant 0 : i32
      %dma_start3A_3505 = tpu.memref_slice %arg4[%dma_start3A_3504, %multiple_of3A_3497] : memref<32x1000000xf32, #tpu.memory_space<hbm>> -> memref<32x128xf32, #tpu.memory_space<hbm>>
      %dma_start3A_3506 = tpu.memref_slice %arg16[%dma_start3A_3499] : memref<8x!tpu.dma_semaphore, #tpu.memory_space<semaphore_mem>> -> memref<1x!tpu.dma_semaphore, #tpu.memory_space<semaphore_mem>>
      %dma_start3A_3507 = tpu.memref_squeeze %dma_start3A_3506 : memref<1x!tpu.dma_semaphore, #tpu.memory_space<semaphore_mem>> -> memref<!tpu.dma_semaphore, #tpu.memory_space<semaphore_mem>>
      %dma_start3A_3508 = arith.constant 0 : i32
      %dma_start3A_3509 = arith.constant 0 : i32
      %dma_start3A_3510 = tpu.memref_slice %arg11[%dma_start3A_3498, %dma_start3A_3508, %dma_start3A_3509] : memref<8x32x128xf32, #tpu.memory_space<vmem>> -> memref<1x32x128xf32, #tpu.memory_space<vmem>>
      %dma_start3A_3511 = tpu.memref_squeeze %dma_start3A_3510 : memref<1x32x128xf32, #tpu.memory_space<vmem>> -> memref<32x128xf32, #tpu.memory_space<vmem>>
      %dma_start3A_3512 = arith.constant 0 : i32
      %dma_start3A_3513 = tpu.memref_slice %arg4[%dma_start3A_3512, %multiple_of3A_3497] : memref<32x1000000xf32, #tpu.memory_space<hbm>> -> memref<32x128xf32, #tpu.memory_space<hbm>>
      tpu.enqueue_dma source(%dma_start3A_3513 : memref<32x128xf32, #tpu.memory_space<hbm>>) target(%dma_start3A_3511 : memref<32x128xf32, #tpu.memory_space<vmem>>) target_semaphore(%dma_start3A_3507 : memref<!tpu.dma_semaphore, #tpu.memory_space<semaphore_mem>>)
      %slice3A_3514 = vector.extract_strided_slice %get3A_1017 {offsets = [14], sizes = [1], strides = [1]} : vector<16xi32> to vector<1xi32>
      %squeeze3A_3515 = vector.extract %slice3A_3514[0] : i32 from vector<1xi32>
      %add3A_3516 = arith.addi %squeeze3A_3515, %convert_element_type3A_3487 : i32
      %min3A_3517 = arith.constant 999935 : i32
      %min3A_3518 = arith.minsi %add3A_3516, %min3A_3517 : i32
      %shift_right_arithmetic3A_3519 = arith.constant 7 : i32
      %shift_right_arithmetic3A_3520 = arith.shrsi %min3A_3518, %shift_right_arithmetic3A_3519 : i32
      %mul3A_3521 = arith.constant 128 : i32
      %mul3A_3522 = arith.muli %shift_right_arithmetic3A_3520, %mul3A_3521 : i32
      %multiple_of3A_3523 = tpu.assume_multiple %mul3A_3522, 128 : i32
      %dma_start3A_3524 = arith.constant 6 : i32
      %dma_start3A_3525 = arith.constant 6 : i32
      %dma_start3A_3526 = arith.constant 0 : i32
      %dma_start3A_3527 = arith.constant 0 : i32
      %dma_start3A_3528 = tpu.memref_slice %arg12[%dma_start3A_3524, %dma_start3A_3526, %dma_start3A_3527] : memref<8x32x128xf32, #tpu.memory_space<vmem>> -> memref<1x32x128xf32, #tpu.memory_space<vmem>>
      %dma_start3A_3529 = tpu.memref_squeeze %dma_start3A_3528 : memref<1x32x128xf32, #tpu.memory_space<vmem>> -> memref<32x128xf32, #tpu.memory_space<vmem>>
      %dma_start3A_3530 = arith.constant 0 : i32
      %dma_start3A_3531 = tpu.memref_slice %arg5[%dma_start3A_3530, %multiple_of3A_3523] : memref<32x1000000xf32, #tpu.memory_space<hbm>> -> memref<32x128xf32, #tpu.memory_space<hbm>>
      %dma_start3A_3532 = tpu.memref_slice %arg16[%dma_start3A_3525] : memref<8x!tpu.dma_semaphore, #tpu.memory_space<semaphore_mem>> -> memref<1x!tpu.dma_semaphore, #tpu.memory_space<semaphore_mem>>
      %dma_start3A_3533 = tpu.memref_squeeze %dma_start3A_3532 : memref<1x!tpu.dma_semaphore, #tpu.memory_space<semaphore_mem>> -> memref<!tpu.dma_semaphore, #tpu.memory_space<semaphore_mem>>
      %dma_start3A_3534 = arith.constant 0 : i32
      %dma_start3A_3535 = arith.constant 0 : i32
      %dma_start3A_3536 = tpu.memref_slice %arg12[%dma_start3A_3524, %dma_start3A_3534, %dma_start3A_3535] : memref<8x32x128xf32, #tpu.memory_space<vmem>> -> memref<1x32x128xf32, #tpu.memory_space<vmem>>
      %dma_start3A_3537 = tpu.memref_squeeze %dma_start3A_3536 : memref<1x32x128xf32, #tpu.memory_space<vmem>> -> memref<32x128xf32, #tpu.memory_space<vmem>>
      %dma_start3A_3538 = arith.constant 0 : i32
      %dma_start3A_3539 = tpu.memref_slice %arg5[%dma_start3A_3538, %multiple_of3A_3523] : memref<32x1000000xf32, #tpu.memory_space<hbm>> -> memref<32x128xf32, #tpu.memory_space<hbm>>
      tpu.enqueue_dma source(%dma_start3A_3539 : memref<32x128xf32, #tpu.memory_space<hbm>>) target(%dma_start3A_3537 : memref<32x128xf32, #tpu.memory_space<vmem>>) target_semaphore(%dma_start3A_3533 : memref<!tpu.dma_semaphore, #tpu.memory_space<semaphore_mem>>)
      %dma_wait3A_3540 = arith.constant 7 : i32
      %dma_wait3A_3541 = arith.constant 7 : i32
      %dma_wait3A_3542 = arith.constant 0 : i32
      %dma_wait3A_3543 = arith.constant 0 : i32
      %dma_wait3A_3544 = tpu.memref_slice %arg11[%dma_wait3A_3540, %dma_wait3A_3542, %dma_wait3A_3543] : memref<8x32x128xf32, #tpu.memory_space<vmem>> -> memref<1x32x128xf32, #tpu.memory_space<vmem>>
      %dma_wait3A_3545 = tpu.memref_squeeze %dma_wait3A_3544 : memref<1x32x128xf32, #tpu.memory_space<vmem>> -> memref<32x128xf32, #tpu.memory_space<vmem>>
      %dma_wait3A_3546 = arith.constant 0 : i32
      %dma_wait3A_3547 = arith.constant 0 : i32
      %dma_wait3A_3548 = tpu.memref_slice %arg4[%dma_wait3A_3546, %dma_wait3A_3547] : memref<32x1000000xf32, #tpu.memory_space<hbm>> -> memref<32x128xf32, #tpu.memory_space<hbm>>
      %dma_wait3A_3549 = tpu.memref_slice %arg16[%dma_wait3A_3541] : memref<8x!tpu.dma_semaphore, #tpu.memory_space<semaphore_mem>> -> memref<1x!tpu.dma_semaphore, #tpu.memory_space<semaphore_mem>>
      %dma_wait3A_3550 = tpu.memref_squeeze %dma_wait3A_3549 : memref<1x!tpu.dma_semaphore, #tpu.memory_space<semaphore_mem>> -> memref<!tpu.dma_semaphore, #tpu.memory_space<semaphore_mem>>
      %dma_wait3A_3551 = arith.constant 0 : i32
      %dma_wait3A_3552 = arith.constant 0 : i32
      %dma_wait3A_3553 = tpu.memref_slice %arg11[%dma_wait3A_3540, %dma_wait3A_3551, %dma_wait3A_3552] : memref<8x32x128xf32, #tpu.memory_space<vmem>> -> memref<1x32x128xf32, #tpu.memory_space<vmem>>
      %dma_wait3A_3554 = tpu.memref_squeeze %dma_wait3A_3553 : memref<1x32x128xf32, #tpu.memory_space<vmem>> -> memref<32x128xf32, #tpu.memory_space<vmem>>
      %dma_wait3A_3555 = arith.constant 0 : i32
      %dma_wait3A_3556 = arith.constant 0 : i32
      %dma_wait3A_3557 = tpu.memref_slice %arg4[%dma_wait3A_3555, %dma_wait3A_3556] : memref<32x1000000xf32, #tpu.memory_space<hbm>> -> memref<32x128xf32, #tpu.memory_space<hbm>>
      tpu.wait_dma2 semaphore(%dma_wait3A_3550 : memref<!tpu.dma_semaphore, #tpu.memory_space<semaphore_mem>>) src(%dma_wait3A_3557 : memref<32x128xf32, #tpu.memory_space<hbm>>) dst(%dma_wait3A_3554 : memref<32x128xf32, #tpu.memory_space<vmem>>)
      %dma_wait3A_3558 = arith.constant 7 : i32
      %dma_wait3A_3559 = arith.constant 7 : i32
      %dma_wait3A_3560 = arith.constant 0 : i32
      %dma_wait3A_3561 = arith.constant 0 : i32
      %dma_wait3A_3562 = tpu.memref_slice %arg12[%dma_wait3A_3558, %dma_wait3A_3560, %dma_wait3A_3561] : memref<8x32x128xf32, #tpu.memory_space<vmem>> -> memref<1x32x128xf32, #tpu.memory_space<vmem>>
      %dma_wait3A_3563 = tpu.memref_squeeze %dma_wait3A_3562 : memref<1x32x128xf32, #tpu.memory_space<vmem>> -> memref<32x128xf32, #tpu.memory_space<vmem>>
      %dma_wait3A_3564 = arith.constant 0 : i32
      %dma_wait3A_3565 = arith.constant 0 : i32
      %dma_wait3A_3566 = tpu.memref_slice %arg5[%dma_wait3A_3564, %dma_wait3A_3565] : memref<32x1000000xf32, #tpu.memory_space<hbm>> -> memref<32x128xf32, #tpu.memory_space<hbm>>
      %dma_wait3A_3567 = tpu.memref_slice %arg16[%dma_wait3A_3559] : memref<8x!tpu.dma_semaphore, #tpu.memory_space<semaphore_mem>> -> memref<1x!tpu.dma_semaphore, #tpu.memory_space<semaphore_mem>>
      %dma_wait3A_3568 = tpu.memref_squeeze %dma_wait3A_3567 : memref<1x!tpu.dma_semaphore, #tpu.memory_space<semaphore_mem>> -> memref<!tpu.dma_semaphore, #tpu.memory_space<semaphore_mem>>
      %dma_wait3A_3569 = arith.constant 0 : i32
      %dma_wait3A_3570 = arith.constant 0 : i32
      %dma_wait3A_3571 = tpu.memref_slice %arg12[%dma_wait3A_3558, %dma_wait3A_3569, %dma_wait3A_3570] : memref<8x32x128xf32, #tpu.memory_space<vmem>> -> memref<1x32x128xf32, #tpu.memory_space<vmem>>
      %dma_wait3A_3572 = tpu.memref_squeeze %dma_wait3A_3571 : memref<1x32x128xf32, #tpu.memory_space<vmem>> -> memref<32x128xf32, #tpu.memory_space<vmem>>
      %dma_wait3A_3573 = arith.constant 0 : i32
      %dma_wait3A_3574 = arith.constant 0 : i32
      %dma_wait3A_3575 = tpu.memref_slice %arg5[%dma_wait3A_3573, %dma_wait3A_3574] : memref<32x1000000xf32, #tpu.memory_space<hbm>> -> memref<32x128xf32, #tpu.memory_space<hbm>>
      tpu.wait_dma2 semaphore(%dma_wait3A_3568 : memref<!tpu.dma_semaphore, #tpu.memory_space<semaphore_mem>>) src(%dma_wait3A_3575 : memref<32x128xf32, #tpu.memory_space<hbm>>) dst(%dma_wait3A_3572 : memref<32x128xf32, #tpu.memory_space<vmem>>)
      %slice3A_3576 = vector.extract_strided_slice %get3A_1014 {offsets = [7], sizes = [1], strides = [1]} : vector<16xi32> to vector<1xi32>
      %squeeze3A_3577 = vector.extract %slice3A_3576[0] : i32 from vector<1xi32>
      %slice3A_3578 = vector.extract_strided_slice %get3A_1017 {offsets = [7], sizes = [1], strides = [1]} : vector<16xi32> to vector<1xi32>
      %squeeze3A_3579 = vector.extract %slice3A_3578[0] : i32 from vector<1xi32>
      %min3A_3580 = arith.constant 999935 : i32
      %min3A_3581 = arith.minsi %squeeze3A_3577, %min3A_3580 : i32
      %shift_right_arithmetic3A_3582 = arith.constant 7 : i32
      %shift_right_arithmetic3A_3583 = arith.shrsi %min3A_3581, %shift_right_arithmetic3A_3582 : i32
      %mul3A_3584 = arith.constant 128 : i32
      %mul3A_3585 = arith.muli %shift_right_arithmetic3A_3583, %mul3A_3584 : i32
      %sub3A_3586 = arith.subi %min3A_3581, %mul3A_3585 : i32
      %broadcast_in_dim3A_3587 = vector.broadcast %sub3A_3586 : i32 to vector<16xi32>
      %sub3A_3588 = arith.constant 999936 : i32
      %sub3A_3589 = arith.subi %squeeze3A_3577, %sub3A_3588 : i32
      %max3A_3590 = arith.constant 0 : i32
      %max3A_3591 = arith.maxsi %sub3A_3589, %max3A_3590 : i32
      %broadcast_in_dim3A_3592 = vector.broadcast %max3A_3591 : i32 to vector<16xi32>
      %lt3A_3593 = arith.constant 999936 : i32
      %lt3A_3594 = arith.cmpi slt, %squeeze3A_3577, %lt3A_3593 : i32
      %gather3A_3595 = arith.constant 7 : i32
      %gather3A_3596 = arith.constant 0 : i32
      %gather3A_3597 = arith.constant 0 : i32
      %gather3A_3598 = tpu.memref_slice %arg11[%gather3A_3595, %gather3A_3596, %gather3A_3597] : memref<8x32x128xf32, #tpu.memory_space<vmem>> -> memref<1x32x128xf32, #tpu.memory_space<vmem>>
      %gather3A_3599 = tpu.memref_squeeze %gather3A_3598 : memref<1x32x128xf32, #tpu.memory_space<vmem>> -> memref<32x128xf32, #tpu.memory_space<vmem>>
      %gather3A_3600 = tpu.vector_load_idx %gather3A_3599[%iota3A, %broadcast_in_dim3A_3587] : memref<32x128xf32, #tpu.memory_space<vmem>>[vector<16xi32>, vector<16xi32>], vector<16xf32>,
      %add3A_3601 = arith.constant 16 : i32
      %add3A_3602 = vector.broadcast %add3A_3601 : i32 to vector<16xi32>
      %add3A_3603 = arith.addi %iota3A, %add3A_3602 : vector<16xi32>
      %gather3A_3604 = arith.constant 7 : i32
      %gather3A_3605 = arith.constant 0 : i32
      %gather3A_3606 = arith.constant 0 : i32
      %gather3A_3607 = tpu.memref_slice %arg11[%gather3A_3604, %gather3A_3605, %gather3A_3606] : memref<8x32x128xf32, #tpu.memory_space<vmem>> -> memref<1x32x128xf32, #tpu.memory_space<vmem>>
      %gather3A_3608 = tpu.memref_squeeze %gather3A_3607 : memref<1x32x128xf32, #tpu.memory_space<vmem>> -> memref<32x128xf32, #tpu.memory_space<vmem>>
      %gather3A_3609 = tpu.vector_load_idx %gather3A_3608[%add3A_3603, %broadcast_in_dim3A_3587] : memref<32x128xf32, #tpu.memory_space<vmem>>[vector<16xi32>, vector<16xi32>], vector<16xf32>,
      %gather3A_3610 = tpu.vector_load_idx %arg13[%iota3A, %broadcast_in_dim3A_3592] : memref<32x128xf32, #tpu.memory_space<vmem>>[vector<16xi32>, vector<16xi32>], vector<16xf32>,
      %add3A_3611 = arith.constant 16 : i32
      %add3A_3612 = vector.broadcast %add3A_3611 : i32 to vector<16xi32>
      %add3A_3613 = arith.addi %iota3A, %add3A_3612 : vector<16xi32>
      %gather3A_3614 = tpu.vector_load_idx %arg13[%add3A_3613, %broadcast_in_dim3A_3592] : memref<32x128xf32, #tpu.memory_space<vmem>>[vector<16xi32>, vector<16xi32>], vector<16xf32>,
      %select_n3A_3615 = arith.select %lt3A_3594, %gather3A_3600, %gather3A_3610 : vector<16xf32>
      %select_n3A_3616 = arith.select %lt3A_3594, %gather3A_3609, %gather3A_3614 : vector<16xf32>
      %min3A_3617 = arith.constant 999935 : i32
      %min3A_3618 = arith.minsi %squeeze3A_3579, %min3A_3617 : i32
      %shift_right_arithmetic3A_3619 = arith.constant 7 : i32
      %shift_right_arithmetic3A_3620 = arith.shrsi %min3A_3618, %shift_right_arithmetic3A_3619 : i32
      %mul3A_3621 = arith.constant 128 : i32
      %mul3A_3622 = arith.muli %shift_right_arithmetic3A_3620, %mul3A_3621 : i32
      %sub3A_3623 = arith.subi %min3A_3618, %mul3A_3622 : i32
      %broadcast_in_dim3A_3624 = vector.broadcast %sub3A_3623 : i32 to vector<16xi32>
      %sub3A_3625 = arith.constant 999936 : i32
      %sub3A_3626 = arith.subi %squeeze3A_3579, %sub3A_3625 : i32
      %max3A_3627 = arith.constant 0 : i32
      %max3A_3628 = arith.maxsi %sub3A_3626, %max3A_3627 : i32
      %broadcast_in_dim3A_3629 = vector.broadcast %max3A_3628 : i32 to vector<16xi32>
      %lt3A_3630 = arith.constant 999936 : i32
      %lt3A_3631 = arith.cmpi slt, %squeeze3A_3579, %lt3A_3630 : i32
      %gather3A_3632 = arith.constant 7 : i32
      %gather3A_3633 = arith.constant 0 : i32
      %gather3A_3634 = arith.constant 0 : i32
      %gather3A_3635 = tpu.memref_slice %arg12[%gather3A_3632, %gather3A_3633, %gather3A_3634] : memref<8x32x128xf32, #tpu.memory_space<vmem>> -> memref<1x32x128xf32, #tpu.memory_space<vmem>>
      %gather3A_3636 = tpu.memref_squeeze %gather3A_3635 : memref<1x32x128xf32, #tpu.memory_space<vmem>> -> memref<32x128xf32, #tpu.memory_space<vmem>>
      %gather3A_3637 = tpu.vector_load_idx %gather3A_3636[%iota3A, %broadcast_in_dim3A_3624] : memref<32x128xf32, #tpu.memory_space<vmem>>[vector<16xi32>, vector<16xi32>], vector<16xf32>,
      %add3A_3638 = arith.constant 16 : i32
      %add3A_3639 = vector.broadcast %add3A_3638 : i32 to vector<16xi32>
      %add3A_3640 = arith.addi %iota3A, %add3A_3639 : vector<16xi32>
      %gather3A_3641 = arith.constant 7 : i32
      %gather3A_3642 = arith.constant 0 : i32
      %gather3A_3643 = arith.constant 0 : i32
      %gather3A_3644 = tpu.memref_slice %arg12[%gather3A_3641, %gather3A_3642, %gather3A_3643] : memref<8x32x128xf32, #tpu.memory_space<vmem>> -> memref<1x32x128xf32, #tpu.memory_space<vmem>>
      %gather3A_3645 = tpu.memref_squeeze %gather3A_3644 : memref<1x32x128xf32, #tpu.memory_space<vmem>> -> memref<32x128xf32, #tpu.memory_space<vmem>>
      %gather3A_3646 = tpu.vector_load_idx %gather3A_3645[%add3A_3640, %broadcast_in_dim3A_3624] : memref<32x128xf32, #tpu.memory_space<vmem>>[vector<16xi32>, vector<16xi32>], vector<16xf32>,
      %gather3A_3647 = tpu.vector_load_idx %arg14[%iota3A, %broadcast_in_dim3A_3629] : memref<32x128xf32, #tpu.memory_space<vmem>>[vector<16xi32>, vector<16xi32>], vector<16xf32>,
      %add3A_3648 = arith.constant 16 : i32
      %add3A_3649 = vector.broadcast %add3A_3648 : i32 to vector<16xi32>
      %add3A_3650 = arith.addi %iota3A, %add3A_3649 : vector<16xi32>
      %gather3A_3651 = tpu.vector_load_idx %arg14[%add3A_3650, %broadcast_in_dim3A_3629] : memref<32x128xf32, #tpu.memory_space<vmem>>[vector<16xi32>, vector<16xi32>], vector<16xf32>,
      %select_n3A_3652 = arith.select %lt3A_3631, %gather3A_3637, %gather3A_3647 : vector<16xf32>
      %select_n3A_3653 = arith.select %lt3A_3631, %gather3A_3646, %gather3A_3651 : vector<16xf32>
      %mul3A_3654 = arith.mulf %select_n3A_3615, %select_n3A_3652 : vector<16xf32>
      %mul3A_3655 = arith.mulf %select_n3A_3616, %select_n3A_3653 : vector<16xf32>
      %add3A_3656 = arith.addf %mul3A_3654, %mul3A_3655 : vector<16xf32>
      %reduce_sum3A_3657 = arith.constant true
      %reduce_sum3A_3658 = vector.broadcast %reduce_sum3A_3657 : i1 to vector<16xi1>
      %reduce_sum3A_3659 = tpu.scan <sum>, %add3A_3656 masked %reduce_sum3A_3658 : vector<16xf32>, vector<16xi1> -> vector<16xf32>
      %reduce_sum3A_3660 = vector.extract %reduce_sum3A_3659[15] : f32 from vector<16xf32>
      %eq3A_3661 = arith.constant 7 : i32
      %eq3A_3662 = vector.broadcast %eq3A_3661 : i32 to vector<16xi32>
      %eq3A_3663 = arith.cmpi eq, %iota3A, %eq3A_3662 : vector<16xi32>
      %broadcast_in_dim3A_3664 = vector.broadcast %reduce_sum3A_3660 : f32 to vector<16xf32>
      %select_n3A_3665 = arith.select %eq3A_3663, %broadcast_in_dim3A_3664, %select_n3A_3482 : vector<16xi1>, vector<16xf32>
      %slice3A_3666 = vector.extract_strided_slice %select_n3A_3665 {offsets = [15], sizes = [1], strides = [1]} : vector<16xf32> to vector<1xf32>
      %squeeze3A_3667 = vector.extract %slice3A_3666[0] : f32 from vector<1xf32>
      %mul3A_3668 = arith.constant 0.000000e+00 : f32
      %mul3A_3669 = arith.mulf %squeeze3A_3667, %mul3A_3668 : f32
      %convert_element_type3A_3670 = arith.fptosi %mul3A_3669 : f32 to i32
      %slice3A_3671 = vector.extract_strided_slice %get3A_1014 {offsets = [15], sizes = [1], strides = [1]} : vector<16xi32> to vector<1xi32>
      %squeeze3A_3672 = vector.extract %slice3A_3671[0] : i32 from vector<1xi32>
      %add3A_3673 = arith.addi %squeeze3A_3672, %convert_element_type3A_3670 : i32
      %min3A_3674 = arith.constant 999935 : i32
      %min3A_3675 = arith.minsi %add3A_3673, %min3A_3674 : i32
      %shift_right_arithmetic3A_3676 = arith.constant 7 : i32
      %shift_right_arithmetic3A_3677 = arith.shrsi %min3A_3675, %shift_right_arithmetic3A_3676 : i32
      %mul3A_3678 = arith.constant 128 : i32
      %mul3A_3679 = arith.muli %shift_right_arithmetic3A_3677, %mul3A_3678 : i32
      %multiple_of3A_3680 = tpu.assume_multiple %mul3A_3679, 128 : i32
      %dma_start3A_3681 = arith.constant 7 : i32
      %dma_start3A_3682 = arith.constant 7 : i32
      %dma_start3A_3683 = arith.constant 0 : i32
      %dma_start3A_3684 = arith.constant 0 : i32
      %dma_start3A_3685 = tpu.memref_slice %arg11[%dma_start3A_3681, %dma_start3A_3683, %dma_start3A_3684] : memref<8x32x128xf32, #tpu.memory_space<vmem>> -> memref<1x32x128xf32, #tpu.memory_space<vmem>>
      %dma_start3A_3686 = tpu.memref_squeeze %dma_start3A_3685 : memref<1x32x128xf32, #tpu.memory_space<vmem>> -> memref<32x128xf32, #tpu.memory_space<vmem>>
      %dma_start3A_3687 = arith.constant 0 : i32
      %dma_start3A_3688 = tpu.memref_slice %arg4[%dma_start3A_3687, %multiple_of3A_3680] : memref<32x1000000xf32, #tpu.memory_space<hbm>> -> memref<32x128xf32, #tpu.memory_space<hbm>>
      %dma_start3A_3689 = tpu.memref_slice %arg16[%dma_start3A_3682] : memref<8x!tpu.dma_semaphore, #tpu.memory_space<semaphore_mem>> -> memref<1x!tpu.dma_semaphore, #tpu.memory_space<semaphore_mem>>
      %dma_start3A_3690 = tpu.memref_squeeze %dma_start3A_3689 : memref<1x!tpu.dma_semaphore, #tpu.memory_space<semaphore_mem>> -> memref<!tpu.dma_semaphore, #tpu.memory_space<semaphore_mem>>
      %dma_start3A_3691 = arith.constant 0 : i32
      %dma_start3A_3692 = arith.constant 0 : i32
      %dma_start3A_3693 = tpu.memref_slice %arg11[%dma_start3A_3681, %dma_start3A_3691, %dma_start3A_3692] : memref<8x32x128xf32, #tpu.memory_space<vmem>> -> memref<1x32x128xf32, #tpu.memory_space<vmem>>
      %dma_start3A_3694 = tpu.memref_squeeze %dma_start3A_3693 : memref<1x32x128xf32, #tpu.memory_space<vmem>> -> memref<32x128xf32, #tpu.memory_space<vmem>>
      %dma_start3A_3695 = arith.constant 0 : i32
      %dma_start3A_3696 = tpu.memref_slice %arg4[%dma_start3A_3695, %multiple_of3A_3680] : memref<32x1000000xf32, #tpu.memory_space<hbm>> -> memref<32x128xf32, #tpu.memory_space<hbm>>
      tpu.enqueue_dma source(%dma_start3A_3696 : memref<32x128xf32, #tpu.memory_space<hbm>>) target(%dma_start3A_3694 : memref<32x128xf32, #tpu.memory_space<vmem>>) target_semaphore(%dma_start3A_3690 : memref<!tpu.dma_semaphore, #tpu.memory_space<semaphore_mem>>)
      %slice3A_3697 = vector.extract_strided_slice %get3A_1017 {offsets = [15], sizes = [1], strides = [1]} : vector<16xi32> to vector<1xi32>
      %squeeze3A_3698 = vector.extract %slice3A_3697[0] : i32 from vector<1xi32>
      %add3A_3699 = arith.addi %squeeze3A_3698, %convert_element_type3A_3670 : i32
      %min3A_3700 = arith.constant 999935 : i32
      %min3A_3701 = arith.minsi %add3A_3699, %min3A_3700 : i32
      %shift_right_arithmetic3A_3702 = arith.constant 7 : i32
      %shift_right_arithmetic3A_3703 = arith.shrsi %min3A_3701, %shift_right_arithmetic3A_3702 : i32
      %mul3A_3704 = arith.constant 128 : i32
      %mul3A_3705 = arith.muli %shift_right_arithmetic3A_3703, %mul3A_3704 : i32
      %multiple_of3A_3706 = tpu.assume_multiple %mul3A_3705, 128 : i32
      %dma_start3A_3707 = arith.constant 7 : i32
      %dma_start3A_3708 = arith.constant 7 : i32
      %dma_start3A_3709 = arith.constant 0 : i32
      %dma_start3A_3710 = arith.constant 0 : i32
      %dma_start3A_3711 = tpu.memref_slice %arg12[%dma_start3A_3707, %dma_start3A_3709, %dma_start3A_3710] : memref<8x32x128xf32, #tpu.memory_space<vmem>> -> memref<1x32x128xf32, #tpu.memory_space<vmem>>
      %dma_start3A_3712 = tpu.memref_squeeze %dma_start3A_3711 : memref<1x32x128xf32, #tpu.memory_space<vmem>> -> memref<32x128xf32, #tpu.memory_space<vmem>>
      %dma_start3A_3713 = arith.constant 0 : i32
      %dma_start3A_3714 = tpu.memref_slice %arg5[%dma_start3A_3713, %multiple_of3A_3706] : memref<32x1000000xf32, #tpu.memory_space<hbm>> -> memref<32x128xf32, #tpu.memory_space<hbm>>
      %dma_start3A_3715 = tpu.memref_slice %arg16[%dma_start3A_3708] : memref<8x!tpu.dma_semaphore, #tpu.memory_space<semaphore_mem>> -> memref<1x!tpu.dma_semaphore, #tpu.memory_space<semaphore_mem>>
      %dma_start3A_3716 = tpu.memref_squeeze %dma_start3A_3715 : memref<1x!tpu.dma_semaphore, #tpu.memory_space<semaphore_mem>> -> memref<!tpu.dma_semaphore, #tpu.memory_space<semaphore_mem>>
      %dma_start3A_3717 = arith.constant 0 : i32
      %dma_start3A_3718 = arith.constant 0 : i32
      %dma_start3A_3719 = tpu.memref_slice %arg12[%dma_start3A_3707, %dma_start3A_3717, %dma_start3A_3718] : memref<8x32x128xf32, #tpu.memory_space<vmem>> -> memref<1x32x128xf32, #tpu.memory_space<vmem>>
      %dma_start3A_3720 = tpu.memref_squeeze %dma_start3A_3719 : memref<1x32x128xf32, #tpu.memory_space<vmem>> -> memref<32x128xf32, #tpu.memory_space<vmem>>
      %dma_start3A_3721 = arith.constant 0 : i32
      %dma_start3A_3722 = tpu.memref_slice %arg5[%dma_start3A_3721, %multiple_of3A_3706] : memref<32x1000000xf32, #tpu.memory_space<hbm>> -> memref<32x128xf32, #tpu.memory_space<hbm>>
      tpu.enqueue_dma source(%dma_start3A_3722 : memref<32x128xf32, #tpu.memory_space<hbm>>) target(%dma_start3A_3720 : memref<32x128xf32, #tpu.memory_space<vmem>>) target_semaphore(%dma_start3A_3716 : memref<!tpu.dma_semaphore, #tpu.memory_space<semaphore_mem>>)
      scf.yield %get3A_1014, %get3A_1017, %select_n3A_3665 : vector<16xi32>, vector<16xi32>, vector<16xf32>
    }
    %scan3A_10 = arith.constant 32 : i32
    %dma_wait3A = arith.constant 0 : i32
    %dma_wait3A_11 = arith.constant 0 : i32
    %dma_wait3A_12 = arith.constant 0 : i32
    %dma_wait3A_13 = arith.constant 0 : i32
    %dma_wait3A_14 = tpu.memref_slice %arg11[%dma_wait3A, %dma_wait3A_12, %dma_wait3A_13] : memref<8x32x128xf32, #tpu.memory_space<vmem>> -> memref<1x32x128xf32, #tpu.memory_space<vmem>>
    %dma_wait3A_15 = tpu.memref_squeeze %dma_wait3A_14 : memref<1x32x128xf32, #tpu.memory_space<vmem>> -> memref<32x128xf32, #tpu.memory_space<vmem>>
    %dma_wait3A_16 = arith.constant 0 : i32
    %dma_wait3A_17 = arith.constant 0 : i32
    %dma_wait3A_18 = tpu.memref_slice %arg4[%dma_wait3A_16, %dma_wait3A_17] : memref<32x1000000xf32, #tpu.memory_space<hbm>> -> memref<32x128xf32, #tpu.memory_space<hbm>>
    %dma_wait3A_19 = tpu.memref_slice %arg16[%dma_wait3A_11] : memref<8x!tpu.dma_semaphore, #tpu.memory_space<semaphore_mem>> -> memref<1x!tpu.dma_semaphore, #tpu.memory_space<semaphore_mem>>
    %dma_wait3A_20 = tpu.memref_squeeze %dma_wait3A_19 : memref<1x!tpu.dma_semaphore, #tpu.memory_space<semaphore_mem>> -> memref<!tpu.dma_semaphore, #tpu.memory_space<semaphore_mem>>
    %dma_wait3A_21 = arith.constant 0 : i32
    %dma_wait3A_22 = arith.constant 0 : i32
    %dma_wait3A_23 = tpu.memref_slice %arg11[%dma_wait3A, %dma_wait3A_21, %dma_wait3A_22] : memref<8x32x128xf32, #tpu.memory_space<vmem>> -> memref<1x32x128xf32, #tpu.memory_space<vmem>>
    %dma_wait3A_24 = tpu.memref_squeeze %dma_wait3A_23 : memref<1x32x128xf32, #tpu.memory_space<vmem>> -> memref<32x128xf32, #tpu.memory_space<vmem>>
    %dma_wait3A_25 = arith.constant 0 : i32
    %dma_wait3A_26 = arith.constant 0 : i32
    %dma_wait3A_27 = tpu.memref_slice %arg4[%dma_wait3A_25, %dma_wait3A_26] : memref<32x1000000xf32, #tpu.memory_space<hbm>> -> memref<32x128xf32, #tpu.memory_space<hbm>>
    tpu.wait_dma2 semaphore(%dma_wait3A_20 : memref<!tpu.dma_semaphore, #tpu.memory_space<semaphore_mem>>) src(%dma_wait3A_27 : memref<32x128xf32, #tpu.memory_space<hbm>>) dst(%dma_wait3A_24 : memref<32x128xf32, #tpu.memory_space<vmem>>)
    %dma_wait3A_28 = arith.constant 0 : i32
    %dma_wait3A_29 = arith.constant 0 : i32
    %dma_wait3A_30 = arith.constant 0 : i32
    %dma_wait3A_31 = arith.constant 0 : i32
    %dma_wait3A_32 = tpu.memref_slice %arg12[%dma_wait3A_28, %dma_wait3A_30, %dma_wait3A_31] : memref<8x32x128xf32, #tpu.memory_space<vmem>> -> memref<1x32x128xf32, #tpu.memory_space<vmem>>
    %dma_wait3A_33 = tpu.memref_squeeze %dma_wait3A_32 : memref<1x32x128xf32, #tpu.memory_space<vmem>> -> memref<32x128xf32, #tpu.memory_space<vmem>>
    %dma_wait3A_34 = arith.constant 0 : i32
    %dma_wait3A_35 = arith.constant 0 : i32
    %dma_wait3A_36 = tpu.memref_slice %arg5[%dma_wait3A_34, %dma_wait3A_35] : memref<32x1000000xf32, #tpu.memory_space<hbm>> -> memref<32x128xf32, #tpu.memory_space<hbm>>
    %dma_wait3A_37 = tpu.memref_slice %arg16[%dma_wait3A_29] : memref<8x!tpu.dma_semaphore, #tpu.memory_space<semaphore_mem>> -> memref<1x!tpu.dma_semaphore, #tpu.memory_space<semaphore_mem>>
    %dma_wait3A_38 = tpu.memref_squeeze %dma_wait3A_37 : memref<1x!tpu.dma_semaphore, #tpu.memory_space<semaphore_mem>> -> memref<!tpu.dma_semaphore, #tpu.memory_space<semaphore_mem>>
    %dma_wait3A_39 = arith.constant 0 : i32
    %dma_wait3A_40 = arith.constant 0 : i32
    %dma_wait3A_41 = tpu.memref_slice %arg12[%dma_wait3A_28, %dma_wait3A_39, %dma_wait3A_40] : memref<8x32x128xf32, #tpu.memory_space<vmem>> -> memref<1x32x128xf32, #tpu.memory_space<vmem>>
    %dma_wait3A_42 = tpu.memref_squeeze %dma_wait3A_41 : memref<1x32x128xf32, #tpu.memory_space<vmem>> -> memref<32x128xf32, #tpu.memory_space<vmem>>
    %dma_wait3A_43 = arith.constant 0 : i32
    %dma_wait3A_44 = arith.constant 0 : i32
    %dma_wait3A_45 = tpu.memref_slice %arg5[%dma_wait3A_43, %dma_wait3A_44] : memref<32x1000000xf32, #tpu.memory_space<hbm>> -> memref<32x128xf32, #tpu.memory_space<hbm>>
    tpu.wait_dma2 semaphore(%dma_wait3A_38 : memref<!tpu.dma_semaphore, #tpu.memory_space<semaphore_mem>>) src(%dma_wait3A_45 : memref<32x128xf32, #tpu.memory_space<hbm>>) dst(%dma_wait3A_42 : memref<32x128xf32, #tpu.memory_space<vmem>>)
    %slice3A = vector.extract_strided_slice %scan3A_9#0 {offsets = [8], sizes = [1], strides = [1]} : vector<16xi32> to vector<1xi32>
    %squeeze3A = vector.extract %slice3A[0] : i32 from vector<1xi32>
    %slice3A_46 = vector.extract_strided_slice %scan3A_9#1 {offsets = [8], sizes = [1], strides = [1]} : vector<16xi32> to vector<1xi32>
    %squeeze3A_47 = vector.extract %slice3A_46[0] : i32 from vector<1xi32>
    %min3A = arith.constant 999935 : i32
    %min3A_48 = arith.minsi %squeeze3A, %min3A : i32
    %shift_right_arithmetic3A = arith.constant 7 : i32
    %shift_right_arithmetic3A_49 = arith.shrsi %min3A_48, %shift_right_arithmetic3A : i32
    %mul3A_50 = arith.constant 128 : i32
    %mul3A_51 = arith.muli %shift_right_arithmetic3A_49, %mul3A_50 : i32
    %sub3A = arith.subi %min3A_48, %mul3A_51 : i32
    %broadcast_in_dim3A_52 = vector.broadcast %sub3A : i32 to vector<16xi32>
    %sub3A_53 = arith.constant 999936 : i32
    %sub3A_54 = arith.subi %squeeze3A, %sub3A_53 : i32
    %max3A = arith.constant 0 : i32
    %max3A_55 = arith.maxsi %sub3A_54, %max3A : i32
    %broadcast_in_dim3A_56 = vector.broadcast %max3A_55 : i32 to vector<16xi32>
    %lt3A = arith.constant 999936 : i32
    %lt3A_57 = arith.cmpi slt, %squeeze3A, %lt3A : i32
    %gather3A = arith.constant 0 : i32
    %gather3A_58 = arith.constant 0 : i32
    %gather3A_59 = arith.constant 0 : i32
    %gather3A_60 = tpu.memref_slice %arg11[%gather3A, %gather3A_58, %gather3A_59] : memref<8x32x128xf32, #tpu.memory_space<vmem>> -> memref<1x32x128xf32, #tpu.memory_space<vmem>>
    %gather3A_61 = tpu.memref_squeeze %gather3A_60 : memref<1x32x128xf32, #tpu.memory_space<vmem>> -> memref<32x128xf32, #tpu.memory_space<vmem>>
    %gather3A_62 = tpu.vector_load_idx %gather3A_61[%iota3A, %broadcast_in_dim3A_52] : memref<32x128xf32, #tpu.memory_space<vmem>>[vector<16xi32>, vector<16xi32>], vector<16xf32>,
    %add3A_63 = arith.constant 16 : i32
    %add3A_64 = vector.broadcast %add3A_63 : i32 to vector<16xi32>
    %add3A_65 = arith.addi %iota3A, %add3A_64 : vector<16xi32>
    %gather3A_66 = arith.constant 0 : i32
    %gather3A_67 = arith.constant 0 : i32
    %gather3A_68 = arith.constant 0 : i32
    %gather3A_69 = tpu.memref_slice %arg11[%gather3A_66, %gather3A_67, %gather3A_68] : memref<8x32x128xf32, #tpu.memory_space<vmem>> -> memref<1x32x128xf32, #tpu.memory_space<vmem>>
    %gather3A_70 = tpu.memref_squeeze %gather3A_69 : memref<1x32x128xf32, #tpu.memory_space<vmem>> -> memref<32x128xf32, #tpu.memory_space<vmem>>
    %gather3A_71 = tpu.vector_load_idx %gather3A_70[%add3A_65, %broadcast_in_dim3A_52] : memref<32x128xf32, #tpu.memory_space<vmem>>[vector<16xi32>, vector<16xi32>], vector<16xf32>,
    %gather3A_72 = tpu.vector_load_idx %arg13[%iota3A, %broadcast_in_dim3A_56] : memref<32x128xf32, #tpu.memory_space<vmem>>[vector<16xi32>, vector<16xi32>], vector<16xf32>,
    %add3A_73 = arith.constant 16 : i32
    %add3A_74 = vector.broadcast %add3A_73 : i32 to vector<16xi32>
    %add3A_75 = arith.addi %iota3A, %add3A_74 : vector<16xi32>
    %gather3A_76 = tpu.vector_load_idx %arg13[%add3A_75, %broadcast_in_dim3A_56] : memref<32x128xf32, #tpu.memory_space<vmem>>[vector<16xi32>, vector<16xi32>], vector<16xf32>,
    %select_n3A = arith.select %lt3A_57, %gather3A_62, %gather3A_72 : vector<16xf32>
    %select_n3A_77 = arith.select %lt3A_57, %gather3A_71, %gather3A_76 : vector<16xf32>
    %min3A_78 = arith.constant 999935 : i32
    %min3A_79 = arith.minsi %squeeze3A_47, %min3A_78 : i32
    %shift_right_arithmetic3A_80 = arith.constant 7 : i32
    %shift_right_arithmetic3A_81 = arith.shrsi %min3A_79, %shift_right_arithmetic3A_80 : i32
    %mul3A_82 = arith.constant 128 : i32
    %mul3A_83 = arith.muli %shift_right_arithmetic3A_81, %mul3A_82 : i32
    %sub3A_84 = arith.subi %min3A_79, %mul3A_83 : i32
    %broadcast_in_dim3A_85 = vector.broadcast %sub3A_84 : i32 to vector<16xi32>
    %sub3A_86 = arith.constant 999936 : i32
    %sub3A_87 = arith.subi %squeeze3A_47, %sub3A_86 : i32
    %max3A_88 = arith.constant 0 : i32
    %max3A_89 = arith.maxsi %sub3A_87, %max3A_88 : i32
    %broadcast_in_dim3A_90 = vector.broadcast %max3A_89 : i32 to vector<16xi32>
    %lt3A_91 = arith.constant 999936 : i32
    %lt3A_92 = arith.cmpi slt, %squeeze3A_47, %lt3A_91 : i32
    %gather3A_93 = arith.constant 0 : i32
    %gather3A_94 = arith.constant 0 : i32
    %gather3A_95 = arith.constant 0 : i32
    %gather3A_96 = tpu.memref_slice %arg12[%gather3A_93, %gather3A_94, %gather3A_95] : memref<8x32x128xf32, #tpu.memory_space<vmem>> -> memref<1x32x128xf32, #tpu.memory_space<vmem>>
    %gather3A_97 = tpu.memref_squeeze %gather3A_96 : memref<1x32x128xf32, #tpu.memory_space<vmem>> -> memref<32x128xf32, #tpu.memory_space<vmem>>
    %gather3A_98 = tpu.vector_load_idx %gather3A_97[%iota3A, %broadcast_in_dim3A_85] : memref<32x128xf32, #tpu.memory_space<vmem>>[vector<16xi32>, vector<16xi32>], vector<16xf32>,
    %add3A_99 = arith.constant 16 : i32
    %add3A_100 = vector.broadcast %add3A_99 : i32 to vector<16xi32>
    %add3A_101 = arith.addi %iota3A, %add3A_100 : vector<16xi32>
    %gather3A_102 = arith.constant 0 : i32
    %gather3A_103 = arith.constant 0 : i32
    %gather3A_104 = arith.constant 0 : i32
    %gather3A_105 = tpu.memref_slice %arg12[%gather3A_102, %gather3A_103, %gather3A_104] : memref<8x32x128xf32, #tpu.memory_space<vmem>> -> memref<1x32x128xf32, #tpu.memory_space<vmem>>
    %gather3A_106 = tpu.memref_squeeze %gather3A_105 : memref<1x32x128xf32, #tpu.memory_space<vmem>> -> memref<32x128xf32, #tpu.memory_space<vmem>>
    %gather3A_107 = tpu.vector_load_idx %gather3A_106[%add3A_101, %broadcast_in_dim3A_85] : memref<32x128xf32, #tpu.memory_space<vmem>>[vector<16xi32>, vector<16xi32>], vector<16xf32>,
    %gather3A_108 = tpu.vector_load_idx %arg14[%iota3A, %broadcast_in_dim3A_90] : memref<32x128xf32, #tpu.memory_space<vmem>>[vector<16xi32>, vector<16xi32>], vector<16xf32>,
    %add3A_109 = arith.constant 16 : i32
    %add3A_110 = vector.broadcast %add3A_109 : i32 to vector<16xi32>
    %add3A_111 = arith.addi %iota3A, %add3A_110 : vector<16xi32>
    %gather3A_112 = tpu.vector_load_idx %arg14[%add3A_111, %broadcast_in_dim3A_90] : memref<32x128xf32, #tpu.memory_space<vmem>>[vector<16xi32>, vector<16xi32>], vector<16xf32>,
    %select_n3A_113 = arith.select %lt3A_92, %gather3A_98, %gather3A_108 : vector<16xf32>
    %select_n3A_114 = arith.select %lt3A_92, %gather3A_107, %gather3A_112 : vector<16xf32>
    %mul3A_115 = arith.mulf %select_n3A, %select_n3A_113 : vector<16xf32>
    %mul3A_116 = arith.mulf %select_n3A_77, %select_n3A_114 : vector<16xf32>
    %add3A_117 = arith.addf %mul3A_115, %mul3A_116 : vector<16xf32>
    %reduce_sum3A = arith.constant true
    %reduce_sum3A_118 = vector.broadcast %reduce_sum3A : i1 to vector<16xi1>
    %reduce_sum3A_119 = tpu.scan <sum>, %add3A_117 masked %reduce_sum3A_118 : vector<16xf32>, vector<16xi1> -> vector<16xf32>
    %reduce_sum3A_120 = vector.extract %reduce_sum3A_119[15] : f32 from vector<16xf32>
    %eq3A = arith.constant 8 : i32
    %eq3A_121 = vector.broadcast %eq3A : i32 to vector<16xi32>
    %eq3A_122 = arith.cmpi eq, %iota3A, %eq3A_121 : vector<16xi32>
    %broadcast_in_dim3A_123 = vector.broadcast %reduce_sum3A_120 : f32 to vector<16xf32>
    %select_n3A_124 = arith.select %eq3A_122, %broadcast_in_dim3A_123, %scan3A_9#2 : vector<16xi1>, vector<16xf32>
    %dma_wait3A_125 = arith.constant 1 : i32
    %dma_wait3A_126 = arith.constant 1 : i32
    %dma_wait3A_127 = arith.constant 0 : i32
    %dma_wait3A_128 = arith.constant 0 : i32
    %dma_wait3A_129 = tpu.memref_slice %arg11[%dma_wait3A_125, %dma_wait3A_127, %dma_wait3A_128] : memref<8x32x128xf32, #tpu.memory_space<vmem>> -> memref<1x32x128xf32, #tpu.memory_space<vmem>>
    %dma_wait3A_130 = tpu.memref_squeeze %dma_wait3A_129 : memref<1x32x128xf32, #tpu.memory_space<vmem>> -> memref<32x128xf32, #tpu.memory_space<vmem>>
    %dma_wait3A_131 = arith.constant 0 : i32
    %dma_wait3A_132 = arith.constant 0 : i32
    %dma_wait3A_133 = tpu.memref_slice %arg4[%dma_wait3A_131, %dma_wait3A_132] : memref<32x1000000xf32, #tpu.memory_space<hbm>> -> memref<32x128xf32, #tpu.memory_space<hbm>>
    %dma_wait3A_134 = tpu.memref_slice %arg16[%dma_wait3A_126] : memref<8x!tpu.dma_semaphore, #tpu.memory_space<semaphore_mem>> -> memref<1x!tpu.dma_semaphore, #tpu.memory_space<semaphore_mem>>
    %dma_wait3A_135 = tpu.memref_squeeze %dma_wait3A_134 : memref<1x!tpu.dma_semaphore, #tpu.memory_space<semaphore_mem>> -> memref<!tpu.dma_semaphore, #tpu.memory_space<semaphore_mem>>
    %dma_wait3A_136 = arith.constant 0 : i32
    %dma_wait3A_137 = arith.constant 0 : i32
    %dma_wait3A_138 = tpu.memref_slice %arg11[%dma_wait3A_125, %dma_wait3A_136, %dma_wait3A_137] : memref<8x32x128xf32, #tpu.memory_space<vmem>> -> memref<1x32x128xf32, #tpu.memory_space<vmem>>
    %dma_wait3A_139 = tpu.memref_squeeze %dma_wait3A_138 : memref<1x32x128xf32, #tpu.memory_space<vmem>> -> memref<32x128xf32, #tpu.memory_space<vmem>>
    %dma_wait3A_140 = arith.constant 0 : i32
    %dma_wait3A_141 = arith.constant 0 : i32
    %dma_wait3A_142 = tpu.memref_slice %arg4[%dma_wait3A_140, %dma_wait3A_141] : memref<32x1000000xf32, #tpu.memory_space<hbm>> -> memref<32x128xf32, #tpu.memory_space<hbm>>
    tpu.wait_dma2 semaphore(%dma_wait3A_135 : memref<!tpu.dma_semaphore, #tpu.memory_space<semaphore_mem>>) src(%dma_wait3A_142 : memref<32x128xf32, #tpu.memory_space<hbm>>) dst(%dma_wait3A_139 : memref<32x128xf32, #tpu.memory_space<vmem>>)
    %dma_wait3A_143 = arith.constant 1 : i32
    %dma_wait3A_144 = arith.constant 1 : i32
    %dma_wait3A_145 = arith.constant 0 : i32
    %dma_wait3A_146 = arith.constant 0 : i32
    %dma_wait3A_147 = tpu.memref_slice %arg12[%dma_wait3A_143, %dma_wait3A_145, %dma_wait3A_146] : memref<8x32x128xf32, #tpu.memory_space<vmem>> -> memref<1x32x128xf32, #tpu.memory_space<vmem>>
    %dma_wait3A_148 = tpu.memref_squeeze %dma_wait3A_147 : memref<1x32x128xf32, #tpu.memory_space<vmem>> -> memref<32x128xf32, #tpu.memory_space<vmem>>
    %dma_wait3A_149 = arith.constant 0 : i32
    %dma_wait3A_150 = arith.constant 0 : i32
    %dma_wait3A_151 = tpu.memref_slice %arg5[%dma_wait3A_149, %dma_wait3A_150] : memref<32x1000000xf32, #tpu.memory_space<hbm>> -> memref<32x128xf32, #tpu.memory_space<hbm>>
    %dma_wait3A_152 = tpu.memref_slice %arg16[%dma_wait3A_144] : memref<8x!tpu.dma_semaphore, #tpu.memory_space<semaphore_mem>> -> memref<1x!tpu.dma_semaphore, #tpu.memory_space<semaphore_mem>>
    %dma_wait3A_153 = tpu.memref_squeeze %dma_wait3A_152 : memref<1x!tpu.dma_semaphore, #tpu.memory_space<semaphore_mem>> -> memref<!tpu.dma_semaphore, #tpu.memory_space<semaphore_mem>>
    %dma_wait3A_154 = arith.constant 0 : i32
    %dma_wait3A_155 = arith.constant 0 : i32
    %dma_wait3A_156 = tpu.memref_slice %arg12[%dma_wait3A_143, %dma_wait3A_154, %dma_wait3A_155] : memref<8x32x128xf32, #tpu.memory_space<vmem>> -> memref<1x32x128xf32, #tpu.memory_space<vmem>>
    %dma_wait3A_157 = tpu.memref_squeeze %dma_wait3A_156 : memref<1x32x128xf32, #tpu.memory_space<vmem>> -> memref<32x128xf32, #tpu.memory_space<vmem>>
    %dma_wait3A_158 = arith.constant 0 : i32
    %dma_wait3A_159 = arith.constant 0 : i32
    %dma_wait3A_160 = tpu.memref_slice %arg5[%dma_wait3A_158, %dma_wait3A_159] : memref<32x1000000xf32, #tpu.memory_space<hbm>> -> memref<32x128xf32, #tpu.memory_space<hbm>>
    tpu.wait_dma2 semaphore(%dma_wait3A_153 : memref<!tpu.dma_semaphore, #tpu.memory_space<semaphore_mem>>) src(%dma_wait3A_160 : memref<32x128xf32, #tpu.memory_space<hbm>>) dst(%dma_wait3A_157 : memref<32x128xf32, #tpu.memory_space<vmem>>)
    %slice3A_161 = vector.extract_strided_slice %scan3A_9#0 {offsets = [9], sizes = [1], strides = [1]} : vector<16xi32> to vector<1xi32>
    %squeeze3A_162 = vector.extract %slice3A_161[0] : i32 from vector<1xi32>
    %slice3A_163 = vector.extract_strided_slice %scan3A_9#1 {offsets = [9], sizes = [1], strides = [1]} : vector<16xi32> to vector<1xi32>
    %squeeze3A_164 = vector.extract %slice3A_163[0] : i32 from vector<1xi32>
    %min3A_165 = arith.constant 999935 : i32
    %min3A_166 = arith.minsi %squeeze3A_162, %min3A_165 : i32
    %shift_right_arithmetic3A_167 = arith.constant 7 : i32
    %shift_right_arithmetic3A_168 = arith.shrsi %min3A_166, %shift_right_arithmetic3A_167 : i32
    %mul3A_169 = arith.constant 128 : i32
    %mul3A_170 = arith.muli %shift_right_arithmetic3A_168, %mul3A_169 : i32
    %sub3A_171 = arith.subi %min3A_166, %mul3A_170 : i32
    %broadcast_in_dim3A_172 = vector.broadcast %sub3A_171 : i32 to vector<16xi32>
    %sub3A_173 = arith.constant 999936 : i32
    %sub3A_174 = arith.subi %squeeze3A_162, %sub3A_173 : i32
    %max3A_175 = arith.constant 0 : i32
    %max3A_176 = arith.maxsi %sub3A_174, %max3A_175 : i32
    %broadcast_in_dim3A_177 = vector.broadcast %max3A_176 : i32 to vector<16xi32>
    %lt3A_178 = arith.constant 999936 : i32
    %lt3A_179 = arith.cmpi slt, %squeeze3A_162, %lt3A_178 : i32
    %gather3A_180 = arith.constant 1 : i32
    %gather3A_181 = arith.constant 0 : i32
    %gather3A_182 = arith.constant 0 : i32
    %gather3A_183 = tpu.memref_slice %arg11[%gather3A_180, %gather3A_181, %gather3A_182] : memref<8x32x128xf32, #tpu.memory_space<vmem>> -> memref<1x32x128xf32, #tpu.memory_space<vmem>>
    %gather3A_184 = tpu.memref_squeeze %gather3A_183 : memref<1x32x128xf32, #tpu.memory_space<vmem>> -> memref<32x128xf32, #tpu.memory_space<vmem>>
    %gather3A_185 = tpu.vector_load_idx %gather3A_184[%iota3A, %broadcast_in_dim3A_172] : memref<32x128xf32, #tpu.memory_space<vmem>>[vector<16xi32>, vector<16xi32>], vector<16xf32>,
    %add3A_186 = arith.constant 16 : i32
    %add3A_187 = vector.broadcast %add3A_186 : i32 to vector<16xi32>
    %add3A_188 = arith.addi %iota3A, %add3A_187 : vector<16xi32>
    %gather3A_189 = arith.constant 1 : i32
    %gather3A_190 = arith.constant 0 : i32
    %gather3A_191 = arith.constant 0 : i32
    %gather3A_192 = tpu.memref_slice %arg11[%gather3A_189, %gather3A_190, %gather3A_191] : memref<8x32x128xf32, #tpu.memory_space<vmem>> -> memref<1x32x128xf32, #tpu.memory_space<vmem>>
    %gather3A_193 = tpu.memref_squeeze %gather3A_192 : memref<1x32x128xf32, #tpu.memory_space<vmem>> -> memref<32x128xf32, #tpu.memory_space<vmem>>
    %gather3A_194 = tpu.vector_load_idx %gather3A_193[%add3A_188, %broadcast_in_dim3A_172] : memref<32x128xf32, #tpu.memory_space<vmem>>[vector<16xi32>, vector<16xi32>], vector<16xf32>,
    %gather3A_195 = tpu.vector_load_idx %arg13[%iota3A, %broadcast_in_dim3A_177] : memref<32x128xf32, #tpu.memory_space<vmem>>[vector<16xi32>, vector<16xi32>], vector<16xf32>,
    %add3A_196 = arith.constant 16 : i32
    %add3A_197 = vector.broadcast %add3A_196 : i32 to vector<16xi32>
    %add3A_198 = arith.addi %iota3A, %add3A_197 : vector<16xi32>
    %gather3A_199 = tpu.vector_load_idx %arg13[%add3A_198, %broadcast_in_dim3A_177] : memref<32x128xf32, #tpu.memory_space<vmem>>[vector<16xi32>, vector<16xi32>], vector<16xf32>,
    %select_n3A_200 = arith.select %lt3A_179, %gather3A_185, %gather3A_195 : vector<16xf32>
    %select_n3A_201 = arith.select %lt3A_179, %gather3A_194, %gather3A_199 : vector<16xf32>
    %min3A_202 = arith.constant 999935 : i32
    %min3A_203 = arith.minsi %squeeze3A_164, %min3A_202 : i32
    %shift_right_arithmetic3A_204 = arith.constant 7 : i32
    %shift_right_arithmetic3A_205 = arith.shrsi %min3A_203, %shift_right_arithmetic3A_204 : i32
    %mul3A_206 = arith.constant 128 : i32
    %mul3A_207 = arith.muli %shift_right_arithmetic3A_205, %mul3A_206 : i32
    %sub3A_208 = arith.subi %min3A_203, %mul3A_207 : i32
    %broadcast_in_dim3A_209 = vector.broadcast %sub3A_208 : i32 to vector<16xi32>
    %sub3A_210 = arith.constant 999936 : i32
    %sub3A_211 = arith.subi %squeeze3A_164, %sub3A_210 : i32
    %max3A_212 = arith.constant 0 : i32
    %max3A_213 = arith.maxsi %sub3A_211, %max3A_212 : i32
    %broadcast_in_dim3A_214 = vector.broadcast %max3A_213 : i32 to vector<16xi32>
    %lt3A_215 = arith.constant 999936 : i32
    %lt3A_216 = arith.cmpi slt, %squeeze3A_164, %lt3A_215 : i32
    %gather3A_217 = arith.constant 1 : i32
    %gather3A_218 = arith.constant 0 : i32
    %gather3A_219 = arith.constant 0 : i32
    %gather3A_220 = tpu.memref_slice %arg12[%gather3A_217, %gather3A_218, %gather3A_219] : memref<8x32x128xf32, #tpu.memory_space<vmem>> -> memref<1x32x128xf32, #tpu.memory_space<vmem>>
    %gather3A_221 = tpu.memref_squeeze %gather3A_220 : memref<1x32x128xf32, #tpu.memory_space<vmem>> -> memref<32x128xf32, #tpu.memory_space<vmem>>
    %gather3A_222 = tpu.vector_load_idx %gather3A_221[%iota3A, %broadcast_in_dim3A_209] : memref<32x128xf32, #tpu.memory_space<vmem>>[vector<16xi32>, vector<16xi32>], vector<16xf32>,
    %add3A_223 = arith.constant 16 : i32
    %add3A_224 = vector.broadcast %add3A_223 : i32 to vector<16xi32>
    %add3A_225 = arith.addi %iota3A, %add3A_224 : vector<16xi32>
    %gather3A_226 = arith.constant 1 : i32
    %gather3A_227 = arith.constant 0 : i32
    %gather3A_228 = arith.constant 0 : i32
    %gather3A_229 = tpu.memref_slice %arg12[%gather3A_226, %gather3A_227, %gather3A_228] : memref<8x32x128xf32, #tpu.memory_space<vmem>> -> memref<1x32x128xf32, #tpu.memory_space<vmem>>
    %gather3A_230 = tpu.memref_squeeze %gather3A_229 : memref<1x32x128xf32, #tpu.memory_space<vmem>> -> memref<32x128xf32, #tpu.memory_space<vmem>>
    %gather3A_231 = tpu.vector_load_idx %gather3A_230[%add3A_225, %broadcast_in_dim3A_209] : memref<32x128xf32, #tpu.memory_space<vmem>>[vector<16xi32>, vector<16xi32>], vector<16xf32>,
    %gather3A_232 = tpu.vector_load_idx %arg14[%iota3A, %broadcast_in_dim3A_214] : memref<32x128xf32, #tpu.memory_space<vmem>>[vector<16xi32>, vector<16xi32>], vector<16xf32>,
    %add3A_233 = arith.constant 16 : i32
    %add3A_234 = vector.broadcast %add3A_233 : i32 to vector<16xi32>
    %add3A_235 = arith.addi %iota3A, %add3A_234 : vector<16xi32>
    %gather3A_236 = tpu.vector_load_idx %arg14[%add3A_235, %broadcast_in_dim3A_214] : memref<32x128xf32, #tpu.memory_space<vmem>>[vector<16xi32>, vector<16xi32>], vector<16xf32>,
    %select_n3A_237 = arith.select %lt3A_216, %gather3A_222, %gather3A_232 : vector<16xf32>
    %select_n3A_238 = arith.select %lt3A_216, %gather3A_231, %gather3A_236 : vector<16xf32>
    %mul3A_239 = arith.mulf %select_n3A_200, %select_n3A_237 : vector<16xf32>
    %mul3A_240 = arith.mulf %select_n3A_201, %select_n3A_238 : vector<16xf32>
    %add3A_241 = arith.addf %mul3A_239, %mul3A_240 : vector<16xf32>
    %reduce_sum3A_242 = arith.constant true
    %reduce_sum3A_243 = vector.broadcast %reduce_sum3A_242 : i1 to vector<16xi1>
    %reduce_sum3A_244 = tpu.scan <sum>, %add3A_241 masked %reduce_sum3A_243 : vector<16xf32>, vector<16xi1> -> vector<16xf32>
    %reduce_sum3A_245 = vector.extract %reduce_sum3A_244[15] : f32 from vector<16xf32>
    %eq3A_246 = arith.constant 9 : i32
    %eq3A_247 = vector.broadcast %eq3A_246 : i32 to vector<16xi32>
    %eq3A_248 = arith.cmpi eq, %iota3A, %eq3A_247 : vector<16xi32>
    %broadcast_in_dim3A_249 = vector.broadcast %reduce_sum3A_245 : f32 to vector<16xf32>
    %select_n3A_250 = arith.select %eq3A_248, %broadcast_in_dim3A_249, %select_n3A_124 : vector<16xi1>, vector<16xf32>
    %dma_wait3A_251 = arith.constant 2 : i32
    %dma_wait3A_252 = arith.constant 2 : i32
    %dma_wait3A_253 = arith.constant 0 : i32
    %dma_wait3A_254 = arith.constant 0 : i32
    %dma_wait3A_255 = tpu.memref_slice %arg11[%dma_wait3A_251, %dma_wait3A_253, %dma_wait3A_254] : memref<8x32x128xf32, #tpu.memory_space<vmem>> -> memref<1x32x128xf32, #tpu.memory_space<vmem>>
    %dma_wait3A_256 = tpu.memref_squeeze %dma_wait3A_255 : memref<1x32x128xf32, #tpu.memory_space<vmem>> -> memref<32x128xf32, #tpu.memory_space<vmem>>
    %dma_wait3A_257 = arith.constant 0 : i32
    %dma_wait3A_258 = arith.constant 0 : i32
    %dma_wait3A_259 = tpu.memref_slice %arg4[%dma_wait3A_257, %dma_wait3A_258] : memref<32x1000000xf32, #tpu.memory_space<hbm>> -> memref<32x128xf32, #tpu.memory_space<hbm>>
    %dma_wait3A_260 = tpu.memref_slice %arg16[%dma_wait3A_252] : memref<8x!tpu.dma_semaphore, #tpu.memory_space<semaphore_mem>> -> memref<1x!tpu.dma_semaphore, #tpu.memory_space<semaphore_mem>>
    %dma_wait3A_261 = tpu.memref_squeeze %dma_wait3A_260 : memref<1x!tpu.dma_semaphore, #tpu.memory_space<semaphore_mem>> -> memref<!tpu.dma_semaphore, #tpu.memory_space<semaphore_mem>>
    %dma_wait3A_262 = arith.constant 0 : i32
    %dma_wait3A_263 = arith.constant 0 : i32
    %dma_wait3A_264 = tpu.memref_slice %arg11[%dma_wait3A_251, %dma_wait3A_262, %dma_wait3A_263] : memref<8x32x128xf32, #tpu.memory_space<vmem>> -> memref<1x32x128xf32, #tpu.memory_space<vmem>>
    %dma_wait3A_265 = tpu.memref_squeeze %dma_wait3A_264 : memref<1x32x128xf32, #tpu.memory_space<vmem>> -> memref<32x128xf32, #tpu.memory_space<vmem>>
    %dma_wait3A_266 = arith.constant 0 : i32
    %dma_wait3A_267 = arith.constant 0 : i32
    %dma_wait3A_268 = tpu.memref_slice %arg4[%dma_wait3A_266, %dma_wait3A_267] : memref<32x1000000xf32, #tpu.memory_space<hbm>> -> memref<32x128xf32, #tpu.memory_space<hbm>>
    tpu.wait_dma2 semaphore(%dma_wait3A_261 : memref<!tpu.dma_semaphore, #tpu.memory_space<semaphore_mem>>) src(%dma_wait3A_268 : memref<32x128xf32, #tpu.memory_space<hbm>>) dst(%dma_wait3A_265 : memref<32x128xf32, #tpu.memory_space<vmem>>)
    %dma_wait3A_269 = arith.constant 2 : i32
    %dma_wait3A_270 = arith.constant 2 : i32
    %dma_wait3A_271 = arith.constant 0 : i32
    %dma_wait3A_272 = arith.constant 0 : i32
    %dma_wait3A_273 = tpu.memref_slice %arg12[%dma_wait3A_269, %dma_wait3A_271, %dma_wait3A_272] : memref<8x32x128xf32, #tpu.memory_space<vmem>> -> memref<1x32x128xf32, #tpu.memory_space<vmem>>
    %dma_wait3A_274 = tpu.memref_squeeze %dma_wait3A_273 : memref<1x32x128xf32, #tpu.memory_space<vmem>> -> memref<32x128xf32, #tpu.memory_space<vmem>>
    %dma_wait3A_275 = arith.constant 0 : i32
    %dma_wait3A_276 = arith.constant 0 : i32
    %dma_wait3A_277 = tpu.memref_slice %arg5[%dma_wait3A_275, %dma_wait3A_276] : memref<32x1000000xf32, #tpu.memory_space<hbm>> -> memref<32x128xf32, #tpu.memory_space<hbm>>
    %dma_wait3A_278 = tpu.memref_slice %arg16[%dma_wait3A_270] : memref<8x!tpu.dma_semaphore, #tpu.memory_space<semaphore_mem>> -> memref<1x!tpu.dma_semaphore, #tpu.memory_space<semaphore_mem>>
    %dma_wait3A_279 = tpu.memref_squeeze %dma_wait3A_278 : memref<1x!tpu.dma_semaphore, #tpu.memory_space<semaphore_mem>> -> memref<!tpu.dma_semaphore, #tpu.memory_space<semaphore_mem>>
    %dma_wait3A_280 = arith.constant 0 : i32
    %dma_wait3A_281 = arith.constant 0 : i32
    %dma_wait3A_282 = tpu.memref_slice %arg12[%dma_wait3A_269, %dma_wait3A_280, %dma_wait3A_281] : memref<8x32x128xf32, #tpu.memory_space<vmem>> -> memref<1x32x128xf32, #tpu.memory_space<vmem>>
    %dma_wait3A_283 = tpu.memref_squeeze %dma_wait3A_282 : memref<1x32x128xf32, #tpu.memory_space<vmem>> -> memref<32x128xf32, #tpu.memory_space<vmem>>
    %dma_wait3A_284 = arith.constant 0 : i32
    %dma_wait3A_285 = arith.constant 0 : i32
    %dma_wait3A_286 = tpu.memref_slice %arg5[%dma_wait3A_284, %dma_wait3A_285] : memref<32x1000000xf32, #tpu.memory_space<hbm>> -> memref<32x128xf32, #tpu.memory_space<hbm>>
    tpu.wait_dma2 semaphore(%dma_wait3A_279 : memref<!tpu.dma_semaphore, #tpu.memory_space<semaphore_mem>>) src(%dma_wait3A_286 : memref<32x128xf32, #tpu.memory_space<hbm>>) dst(%dma_wait3A_283 : memref<32x128xf32, #tpu.memory_space<vmem>>)
    %slice3A_287 = vector.extract_strided_slice %scan3A_9#0 {offsets = [10], sizes = [1], strides = [1]} : vector<16xi32> to vector<1xi32>
    %squeeze3A_288 = vector.extract %slice3A_287[0] : i32 from vector<1xi32>
    %slice3A_289 = vector.extract_strided_slice %scan3A_9#1 {offsets = [10], sizes = [1], strides = [1]} : vector<16xi32> to vector<1xi32>
    %squeeze3A_290 = vector.extract %slice3A_289[0] : i32 from vector<1xi32>
    %min3A_291 = arith.constant 999935 : i32
    %min3A_292 = arith.minsi %squeeze3A_288, %min3A_291 : i32
    %shift_right_arithmetic3A_293 = arith.constant 7 : i32
    %shift_right_arithmetic3A_294 = arith.shrsi %min3A_292, %shift_right_arithmetic3A_293 : i32
    %mul3A_295 = arith.constant 128 : i32
    %mul3A_296 = arith.muli %shift_right_arithmetic3A_294, %mul3A_295 : i32
    %sub3A_297 = arith.subi %min3A_292, %mul3A_296 : i32
    %broadcast_in_dim3A_298 = vector.broadcast %sub3A_297 : i32 to vector<16xi32>
    %sub3A_299 = arith.constant 999936 : i32
    %sub3A_300 = arith.subi %squeeze3A_288, %sub3A_299 : i32
    %max3A_301 = arith.constant 0 : i32
    %max3A_302 = arith.maxsi %sub3A_300, %max3A_301 : i32
    %broadcast_in_dim3A_303 = vector.broadcast %max3A_302 : i32 to vector<16xi32>
    %lt3A_304 = arith.constant 999936 : i32
    %lt3A_305 = arith.cmpi slt, %squeeze3A_288, %lt3A_304 : i32
    %gather3A_306 = arith.constant 2 : i32
    %gather3A_307 = arith.constant 0 : i32
    %gather3A_308 = arith.constant 0 : i32
    %gather3A_309 = tpu.memref_slice %arg11[%gather3A_306, %gather3A_307, %gather3A_308] : memref<8x32x128xf32, #tpu.memory_space<vmem>> -> memref<1x32x128xf32, #tpu.memory_space<vmem>>
    %gather3A_310 = tpu.memref_squeeze %gather3A_309 : memref<1x32x128xf32, #tpu.memory_space<vmem>> -> memref<32x128xf32, #tpu.memory_space<vmem>>
    %gather3A_311 = tpu.vector_load_idx %gather3A_310[%iota3A, %broadcast_in_dim3A_298] : memref<32x128xf32, #tpu.memory_space<vmem>>[vector<16xi32>, vector<16xi32>], vector<16xf32>,
    %add3A_312 = arith.constant 16 : i32
    %add3A_313 = vector.broadcast %add3A_312 : i32 to vector<16xi32>
    %add3A_314 = arith.addi %iota3A, %add3A_313 : vector<16xi32>
    %gather3A_315 = arith.constant 2 : i32
    %gather3A_316 = arith.constant 0 : i32
    %gather3A_317 = arith.constant 0 : i32
    %gather3A_318 = tpu.memref_slice %arg11[%gather3A_315, %gather3A_316, %gather3A_317] : memref<8x32x128xf32, #tpu.memory_space<vmem>> -> memref<1x32x128xf32, #tpu.memory_space<vmem>>
    %gather3A_319 = tpu.memref_squeeze %gather3A_318 : memref<1x32x128xf32, #tpu.memory_space<vmem>> -> memref<32x128xf32, #tpu.memory_space<vmem>>
    %gather3A_320 = tpu.vector_load_idx %gather3A_319[%add3A_314, %broadcast_in_dim3A_298] : memref<32x128xf32, #tpu.memory_space<vmem>>[vector<16xi32>, vector<16xi32>], vector<16xf32>,
    %gather3A_321 = tpu.vector_load_idx %arg13[%iota3A, %broadcast_in_dim3A_303] : memref<32x128xf32, #tpu.memory_space<vmem>>[vector<16xi32>, vector<16xi32>], vector<16xf32>,
    %add3A_322 = arith.constant 16 : i32
    %add3A_323 = vector.broadcast %add3A_322 : i32 to vector<16xi32>
    %add3A_324 = arith.addi %iota3A, %add3A_323 : vector<16xi32>
    %gather3A_325 = tpu.vector_load_idx %arg13[%add3A_324, %broadcast_in_dim3A_303] : memref<32x128xf32, #tpu.memory_space<vmem>>[vector<16xi32>, vector<16xi32>], vector<16xf32>,
    %select_n3A_326 = arith.select %lt3A_305, %gather3A_311, %gather3A_321 : vector<16xf32>
    %select_n3A_327 = arith.select %lt3A_305, %gather3A_320, %gather3A_325 : vector<16xf32>
    %min3A_328 = arith.constant 999935 : i32
    %min3A_329 = arith.minsi %squeeze3A_290, %min3A_328 : i32
    %shift_right_arithmetic3A_330 = arith.constant 7 : i32
    %shift_right_arithmetic3A_331 = arith.shrsi %min3A_329, %shift_right_arithmetic3A_330 : i32
    %mul3A_332 = arith.constant 128 : i32
    %mul3A_333 = arith.muli %shift_right_arithmetic3A_331, %mul3A_332 : i32
    %sub3A_334 = arith.subi %min3A_329, %mul3A_333 : i32
    %broadcast_in_dim3A_335 = vector.broadcast %sub3A_334 : i32 to vector<16xi32>
    %sub3A_336 = arith.constant 999936 : i32
    %sub3A_337 = arith.subi %squeeze3A_290, %sub3A_336 : i32
    %max3A_338 = arith.constant 0 : i32
    %max3A_339 = arith.maxsi %sub3A_337, %max3A_338 : i32
    %broadcast_in_dim3A_340 = vector.broadcast %max3A_339 : i32 to vector<16xi32>
    %lt3A_341 = arith.constant 999936 : i32
    %lt3A_342 = arith.cmpi slt, %squeeze3A_290, %lt3A_341 : i32
    %gather3A_343 = arith.constant 2 : i32
    %gather3A_344 = arith.constant 0 : i32
    %gather3A_345 = arith.constant 0 : i32
    %gather3A_346 = tpu.memref_slice %arg12[%gather3A_343, %gather3A_344, %gather3A_345] : memref<8x32x128xf32, #tpu.memory_space<vmem>> -> memref<1x32x128xf32, #tpu.memory_space<vmem>>
    %gather3A_347 = tpu.memref_squeeze %gather3A_346 : memref<1x32x128xf32, #tpu.memory_space<vmem>> -> memref<32x128xf32, #tpu.memory_space<vmem>>
    %gather3A_348 = tpu.vector_load_idx %gather3A_347[%iota3A, %broadcast_in_dim3A_335] : memref<32x128xf32, #tpu.memory_space<vmem>>[vector<16xi32>, vector<16xi32>], vector<16xf32>,
    %add3A_349 = arith.constant 16 : i32
    %add3A_350 = vector.broadcast %add3A_349 : i32 to vector<16xi32>
    %add3A_351 = arith.addi %iota3A, %add3A_350 : vector<16xi32>
    %gather3A_352 = arith.constant 2 : i32
    %gather3A_353 = arith.constant 0 : i32
    %gather3A_354 = arith.constant 0 : i32
    %gather3A_355 = tpu.memref_slice %arg12[%gather3A_352, %gather3A_353, %gather3A_354] : memref<8x32x128xf32, #tpu.memory_space<vmem>> -> memref<1x32x128xf32, #tpu.memory_space<vmem>>
    %gather3A_356 = tpu.memref_squeeze %gather3A_355 : memref<1x32x128xf32, #tpu.memory_space<vmem>> -> memref<32x128xf32, #tpu.memory_space<vmem>>
    %gather3A_357 = tpu.vector_load_idx %gather3A_356[%add3A_351, %broadcast_in_dim3A_335] : memref<32x128xf32, #tpu.memory_space<vmem>>[vector<16xi32>, vector<16xi32>], vector<16xf32>,
    %gather3A_358 = tpu.vector_load_idx %arg14[%iota3A, %broadcast_in_dim3A_340] : memref<32x128xf32, #tpu.memory_space<vmem>>[vector<16xi32>, vector<16xi32>], vector<16xf32>,
    %add3A_359 = arith.constant 16 : i32
    %add3A_360 = vector.broadcast %add3A_359 : i32 to vector<16xi32>
    %add3A_361 = arith.addi %iota3A, %add3A_360 : vector<16xi32>
    %gather3A_362 = tpu.vector_load_idx %arg14[%add3A_361, %broadcast_in_dim3A_340] : memref<32x128xf32, #tpu.memory_space<vmem>>[vector<16xi32>, vector<16xi32>], vector<16xf32>,
    %select_n3A_363 = arith.select %lt3A_342, %gather3A_348, %gather3A_358 : vector<16xf32>
    %select_n3A_364 = arith.select %lt3A_342, %gather3A_357, %gather3A_362 : vector<16xf32>
    %mul3A_365 = arith.mulf %select_n3A_326, %select_n3A_363 : vector<16xf32>
    %mul3A_366 = arith.mulf %select_n3A_327, %select_n3A_364 : vector<16xf32>
    %add3A_367 = arith.addf %mul3A_365, %mul3A_366 : vector<16xf32>
    %reduce_sum3A_368 = arith.constant true
    %reduce_sum3A_369 = vector.broadcast %reduce_sum3A_368 : i1 to vector<16xi1>
    %reduce_sum3A_370 = tpu.scan <sum>, %add3A_367 masked %reduce_sum3A_369 : vector<16xf32>, vector<16xi1> -> vector<16xf32>
    %reduce_sum3A_371 = vector.extract %reduce_sum3A_370[15] : f32 from vector<16xf32>
    %eq3A_372 = arith.constant 10 : i32
    %eq3A_373 = vector.broadcast %eq3A_372 : i32 to vector<16xi32>
    %eq3A_374 = arith.cmpi eq, %iota3A, %eq3A_373 : vector<16xi32>
    %broadcast_in_dim3A_375 = vector.broadcast %reduce_sum3A_371 : f32 to vector<16xf32>
    %select_n3A_376 = arith.select %eq3A_374, %broadcast_in_dim3A_375, %select_n3A_250 : vector<16xi1>, vector<16xf32>
    %dma_wait3A_377 = arith.constant 3 : i32
    %dma_wait3A_378 = arith.constant 3 : i32
    %dma_wait3A_379 = arith.constant 0 : i32
    %dma_wait3A_380 = arith.constant 0 : i32
    %dma_wait3A_381 = tpu.memref_slice %arg11[%dma_wait3A_377, %dma_wait3A_379, %dma_wait3A_380] : memref<8x32x128xf32, #tpu.memory_space<vmem>> -> memref<1x32x128xf32, #tpu.memory_space<vmem>>
    %dma_wait3A_382 = tpu.memref_squeeze %dma_wait3A_381 : memref<1x32x128xf32, #tpu.memory_space<vmem>> -> memref<32x128xf32, #tpu.memory_space<vmem>>
    %dma_wait3A_383 = arith.constant 0 : i32
    %dma_wait3A_384 = arith.constant 0 : i32
    %dma_wait3A_385 = tpu.memref_slice %arg4[%dma_wait3A_383, %dma_wait3A_384] : memref<32x1000000xf32, #tpu.memory_space<hbm>> -> memref<32x128xf32, #tpu.memory_space<hbm>>
    %dma_wait3A_386 = tpu.memref_slice %arg16[%dma_wait3A_378] : memref<8x!tpu.dma_semaphore, #tpu.memory_space<semaphore_mem>> -> memref<1x!tpu.dma_semaphore, #tpu.memory_space<semaphore_mem>>
    %dma_wait3A_387 = tpu.memref_squeeze %dma_wait3A_386 : memref<1x!tpu.dma_semaphore, #tpu.memory_space<semaphore_mem>> -> memref<!tpu.dma_semaphore, #tpu.memory_space<semaphore_mem>>
    %dma_wait3A_388 = arith.constant 0 : i32
    %dma_wait3A_389 = arith.constant 0 : i32
    %dma_wait3A_390 = tpu.memref_slice %arg11[%dma_wait3A_377, %dma_wait3A_388, %dma_wait3A_389] : memref<8x32x128xf32, #tpu.memory_space<vmem>> -> memref<1x32x128xf32, #tpu.memory_space<vmem>>
    %dma_wait3A_391 = tpu.memref_squeeze %dma_wait3A_390 : memref<1x32x128xf32, #tpu.memory_space<vmem>> -> memref<32x128xf32, #tpu.memory_space<vmem>>
    %dma_wait3A_392 = arith.constant 0 : i32
    %dma_wait3A_393 = arith.constant 0 : i32
    %dma_wait3A_394 = tpu.memref_slice %arg4[%dma_wait3A_392, %dma_wait3A_393] : memref<32x1000000xf32, #tpu.memory_space<hbm>> -> memref<32x128xf32, #tpu.memory_space<hbm>>
    tpu.wait_dma2 semaphore(%dma_wait3A_387 : memref<!tpu.dma_semaphore, #tpu.memory_space<semaphore_mem>>) src(%dma_wait3A_394 : memref<32x128xf32, #tpu.memory_space<hbm>>) dst(%dma_wait3A_391 : memref<32x128xf32, #tpu.memory_space<vmem>>)
    %dma_wait3A_395 = arith.constant 3 : i32
    %dma_wait3A_396 = arith.constant 3 : i32
    %dma_wait3A_397 = arith.constant 0 : i32
    %dma_wait3A_398 = arith.constant 0 : i32
    %dma_wait3A_399 = tpu.memref_slice %arg12[%dma_wait3A_395, %dma_wait3A_397, %dma_wait3A_398] : memref<8x32x128xf32, #tpu.memory_space<vmem>> -> memref<1x32x128xf32, #tpu.memory_space<vmem>>
    %dma_wait3A_400 = tpu.memref_squeeze %dma_wait3A_399 : memref<1x32x128xf32, #tpu.memory_space<vmem>> -> memref<32x128xf32, #tpu.memory_space<vmem>>
    %dma_wait3A_401 = arith.constant 0 : i32
    %dma_wait3A_402 = arith.constant 0 : i32
    %dma_wait3A_403 = tpu.memref_slice %arg5[%dma_wait3A_401, %dma_wait3A_402] : memref<32x1000000xf32, #tpu.memory_space<hbm>> -> memref<32x128xf32, #tpu.memory_space<hbm>>
    %dma_wait3A_404 = tpu.memref_slice %arg16[%dma_wait3A_396] : memref<8x!tpu.dma_semaphore, #tpu.memory_space<semaphore_mem>> -> memref<1x!tpu.dma_semaphore, #tpu.memory_space<semaphore_mem>>
    %dma_wait3A_405 = tpu.memref_squeeze %dma_wait3A_404 : memref<1x!tpu.dma_semaphore, #tpu.memory_space<semaphore_mem>> -> memref<!tpu.dma_semaphore, #tpu.memory_space<semaphore_mem>>
    %dma_wait3A_406 = arith.constant 0 : i32
    %dma_wait3A_407 = arith.constant 0 : i32
    %dma_wait3A_408 = tpu.memref_slice %arg12[%dma_wait3A_395, %dma_wait3A_406, %dma_wait3A_407] : memref<8x32x128xf32, #tpu.memory_space<vmem>> -> memref<1x32x128xf32, #tpu.memory_space<vmem>>
    %dma_wait3A_409 = tpu.memref_squeeze %dma_wait3A_408 : memref<1x32x128xf32, #tpu.memory_space<vmem>> -> memref<32x128xf32, #tpu.memory_space<vmem>>
    %dma_wait3A_410 = arith.constant 0 : i32
    %dma_wait3A_411 = arith.constant 0 : i32
    %dma_wait3A_412 = tpu.memref_slice %arg5[%dma_wait3A_410, %dma_wait3A_411] : memref<32x1000000xf32, #tpu.memory_space<hbm>> -> memref<32x128xf32, #tpu.memory_space<hbm>>
    tpu.wait_dma2 semaphore(%dma_wait3A_405 : memref<!tpu.dma_semaphore, #tpu.memory_space<semaphore_mem>>) src(%dma_wait3A_412 : memref<32x128xf32, #tpu.memory_space<hbm>>) dst(%dma_wait3A_409 : memref<32x128xf32, #tpu.memory_space<vmem>>)
    %slice3A_413 = vector.extract_strided_slice %scan3A_9#0 {offsets = [11], sizes = [1], strides = [1]} : vector<16xi32> to vector<1xi32>
    %squeeze3A_414 = vector.extract %slice3A_413[0] : i32 from vector<1xi32>
    %slice3A_415 = vector.extract_strided_slice %scan3A_9#1 {offsets = [11], sizes = [1], strides = [1]} : vector<16xi32> to vector<1xi32>
    %squeeze3A_416 = vector.extract %slice3A_415[0] : i32 from vector<1xi32>
    %min3A_417 = arith.constant 999935 : i32
    %min3A_418 = arith.minsi %squeeze3A_414, %min3A_417 : i32
    %shift_right_arithmetic3A_419 = arith.constant 7 : i32
    %shift_right_arithmetic3A_420 = arith.shrsi %min3A_418, %shift_right_arithmetic3A_419 : i32
    %mul3A_421 = arith.constant 128 : i32
    %mul3A_422 = arith.muli %shift_right_arithmetic3A_420, %mul3A_421 : i32
    %sub3A_423 = arith.subi %min3A_418, %mul3A_422 : i32
    %broadcast_in_dim3A_424 = vector.broadcast %sub3A_423 : i32 to vector<16xi32>
    %sub3A_425 = arith.constant 999936 : i32
    %sub3A_426 = arith.subi %squeeze3A_414, %sub3A_425 : i32
    %max3A_427 = arith.constant 0 : i32
    %max3A_428 = arith.maxsi %sub3A_426, %max3A_427 : i32
    %broadcast_in_dim3A_429 = vector.broadcast %max3A_428 : i32 to vector<16xi32>
    %lt3A_430 = arith.constant 999936 : i32
    %lt3A_431 = arith.cmpi slt, %squeeze3A_414, %lt3A_430 : i32
    %gather3A_432 = arith.constant 3 : i32
    %gather3A_433 = arith.constant 0 : i32
    %gather3A_434 = arith.constant 0 : i32
    %gather3A_435 = tpu.memref_slice %arg11[%gather3A_432, %gather3A_433, %gather3A_434] : memref<8x32x128xf32, #tpu.memory_space<vmem>> -> memref<1x32x128xf32, #tpu.memory_space<vmem>>
    %gather3A_436 = tpu.memref_squeeze %gather3A_435 : memref<1x32x128xf32, #tpu.memory_space<vmem>> -> memref<32x128xf32, #tpu.memory_space<vmem>>
    %gather3A_437 = tpu.vector_load_idx %gather3A_436[%iota3A, %broadcast_in_dim3A_424] : memref<32x128xf32, #tpu.memory_space<vmem>>[vector<16xi32>, vector<16xi32>], vector<16xf32>,
    %add3A_438 = arith.constant 16 : i32
    %add3A_439 = vector.broadcast %add3A_438 : i32 to vector<16xi32>
    %add3A_440 = arith.addi %iota3A, %add3A_439 : vector<16xi32>
    %gather3A_441 = arith.constant 3 : i32
    %gather3A_442 = arith.constant 0 : i32
    %gather3A_443 = arith.constant 0 : i32
    %gather3A_444 = tpu.memref_slice %arg11[%gather3A_441, %gather3A_442, %gather3A_443] : memref<8x32x128xf32, #tpu.memory_space<vmem>> -> memref<1x32x128xf32, #tpu.memory_space<vmem>>
    %gather3A_445 = tpu.memref_squeeze %gather3A_444 : memref<1x32x128xf32, #tpu.memory_space<vmem>> -> memref<32x128xf32, #tpu.memory_space<vmem>>
    %gather3A_446 = tpu.vector_load_idx %gather3A_445[%add3A_440, %broadcast_in_dim3A_424] : memref<32x128xf32, #tpu.memory_space<vmem>>[vector<16xi32>, vector<16xi32>], vector<16xf32>,
    %gather3A_447 = tpu.vector_load_idx %arg13[%iota3A, %broadcast_in_dim3A_429] : memref<32x128xf32, #tpu.memory_space<vmem>>[vector<16xi32>, vector<16xi32>], vector<16xf32>,
    %add3A_448 = arith.constant 16 : i32
    %add3A_449 = vector.broadcast %add3A_448 : i32 to vector<16xi32>
    %add3A_450 = arith.addi %iota3A, %add3A_449 : vector<16xi32>
    %gather3A_451 = tpu.vector_load_idx %arg13[%add3A_450, %broadcast_in_dim3A_429] : memref<32x128xf32, #tpu.memory_space<vmem>>[vector<16xi32>, vector<16xi32>], vector<16xf32>,
    %select_n3A_452 = arith.select %lt3A_431, %gather3A_437, %gather3A_447 : vector<16xf32>
    %select_n3A_453 = arith.select %lt3A_431, %gather3A_446, %gather3A_451 : vector<16xf32>
    %min3A_454 = arith.constant 999935 : i32
    %min3A_455 = arith.minsi %squeeze3A_416, %min3A_454 : i32
    %shift_right_arithmetic3A_456 = arith.constant 7 : i32
    %shift_right_arithmetic3A_457 = arith.shrsi %min3A_455, %shift_right_arithmetic3A_456 : i32
    %mul3A_458 = arith.constant 128 : i32
    %mul3A_459 = arith.muli %shift_right_arithmetic3A_457, %mul3A_458 : i32
    %sub3A_460 = arith.subi %min3A_455, %mul3A_459 : i32
    %broadcast_in_dim3A_461 = vector.broadcast %sub3A_460 : i32 to vector<16xi32>
    %sub3A_462 = arith.constant 999936 : i32
    %sub3A_463 = arith.subi %squeeze3A_416, %sub3A_462 : i32
    %max3A_464 = arith.constant 0 : i32
    %max3A_465 = arith.maxsi %sub3A_463, %max3A_464 : i32
    %broadcast_in_dim3A_466 = vector.broadcast %max3A_465 : i32 to vector<16xi32>
    %lt3A_467 = arith.constant 999936 : i32
    %lt3A_468 = arith.cmpi slt, %squeeze3A_416, %lt3A_467 : i32
    %gather3A_469 = arith.constant 3 : i32
    %gather3A_470 = arith.constant 0 : i32
    %gather3A_471 = arith.constant 0 : i32
    %gather3A_472 = tpu.memref_slice %arg12[%gather3A_469, %gather3A_470, %gather3A_471] : memref<8x32x128xf32, #tpu.memory_space<vmem>> -> memref<1x32x128xf32, #tpu.memory_space<vmem>>
    %gather3A_473 = tpu.memref_squeeze %gather3A_472 : memref<1x32x128xf32, #tpu.memory_space<vmem>> -> memref<32x128xf32, #tpu.memory_space<vmem>>
    %gather3A_474 = tpu.vector_load_idx %gather3A_473[%iota3A, %broadcast_in_dim3A_461] : memref<32x128xf32, #tpu.memory_space<vmem>>[vector<16xi32>, vector<16xi32>], vector<16xf32>,
    %add3A_475 = arith.constant 16 : i32
    %add3A_476 = vector.broadcast %add3A_475 : i32 to vector<16xi32>
    %add3A_477 = arith.addi %iota3A, %add3A_476 : vector<16xi32>
    %gather3A_478 = arith.constant 3 : i32
    %gather3A_479 = arith.constant 0 : i32
    %gather3A_480 = arith.constant 0 : i32
    %gather3A_481 = tpu.memref_slice %arg12[%gather3A_478, %gather3A_479, %gather3A_480] : memref<8x32x128xf32, #tpu.memory_space<vmem>> -> memref<1x32x128xf32, #tpu.memory_space<vmem>>
    %gather3A_482 = tpu.memref_squeeze %gather3A_481 : memref<1x32x128xf32, #tpu.memory_space<vmem>> -> memref<32x128xf32, #tpu.memory_space<vmem>>
    %gather3A_483 = tpu.vector_load_idx %gather3A_482[%add3A_477, %broadcast_in_dim3A_461] : memref<32x128xf32, #tpu.memory_space<vmem>>[vector<16xi32>, vector<16xi32>], vector<16xf32>,
    %gather3A_484 = tpu.vector_load_idx %arg14[%iota3A, %broadcast_in_dim3A_466] : memref<32x128xf32, #tpu.memory_space<vmem>>[vector<16xi32>, vector<16xi32>], vector<16xf32>,
    %add3A_485 = arith.constant 16 : i32
    %add3A_486 = vector.broadcast %add3A_485 : i32 to vector<16xi32>
    %add3A_487 = arith.addi %iota3A, %add3A_486 : vector<16xi32>
    %gather3A_488 = tpu.vector_load_idx %arg14[%add3A_487, %broadcast_in_dim3A_466] : memref<32x128xf32, #tpu.memory_space<vmem>>[vector<16xi32>, vector<16xi32>], vector<16xf32>,
    %select_n3A_489 = arith.select %lt3A_468, %gather3A_474, %gather3A_484 : vector<16xf32>
    %select_n3A_490 = arith.select %lt3A_468, %gather3A_483, %gather3A_488 : vector<16xf32>
    %mul3A_491 = arith.mulf %select_n3A_452, %select_n3A_489 : vector<16xf32>
    %mul3A_492 = arith.mulf %select_n3A_453, %select_n3A_490 : vector<16xf32>
    %add3A_493 = arith.addf %mul3A_491, %mul3A_492 : vector<16xf32>
    %reduce_sum3A_494 = arith.constant true
    %reduce_sum3A_495 = vector.broadcast %reduce_sum3A_494 : i1 to vector<16xi1>
    %reduce_sum3A_496 = tpu.scan <sum>, %add3A_493 masked %reduce_sum3A_495 : vector<16xf32>, vector<16xi1> -> vector<16xf32>
    %reduce_sum3A_497 = vector.extract %reduce_sum3A_496[15] : f32 from vector<16xf32>
    %eq3A_498 = arith.constant 11 : i32
    %eq3A_499 = vector.broadcast %eq3A_498 : i32 to vector<16xi32>
    %eq3A_500 = arith.cmpi eq, %iota3A, %eq3A_499 : vector<16xi32>
    %broadcast_in_dim3A_501 = vector.broadcast %reduce_sum3A_497 : f32 to vector<16xf32>
    %select_n3A_502 = arith.select %eq3A_500, %broadcast_in_dim3A_501, %select_n3A_376 : vector<16xi1>, vector<16xf32>
    %dma_wait3A_503 = arith.constant 4 : i32
    %dma_wait3A_504 = arith.constant 4 : i32
    %dma_wait3A_505 = arith.constant 0 : i32
    %dma_wait3A_506 = arith.constant 0 : i32
    %dma_wait3A_507 = tpu.memref_slice %arg11[%dma_wait3A_503, %dma_wait3A_505, %dma_wait3A_506] : memref<8x32x128xf32, #tpu.memory_space<vmem>> -> memref<1x32x128xf32, #tpu.memory_space<vmem>>
    %dma_wait3A_508 = tpu.memref_squeeze %dma_wait3A_507 : memref<1x32x128xf32, #tpu.memory_space<vmem>> -> memref<32x128xf32, #tpu.memory_space<vmem>>
    %dma_wait3A_509 = arith.constant 0 : i32
    %dma_wait3A_510 = arith.constant 0 : i32
    %dma_wait3A_511 = tpu.memref_slice %arg4[%dma_wait3A_509, %dma_wait3A_510] : memref<32x1000000xf32, #tpu.memory_space<hbm>> -> memref<32x128xf32, #tpu.memory_space<hbm>>
    %dma_wait3A_512 = tpu.memref_slice %arg16[%dma_wait3A_504] : memref<8x!tpu.dma_semaphore, #tpu.memory_space<semaphore_mem>> -> memref<1x!tpu.dma_semaphore, #tpu.memory_space<semaphore_mem>>
    %dma_wait3A_513 = tpu.memref_squeeze %dma_wait3A_512 : memref<1x!tpu.dma_semaphore, #tpu.memory_space<semaphore_mem>> -> memref<!tpu.dma_semaphore, #tpu.memory_space<semaphore_mem>>
    %dma_wait3A_514 = arith.constant 0 : i32
    %dma_wait3A_515 = arith.constant 0 : i32
    %dma_wait3A_516 = tpu.memref_slice %arg11[%dma_wait3A_503, %dma_wait3A_514, %dma_wait3A_515] : memref<8x32x128xf32, #tpu.memory_space<vmem>> -> memref<1x32x128xf32, #tpu.memory_space<vmem>>
    %dma_wait3A_517 = tpu.memref_squeeze %dma_wait3A_516 : memref<1x32x128xf32, #tpu.memory_space<vmem>> -> memref<32x128xf32, #tpu.memory_space<vmem>>
    %dma_wait3A_518 = arith.constant 0 : i32
    %dma_wait3A_519 = arith.constant 0 : i32
    %dma_wait3A_520 = tpu.memref_slice %arg4[%dma_wait3A_518, %dma_wait3A_519] : memref<32x1000000xf32, #tpu.memory_space<hbm>> -> memref<32x128xf32, #tpu.memory_space<hbm>>
    tpu.wait_dma2 semaphore(%dma_wait3A_513 : memref<!tpu.dma_semaphore, #tpu.memory_space<semaphore_mem>>) src(%dma_wait3A_520 : memref<32x128xf32, #tpu.memory_space<hbm>>) dst(%dma_wait3A_517 : memref<32x128xf32, #tpu.memory_space<vmem>>)
    %dma_wait3A_521 = arith.constant 4 : i32
    %dma_wait3A_522 = arith.constant 4 : i32
    %dma_wait3A_523 = arith.constant 0 : i32
    %dma_wait3A_524 = arith.constant 0 : i32
    %dma_wait3A_525 = tpu.memref_slice %arg12[%dma_wait3A_521, %dma_wait3A_523, %dma_wait3A_524] : memref<8x32x128xf32, #tpu.memory_space<vmem>> -> memref<1x32x128xf32, #tpu.memory_space<vmem>>
    %dma_wait3A_526 = tpu.memref_squeeze %dma_wait3A_525 : memref<1x32x128xf32, #tpu.memory_space<vmem>> -> memref<32x128xf32, #tpu.memory_space<vmem>>
    %dma_wait3A_527 = arith.constant 0 : i32
    %dma_wait3A_528 = arith.constant 0 : i32
    %dma_wait3A_529 = tpu.memref_slice %arg5[%dma_wait3A_527, %dma_wait3A_528] : memref<32x1000000xf32, #tpu.memory_space<hbm>> -> memref<32x128xf32, #tpu.memory_space<hbm>>
    %dma_wait3A_530 = tpu.memref_slice %arg16[%dma_wait3A_522] : memref<8x!tpu.dma_semaphore, #tpu.memory_space<semaphore_mem>> -> memref<1x!tpu.dma_semaphore, #tpu.memory_space<semaphore_mem>>
    %dma_wait3A_531 = tpu.memref_squeeze %dma_wait3A_530 : memref<1x!tpu.dma_semaphore, #tpu.memory_space<semaphore_mem>> -> memref<!tpu.dma_semaphore, #tpu.memory_space<semaphore_mem>>
    %dma_wait3A_532 = arith.constant 0 : i32
    %dma_wait3A_533 = arith.constant 0 : i32
    %dma_wait3A_534 = tpu.memref_slice %arg12[%dma_wait3A_521, %dma_wait3A_532, %dma_wait3A_533] : memref<8x32x128xf32, #tpu.memory_space<vmem>> -> memref<1x32x128xf32, #tpu.memory_space<vmem>>
    %dma_wait3A_535 = tpu.memref_squeeze %dma_wait3A_534 : memref<1x32x128xf32, #tpu.memory_space<vmem>> -> memref<32x128xf32, #tpu.memory_space<vmem>>
    %dma_wait3A_536 = arith.constant 0 : i32
    %dma_wait3A_537 = arith.constant 0 : i32
    %dma_wait3A_538 = tpu.memref_slice %arg5[%dma_wait3A_536, %dma_wait3A_537] : memref<32x1000000xf32, #tpu.memory_space<hbm>> -> memref<32x128xf32, #tpu.memory_space<hbm>>
    tpu.wait_dma2 semaphore(%dma_wait3A_531 : memref<!tpu.dma_semaphore, #tpu.memory_space<semaphore_mem>>) src(%dma_wait3A_538 : memref<32x128xf32, #tpu.memory_space<hbm>>) dst(%dma_wait3A_535 : memref<32x128xf32, #tpu.memory_space<vmem>>)
    %slice3A_539 = vector.extract_strided_slice %scan3A_9#0 {offsets = [12], sizes = [1], strides = [1]} : vector<16xi32> to vector<1xi32>
    %squeeze3A_540 = vector.extract %slice3A_539[0] : i32 from vector<1xi32>
    %slice3A_541 = vector.extract_strided_slice %scan3A_9#1 {offsets = [12], sizes = [1], strides = [1]} : vector<16xi32> to vector<1xi32>
    %squeeze3A_542 = vector.extract %slice3A_541[0] : i32 from vector<1xi32>
    %min3A_543 = arith.constant 999935 : i32
    %min3A_544 = arith.minsi %squeeze3A_540, %min3A_543 : i32
    %shift_right_arithmetic3A_545 = arith.constant 7 : i32
    %shift_right_arithmetic3A_546 = arith.shrsi %min3A_544, %shift_right_arithmetic3A_545 : i32
    %mul3A_547 = arith.constant 128 : i32
    %mul3A_548 = arith.muli %shift_right_arithmetic3A_546, %mul3A_547 : i32
    %sub3A_549 = arith.subi %min3A_544, %mul3A_548 : i32
    %broadcast_in_dim3A_550 = vector.broadcast %sub3A_549 : i32 to vector<16xi32>
    %sub3A_551 = arith.constant 999936 : i32
    %sub3A_552 = arith.subi %squeeze3A_540, %sub3A_551 : i32
    %max3A_553 = arith.constant 0 : i32
    %max3A_554 = arith.maxsi %sub3A_552, %max3A_553 : i32
    %broadcast_in_dim3A_555 = vector.broadcast %max3A_554 : i32 to vector<16xi32>
    %lt3A_556 = arith.constant 999936 : i32
    %lt3A_557 = arith.cmpi slt, %squeeze3A_540, %lt3A_556 : i32
    %gather3A_558 = arith.constant 4 : i32
    %gather3A_559 = arith.constant 0 : i32
    %gather3A_560 = arith.constant 0 : i32
    %gather3A_561 = tpu.memref_slice %arg11[%gather3A_558, %gather3A_559, %gather3A_560] : memref<8x32x128xf32, #tpu.memory_space<vmem>> -> memref<1x32x128xf32, #tpu.memory_space<vmem>>
    %gather3A_562 = tpu.memref_squeeze %gather3A_561 : memref<1x32x128xf32, #tpu.memory_space<vmem>> -> memref<32x128xf32, #tpu.memory_space<vmem>>
    %gather3A_563 = tpu.vector_load_idx %gather3A_562[%iota3A, %broadcast_in_dim3A_550] : memref<32x128xf32, #tpu.memory_space<vmem>>[vector<16xi32>, vector<16xi32>], vector<16xf32>,
    %add3A_564 = arith.constant 16 : i32
    %add3A_565 = vector.broadcast %add3A_564 : i32 to vector<16xi32>
    %add3A_566 = arith.addi %iota3A, %add3A_565 : vector<16xi32>
    %gather3A_567 = arith.constant 4 : i32
    %gather3A_568 = arith.constant 0 : i32
    %gather3A_569 = arith.constant 0 : i32
    %gather3A_570 = tpu.memref_slice %arg11[%gather3A_567, %gather3A_568, %gather3A_569] : memref<8x32x128xf32, #tpu.memory_space<vmem>> -> memref<1x32x128xf32, #tpu.memory_space<vmem>>
    %gather3A_571 = tpu.memref_squeeze %gather3A_570 : memref<1x32x128xf32, #tpu.memory_space<vmem>> -> memref<32x128xf32, #tpu.memory_space<vmem>>
    %gather3A_572 = tpu.vector_load_idx %gather3A_571[%add3A_566, %broadcast_in_dim3A_550] : memref<32x128xf32, #tpu.memory_space<vmem>>[vector<16xi32>, vector<16xi32>], vector<16xf32>,
    %gather3A_573 = tpu.vector_load_idx %arg13[%iota3A, %broadcast_in_dim3A_555] : memref<32x128xf32, #tpu.memory_space<vmem>>[vector<16xi32>, vector<16xi32>], vector<16xf32>,
    %add3A_574 = arith.constant 16 : i32
    %add3A_575 = vector.broadcast %add3A_574 : i32 to vector<16xi32>
    %add3A_576 = arith.addi %iota3A, %add3A_575 : vector<16xi32>
    %gather3A_577 = tpu.vector_load_idx %arg13[%add3A_576, %broadcast_in_dim3A_555] : memref<32x128xf32, #tpu.memory_space<vmem>>[vector<16xi32>, vector<16xi32>], vector<16xf32>,
    %select_n3A_578 = arith.select %lt3A_557, %gather3A_563, %gather3A_573 : vector<16xf32>
    %select_n3A_579 = arith.select %lt3A_557, %gather3A_572, %gather3A_577 : vector<16xf32>
    %min3A_580 = arith.constant 999935 : i32
    %min3A_581 = arith.minsi %squeeze3A_542, %min3A_580 : i32
    %shift_right_arithmetic3A_582 = arith.constant 7 : i32
    %shift_right_arithmetic3A_583 = arith.shrsi %min3A_581, %shift_right_arithmetic3A_582 : i32
    %mul3A_584 = arith.constant 128 : i32
    %mul3A_585 = arith.muli %shift_right_arithmetic3A_583, %mul3A_584 : i32
    %sub3A_586 = arith.subi %min3A_581, %mul3A_585 : i32
    %broadcast_in_dim3A_587 = vector.broadcast %sub3A_586 : i32 to vector<16xi32>
    %sub3A_588 = arith.constant 999936 : i32
    %sub3A_589 = arith.subi %squeeze3A_542, %sub3A_588 : i32
    %max3A_590 = arith.constant 0 : i32
    %max3A_591 = arith.maxsi %sub3A_589, %max3A_590 : i32
    %broadcast_in_dim3A_592 = vector.broadcast %max3A_591 : i32 to vector<16xi32>
    %lt3A_593 = arith.constant 999936 : i32
    %lt3A_594 = arith.cmpi slt, %squeeze3A_542, %lt3A_593 : i32
    %gather3A_595 = arith.constant 4 : i32
    %gather3A_596 = arith.constant 0 : i32
    %gather3A_597 = arith.constant 0 : i32
    %gather3A_598 = tpu.memref_slice %arg12[%gather3A_595, %gather3A_596, %gather3A_597] : memref<8x32x128xf32, #tpu.memory_space<vmem>> -> memref<1x32x128xf32, #tpu.memory_space<vmem>>
    %gather3A_599 = tpu.memref_squeeze %gather3A_598 : memref<1x32x128xf32, #tpu.memory_space<vmem>> -> memref<32x128xf32, #tpu.memory_space<vmem>>
    %gather3A_600 = tpu.vector_load_idx %gather3A_599[%iota3A, %broadcast_in_dim3A_587] : memref<32x128xf32, #tpu.memory_space<vmem>>[vector<16xi32>, vector<16xi32>], vector<16xf32>,
    %add3A_601 = arith.constant 16 : i32
    %add3A_602 = vector.broadcast %add3A_601 : i32 to vector<16xi32>
    %add3A_603 = arith.addi %iota3A, %add3A_602 : vector<16xi32>
    %gather3A_604 = arith.constant 4 : i32
    %gather3A_605 = arith.constant 0 : i32
    %gather3A_606 = arith.constant 0 : i32
    %gather3A_607 = tpu.memref_slice %arg12[%gather3A_604, %gather3A_605, %gather3A_606] : memref<8x32x128xf32, #tpu.memory_space<vmem>> -> memref<1x32x128xf32, #tpu.memory_space<vmem>>
    %gather3A_608 = tpu.memref_squeeze %gather3A_607 : memref<1x32x128xf32, #tpu.memory_space<vmem>> -> memref<32x128xf32, #tpu.memory_space<vmem>>
    %gather3A_609 = tpu.vector_load_idx %gather3A_608[%add3A_603, %broadcast_in_dim3A_587] : memref<32x128xf32, #tpu.memory_space<vmem>>[vector<16xi32>, vector<16xi32>], vector<16xf32>,
    %gather3A_610 = tpu.vector_load_idx %arg14[%iota3A, %broadcast_in_dim3A_592] : memref<32x128xf32, #tpu.memory_space<vmem>>[vector<16xi32>, vector<16xi32>], vector<16xf32>,
    %add3A_611 = arith.constant 16 : i32
    %add3A_612 = vector.broadcast %add3A_611 : i32 to vector<16xi32>
    %add3A_613 = arith.addi %iota3A, %add3A_612 : vector<16xi32>
    %gather3A_614 = tpu.vector_load_idx %arg14[%add3A_613, %broadcast_in_dim3A_592] : memref<32x128xf32, #tpu.memory_space<vmem>>[vector<16xi32>, vector<16xi32>], vector<16xf32>,
    %select_n3A_615 = arith.select %lt3A_594, %gather3A_600, %gather3A_610 : vector<16xf32>
    %select_n3A_616 = arith.select %lt3A_594, %gather3A_609, %gather3A_614 : vector<16xf32>
    %mul3A_617 = arith.mulf %select_n3A_578, %select_n3A_615 : vector<16xf32>
    %mul3A_618 = arith.mulf %select_n3A_579, %select_n3A_616 : vector<16xf32>
    %add3A_619 = arith.addf %mul3A_617, %mul3A_618 : vector<16xf32>
    %reduce_sum3A_620 = arith.constant true
    %reduce_sum3A_621 = vector.broadcast %reduce_sum3A_620 : i1 to vector<16xi1>
    %reduce_sum3A_622 = tpu.scan <sum>, %add3A_619 masked %reduce_sum3A_621 : vector<16xf32>, vector<16xi1> -> vector<16xf32>
    %reduce_sum3A_623 = vector.extract %reduce_sum3A_622[15] : f32 from vector<16xf32>
    %eq3A_624 = arith.constant 12 : i32
    %eq3A_625 = vector.broadcast %eq3A_624 : i32 to vector<16xi32>
    %eq3A_626 = arith.cmpi eq, %iota3A, %eq3A_625 : vector<16xi32>
    %broadcast_in_dim3A_627 = vector.broadcast %reduce_sum3A_623 : f32 to vector<16xf32>
    %select_n3A_628 = arith.select %eq3A_626, %broadcast_in_dim3A_627, %select_n3A_502 : vector<16xi1>, vector<16xf32>
    %dma_wait3A_629 = arith.constant 5 : i32
    %dma_wait3A_630 = arith.constant 5 : i32
    %dma_wait3A_631 = arith.constant 0 : i32
    %dma_wait3A_632 = arith.constant 0 : i32
    %dma_wait3A_633 = tpu.memref_slice %arg11[%dma_wait3A_629, %dma_wait3A_631, %dma_wait3A_632] : memref<8x32x128xf32, #tpu.memory_space<vmem>> -> memref<1x32x128xf32, #tpu.memory_space<vmem>>
    %dma_wait3A_634 = tpu.memref_squeeze %dma_wait3A_633 : memref<1x32x128xf32, #tpu.memory_space<vmem>> -> memref<32x128xf32, #tpu.memory_space<vmem>>
    %dma_wait3A_635 = arith.constant 0 : i32
    %dma_wait3A_636 = arith.constant 0 : i32
    %dma_wait3A_637 = tpu.memref_slice %arg4[%dma_wait3A_635, %dma_wait3A_636] : memref<32x1000000xf32, #tpu.memory_space<hbm>> -> memref<32x128xf32, #tpu.memory_space<hbm>>
    %dma_wait3A_638 = tpu.memref_slice %arg16[%dma_wait3A_630] : memref<8x!tpu.dma_semaphore, #tpu.memory_space<semaphore_mem>> -> memref<1x!tpu.dma_semaphore, #tpu.memory_space<semaphore_mem>>
    %dma_wait3A_639 = tpu.memref_squeeze %dma_wait3A_638 : memref<1x!tpu.dma_semaphore, #tpu.memory_space<semaphore_mem>> -> memref<!tpu.dma_semaphore, #tpu.memory_space<semaphore_mem>>
    %dma_wait3A_640 = arith.constant 0 : i32
    %dma_wait3A_641 = arith.constant 0 : i32
    %dma_wait3A_642 = tpu.memref_slice %arg11[%dma_wait3A_629, %dma_wait3A_640, %dma_wait3A_641] : memref<8x32x128xf32, #tpu.memory_space<vmem>> -> memref<1x32x128xf32, #tpu.memory_space<vmem>>
    %dma_wait3A_643 = tpu.memref_squeeze %dma_wait3A_642 : memref<1x32x128xf32, #tpu.memory_space<vmem>> -> memref<32x128xf32, #tpu.memory_space<vmem>>
    %dma_wait3A_644 = arith.constant 0 : i32
    %dma_wait3A_645 = arith.constant 0 : i32
    %dma_wait3A_646 = tpu.memref_slice %arg4[%dma_wait3A_644, %dma_wait3A_645] : memref<32x1000000xf32, #tpu.memory_space<hbm>> -> memref<32x128xf32, #tpu.memory_space<hbm>>
    tpu.wait_dma2 semaphore(%dma_wait3A_639 : memref<!tpu.dma_semaphore, #tpu.memory_space<semaphore_mem>>) src(%dma_wait3A_646 : memref<32x128xf32, #tpu.memory_space<hbm>>) dst(%dma_wait3A_643 : memref<32x128xf32, #tpu.memory_space<vmem>>)
    %dma_wait3A_647 = arith.constant 5 : i32
    %dma_wait3A_648 = arith.constant 5 : i32
    %dma_wait3A_649 = arith.constant 0 : i32
    %dma_wait3A_650 = arith.constant 0 : i32
    %dma_wait3A_651 = tpu.memref_slice %arg12[%dma_wait3A_647, %dma_wait3A_649, %dma_wait3A_650] : memref<8x32x128xf32, #tpu.memory_space<vmem>> -> memref<1x32x128xf32, #tpu.memory_space<vmem>>
    %dma_wait3A_652 = tpu.memref_squeeze %dma_wait3A_651 : memref<1x32x128xf32, #tpu.memory_space<vmem>> -> memref<32x128xf32, #tpu.memory_space<vmem>>
    %dma_wait3A_653 = arith.constant 0 : i32
    %dma_wait3A_654 = arith.constant 0 : i32
    %dma_wait3A_655 = tpu.memref_slice %arg5[%dma_wait3A_653, %dma_wait3A_654] : memref<32x1000000xf32, #tpu.memory_space<hbm>> -> memref<32x128xf32, #tpu.memory_space<hbm>>
    %dma_wait3A_656 = tpu.memref_slice %arg16[%dma_wait3A_648] : memref<8x!tpu.dma_semaphore, #tpu.memory_space<semaphore_mem>> -> memref<1x!tpu.dma_semaphore, #tpu.memory_space<semaphore_mem>>
    %dma_wait3A_657 = tpu.memref_squeeze %dma_wait3A_656 : memref<1x!tpu.dma_semaphore, #tpu.memory_space<semaphore_mem>> -> memref<!tpu.dma_semaphore, #tpu.memory_space<semaphore_mem>>
    %dma_wait3A_658 = arith.constant 0 : i32
    %dma_wait3A_659 = arith.constant 0 : i32
    %dma_wait3A_660 = tpu.memref_slice %arg12[%dma_wait3A_647, %dma_wait3A_658, %dma_wait3A_659] : memref<8x32x128xf32, #tpu.memory_space<vmem>> -> memref<1x32x128xf32, #tpu.memory_space<vmem>>
    %dma_wait3A_661 = tpu.memref_squeeze %dma_wait3A_660 : memref<1x32x128xf32, #tpu.memory_space<vmem>> -> memref<32x128xf32, #tpu.memory_space<vmem>>
    %dma_wait3A_662 = arith.constant 0 : i32
    %dma_wait3A_663 = arith.constant 0 : i32
    %dma_wait3A_664 = tpu.memref_slice %arg5[%dma_wait3A_662, %dma_wait3A_663] : memref<32x1000000xf32, #tpu.memory_space<hbm>> -> memref<32x128xf32, #tpu.memory_space<hbm>>
    tpu.wait_dma2 semaphore(%dma_wait3A_657 : memref<!tpu.dma_semaphore, #tpu.memory_space<semaphore_mem>>) src(%dma_wait3A_664 : memref<32x128xf32, #tpu.memory_space<hbm>>) dst(%dma_wait3A_661 : memref<32x128xf32, #tpu.memory_space<vmem>>)
    %slice3A_665 = vector.extract_strided_slice %scan3A_9#0 {offsets = [13], sizes = [1], strides = [1]} : vector<16xi32> to vector<1xi32>
    %squeeze3A_666 = vector.extract %slice3A_665[0] : i32 from vector<1xi32>
    %slice3A_667 = vector.extract_strided_slice %scan3A_9#1 {offsets = [13], sizes = [1], strides = [1]} : vector<16xi32> to vector<1xi32>
    %squeeze3A_668 = vector.extract %slice3A_667[0] : i32 from vector<1xi32>
    %min3A_669 = arith.constant 999935 : i32
    %min3A_670 = arith.minsi %squeeze3A_666, %min3A_669 : i32
    %shift_right_arithmetic3A_671 = arith.constant 7 : i32
    %shift_right_arithmetic3A_672 = arith.shrsi %min3A_670, %shift_right_arithmetic3A_671 : i32
    %mul3A_673 = arith.constant 128 : i32
    %mul3A_674 = arith.muli %shift_right_arithmetic3A_672, %mul3A_673 : i32
    %sub3A_675 = arith.subi %min3A_670, %mul3A_674 : i32
    %broadcast_in_dim3A_676 = vector.broadcast %sub3A_675 : i32 to vector<16xi32>
    %sub3A_677 = arith.constant 999936 : i32
    %sub3A_678 = arith.subi %squeeze3A_666, %sub3A_677 : i32
    %max3A_679 = arith.constant 0 : i32
    %max3A_680 = arith.maxsi %sub3A_678, %max3A_679 : i32
    %broadcast_in_dim3A_681 = vector.broadcast %max3A_680 : i32 to vector<16xi32>
    %lt3A_682 = arith.constant 999936 : i32
    %lt3A_683 = arith.cmpi slt, %squeeze3A_666, %lt3A_682 : i32
    %gather3A_684 = arith.constant 5 : i32
    %gather3A_685 = arith.constant 0 : i32
    %gather3A_686 = arith.constant 0 : i32
    %gather3A_687 = tpu.memref_slice %arg11[%gather3A_684, %gather3A_685, %gather3A_686] : memref<8x32x128xf32, #tpu.memory_space<vmem>> -> memref<1x32x128xf32, #tpu.memory_space<vmem>>
    %gather3A_688 = tpu.memref_squeeze %gather3A_687 : memref<1x32x128xf32, #tpu.memory_space<vmem>> -> memref<32x128xf32, #tpu.memory_space<vmem>>
    %gather3A_689 = tpu.vector_load_idx %gather3A_688[%iota3A, %broadcast_in_dim3A_676] : memref<32x128xf32, #tpu.memory_space<vmem>>[vector<16xi32>, vector<16xi32>], vector<16xf32>,
    %add3A_690 = arith.constant 16 : i32
    %add3A_691 = vector.broadcast %add3A_690 : i32 to vector<16xi32>
    %add3A_692 = arith.addi %iota3A, %add3A_691 : vector<16xi32>
    %gather3A_693 = arith.constant 5 : i32
    %gather3A_694 = arith.constant 0 : i32
    %gather3A_695 = arith.constant 0 : i32
    %gather3A_696 = tpu.memref_slice %arg11[%gather3A_693, %gather3A_694, %gather3A_695] : memref<8x32x128xf32, #tpu.memory_space<vmem>> -> memref<1x32x128xf32, #tpu.memory_space<vmem>>
    %gather3A_697 = tpu.memref_squeeze %gather3A_696 : memref<1x32x128xf32, #tpu.memory_space<vmem>> -> memref<32x128xf32, #tpu.memory_space<vmem>>
    %gather3A_698 = tpu.vector_load_idx %gather3A_697[%add3A_692, %broadcast_in_dim3A_676] : memref<32x128xf32, #tpu.memory_space<vmem>>[vector<16xi32>, vector<16xi32>], vector<16xf32>,
    %gather3A_699 = tpu.vector_load_idx %arg13[%iota3A, %broadcast_in_dim3A_681] : memref<32x128xf32, #tpu.memory_space<vmem>>[vector<16xi32>, vector<16xi32>], vector<16xf32>,
    %add3A_700 = arith.constant 16 : i32
    %add3A_701 = vector.broadcast %add3A_700 : i32 to vector<16xi32>
    %add3A_702 = arith.addi %iota3A, %add3A_701 : vector<16xi32>
    %gather3A_703 = tpu.vector_load_idx %arg13[%add3A_702, %broadcast_in_dim3A_681] : memref<32x128xf32, #tpu.memory_space<vmem>>[vector<16xi32>, vector<16xi32>], vector<16xf32>,
    %select_n3A_704 = arith.select %lt3A_683, %gather3A_689, %gather3A_699 : vector<16xf32>
    %select_n3A_705 = arith.select %lt3A_683, %gather3A_698, %gather3A_703 : vector<16xf32>
    %min3A_706 = arith.constant 999935 : i32
    %min3A_707 = arith.minsi %squeeze3A_668, %min3A_706 : i32
    %shift_right_arithmetic3A_708 = arith.constant 7 : i32
    %shift_right_arithmetic3A_709 = arith.shrsi %min3A_707, %shift_right_arithmetic3A_708 : i32
    %mul3A_710 = arith.constant 128 : i32
    %mul3A_711 = arith.muli %shift_right_arithmetic3A_709, %mul3A_710 : i32
    %sub3A_712 = arith.subi %min3A_707, %mul3A_711 : i32
    %broadcast_in_dim3A_713 = vector.broadcast %sub3A_712 : i32 to vector<16xi32>
    %sub3A_714 = arith.constant 999936 : i32
    %sub3A_715 = arith.subi %squeeze3A_668, %sub3A_714 : i32
    %max3A_716 = arith.constant 0 : i32
    %max3A_717 = arith.maxsi %sub3A_715, %max3A_716 : i32
    %broadcast_in_dim3A_718 = vector.broadcast %max3A_717 : i32 to vector<16xi32>
    %lt3A_719 = arith.constant 999936 : i32
    %lt3A_720 = arith.cmpi slt, %squeeze3A_668, %lt3A_719 : i32
    %gather3A_721 = arith.constant 5 : i32
    %gather3A_722 = arith.constant 0 : i32
    %gather3A_723 = arith.constant 0 : i32
    %gather3A_724 = tpu.memref_slice %arg12[%gather3A_721, %gather3A_722, %gather3A_723] : memref<8x32x128xf32, #tpu.memory_space<vmem>> -> memref<1x32x128xf32, #tpu.memory_space<vmem>>
    %gather3A_725 = tpu.memref_squeeze %gather3A_724 : memref<1x32x128xf32, #tpu.memory_space<vmem>> -> memref<32x128xf32, #tpu.memory_space<vmem>>
    %gather3A_726 = tpu.vector_load_idx %gather3A_725[%iota3A, %broadcast_in_dim3A_713] : memref<32x128xf32, #tpu.memory_space<vmem>>[vector<16xi32>, vector<16xi32>], vector<16xf32>,
    %add3A_727 = arith.constant 16 : i32
    %add3A_728 = vector.broadcast %add3A_727 : i32 to vector<16xi32>
    %add3A_729 = arith.addi %iota3A, %add3A_728 : vector<16xi32>
    %gather3A_730 = arith.constant 5 : i32
    %gather3A_731 = arith.constant 0 : i32
    %gather3A_732 = arith.constant 0 : i32
    %gather3A_733 = tpu.memref_slice %arg12[%gather3A_730, %gather3A_731, %gather3A_732] : memref<8x32x128xf32, #tpu.memory_space<vmem>> -> memref<1x32x128xf32, #tpu.memory_space<vmem>>
    %gather3A_734 = tpu.memref_squeeze %gather3A_733 : memref<1x32x128xf32, #tpu.memory_space<vmem>> -> memref<32x128xf32, #tpu.memory_space<vmem>>
    %gather3A_735 = tpu.vector_load_idx %gather3A_734[%add3A_729, %broadcast_in_dim3A_713] : memref<32x128xf32, #tpu.memory_space<vmem>>[vector<16xi32>, vector<16xi32>], vector<16xf32>,
    %gather3A_736 = tpu.vector_load_idx %arg14[%iota3A, %broadcast_in_dim3A_718] : memref<32x128xf32, #tpu.memory_space<vmem>>[vector<16xi32>, vector<16xi32>], vector<16xf32>,
    %add3A_737 = arith.constant 16 : i32
    %add3A_738 = vector.broadcast %add3A_737 : i32 to vector<16xi32>
    %add3A_739 = arith.addi %iota3A, %add3A_738 : vector<16xi32>
    %gather3A_740 = tpu.vector_load_idx %arg14[%add3A_739, %broadcast_in_dim3A_718] : memref<32x128xf32, #tpu.memory_space<vmem>>[vector<16xi32>, vector<16xi32>], vector<16xf32>,
    %select_n3A_741 = arith.select %lt3A_720, %gather3A_726, %gather3A_736 : vector<16xf32>
    %select_n3A_742 = arith.select %lt3A_720, %gather3A_735, %gather3A_740 : vector<16xf32>
    %mul3A_743 = arith.mulf %select_n3A_704, %select_n3A_741 : vector<16xf32>
    %mul3A_744 = arith.mulf %select_n3A_705, %select_n3A_742 : vector<16xf32>
    %add3A_745 = arith.addf %mul3A_743, %mul3A_744 : vector<16xf32>
    %reduce_sum3A_746 = arith.constant true
    %reduce_sum3A_747 = vector.broadcast %reduce_sum3A_746 : i1 to vector<16xi1>
    %reduce_sum3A_748 = tpu.scan <sum>, %add3A_745 masked %reduce_sum3A_747 : vector<16xf32>, vector<16xi1> -> vector<16xf32>
    %reduce_sum3A_749 = vector.extract %reduce_sum3A_748[15] : f32 from vector<16xf32>
    %eq3A_750 = arith.constant 13 : i32
    %eq3A_751 = vector.broadcast %eq3A_750 : i32 to vector<16xi32>
    %eq3A_752 = arith.cmpi eq, %iota3A, %eq3A_751 : vector<16xi32>
    %broadcast_in_dim3A_753 = vector.broadcast %reduce_sum3A_749 : f32 to vector<16xf32>
    %select_n3A_754 = arith.select %eq3A_752, %broadcast_in_dim3A_753, %select_n3A_628 : vector<16xi1>, vector<16xf32>
    %dma_wait3A_755 = arith.constant 6 : i32
    %dma_wait3A_756 = arith.constant 6 : i32
    %dma_wait3A_757 = arith.constant 0 : i32
    %dma_wait3A_758 = arith.constant 0 : i32
    %dma_wait3A_759 = tpu.memref_slice %arg11[%dma_wait3A_755, %dma_wait3A_757, %dma_wait3A_758] : memref<8x32x128xf32, #tpu.memory_space<vmem>> -> memref<1x32x128xf32, #tpu.memory_space<vmem>>
    %dma_wait3A_760 = tpu.memref_squeeze %dma_wait3A_759 : memref<1x32x128xf32, #tpu.memory_space<vmem>> -> memref<32x128xf32, #tpu.memory_space<vmem>>
    %dma_wait3A_761 = arith.constant 0 : i32
    %dma_wait3A_762 = arith.constant 0 : i32
    %dma_wait3A_763 = tpu.memref_slice %arg4[%dma_wait3A_761, %dma_wait3A_762] : memref<32x1000000xf32, #tpu.memory_space<hbm>> -> memref<32x128xf32, #tpu.memory_space<hbm>>
    %dma_wait3A_764 = tpu.memref_slice %arg16[%dma_wait3A_756] : memref<8x!tpu.dma_semaphore, #tpu.memory_space<semaphore_mem>> -> memref<1x!tpu.dma_semaphore, #tpu.memory_space<semaphore_mem>>
    %dma_wait3A_765 = tpu.memref_squeeze %dma_wait3A_764 : memref<1x!tpu.dma_semaphore, #tpu.memory_space<semaphore_mem>> -> memref<!tpu.dma_semaphore, #tpu.memory_space<semaphore_mem>>
    %dma_wait3A_766 = arith.constant 0 : i32
    %dma_wait3A_767 = arith.constant 0 : i32
    %dma_wait3A_768 = tpu.memref_slice %arg11[%dma_wait3A_755, %dma_wait3A_766, %dma_wait3A_767] : memref<8x32x128xf32, #tpu.memory_space<vmem>> -> memref<1x32x128xf32, #tpu.memory_space<vmem>>
    %dma_wait3A_769 = tpu.memref_squeeze %dma_wait3A_768 : memref<1x32x128xf32, #tpu.memory_space<vmem>> -> memref<32x128xf32, #tpu.memory_space<vmem>>
    %dma_wait3A_770 = arith.constant 0 : i32
    %dma_wait3A_771 = arith.constant 0 : i32
    %dma_wait3A_772 = tpu.memref_slice %arg4[%dma_wait3A_770, %dma_wait3A_771] : memref<32x1000000xf32, #tpu.memory_space<hbm>> -> memref<32x128xf32, #tpu.memory_space<hbm>>
    tpu.wait_dma2 semaphore(%dma_wait3A_765 : memref<!tpu.dma_semaphore, #tpu.memory_space<semaphore_mem>>) src(%dma_wait3A_772 : memref<32x128xf32, #tpu.memory_space<hbm>>) dst(%dma_wait3A_769 : memref<32x128xf32, #tpu.memory_space<vmem>>)
    %dma_wait3A_773 = arith.constant 6 : i32
    %dma_wait3A_774 = arith.constant 6 : i32
    %dma_wait3A_775 = arith.constant 0 : i32
    %dma_wait3A_776 = arith.constant 0 : i32
    %dma_wait3A_777 = tpu.memref_slice %arg12[%dma_wait3A_773, %dma_wait3A_775, %dma_wait3A_776] : memref<8x32x128xf32, #tpu.memory_space<vmem>> -> memref<1x32x128xf32, #tpu.memory_space<vmem>>
    %dma_wait3A_778 = tpu.memref_squeeze %dma_wait3A_777 : memref<1x32x128xf32, #tpu.memory_space<vmem>> -> memref<32x128xf32, #tpu.memory_space<vmem>>
    %dma_wait3A_779 = arith.constant 0 : i32
    %dma_wait3A_780 = arith.constant 0 : i32
    %dma_wait3A_781 = tpu.memref_slice %arg5[%dma_wait3A_779, %dma_wait3A_780] : memref<32x1000000xf32, #tpu.memory_space<hbm>> -> memref<32x128xf32, #tpu.memory_space<hbm>>
    %dma_wait3A_782 = tpu.memref_slice %arg16[%dma_wait3A_774] : memref<8x!tpu.dma_semaphore, #tpu.memory_space<semaphore_mem>> -> memref<1x!tpu.dma_semaphore, #tpu.memory_space<semaphore_mem>>
    %dma_wait3A_783 = tpu.memref_squeeze %dma_wait3A_782 : memref<1x!tpu.dma_semaphore, #tpu.memory_space<semaphore_mem>> -> memref<!tpu.dma_semaphore, #tpu.memory_space<semaphore_mem>>
    %dma_wait3A_784 = arith.constant 0 : i32
    %dma_wait3A_785 = arith.constant 0 : i32
    %dma_wait3A_786 = tpu.memref_slice %arg12[%dma_wait3A_773, %dma_wait3A_784, %dma_wait3A_785] : memref<8x32x128xf32, #tpu.memory_space<vmem>> -> memref<1x32x128xf32, #tpu.memory_space<vmem>>
    %dma_wait3A_787 = tpu.memref_squeeze %dma_wait3A_786 : memref<1x32x128xf32, #tpu.memory_space<vmem>> -> memref<32x128xf32, #tpu.memory_space<vmem>>
    %dma_wait3A_788 = arith.constant 0 : i32
    %dma_wait3A_789 = arith.constant 0 : i32
    %dma_wait3A_790 = tpu.memref_slice %arg5[%dma_wait3A_788, %dma_wait3A_789] : memref<32x1000000xf32, #tpu.memory_space<hbm>> -> memref<32x128xf32, #tpu.memory_space<hbm>>
    tpu.wait_dma2 semaphore(%dma_wait3A_783 : memref<!tpu.dma_semaphore, #tpu.memory_space<semaphore_mem>>) src(%dma_wait3A_790 : memref<32x128xf32, #tpu.memory_space<hbm>>) dst(%dma_wait3A_787 : memref<32x128xf32, #tpu.memory_space<vmem>>)
    %slice3A_791 = vector.extract_strided_slice %scan3A_9#0 {offsets = [14], sizes = [1], strides = [1]} : vector<16xi32> to vector<1xi32>
    %squeeze3A_792 = vector.extract %slice3A_791[0] : i32 from vector<1xi32>
    %slice3A_793 = vector.extract_strided_slice %scan3A_9#1 {offsets = [14], sizes = [1], strides = [1]} : vector<16xi32> to vector<1xi32>
    %squeeze3A_794 = vector.extract %slice3A_793[0] : i32 from vector<1xi32>
    %min3A_795 = arith.constant 999935 : i32
    %min3A_796 = arith.minsi %squeeze3A_792, %min3A_795 : i32
    %shift_right_arithmetic3A_797 = arith.constant 7 : i32
    %shift_right_arithmetic3A_798 = arith.shrsi %min3A_796, %shift_right_arithmetic3A_797 : i32
    %mul3A_799 = arith.constant 128 : i32
    %mul3A_800 = arith.muli %shift_right_arithmetic3A_798, %mul3A_799 : i32
    %sub3A_801 = arith.subi %min3A_796, %mul3A_800 : i32
    %broadcast_in_dim3A_802 = vector.broadcast %sub3A_801 : i32 to vector<16xi32>
    %sub3A_803 = arith.constant 999936 : i32
    %sub3A_804 = arith.subi %squeeze3A_792, %sub3A_803 : i32
    %max3A_805 = arith.constant 0 : i32
    %max3A_806 = arith.maxsi %sub3A_804, %max3A_805 : i32
    %broadcast_in_dim3A_807 = vector.broadcast %max3A_806 : i32 to vector<16xi32>
    %lt3A_808 = arith.constant 999936 : i32
    %lt3A_809 = arith.cmpi slt, %squeeze3A_792, %lt3A_808 : i32
    %gather3A_810 = arith.constant 6 : i32
    %gather3A_811 = arith.constant 0 : i32
    %gather3A_812 = arith.constant 0 : i32
    %gather3A_813 = tpu.memref_slice %arg11[%gather3A_810, %gather3A_811, %gather3A_812] : memref<8x32x128xf32, #tpu.memory_space<vmem>> -> memref<1x32x128xf32, #tpu.memory_space<vmem>>
    %gather3A_814 = tpu.memref_squeeze %gather3A_813 : memref<1x32x128xf32, #tpu.memory_space<vmem>> -> memref<32x128xf32, #tpu.memory_space<vmem>>
    %gather3A_815 = tpu.vector_load_idx %gather3A_814[%iota3A, %broadcast_in_dim3A_802] : memref<32x128xf32, #tpu.memory_space<vmem>>[vector<16xi32>, vector<16xi32>], vector<16xf32>,
    %add3A_816 = arith.constant 16 : i32
    %add3A_817 = vector.broadcast %add3A_816 : i32 to vector<16xi32>
    %add3A_818 = arith.addi %iota3A, %add3A_817 : vector<16xi32>
    %gather3A_819 = arith.constant 6 : i32
    %gather3A_820 = arith.constant 0 : i32
    %gather3A_821 = arith.constant 0 : i32
    %gather3A_822 = tpu.memref_slice %arg11[%gather3A_819, %gather3A_820, %gather3A_821] : memref<8x32x128xf32, #tpu.memory_space<vmem>> -> memref<1x32x128xf32, #tpu.memory_space<vmem>>
    %gather3A_823 = tpu.memref_squeeze %gather3A_822 : memref<1x32x128xf32, #tpu.memory_space<vmem>> -> memref<32x128xf32, #tpu.memory_space<vmem>>
    %gather3A_824 = tpu.vector_load_idx %gather3A_823[%add3A_818, %broadcast_in_dim3A_802] : memref<32x128xf32, #tpu.memory_space<vmem>>[vector<16xi32>, vector<16xi32>], vector<16xf32>,
    %gather3A_825 = tpu.vector_load_idx %arg13[%iota3A, %broadcast_in_dim3A_807] : memref<32x128xf32, #tpu.memory_space<vmem>>[vector<16xi32>, vector<16xi32>], vector<16xf32>,
    %add3A_826 = arith.constant 16 : i32
    %add3A_827 = vector.broadcast %add3A_826 : i32 to vector<16xi32>
    %add3A_828 = arith.addi %iota3A, %add3A_827 : vector<16xi32>
    %gather3A_829 = tpu.vector_load_idx %arg13[%add3A_828, %broadcast_in_dim3A_807] : memref<32x128xf32, #tpu.memory_space<vmem>>[vector<16xi32>, vector<16xi32>], vector<16xf32>,
    %select_n3A_830 = arith.select %lt3A_809, %gather3A_815, %gather3A_825 : vector<16xf32>
    %select_n3A_831 = arith.select %lt3A_809, %gather3A_824, %gather3A_829 : vector<16xf32>
    %min3A_832 = arith.constant 999935 : i32
    %min3A_833 = arith.minsi %squeeze3A_794, %min3A_832 : i32
    %shift_right_arithmetic3A_834 = arith.constant 7 : i32
    %shift_right_arithmetic3A_835 = arith.shrsi %min3A_833, %shift_right_arithmetic3A_834 : i32
    %mul3A_836 = arith.constant 128 : i32
    %mul3A_837 = arith.muli %shift_right_arithmetic3A_835, %mul3A_836 : i32
    %sub3A_838 = arith.subi %min3A_833, %mul3A_837 : i32
    %broadcast_in_dim3A_839 = vector.broadcast %sub3A_838 : i32 to vector<16xi32>
    %sub3A_840 = arith.constant 999936 : i32
    %sub3A_841 = arith.subi %squeeze3A_794, %sub3A_840 : i32
    %max3A_842 = arith.constant 0 : i32
    %max3A_843 = arith.maxsi %sub3A_841, %max3A_842 : i32
    %broadcast_in_dim3A_844 = vector.broadcast %max3A_843 : i32 to vector<16xi32>
    %lt3A_845 = arith.constant 999936 : i32
    %lt3A_846 = arith.cmpi slt, %squeeze3A_794, %lt3A_845 : i32
    %gather3A_847 = arith.constant 6 : i32
    %gather3A_848 = arith.constant 0 : i32
    %gather3A_849 = arith.constant 0 : i32
    %gather3A_850 = tpu.memref_slice %arg12[%gather3A_847, %gather3A_848, %gather3A_849] : memref<8x32x128xf32, #tpu.memory_space<vmem>> -> memref<1x32x128xf32, #tpu.memory_space<vmem>>
    %gather3A_851 = tpu.memref_squeeze %gather3A_850 : memref<1x32x128xf32, #tpu.memory_space<vmem>> -> memref<32x128xf32, #tpu.memory_space<vmem>>
    %gather3A_852 = tpu.vector_load_idx %gather3A_851[%iota3A, %broadcast_in_dim3A_839] : memref<32x128xf32, #tpu.memory_space<vmem>>[vector<16xi32>, vector<16xi32>], vector<16xf32>,
    %add3A_853 = arith.constant 16 : i32
    %add3A_854 = vector.broadcast %add3A_853 : i32 to vector<16xi32>
    %add3A_855 = arith.addi %iota3A, %add3A_854 : vector<16xi32>
    %gather3A_856 = arith.constant 6 : i32
    %gather3A_857 = arith.constant 0 : i32
    %gather3A_858 = arith.constant 0 : i32
    %gather3A_859 = tpu.memref_slice %arg12[%gather3A_856, %gather3A_857, %gather3A_858] : memref<8x32x128xf32, #tpu.memory_space<vmem>> -> memref<1x32x128xf32, #tpu.memory_space<vmem>>
    %gather3A_860 = tpu.memref_squeeze %gather3A_859 : memref<1x32x128xf32, #tpu.memory_space<vmem>> -> memref<32x128xf32, #tpu.memory_space<vmem>>
    %gather3A_861 = tpu.vector_load_idx %gather3A_860[%add3A_855, %broadcast_in_dim3A_839] : memref<32x128xf32, #tpu.memory_space<vmem>>[vector<16xi32>, vector<16xi32>], vector<16xf32>,
    %gather3A_862 = tpu.vector_load_idx %arg14[%iota3A, %broadcast_in_dim3A_844] : memref<32x128xf32, #tpu.memory_space<vmem>>[vector<16xi32>, vector<16xi32>], vector<16xf32>,
    %add3A_863 = arith.constant 16 : i32
    %add3A_864 = vector.broadcast %add3A_863 : i32 to vector<16xi32>
    %add3A_865 = arith.addi %iota3A, %add3A_864 : vector<16xi32>
    %gather3A_866 = tpu.vector_load_idx %arg14[%add3A_865, %broadcast_in_dim3A_844] : memref<32x128xf32, #tpu.memory_space<vmem>>[vector<16xi32>, vector<16xi32>], vector<16xf32>,
    %select_n3A_867 = arith.select %lt3A_846, %gather3A_852, %gather3A_862 : vector<16xf32>
    %select_n3A_868 = arith.select %lt3A_846, %gather3A_861, %gather3A_866 : vector<16xf32>
    %mul3A_869 = arith.mulf %select_n3A_830, %select_n3A_867 : vector<16xf32>
    %mul3A_870 = arith.mulf %select_n3A_831, %select_n3A_868 : vector<16xf32>
    %add3A_871 = arith.addf %mul3A_869, %mul3A_870 : vector<16xf32>
    %reduce_sum3A_872 = arith.constant true
    %reduce_sum3A_873 = vector.broadcast %reduce_sum3A_872 : i1 to vector<16xi1>
    %reduce_sum3A_874 = tpu.scan <sum>, %add3A_871 masked %reduce_sum3A_873 : vector<16xf32>, vector<16xi1> -> vector<16xf32>
    %reduce_sum3A_875 = vector.extract %reduce_sum3A_874[15] : f32 from vector<16xf32>
    %eq3A_876 = arith.constant 14 : i32
    %eq3A_877 = vector.broadcast %eq3A_876 : i32 to vector<16xi32>
    %eq3A_878 = arith.cmpi eq, %iota3A, %eq3A_877 : vector<16xi32>
    %broadcast_in_dim3A_879 = vector.broadcast %reduce_sum3A_875 : f32 to vector<16xf32>
    %select_n3A_880 = arith.select %eq3A_878, %broadcast_in_dim3A_879, %select_n3A_754 : vector<16xi1>, vector<16xf32>
    %dma_wait3A_881 = arith.constant 7 : i32
    %dma_wait3A_882 = arith.constant 7 : i32
    %dma_wait3A_883 = arith.constant 0 : i32
    %dma_wait3A_884 = arith.constant 0 : i32
    %dma_wait3A_885 = tpu.memref_slice %arg11[%dma_wait3A_881, %dma_wait3A_883, %dma_wait3A_884] : memref<8x32x128xf32, #tpu.memory_space<vmem>> -> memref<1x32x128xf32, #tpu.memory_space<vmem>>
    %dma_wait3A_886 = tpu.memref_squeeze %dma_wait3A_885 : memref<1x32x128xf32, #tpu.memory_space<vmem>> -> memref<32x128xf32, #tpu.memory_space<vmem>>
    %dma_wait3A_887 = arith.constant 0 : i32
    %dma_wait3A_888 = arith.constant 0 : i32
    %dma_wait3A_889 = tpu.memref_slice %arg4[%dma_wait3A_887, %dma_wait3A_888] : memref<32x1000000xf32, #tpu.memory_space<hbm>> -> memref<32x128xf32, #tpu.memory_space<hbm>>
    %dma_wait3A_890 = tpu.memref_slice %arg16[%dma_wait3A_882] : memref<8x!tpu.dma_semaphore, #tpu.memory_space<semaphore_mem>> -> memref<1x!tpu.dma_semaphore, #tpu.memory_space<semaphore_mem>>
    %dma_wait3A_891 = tpu.memref_squeeze %dma_wait3A_890 : memref<1x!tpu.dma_semaphore, #tpu.memory_space<semaphore_mem>> -> memref<!tpu.dma_semaphore, #tpu.memory_space<semaphore_mem>>
    %dma_wait3A_892 = arith.constant 0 : i32
    %dma_wait3A_893 = arith.constant 0 : i32
    %dma_wait3A_894 = tpu.memref_slice %arg11[%dma_wait3A_881, %dma_wait3A_892, %dma_wait3A_893] : memref<8x32x128xf32, #tpu.memory_space<vmem>> -> memref<1x32x128xf32, #tpu.memory_space<vmem>>
    %dma_wait3A_895 = tpu.memref_squeeze %dma_wait3A_894 : memref<1x32x128xf32, #tpu.memory_space<vmem>> -> memref<32x128xf32, #tpu.memory_space<vmem>>
    %dma_wait3A_896 = arith.constant 0 : i32
    %dma_wait3A_897 = arith.constant 0 : i32
    %dma_wait3A_898 = tpu.memref_slice %arg4[%dma_wait3A_896, %dma_wait3A_897] : memref<32x1000000xf32, #tpu.memory_space<hbm>> -> memref<32x128xf32, #tpu.memory_space<hbm>>
    tpu.wait_dma2 semaphore(%dma_wait3A_891 : memref<!tpu.dma_semaphore, #tpu.memory_space<semaphore_mem>>) src(%dma_wait3A_898 : memref<32x128xf32, #tpu.memory_space<hbm>>) dst(%dma_wait3A_895 : memref<32x128xf32, #tpu.memory_space<vmem>>)
    %dma_wait3A_899 = arith.constant 7 : i32
    %dma_wait3A_900 = arith.constant 7 : i32
    %dma_wait3A_901 = arith.constant 0 : i32
    %dma_wait3A_902 = arith.constant 0 : i32
    %dma_wait3A_903 = tpu.memref_slice %arg12[%dma_wait3A_899, %dma_wait3A_901, %dma_wait3A_902] : memref<8x32x128xf32, #tpu.memory_space<vmem>> -> memref<1x32x128xf32, #tpu.memory_space<vmem>>
    %dma_wait3A_904 = tpu.memref_squeeze %dma_wait3A_903 : memref<1x32x128xf32, #tpu.memory_space<vmem>> -> memref<32x128xf32, #tpu.memory_space<vmem>>
    %dma_wait3A_905 = arith.constant 0 : i32
    %dma_wait3A_906 = arith.constant 0 : i32
    %dma_wait3A_907 = tpu.memref_slice %arg5[%dma_wait3A_905, %dma_wait3A_906] : memref<32x1000000xf32, #tpu.memory_space<hbm>> -> memref<32x128xf32, #tpu.memory_space<hbm>>
    %dma_wait3A_908 = tpu.memref_slice %arg16[%dma_wait3A_900] : memref<8x!tpu.dma_semaphore, #tpu.memory_space<semaphore_mem>> -> memref<1x!tpu.dma_semaphore, #tpu.memory_space<semaphore_mem>>
    %dma_wait3A_909 = tpu.memref_squeeze %dma_wait3A_908 : memref<1x!tpu.dma_semaphore, #tpu.memory_space<semaphore_mem>> -> memref<!tpu.dma_semaphore, #tpu.memory_space<semaphore_mem>>
    %dma_wait3A_910 = arith.constant 0 : i32
    %dma_wait3A_911 = arith.constant 0 : i32
    %dma_wait3A_912 = tpu.memref_slice %arg12[%dma_wait3A_899, %dma_wait3A_910, %dma_wait3A_911] : memref<8x32x128xf32, #tpu.memory_space<vmem>> -> memref<1x32x128xf32, #tpu.memory_space<vmem>>
    %dma_wait3A_913 = tpu.memref_squeeze %dma_wait3A_912 : memref<1x32x128xf32, #tpu.memory_space<vmem>> -> memref<32x128xf32, #tpu.memory_space<vmem>>
    %dma_wait3A_914 = arith.constant 0 : i32
    %dma_wait3A_915 = arith.constant 0 : i32
    %dma_wait3A_916 = tpu.memref_slice %arg5[%dma_wait3A_914, %dma_wait3A_915] : memref<32x1000000xf32, #tpu.memory_space<hbm>> -> memref<32x128xf32, #tpu.memory_space<hbm>>
    tpu.wait_dma2 semaphore(%dma_wait3A_909 : memref<!tpu.dma_semaphore, #tpu.memory_space<semaphore_mem>>) src(%dma_wait3A_916 : memref<32x128xf32, #tpu.memory_space<hbm>>) dst(%dma_wait3A_913 : memref<32x128xf32, #tpu.memory_space<vmem>>)
    %slice3A_917 = vector.extract_strided_slice %scan3A_9#0 {offsets = [15], sizes = [1], strides = [1]} : vector<16xi32> to vector<1xi32>
    %squeeze3A_918 = vector.extract %slice3A_917[0] : i32 from vector<1xi32>
    %slice3A_919 = vector.extract_strided_slice %scan3A_9#1 {offsets = [15], sizes = [1], strides = [1]} : vector<16xi32> to vector<1xi32>
    %squeeze3A_920 = vector.extract %slice3A_919[0] : i32 from vector<1xi32>
    %min3A_921 = arith.constant 999935 : i32
    %min3A_922 = arith.minsi %squeeze3A_918, %min3A_921 : i32
    %shift_right_arithmetic3A_923 = arith.constant 7 : i32
    %shift_right_arithmetic3A_924 = arith.shrsi %min3A_922, %shift_right_arithmetic3A_923 : i32
    %mul3A_925 = arith.constant 128 : i32
    %mul3A_926 = arith.muli %shift_right_arithmetic3A_924, %mul3A_925 : i32
    %sub3A_927 = arith.subi %min3A_922, %mul3A_926 : i32
    %broadcast_in_dim3A_928 = vector.broadcast %sub3A_927 : i32 to vector<16xi32>
    %sub3A_929 = arith.constant 999936 : i32
    %sub3A_930 = arith.subi %squeeze3A_918, %sub3A_929 : i32
    %max3A_931 = arith.constant 0 : i32
    %max3A_932 = arith.maxsi %sub3A_930, %max3A_931 : i32
    %broadcast_in_dim3A_933 = vector.broadcast %max3A_932 : i32 to vector<16xi32>
    %lt3A_934 = arith.constant 999936 : i32
    %lt3A_935 = arith.cmpi slt, %squeeze3A_918, %lt3A_934 : i32
    %gather3A_936 = arith.constant 7 : i32
    %gather3A_937 = arith.constant 0 : i32
    %gather3A_938 = arith.constant 0 : i32
    %gather3A_939 = tpu.memref_slice %arg11[%gather3A_936, %gather3A_937, %gather3A_938] : memref<8x32x128xf32, #tpu.memory_space<vmem>> -> memref<1x32x128xf32, #tpu.memory_space<vmem>>
    %gather3A_940 = tpu.memref_squeeze %gather3A_939 : memref<1x32x128xf32, #tpu.memory_space<vmem>> -> memref<32x128xf32, #tpu.memory_space<vmem>>
    %gather3A_941 = tpu.vector_load_idx %gather3A_940[%iota3A, %broadcast_in_dim3A_928] : memref<32x128xf32, #tpu.memory_space<vmem>>[vector<16xi32>, vector<16xi32>], vector<16xf32>,
    %add3A_942 = arith.constant 16 : i32
    %add3A_943 = vector.broadcast %add3A_942 : i32 to vector<16xi32>
    %add3A_944 = arith.addi %iota3A, %add3A_943 : vector<16xi32>
    %gather3A_945 = arith.constant 7 : i32
    %gather3A_946 = arith.constant 0 : i32
    %gather3A_947 = arith.constant 0 : i32
    %gather3A_948 = tpu.memref_slice %arg11[%gather3A_945, %gather3A_946, %gather3A_947] : memref<8x32x128xf32, #tpu.memory_space<vmem>> -> memref<1x32x128xf32, #tpu.memory_space<vmem>>
    %gather3A_949 = tpu.memref_squeeze %gather3A_948 : memref<1x32x128xf32, #tpu.memory_space<vmem>> -> memref<32x128xf32, #tpu.memory_space<vmem>>
    %gather3A_950 = tpu.vector_load_idx %gather3A_949[%add3A_944, %broadcast_in_dim3A_928] : memref<32x128xf32, #tpu.memory_space<vmem>>[vector<16xi32>, vector<16xi32>], vector<16xf32>,
    %gather3A_951 = tpu.vector_load_idx %arg13[%iota3A, %broadcast_in_dim3A_933] : memref<32x128xf32, #tpu.memory_space<vmem>>[vector<16xi32>, vector<16xi32>], vector<16xf32>,
    %add3A_952 = arith.constant 16 : i32
    %add3A_953 = vector.broadcast %add3A_952 : i32 to vector<16xi32>
    %add3A_954 = arith.addi %iota3A, %add3A_953 : vector<16xi32>
    %gather3A_955 = tpu.vector_load_idx %arg13[%add3A_954, %broadcast_in_dim3A_933] : memref<32x128xf32, #tpu.memory_space<vmem>>[vector<16xi32>, vector<16xi32>], vector<16xf32>,
    %select_n3A_956 = arith.select %lt3A_935, %gather3A_941, %gather3A_951 : vector<16xf32>
    %select_n3A_957 = arith.select %lt3A_935, %gather3A_950, %gather3A_955 : vector<16xf32>
    %min3A_958 = arith.constant 999935 : i32
    %min3A_959 = arith.minsi %squeeze3A_920, %min3A_958 : i32
    %shift_right_arithmetic3A_960 = arith.constant 7 : i32
    %shift_right_arithmetic3A_961 = arith.shrsi %min3A_959, %shift_right_arithmetic3A_960 : i32
    %mul3A_962 = arith.constant 128 : i32
    %mul3A_963 = arith.muli %shift_right_arithmetic3A_961, %mul3A_962 : i32
    %sub3A_964 = arith.subi %min3A_959, %mul3A_963 : i32
    %broadcast_in_dim3A_965 = vector.broadcast %sub3A_964 : i32 to vector<16xi32>
    %sub3A_966 = arith.constant 999936 : i32
    %sub3A_967 = arith.subi %squeeze3A_920, %sub3A_966 : i32
    %max3A_968 = arith.constant 0 : i32
    %max3A_969 = arith.maxsi %sub3A_967, %max3A_968 : i32
    %broadcast_in_dim3A_970 = vector.broadcast %max3A_969 : i32 to vector<16xi32>
    %lt3A_971 = arith.constant 999936 : i32
    %lt3A_972 = arith.cmpi slt, %squeeze3A_920, %lt3A_971 : i32
    %gather3A_973 = arith.constant 7 : i32
    %gather3A_974 = arith.constant 0 : i32
    %gather3A_975 = arith.constant 0 : i32
    %gather3A_976 = tpu.memref_slice %arg12[%gather3A_973, %gather3A_974, %gather3A_975] : memref<8x32x128xf32, #tpu.memory_space<vmem>> -> memref<1x32x128xf32, #tpu.memory_space<vmem>>
    %gather3A_977 = tpu.memref_squeeze %gather3A_976 : memref<1x32x128xf32, #tpu.memory_space<vmem>> -> memref<32x128xf32, #tpu.memory_space<vmem>>
    %gather3A_978 = tpu.vector_load_idx %gather3A_977[%iota3A, %broadcast_in_dim3A_965] : memref<32x128xf32, #tpu.memory_space<vmem>>[vector<16xi32>, vector<16xi32>], vector<16xf32>,
    %add3A_979 = arith.constant 16 : i32
    %add3A_980 = vector.broadcast %add3A_979 : i32 to vector<16xi32>
    %add3A_981 = arith.addi %iota3A, %add3A_980 : vector<16xi32>
    %gather3A_982 = arith.constant 7 : i32
    %gather3A_983 = arith.constant 0 : i32
    %gather3A_984 = arith.constant 0 : i32
    %gather3A_985 = tpu.memref_slice %arg12[%gather3A_982, %gather3A_983, %gather3A_984] : memref<8x32x128xf32, #tpu.memory_space<vmem>> -> memref<1x32x128xf32, #tpu.memory_space<vmem>>
    %gather3A_986 = tpu.memref_squeeze %gather3A_985 : memref<1x32x128xf32, #tpu.memory_space<vmem>> -> memref<32x128xf32, #tpu.memory_space<vmem>>
    %gather3A_987 = tpu.vector_load_idx %gather3A_986[%add3A_981, %broadcast_in_dim3A_965] : memref<32x128xf32, #tpu.memory_space<vmem>>[vector<16xi32>, vector<16xi32>], vector<16xf32>,
    %gather3A_988 = tpu.vector_load_idx %arg14[%iota3A, %broadcast_in_dim3A_970] : memref<32x128xf32, #tpu.memory_space<vmem>>[vector<16xi32>, vector<16xi32>], vector<16xf32>,
    %add3A_989 = arith.constant 16 : i32
    %add3A_990 = vector.broadcast %add3A_989 : i32 to vector<16xi32>
    %add3A_991 = arith.addi %iota3A, %add3A_990 : vector<16xi32>
    %gather3A_992 = tpu.vector_load_idx %arg14[%add3A_991, %broadcast_in_dim3A_970] : memref<32x128xf32, #tpu.memory_space<vmem>>[vector<16xi32>, vector<16xi32>], vector<16xf32>,
    %select_n3A_993 = arith.select %lt3A_972, %gather3A_978, %gather3A_988 : vector<16xf32>
    %select_n3A_994 = arith.select %lt3A_972, %gather3A_987, %gather3A_992 : vector<16xf32>
    %mul3A_995 = arith.mulf %select_n3A_956, %select_n3A_993 : vector<16xf32>
    %mul3A_996 = arith.mulf %select_n3A_957, %select_n3A_994 : vector<16xf32>
    %add3A_997 = arith.addf %mul3A_995, %mul3A_996 : vector<16xf32>
    %reduce_sum3A_998 = arith.constant true
    %reduce_sum3A_999 = vector.broadcast %reduce_sum3A_998 : i1 to vector<16xi1>
    %reduce_sum3A_1000 = tpu.scan <sum>, %add3A_997 masked %reduce_sum3A_999 : vector<16xf32>, vector<16xi1> -> vector<16xf32>
    %reduce_sum3A_1001 = vector.extract %reduce_sum3A_1000[15] : f32 from vector<16xf32>
    %eq3A_1002 = arith.constant 15 : i32
    %eq3A_1003 = vector.broadcast %eq3A_1002 : i32 to vector<16xi32>
    %eq3A_1004 = arith.cmpi eq, %iota3A, %eq3A_1003 : vector<16xi32>
    %broadcast_in_dim3A_1005 = vector.broadcast %reduce_sum3A_1001 : f32 to vector<16xf32>
    %select_n3A_1006 = arith.select %eq3A_1004, %broadcast_in_dim3A_1005, %select_n3A_880 : vector<16xi1>, vector<16xf32>
    %swap3A = arith.constant 496 : index
    %swap3A_1007 = tpu.vector_load %arg15[%swap3A] {strides = array<i32>} : memref<512xf32, #tpu.memory_space<vmem>>, vector<16xf32>,
    tpu.vector_store %arg15[%swap3A], %select_n3A_1006 {strides = array<i32>} : memref<512xf32, #tpu.memory_space<vmem>>, vector<16xf32>,
    "tpu.region"() ({
      %run_scoped3A = tpu.sem_alloc : memref<!tpu.dma_semaphore, #tpu.memory_space<semaphore_mem>>
      %dma_start3A = tpu.memref_slice %arg8[%mul3A_2] : memref<16384xf32, #tpu.memory_space<hbm>> -> memref<512xf32, #tpu.memory_space<hbm>>
      %dma_start3A_1008 = tpu.memref_slice %arg8[%mul3A_2] : memref<16384xf32, #tpu.memory_space<hbm>> -> memref<512xf32, #tpu.memory_space<hbm>>
      tpu.enqueue_dma source(%arg15 : memref<512xf32, #tpu.memory_space<vmem>>) target(%dma_start3A_1008 : memref<512xf32, #tpu.memory_space<hbm>>) target_semaphore(%run_scoped3A : memref<!tpu.dma_semaphore, #tpu.memory_space<semaphore_mem>>)
      %dma_wait3A_1009 = tpu.memref_slice %arg8[%mul3A_2] : memref<16384xf32, #tpu.memory_space<hbm>> -> memref<512xf32, #tpu.memory_space<hbm>>
      %dma_wait3A_1010 = tpu.memref_slice %arg8[%mul3A_2] : memref<16384xf32, #tpu.memory_space<hbm>> -> memref<512xf32, #tpu.memory_space<hbm>>
      tpu.wait_dma2 semaphore(%run_scoped3A : memref<!tpu.dma_semaphore, #tpu.memory_space<semaphore_mem>>) src(%arg15 : memref<512xf32, #tpu.memory_space<vmem>>) dst(%dma_wait3A_1010 : memref<512xf32, #tpu.memory_space<hbm>>)
      tpu.yield
    }) : () -> ()
    return
  }
}

</mosaic_0001>

<sc_bundles>
// kernel: kernel.3.cloned.1.call-start
scs
__scs_entry_jumppad:
0x0: {  	(pc) =	sbr.rel $0x88, $3  }
0x1: {  	(tag) =	ssettag $0x0;
	lr =	simm.s32 $0x1  }
0x2: {  	[smem:$0x3F9D] =	sst lr;
	_ =	strace $0xD0000000  }
0x3: {  	_ = 	snop  }
0x4: {  	_ = 	snop  }
0x5: {  	_ = 	snop  }
0x6: {  	_ = 	snop  }
0x7: {  	_ = 	snop  }
__scs_overlays_trampoline_lowered:
0x8: {  	[smem:$0x3FAC] =	sst s0  }
0x9: {  	[smem:$0x3FAD] =	sst s1  }
0xa: {  	[smem:$0x3FAE] =	sst s2  }
0xb: {  	[smem:$0x3FAF] =	sst s3  }
0xc: {  	[smem:$0x3FB0] =	sst s4  }
0xd: {  	[smem:$0x3FB1] =	sst s5  }
0xe: {  	[smem:$0x3FB2] =	sst s6  }
0xf: {  	[smem:$0x3FB3] =	sst s7  }
0x10: {  	[smem:$0x3FB4] =	sst s8  }
0x11: {  	[smem:$0x3FB5] =	sst s9;
	s0 =	simm.s32 @!p0 $0x0  }
0x12: {  	s1 =	sld [smem:$0x3F9B];
	s0 =	simm.s32 @p0 $0x1  }
0x13: {  	[smem:$0x3FB6] =	sst s0;
	s0 =	simm.s32 @!p1 $0x0  }
0x14: {  	s2 =	sld [smem:$0x3F9A];
	s0 =	simm.s32 @p1 $0x1  }
0x15: {  	[smem:$0x3FB7] =	sst s0;
	s0 =	simm.s32 @!p2 $0x0  }
0x16: {  	s3 =	sld [smem:$0x3FDB];
	s0 =	simm.s32 @p2 $0x1  }
0x17: {  	s4 =	simm.s32 $0x1BF5;
	[smem:$0x3FB9] =	sst s0  }
0x18: {  	s0 =	sld [smem:$0x3F9C];
	_ =	swait.ge [sflag:s4], $0x0  }
0x19: {  	s7 =	sld [smem:$0x3F9D]  }
0x1a: {  	s8 =	sadd.s32 $0xFFFFE003, lr  }
0x1b: {  	s9 =	sadd.s32 $0xFFFFFEF7, lr;
	s5 =	simm.s32 $0xFFFFFFFF;
	p2 =	slt.u32 s8, $0xFFFFF086  }
0x1c: {  	p1 =	slt.u32 s9, $0xF7A;
	s5 =	simm.s32 @!p2 $0x0  }
0x1d: {  	s5 =	simm.s32 @p1 $0x1;
	p0 =	seq.s32 s7, s2  }
0x1e: {  	s7 =	smul.u32 @!p0 $0xF7A, s2;
	p2 =	seq.s32 @!p0 s5, $0x0  }
0x1f: {  	s9 =	smul.u32 $0xF7A, s1;
	s8 =	simm.s32 @!p0 $0x1BF5;
	p2 =	por !p2, p0  }
0x20: {  	[sflag:s8] =	ssyncset.s32 @!p0 $0xFFFFF086;
	s6 =	sadd.s32 @!p0 s3, s7;
	s7 =	simm.s32 @!p0 $0x108  }
0x21: {  	s3 =	sadd.s32 s3, s9;
	s6 =	sadd.s32 @!p0 $0x88, s6;
	s7 =	simm.s32 @p2 $0x1082  }
0x22: {  	[simem:s7], [sflag:s8] =	dma.local @!p0 [hbm:s6], $0xF7A  }
0x23: {  	s9 =	sor.u32 $0xD0000000, s2;
	s6 =	simm.s32 $0x108;
	_ =	swait.ge @!p0 [sflag:s8], $0x0  }
0x24: {  	s3 =	sadd.s32 $0x88, s3;
	s6 =	simm.s32 @!p1 $0x1082;
	[sflag:s4] =	ssyncset.s32 $0xFFFFF086  }
0x25: {  	[simem:s6], [sflag:s4] =	dma.local [hbm:s3], $0xF7A  }
0x26: {  	[smem:$0x3F9D] =	sst s1;
	(tag) =	ssettag s2;
	_ =	strace s9  }
0x27: {  	s1 =	sld [smem:$0x3FAD]  }
0x28: {  	s2 =	sld [smem:$0x3FAE]  }
0x29: {  	s4 =	sld [smem:$0x3FB0]  }
0x2a: {  	p0 =	seq.s32 s5, $0x0;
	s5 =	sld [smem:$0x3FB1]  }
0x2b: {  	s6 =	sld [smem:$0x3FB2]  }
0x2c: {  	s7 =	sld [smem:$0x3FB3]  }
0x2d: {  	s3 =	simm.s32 $0x108;
	s8 =	sld [smem:$0x3FB4]  }
0x2e: {  	s3 =	simm.s32 @!p0 $0x1082;
	s9 =	sld [smem:$0x3FB5]  }
0x2f: {  	lr =	sadd.s32 s0, s3;
	s0 =	sld [smem:$0x3FAC]  }
0x30: {  	s3 =	sld [smem:$0x3FAF]  }
0x31: {  	[smem:$0x3FB8] =	sst s10  }
0x32: {  	s10 =	sld [smem:$0x3FB6];
	_ =	sdelay $0x3  }
0x33: {  	p0 =	seq.s32 s10, $0x1;
	s10 =	sld [smem:$0x3FB8];
	_ =	sdelay $0x3  }
0x34: {  	[smem:$0x3FB8] =	sst s10  }
0x35: {  	s10 =	sld [smem:$0x3FB7];
	_ =	sdelay $0x3  }
0x36: {  	p1 =	seq.s32 s10, $0x1;
	s10 =	sld [smem:$0x3FB8];
	_ =	sdelay $0x3  }
0x37: {  	[smem:$0x3FB8] =	sst s10  }
0x38: {  	s10 =	sld [smem:$0x3FB9]  }
0x39: {  	_ = 	snop;
	(pc) =	sbr.ind lr, $3  }
0x3a: {  	_ = 	snop  }
0x3b: {  	_ = 	snop  }
0x3c: {  	p2 =	seq.s32 s10, $0x1;
	s10 =	sld [smem:$0x3FB8]  }
0x3d: {  	_ =	shalt  }
0x3e: {  	_ =	shalt  }
0x3f: {  	_ =	shalt  }
0x40: {  	_ =	shalt  }
0x41: {  	_ =	shalt  }
0x42: {  	_ =	shalt  }
0x43: {  	_ =	shalt  }
0x44: {  	_ =	shalt  }
0x45: {  	_ =	shalt  }
0x46: {  	_ =	shalt  }
0x47: {  	_ =	shalt  }
0x48: {  	_ =	shalt  }
0x49: {  	_ =	shalt  }
0x4a: {  	_ =	shalt  }
0x4b: {  	_ =	shalt  }
0x4c: {  	_ =	shalt  }
0x4d: {  	_ =	shalt  }
0x4e: {  	_ =	shalt  }
0x4f: {  	_ =	shalt  }
0x50: {  	_ =	shalt  }
0x51: {  	_ =	shalt  }
0x52: {  	_ =	shalt  }
0x53: {  	_ =	shalt  }
0x54: {  	_ =	shalt  }
0x55: {  	_ =	shalt  }
0x56: {  	_ =	shalt  }
0x57: {  	_ =	shalt  }
0x58: {  	_ =	shalt  }
0x59: {  	_ =	shalt  }
0x5a: {  	_ =	shalt  }
0x5b: {  	_ =	shalt  }
0x5c: {  	_ =	shalt  }
0x5d: {  	_ =	shalt  }
0x5e: {  	_ =	shalt  }
0x5f: {  	_ =	shalt  }
0x60: {  	_ =	shalt  }
0x61: {  	_ =	shalt  }
0x62: {  	_ =	shalt  }
0x63: {  	_ =	shalt  }
0x64: {  	_ =	shalt  }
0x65: {  	_ =	shalt  }
0x66: {  	_ =	shalt  }
0x67: {  	_ =	shalt  }
0x68: {  	_ =	shalt  }
0x69: {  	_ =	shalt  }
0x6a: {  	_ =	shalt  }
0x6b: {  	_ =	shalt  }
0x6c: {  	_ =	shalt  }
0x6d: {  	_ =	shalt  }
0x6e: {  	_ =	shalt  }
0x6f: {  	_ =	shalt  }
0x70: {  	_ =	shalt  }
0x71: {  	_ =	shalt  }
0x72: {  	_ =	shalt  }
0x73: {  	_ =	shalt  }
0x74: {  	_ =	shalt  }
0x75: {  	_ =	shalt  }
0x76: {  	_ =	shalt  }
0x77: {  	_ =	shalt  }
0x78: {  	_ =	shalt  }
0x79: {  	_ =	shalt  }
0x7a: {  	_ =	shalt  }
0x7b: {  	_ =	shalt  }
0x7c: {  	_ =	shalt  }
0x7d: {  	_ =	shalt  }
0x7e: {  	_ =	shalt  }
0x7f: {  	_ =	shalt  }
0x80: {  	_ =	shalt  }
0x81: {  	_ =	shalt  }
0x82: {  	_ =	shalt  }
0x83: {  	_ =	shalt  }
0x84: {  	_ =	shalt  }
0x85: {  	_ =	shalt  }
0x86: {  	_ =	shalt  }
0x87: {  	_ =	shalt  }
.Lfunc_end0:
.L_simem_size_0:
called_computation_lowered:
.L_overlay_start_0:
0x88: {  	s2 =	sld [smem:$0x3FD9]  }
0x89: {  	s3 =	sld [smem:$0x3FFE];
	_ =	sdelay $0x1  }
0x8a: {  	s1 =	srdreg.scid  }
0x8b: {  	s0 =	sand.u32 $0x1, s1  }
0x8c: {  	s17 =	sshll.u32 s0, $0xA;
	s2 =	sadd.s32 s3, s2  }
0x8d: {  	s2 =	sadd.s32 s2, s17  }
0x8e: {  	[smem:$0x3FC4] =	sst s2  }
0x8f: {  	_ = 	snop  }
0x90: {  	s2 =	sld [smem:$0x3FC9]  }
0x91: {  	s18 =	sld [smem:$0x3FC8]  }
0x92: {  	s4 =	sld [smem:$0x3FC7]  }
0x93: {  	s5 =	sld [smem:$0x3FC6]  }
0x94: {  	s6 =	sld [smem:$0x3FD0];
	(tm) =	ssettm $0x1  }
0x95: {  	s7 =	sld [smem:$0x3FFB];
	_ =	sdelay $0x3  }
0x96: {  	_ =	strace s7  }
0x97: {  	s7 =	sld [smem:$0x3FFC];
	_ =	sdelay $0x3  }
0x98: {  	_ =	strace s7  }
0x99: {  	s7 =	sld [smem:$0x3FFD];
	_ =	sdelay $0x3  }
0x9a: {  	_ =	strace s7  }
0x9b: {  	_ =	strace $0x8FFFFFFF  }
0x9c: {  	s19 =	sld [smem:$0x3FDB];
	_ =	sdelay $0x1  }
0x9d: {  	s8 =	simm.s32 $_scs_section_size  }
0x9e: {  	s9 =	simm.s32 $_size__tile_overlayer_lowered;
	s10 =	simm.s32 $_tile_overlayer_lowered  }
0x9f: {  	s22 =	simm.s32 $0x1BFF;
	s21 =	sshll.u32 s10, $0x1;
	s7 =	sadd.s32 s8, s19  }
0xa0: {  	s11 =	simm.s32 $0x0;
	s20 =	sshll.u32 s9, $0x1;
	s9 =	sadd.s32 s21, s7  }
0xa1: {  	[timem:s11], [sflag:s22] =	dma.local [hbm:s9], s20  }
0xa2: {  	_ =	swait.ge [sflag:s22], s20  }
0xa3: {  	s8 =	ssub.s32 $0x0, s20;
	[sflag:s22] =	ssyncset.done $0x0  }
0xa4: {  	[sflag:s22] =	ssyncadd.s32 s8;
	_ =	sdelay $0x1  }
0xa5: {  	s23 =	simm.s32 $0x1B8B  }
0xa6: {  	_ =	swait.ge [sflag:s23], $0x1  }
0xa7: {  	[sflag:s23] =	ssyncset.done $0x0  }
0xa8: {  	s25 =	simm.s32 $0x1B8E;
	s24 =	sld [smem:$0x3FFE];
	[sflag:s23] =	ssyncadd.s32 $0xFFFFFFFF  }
0xa9: {  	s26 =	simm.s32 $execute0_lowered;
	[smem:$0x3FD2] =	sst s25  }
0xaa: {  	s9 =	sshll.u32 s26, $0x1;
	_ =	strace $0x80000046;
	[dreg:$0x1] =	wrdreg $0xFFFFFFFF  }
0xab: {  	s28 =	simm.s32 $_size_execute0_lowered;
	s7 =	sadd.s32 s7, s9;
	[dreg:$0x0] =	wrdreg $0x0  }
0xac: {  	s9 =	sshll.u32 s28, $0x1;
	[dreg:$0x2] =	wrdreg s7  }
0xad: {  	[dreg:$0x3] =	wrdreg s9  }
0xae: {  	[dreg:$0x4] =	wrdreg $0xC0  }
0xaf: {  	_ =	task [dreg:s11], $0x5FFFF  }
0xb0: {  	[dreg:$0x1] =	wrdreg $0xFFFFFFFF  }
0xb1: {  	[dreg:$0x0] =	wrdreg $0x60  }
0xb2: {  	[dreg:$0x2] =	wrdreg s2  }
0xb3: {  	[dreg:$0x3] =	wrdreg s18  }
0xb4: {  	[dreg:$0x4] =	wrdreg s4  }
0xb5: {  	[dreg:$0x5] =	wrdreg s5  }
0xb6: {  	[dreg:$0x6] =	wrdreg s24  }
0xb7: {  	[dreg:$0x7] =	wrdreg s6  }
0xb8: {  	[dreg:$0x8] =	wrdreg $0x9  }
0xb9: {  	_ =	task.clear_ibuf [dreg:s11], $0x9FFFF;
	_ =	strace $0x90000046  }
0xba: {  	s29 =	simm.s32 $0x9;
	_ =	strace $0x80000048  }
0xbb: {  	_ =	swait.ge [sflag:s29], $0x1  }
0xbc: {  	[sflag:s29] =	ssyncadd.s32 $0xFFFFFFFF  }
0xbd: {  	_ =	strace $0x90000048  }
0xbe: {  	_ =	sfence  }
0xbf: {  	s30 =	sld [smem:$0x0];
	_ =	sdelay $0x2  }
0xc0: {  	s31 =	sshll.u32 s1, $0xD;
	s1 =	sshrl.u32 s1, $0x2  }
0xc1: {  	s3 =	sand.u32 $0x4000, s31;
	s1 =	sadd.s32 s1, s30  }
0xc2: {  	s0 =	sor.u32 s3, s0;
	s1 =	sshll.u32 s1, $0x11  }
0xc3: {  	s0 =	sor.u32 s1, s0  }
0xc4: {  	s0 =	sadd.s32 $0x8F2B, s0  }
0xc5: {  	[sflag:s0] =	ssyncadd.remote.s32 $0x1  }
0xc6: {  	_ =	sfence.sel $0xFFFF  }
0xc7: {  	[dreg:$0x0] =	wrdreg $0xFFFFFFFF;
	(pc) =	sbr.abs _section_cstart, $3  }
0xc8: {  	[dreg:$0x1] =	wrdreg $0xFFFFFFFF  }
0xc9: {  	_ =	task.clear_ibuf [dreg:s11], $0x2FFFF;
	_ =	strace $0x9FFFFFFF  }
0xca: {  	(tm) =	ssettm $0x7FFFFFFF  }
0xcb: {  	_ =	shalt  }
tec
execute0_lowered:
.L_overlay_start_1:
0x0: {  	(tag) =	ssettag $0x1  }
0x1: {  	s0 =	rddreg [dreg:$0x0]  }
0x2: {  	s1 =	rddreg [dreg:$0x1]  }
0x3: {  	s2 =	rddreg [dreg:$0x4];
	s7 =	simm.s32 $0x0;
	vm1 =	vmmov $0x1ff;
	v2 =	vimm.s32 $0x0  }
0x4: {  	[smem:$0x7FF] =	sst s7;
	v2 =	vsel vm1, $0xFFFFFFFF, v2  }
0x5: {  	s3 =	rddreg [dreg:$0x5];
	vm1 =	vmmov $0x3ff;
	_ =	strace $0x80000047;
	[tilespmem:$0x1FF90] =	vst v2;
	v2 =	vimm.s32 $0x0  }
0x6: {  	v2 =	vsel vm1, $0xFFFFFFFF, v2  }
0x7: {  	vm1 =	vmmov $0x7ff;
	[tilespmem:$0x1FFA0] =	vst v2;
	v2 =	vimm.s32 $0x0  }
0x8: {  	v0 =	vlaneseq.u32;
	vm0 =	vmmov $0xff;
	v2 =	vsel vm1, $0xFFFFFFFF, v2  }
0x9: {  	s4 =	srdreg.scid;
	s6 =	stileid.u32;
	vm2 =	vcmask $0x2B28;
	vm1 =	vmmov $0xfff;
	[tilespmem:$0x1FFB0] =	vst v2;
	v2 =	vimm.s32 $0x0  }
0xa: {  	s15 =	simm.s32 $0x400;
	vm3 =	vcmask $0x2F2C;
	vm4 =	vcmask $0x3330;
	s5 =	sadd.s32 $0x800, s2;
	s4 =	sand.u32 $0x1, s4;
	v2 =	vsel vm1, $0xFFFFFFFF, v2  }
0xb: {  	vm5 =	vcmask $0x3734;
	s6 =	sshll.u32 s6, $0x7;
	s26 =	ssub.s32 $0x2, s4;
	s4 =	sshll.u32 s4, $0x6;
	vm1 =	vmmov $0x1fff;
	[tilespmem:$0x1FFC0] =	vst v2;
	v2 =	vimm.s32 $0x0  }
0xc: {  	vm6 =	vcmask $0x3B38;
	vm7 =	vmmov $0x7fff;
	s2 =	sadd.s32 $0x600, s2;
	[dreg:$0x7] =	wrdreg s5;
	s4 =	sor.u32 s4, s6;
	v2 =	vsel vm1, $0xFFFFFFFF, v2  }
0xd: {  	vm8 =	vmmov $0x1;
	[dreg:$0x8] =	wrdreg s2;
	s28 =	sshrl.u32 s26, $0x1;
	s0 =	sadd.s32 s0, s4;
	vm1 =	vmmov $0x3fff;
	[tilespmem:$0x1FFD0] =	vst v2;
	v2 =	vimm.s32 $0x0  }
0xe: {  	vm9 =	vcmask $0x320;
	vm10 =	vcmask $0x720;
	s2 =	ssub.s32 s26, s28;
	s29 =	sadd.s32 s1, s4;
	[dreg:$0x9] =	wrdreg s0;
	v2 =	vsel vm1, $0xFFFFFFFF, v2  }
0xf: {  	vm11 =	vcmask $0xB20;
	v0 =	vmul.u32 $0x80, v0;
	s30 =	sadd.s32 s3, s4;
	s1 =	simm.s32 $0x9;
	[dreg:$0xa] =	wrdreg s29;
	[tilespmem:$0x1FFE0] =	vst v2;
	v2 =	vimm.s32 $0x0  }
0x10: {  	vm12 =	vcmask $0xF20;
	vm13 =	vcmask $0x1320;
	s3 =	simm.s32 $0x10400;
	[dreg:$0xb] =	wrdreg s30;
	s31 =	smax.u32 s2, $0x1;
	v2 =	vsel vm7, $0xFFFFFFFF, v2  }
0x11: {  	vm14 =	vcmask $0x1720;
	vm15 =	vcmask $0x1B20;
	v1 =	vor.u32 $0x800, v0;
	s4 =	simm.s32 $0x11400;
	s2 =	simm.s32 $0x0;
	[dreg:$0xc] =	wrdreg s31;
	[tilespmem:$0x1FFF0] =	vst v2  }
.LBB2_1:
0x12: {  	[dreg:$0xd] =	wrdreg s2  }
0x13: {  	s0 =	rddreg [dreg:$0x9]  }
0x14: {  	[tilespmem:s7], [sflag:$0x9] =	stream.linear.gather [hbm4b:s0+s7], $0x200, $0x38;
	[tilespmem:$0x12600] =	vst v63  }
0x15: {  	_ =	swait.ge [sflag:s1], $0x200  }
0x16: {  	[sflag:s1] =	ssyncset.done $0x0  }
0x17: {  	s29 =	simm.s32 $0x200;
	s28 =	rddreg [dreg:$0xa];
	[sflag:s1] =	ssyncadd.s32 $0xFFFFFE00  }
0x18: {  	[tilespmem:s29], [sflag:$0x9] =	stream.linear.gather [hbm4b:s28+s7], $0x200, $0x38;
	[tilespmem:$0x12600] =	vst v63  }
0x19: {  	_ =	swait.ge [sflag:s1], $0x200  }
0x1a: {  	[sflag:s1] =	ssyncset.done $0x0  }
0x1b: {  	s30 =	rddreg [dreg:$0x7];
	[sflag:s1] =	ssyncadd.s32 $0xFFFFFE00  }
0x1c: {  	[tilespmem:s3], [sflag:$0x9] =	stream.linear.gather [hbm4b:s30+s7], $0x1000, $0x38;
	[tilespmem:$0x12600] =	vst v63  }
0x1d: {  	_ =	swait.ge [sflag:s1], $0x1000  }
0x1e: {  	[sflag:s1] =	ssyncset.done $0x0  }
0x1f: {  	s31 =	rddreg [dreg:$0x8];
	[sflag:s1] =	ssyncadd.s32 $0xFFFFF000  }
0x20: {  	[tilespmem:s4], [sflag:$0x9] =	stream.linear.gather [hbm4b:s31+s7], $0x1000, $0x38;
	[tilespmem:$0x12600] =	vst v63  }
0x21: {  	_ =	swait.ge [sflag:s1], $0x1000  }
0x22: {  	[sflag:s1] =	ssyncset.done $0x0  }
0x23: {  	v5 =	vimm.s32 $0x0;
	v4 =	vimm.f32 $0.0e+00;
	s12 =	simm.s32 $0x0;
	v6 =	vimm.s32 $0x0;
	s8 =	simm.s32 $0x7A1400;
	[sflag:s1] =	ssyncadd.s32 $0xFFFFF000  }
.LBB2_2:
0x24: {  	s0 =	sshra.s32 s12, $0x2  }
0x25: {  	p0 =	seq.s32 s12, $0x0;
	v2 =	vld [tilespmem:s0+$0x0]  }
0x26: {  	[dreg:$0xe] =	wrdreg s12;
	v3 =	vld [tilespmem:s0+$0x200];
	s0 =	simm.s32 @!p0 $0x1  }
0x27: {  	_ =	swait.ge @!p0 [sflag:s0], $0x1000  }
0x28: {  	[sflag:s0] =	ssyncset.done @!p0 $0x0  }
0x29: {  	[sflag:s0] =	ssyncadd.s32 @!p0 $0xFFFFF000  }
0x2a: {  	_ =	swait.ge @!p0 [sflag:s0], $0x1000  }
0x2b: {  	(v2sf) =	vpush v6, $0x8;
	_ =	sdelay $0x3  }
0x2c: {  	(v2sf) =	vpush v5, $0x8;
	_ =	sdelay $0xa  }
0x2d: {  	s1 =	spop (v2sf)  }
0x2e: {  	p1 =	slt.s32 s1, $0xF41FF;
	s2 =	smov.u32 s1  }
0x2f: {  	s2 =	simm.s32 @!p1 $0xF41FF  }
0x30: {  	s3 =	sadd.s32 $0xFFF0BE00, s1;
	s2 =	sand.u32 $0x7F, s2  }
0x31: {  	s4 =	spop (v2sf);
	p1 =	sgt.s32 s3, $0x0;
	v7 =	vor.u32 s2, v0  }
0x32: {  	s3 =	simm.s32 @!p1 $0x0;
	p1 =	slt.s32 s4, $0xF41FF;
	v8 =	vor.u32 s2, v1;
	s2 =	smov.u32 s4  }
0x33: {  	v9 =	vadd.s32 s3, v0;
	s2 =	simm.s32 @!p1 $0xF41FF  }
0x34: {  	[sflag:s0] =	ssyncset.done @!p0 $0x0;
	v10 =	vadd.s32 s3, v1;
	s3 =	sadd.s32 $0xFFF0BE00, s4;
	s2 =	sand.u32 $0x7F, s2  }
0x35: {  	[sflag:s0] =	ssyncadd.s32 @!p0 $0xFFFFF000;
	p1 =	sgt.s32 s3, $0x0;
	v11 =	vor.u32 s2, v0  }
0x36: {  	s3 =	simm.s32 @!p1 $0x0;
	v12 =	vor.u32 s2, v1;
	v7 =	vld.idx.msk [tilespmem:v7+s15+$0x0], $0xffff  }
0x37: {  	s14 =	simm.s32 $0x10400;
	v13 =	vadd.s32 s3, v0;
	v8 =	vld.idx.msk [tilespmem:v8+s15+$0x0], $0xffff  }
0x38: {  	v14 =	vadd.s32 s3, v1;
	v9 =	vld.idx.msk [tilespmem:v9+s14+$0x0], $0xffff  }
0x39: {  	s19 =	simm.s32 $0x8400;
	v10 =	vld.idx.msk [tilespmem:v10+s14+$0x0], $0xffff  }
0x3a: {  	(v2sf) =	vpush v2, $0x0;
	v11 =	vld.idx.msk [tilespmem:v11+s19+$0x0], $0xffff  }
0x3b: {  	s12 =	simm.s32 $0x11400;
	(v2sf) =	vpush v3, $0x0;
	v12 =	vld.idx.msk [tilespmem:v12+s19+$0x0], $0xffff  }
0x3c: {  	v13 =	vld.idx.msk [tilespmem:v13+s12+$0x0], $0xffff  }
0x3d: {  	v14 =	vld.idx.msk [tilespmem:v14+s12+$0x0], $0xffff;
	_ =	sdelay $0x2  }
0x3e: {  	p4 =	slt.s32 s1, $0xF4200  }
0x3f: {  	p2 =	slt.s32 s4, $0xF4200;
	v7 =	vpsel p4, v7, v9  }
0x40: {  	v8 =	vpsel p4, v8, v10;
	v23 =	vpsel p2, v11, v13;
	v24 =	vpsel p2, v12, v14  }
0x41: {  	v7 =	vmul.f32 v23, v7;
	v8 =	vmul.f32 v24, v8;
	_ =	sdelay $0x1  }
0x42: {  	v7 =	vadd.f32 v8, v7;
	_ =	sdelay $0x1  }
0x43: {  	(xrf2) =	vadd.scan.msk.f32 $0xffff, v7;
	_ =	sdelay $0x1  }
0x44: {  	s11 =	spop (v2sf)  }
0x45: {  	s28 =	rddreg [dreg:$0x2];
	p1 =	slt.s32 s11, $0xF41FF;
	s16 =	spop (v2sf)  }
0x46: {  	[dreg:$0x10] =	wrdreg s11;
	s11 =	simm.s32 @!p1 $0xF41FF;
	p1 =	slt.s32 s16, $0xF41FF  }
0x47: {  	[dreg:$0xf] =	wrdreg s16;
	s21 =	sand.u32 $0xFFFFF80, s11;
	s16 =	simm.s32 @!p1 $0xF41FF  }
0x48: {  	s10 =	rddreg [dreg:$0x3];
	s0 =	sadd.s32 s28, s21;
	s22 =	sand.u32 $0xFFFFF80, s16  }
0x49: {  	[tilespmem:s15], [sflag:$0x1] =	stream.strided.gather [hbm4b:s0+s15], $0x1000, s8, s15, $0x38;
	[tilespmem:$0x12600] =	vst v63  }
0x4a: {  	s20 =	simm.s32 $0x8400;
	s0 =	sadd.s32 s10, s22  }
0x4b: {  	[tilespmem:s20], [sflag:$0x1] =	stream.strided.gather [hbm4b:s0+s15], $0x1000, s8, s15, $0x38;
	[tilespmem:$0x12600] =	vst v63  }
0x4c: {  	s0 =	simm.s32 @!p0 $0x2;
	v7, _, _ =	vpop (xrf2)  }
0x4d: {  	_ =	swait.ge @!p0 [sflag:s0], $0x1000  }
0x4e: {  	[sflag:s0] =	ssyncset.done @!p0 $0x0  }
0x4f: {  	[sflag:s0] =	ssyncadd.s32 @!p0 $0xFFFFF000  }
0x50: {  	_ =	swait.ge @!p0 [sflag:s0], $0x1000  }
0x51: {  	(v2sf) =	vpush v6, $0x9;
	_ =	sdelay $0x3  }
0x52: {  	(v2sf) =	vpush v5, $0x9;
	_ =	sdelay $0xa  }
0x53: {  	s23 =	spop (v2sf)  }
0x54: {  	p1 =	slt.s32 s23, $0xF41FF;
	s2 =	smov.u32 s23  }
0x55: {  	s2 =	simm.s32 @!p1 $0xF41FF  }
0x56: {  	s3 =	sadd.s32 $0xFFF0BE00, s23;
	s2 =	sand.u32 $0x7F, s2  }
0x57: {  	s24 =	spop (v2sf);
	p1 =	sgt.s32 s3, $0x0;
	v8 =	vor.u32 s2, v0  }
0x58: {  	s3 =	simm.s32 @!p1 $0x0;
	p1 =	slt.s32 s24, $0xF41FF;
	v25 =	vor.u32 s2, v1;
	s2 =	smov.u32 s24  }
0x59: {  	v26 =	vadd.s32 s3, v0;
	s2 =	simm.s32 @!p1 $0xF41FF  }
0x5a: {  	[sflag:s0] =	ssyncset.done @!p0 $0x0;
	v27 =	vadd.s32 s3, v1;
	s3 =	sadd.s32 $0xFFF0BE00, s24;
	s2 =	sand.u32 $0x7F, s2  }
0x5b: {  	s5 =	simm.s32 $0x1400;
	[sflag:s0] =	ssyncadd.s32 @!p0 $0xFFFFF000;
	p1 =	sgt.s32 s3, $0x0;
	v28 =	vor.u32 s2, v0  }
0x5c: {  	s3 =	simm.s32 @!p1 $0x0;
	v29 =	vor.u32 s2, v1;
	v8 =	vld.idx.msk [tilespmem:v8+s5+$0x0], $0xffff  }
0x5d: {  	v30 =	vadd.s32 s3, v0;
	v9 =	vld.idx.msk [tilespmem:v25+s5+$0x0], $0xffff  }
0x5e: {  	v15 =	vadd.s32 s3, v1;
	v10 =	vld.idx.msk [tilespmem:v26+s14+$0x0], $0xffff  }
0x5f: {  	s25 =	simm.s32 $0x9400;
	v11 =	vld.idx.msk [tilespmem:v27+s14+$0x0], $0xffff  }
0x60: {  	(v2sf) =	vpush v2, $0x1;
	v12 =	vld.idx.msk [tilespmem:v28+s25+$0x0], $0xffff  }
0x61: {  	(v2sf) =	vpush v3, $0x1;
	v13 =	vld.idx.msk [tilespmem:v29+s25+$0x0], $0xffff  }
0x62: {  	v14 =	vld.idx.msk [tilespmem:v30+s12+$0x0], $0xffff  }
0x63: {  	v15 =	vld.idx.msk [tilespmem:v15+s12+$0x0], $0xffff;
	_ =	sdelay $0x2  }
0x64: {  	p5 =	slt.s32 s23, $0xF4200  }
0x65: {  	p6 =	slt.s32 s24, $0xF4200;
	v8 =	vpsel p5, v8, v10  }
0x66: {  	v9 =	vpsel p5, v9, v11;
	v31 =	vpsel p6, v12, v14;
	v32 =	vpsel p6, v13, v15  }
0x67: {  	v8 =	vmul.f32 v31, v8;
	v9 =	vmul.f32 v32, v9;
	_ =	sdelay $0x1  }
0x68: {  	v8 =	vadd.f32 v9, v8;
	_ =	sdelay $0x1  }
0x69: {  	(xrf2) =	vadd.scan.msk.f32 $0xffff, v8;
	_ =	sdelay $0x1  }
0x6a: {  	s18 =	spop (v2sf)  }
0x6b: {  	p1 =	slt.s32 s18, $0xF41FF;
	s19 =	spop (v2sf)  }
0x6c: {  	[dreg:$0x12] =	wrdreg s18;
	s18 =	simm.s32 @!p1 $0xF41FF;
	p1 =	slt.s32 s19, $0xF41FF  }
0x6d: {  	[dreg:$0x11] =	wrdreg s19;
	s3 =	sand.u32 $0xFFFFF80, s18;
	s19 =	simm.s32 @!p1 $0xF41FF  }
0x6e: {  	s0 =	sadd.s32 s28, s3;
	s4 =	sand.u32 $0xFFFFF80, s19  }
0x6f: {  	[tilespmem:s5], [sflag:$0x2] =	stream.strided.gather [hbm4b:s0+s15], $0x1000, s8, s15, $0x38;
	[tilespmem:$0x12600] =	vst v63  }
0x70: {  	s26 =	simm.s32 $0x9400;
	s0 =	sadd.s32 s10, s4  }
0x71: {  	[tilespmem:s26], [sflag:$0x2] =	stream.strided.gather [hbm4b:s0+s15], $0x1000, s8, s15, $0x38;
	[tilespmem:$0x12600] =	vst v63  }
0x72: {  	s0 =	simm.s32 @!p0 $0x3;
	v8, _, _ =	vpop (xrf2)  }
0x73: {  	_ =	swait.ge @!p0 [sflag:s0], $0x1000  }
0x74: {  	[sflag:s0] =	ssyncset.done @!p0 $0x0  }
0x75: {  	[sflag:s0] =	ssyncadd.s32 @!p0 $0xFFFFF000  }
0x76: {  	_ =	swait.ge @!p0 [sflag:s0], $0x1000  }
0x77: {  	(v2sf) =	vpush v6, $0xA;
	_ =	sdelay $0x3  }
0x78: {  	(v2sf) =	vpush v5, $0xA;
	_ =	sdelay $0xa  }
0x79: {  	s5 =	spop (v2sf)  }
0x7a: {  	p1 =	slt.s32 s5, $0xF41FF;
	s2 =	smov.u32 s5  }
0x7b: {  	s2 =	simm.s32 @!p1 $0xF41FF  }
0x7c: {  	s3 =	sadd.s32 $0xFFF0BE00, s5;
	s2 =	sand.u32 $0x7F, s2  }
0x7d: {  	s6 =	spop (v2sf);
	p1 =	sgt.s32 s3, $0x0;
	v33 =	vor.u32 s2, v0  }
0x7e: {  	s3 =	simm.s32 @!p1 $0x0;
	p1 =	slt.s32 s6, $0xF41FF;
	v34 =	vor.u32 s2, v1;
	s2 =	smov.u32 s6  }
0x7f: {  	v35 =	vadd.s32 s3, v0;
	s2 =	simm.s32 @!p1 $0xF41FF  }
0x80: {  	[sflag:s0] =	ssyncset.done @!p0 $0x0;
	v36 =	vadd.s32 s3, v1;
	s3 =	sadd.s32 $0xFFF0BE00, s6;
	s2 =	sand.u32 $0x7F, s2  }
0x81: {  	s7 =	simm.s32 $0x2400;
	[sflag:s0] =	ssyncadd.s32 @!p0 $0xFFFFF000;
	p1 =	sgt.s32 s3, $0x0;
	v37 =	vor.u32 s2, v0  }
0x82: {  	s3 =	simm.s32 @!p1 $0x0;
	v38 =	vor.u32 s2, v1;
	v9 =	vld.idx.msk [tilespmem:v33+s7+$0x0], $0xffff  }
0x83: {  	v39 =	vadd.s32 s3, v0;
	v10 =	vld.idx.msk [tilespmem:v34+s7+$0x0], $0xffff  }
0x84: {  	v16 =	vadd.s32 s3, v1;
	v11 =	vld.idx.msk [tilespmem:v35+s14+$0x0], $0xffff  }
0x85: {  	s9 =	simm.s32 $0xA400;
	v12 =	vld.idx.msk [tilespmem:v36+s14+$0x0], $0xffff  }
0x86: {  	(v2sf) =	vpush v2, $0x2;
	v13 =	vld.idx.msk [tilespmem:v37+s9+$0x0], $0xffff  }
0x87: {  	(v2sf) =	vpush v3, $0x2;
	v14 =	vld.idx.msk [tilespmem:v38+s9+$0x0], $0xffff  }
0x88: {  	v15 =	vld.idx.msk [tilespmem:v39+s12+$0x0], $0xffff  }
0x89: {  	v16 =	vld.idx.msk [tilespmem:v16+s12+$0x0], $0xffff;
	_ =	sdelay $0x2  }
0x8a: {  	p3 =	slt.s32 s5, $0xF4200  }
0x8b: {  	p4 =	slt.s32 s6, $0xF4200;
	v9 =	vpsel p3, v9, v11  }
0x8c: {  	v10 =	vpsel p3, v10, v12;
	v40 =	vpsel p4, v13, v15;
	v41 =	vpsel p4, v14, v16  }
0x8d: {  	v9 =	vmul.f32 v40, v9;
	v10 =	vmul.f32 v41, v10;
	_ =	sdelay $0x1  }
0x8e: {  	v9 =	vadd.f32 v10, v9;
	_ =	sdelay $0x1  }
0x8f: {  	(xrf2) =	vadd.scan.msk.f32 $0xffff, v9;
	_ =	sdelay $0x1  }
0x90: {  	s20 =	spop (v2sf)  }
0x91: {  	p1 =	slt.s32 s20, $0xF41FF;
	s22 =	spop (v2sf)  }
0x92: {  	[dreg:$0x14] =	wrdreg s20;
	s20 =	simm.s32 @!p1 $0xF41FF;
	p1 =	slt.s32 s22, $0xF41FF  }
0x93: {  	[dreg:$0x13] =	wrdreg s22;
	s17 =	sand.u32 $0xFFFFF80, s20;
	s22 =	simm.s32 @!p1 $0xF41FF  }
0x94: {  	s0 =	sadd.s32 s28, s17;
	s21 =	sand.u32 $0xFFFFF80, s22  }
0x95: {  	[tilespmem:s7], [sflag:$0x3] =	stream.strided.gather [hbm4b:s0+s15], $0x1000, s8, s15, $0x38;
	[tilespmem:$0x12600] =	vst v63  }
0x96: {  	s13 =	simm.s32 $0xA400;
	s0 =	sadd.s32 s10, s21  }
0x97: {  	[tilespmem:s13], [sflag:$0x3] =	stream.strided.gather [hbm4b:s0+s15], $0x1000, s8, s15, $0x38;
	[tilespmem:$0x12600] =	vst v63  }
0x98: {  	s0 =	simm.s32 @!p0 $0x4;
	v9, _, _ =	vpop (xrf2)  }
0x99: {  	_ =	swait.ge @!p0 [sflag:s0], $0x1000  }
0x9a: {  	[sflag:s0] =	ssyncset.done @!p0 $0x0  }
0x9b: {  	[sflag:s0] =	ssyncadd.s32 @!p0 $0xFFFFF000  }
0x9c: {  	_ =	swait.ge @!p0 [sflag:s0], $0x1000  }
0x9d: {  	(v2sf) =	vpush v6, $0xB;
	_ =	sdelay $0x3  }
0x9e: {  	(v2sf) =	vpush v5, $0xB;
	_ =	sdelay $0xa  }
0x9f: {  	s23 =	spop (v2sf)  }
0xa0: {  	p1 =	slt.s32 s23, $0xF41FF;
	s2 =	smov.u32 s23  }
0xa1: {  	s2 =	simm.s32 @!p1 $0xF41FF  }
0xa2: {  	s3 =	sadd.s32 $0xFFF0BE00, s23;
	s2 =	sand.u32 $0x7F, s2  }
0xa3: {  	s24 =	spop (v2sf);
	p1 =	sgt.s32 s3, $0x0;
	v42 =	vor.u32 s2, v0  }
0xa4: {  	s3 =	simm.s32 @!p1 $0x0;
	p1 =	slt.s32 s24, $0xF41FF;
	v43 =	vor.u32 s2, v1;
	s2 =	smov.u32 s24  }
0xa5: {  	v44 =	vadd.s32 s3, v0;
	s2 =	simm.s32 @!p1 $0xF41FF  }
0xa6: {  	[sflag:s0] =	ssyncset.done @!p0 $0x0;
	v45 =	vadd.s32 s3, v1;
	s3 =	sadd.s32 $0xFFF0BE00, s24;
	s2 =	sand.u32 $0x7F, s2  }
0xa7: {  	s26 =	simm.s32 $0x3400;
	[sflag:s0] =	ssyncadd.s32 @!p0 $0xFFFFF000;
	p1 =	sgt.s32 s3, $0x0;
	v46 =	vor.u32 s2, v0  }
0xa8: {  	(v2sf) =	vpush v2, $0x3;
	s3 =	simm.s32 @!p1 $0x0;
	v47 =	vor.u32 s2, v1;
	v10 =	vld.idx.msk [tilespmem:v42+s26+$0x0], $0xffff  }
0xa9: {  	v48 =	vadd.s32 s3, v0;
	v11 =	vld.idx.msk [tilespmem:v43+s26+$0x0], $0xffff  }
0xaa: {  	v17 =	vadd.s32 s3, v1;
	v12 =	vld.idx.msk [tilespmem:v44+s14+$0x0], $0xffff  }
0xab: {  	s25 =	simm.s32 $0xB400;
	v13 =	vld.idx.msk [tilespmem:v45+s14+$0x0], $0xffff  }
0xac: {  	v14 =	vld.idx.msk [tilespmem:v46+s25+$0x0], $0xffff  }
0xad: {  	v15 =	vld.idx.msk [tilespmem:v47+s25+$0x0], $0xffff  }
0xae: {  	(v2sf) =	vpush v3, $0x3;
	v16 =	vld.idx.msk [tilespmem:v48+s12+$0x0], $0xffff  }
0xaf: {  	v17 =	vld.idx.msk [tilespmem:v17+s12+$0x0], $0xffff;
	_ =	sdelay $0x2  }
0xb0: {  	p5 =	slt.s32 s23, $0xF4200  }
0xb1: {  	p6 =	slt.s32 s24, $0xF4200;
	v10 =	vpsel p5, v10, v12  }
0xb2: {  	v11 =	vpsel p5, v11, v13;
	v49 =	vpsel p6, v14, v16;
	v50 =	vpsel p6, v15, v17  }
0xb3: {  	v10 =	vmul.f32 v49, v10;
	v11 =	vmul.f32 v50, v11;
	_ =	sdelay $0x1  }
0xb4: {  	s24 =	spop (v2sf);
	v10 =	vadd.f32 v11, v10  }
0xb5: {  	p1 =	slt.s32 s24, $0xF41FF  }
0xb6: {  	[dreg:$0x16] =	wrdreg s24;
	s24 =	simm.s32 @!p1 $0xF41FF;
	(xrf2) =	vadd.scan.msk.f32 $0xffff, v10  }
0xb7: {  	s3 =	sand.u32 $0xFFFFF80, s24  }
0xb8: {  	s0 =	sadd.s32 s28, s3  }
0xb9: {  	[tilespmem:s26], [sflag:$0x4] =	stream.strided.gather [hbm4b:s0+s15], $0x1000, s8, s15, $0x38;
	[tilespmem:$0x12600] =	vst v63  }
0xba: {  	s26 =	spop (v2sf)  }
0xbb: {  	p1 =	slt.s32 s26, $0xF41FF  }
0xbc: {  	[dreg:$0x15] =	wrdreg s26;
	s26 =	simm.s32 @!p1 $0xF41FF  }
0xbd: {  	s4 =	sand.u32 $0xFFFFF80, s26  }
0xbe: {  	s0 =	sadd.s32 s10, s4  }
0xbf: {  	[tilespmem:s25], [sflag:$0x4] =	stream.strided.gather [hbm4b:s0+s15], $0x1000, s8, s15, $0x38;
	[tilespmem:$0x12600] =	vst v63  }
0xc0: {  	s0 =	simm.s32 @!p0 $0x5;
	v10, _, _ =	vpop (xrf2)  }
0xc1: {  	_ =	swait.ge @!p0 [sflag:s0], $0x1000  }
0xc2: {  	[sflag:s0] =	ssyncset.done @!p0 $0x0  }
0xc3: {  	[sflag:s0] =	ssyncadd.s32 @!p0 $0xFFFFF000  }
0xc4: {  	_ =	swait.ge @!p0 [sflag:s0], $0x1000  }
0xc5: {  	(v2sf) =	vpush v6, $0xC;
	_ =	sdelay $0x3  }
0xc6: {  	(v2sf) =	vpush v5, $0xC;
	_ =	sdelay $0xa  }
0xc7: {  	s5 =	spop (v2sf)  }
0xc8: {  	p1 =	slt.s32 s5, $0xF41FF;
	s2 =	smov.u32 s5  }
0xc9: {  	s2 =	simm.s32 @!p1 $0xF41FF  }
0xca: {  	s3 =	sadd.s32 $0xFFF0BE00, s5;
	s2 =	sand.u32 $0x7F, s2  }
0xcb: {  	s6 =	spop (v2sf);
	p1 =	sgt.s32 s3, $0x0;
	v51 =	vor.u32 s2, v0  }
0xcc: {  	s3 =	simm.s32 @!p1 $0x0;
	p1 =	slt.s32 s6, $0xF41FF;
	v52 =	vor.u32 s2, v1;
	s2 =	smov.u32 s6  }
0xcd: {  	v53 =	vadd.s32 s3, v0;
	s2 =	simm.s32 @!p1 $0xF41FF  }
0xce: {  	[sflag:s0] =	ssyncset.done @!p0 $0x0;
	v54 =	vadd.s32 s3, v1;
	s3 =	sadd.s32 $0xFFF0BE00, s6;
	s2 =	sand.u32 $0x7F, s2  }
0xcf: {  	s7 =	simm.s32 $0x4400;
	[sflag:s0] =	ssyncadd.s32 @!p0 $0xFFFFF000;
	p1 =	sgt.s32 s3, $0x0;
	v55 =	vor.u32 s2, v0  }
0xd0: {  	s3 =	simm.s32 @!p1 $0x0;
	v56 =	vor.u32 s2, v1;
	v11 =	vld.idx.msk [tilespmem:v51+s7+$0x0], $0xffff  }
0xd1: {  	v57 =	vadd.s32 s3, v0;
	v12 =	vld.idx.msk [tilespmem:v52+s7+$0x0], $0xffff  }
0xd2: {  	v18 =	vadd.s32 s3, v1;
	v13 =	vld.idx.msk [tilespmem:v53+s14+$0x0], $0xffff  }
0xd3: {  	s21 =	simm.s32 $0xC400;
	v14 =	vld.idx.msk [tilespmem:v54+s14+$0x0], $0xffff  }
0xd4: {  	(v2sf) =	vpush v2, $0x4;
	v15 =	vld.idx.msk [tilespmem:v55+s21+$0x0], $0xffff  }
0xd5: {  	(v2sf) =	vpush v3, $0x4;
	v16 =	vld.idx.msk [tilespmem:v56+s21+$0x0], $0xffff  }
0xd6: {  	v17 =	vld.idx.msk [tilespmem:v57+s12+$0x0], $0xffff  }
0xd7: {  	v18 =	vld.idx.msk [tilespmem:v18+s12+$0x0], $0xffff;
	_ =	sdelay $0x2  }
0xd8: {  	p3 =	slt.s32 s5, $0xF4200  }
0xd9: {  	p4 =	slt.s32 s6, $0xF4200;
	v11 =	vpsel p3, v11, v13  }
0xda: {  	v12 =	vpsel p3, v12, v14;
	v58 =	vpsel p4, v15, v17;
	v59 =	vpsel p4, v16, v18  }
0xdb: {  	v11 =	vmul.f32 v58, v11;
	v12 =	vmul.f32 v59, v12;
	_ =	sdelay $0x1  }
0xdc: {  	v11 =	vadd.f32 v12, v11;
	_ =	sdelay $0x1  }
0xdd: {  	(xrf2) =	vadd.scan.msk.f32 $0xffff, v11;
	_ =	sdelay $0x1  }
0xde: {  	s29 =	spop (v2sf)  }
0xdf: {  	p1 =	slt.s32 s29, $0xF41FF;
	s31 =	spop (v2sf)  }
0xe0: {  	[dreg:$0x18] =	wrdreg s29;
	s29 =	simm.s32 @!p1 $0xF41FF;
	p1 =	slt.s32 s31, $0xF41FF  }
0xe1: {  	[dreg:$0x17] =	wrdreg s31;
	s9 =	sand.u32 $0xFFFFF80, s29;
	s31 =	simm.s32 @!p1 $0xF41FF  }
0xe2: {  	s0 =	sadd.s32 s28, s9;
	s13 =	sand.u32 $0xFFFFF80, s31  }
0xe3: {  	[tilespmem:s7], [sflag:$0x5] =	stream.strided.gather [hbm4b:s0+s15], $0x1000, s8, s15, $0x38;
	[tilespmem:$0x12600] =	vst v63  }
0xe4: {  	s0 =	sadd.s32 s10, s13  }
0xe5: {  	[tilespmem:s21], [sflag:$0x5] =	stream.strided.gather [hbm4b:s0+s15], $0x1000, s8, s15, $0x38;
	[tilespmem:$0x12600] =	vst v63  }
0xe6: {  	s0 =	simm.s32 @!p0 $0x6;
	v11, _, _ =	vpop (xrf2)  }
0xe7: {  	_ =	swait.ge @!p0 [sflag:s0], $0x1000  }
0xe8: {  	[sflag:s0] =	ssyncset.done @!p0 $0x0  }
0xe9: {  	[sflag:s0] =	ssyncadd.s32 @!p0 $0xFFFFF000  }
0xea: {  	_ =	swait.ge @!p0 [sflag:s0], $0x1000  }
0xeb: {  	(v2sf) =	vpush v6, $0xD;
	_ =	sdelay $0x3  }
0xec: {  	(v2sf) =	vpush v5, $0xD;
	_ =	sdelay $0xa  }
0xed: {  	s17 =	spop (v2sf)  }
0xee: {  	p1 =	slt.s32 s17, $0xF41FF;
	s2 =	smov.u32 s17  }
0xef: {  	s2 =	simm.s32 @!p1 $0xF41FF  }
0xf0: {  	s3 =	sadd.s32 $0xFFF0BE00, s17;
	s2 =	sand.u32 $0x7F, s2  }
0xf1: {  	s23 =	spop (v2sf);
	p1 =	sgt.s32 s3, $0x0;
	v60 =	vor.u32 s2, v0  }
0xf2: {  	s3 =	simm.s32 @!p1 $0x0;
	p1 =	slt.s32 s23, $0xF41FF;
	v61 =	vor.u32 s2, v1;
	s2 =	smov.u32 s23  }
0xf3: {  	v62 =	vadd.s32 s3, v0;
	s2 =	simm.s32 @!p1 $0xF41FF  }
0xf4: {  	[sflag:s0] =	ssyncset.done @!p0 $0x0;
	v63 =	vadd.s32 s3, v1;
	s3 =	sadd.s32 $0xFFF0BE00, s23;
	s2 =	sand.u32 $0x7F, s2  }
0xf5: {  	s30 =	simm.s32 $0x5400;
	[sflag:s0] =	ssyncadd.s32 @!p0 $0xFFFFF000;
	p1 =	sgt.s32 s3, $0x0;
	v21 =	vor.u32 s2, v0  }
0xf6: {  	s3 =	simm.s32 @!p1 $0x0;
	v22 =	vor.u32 s2, v1;
	v12 =	vld.idx.msk [tilespmem:v60+s30+$0x0], $0xffff  }
0xf7: {  	v23 =	vadd.s32 s3, v0;
	v13 =	vld.idx.msk [tilespmem:v61+s30+$0x0], $0xffff  }
0xf8: {  	v19 =	vadd.s32 s3, v1;
	v14 =	vld.idx.msk [tilespmem:v62+s14+$0x0], $0xffff  }
0xf9: {  	s3 =	simm.s32 $0xD400;
	v15 =	vld.idx.msk [tilespmem:v63+s14+$0x0], $0xffff  }
0xfa: {  	(v2sf) =	vpush v2, $0x5;
	v16 =	vld.idx.msk [tilespmem:v21+s3+$0x0], $0xffff  }
0xfb: {  	(v2sf) =	vpush v3, $0x5;
	v17 =	vld.idx.msk [tilespmem:v22+s3+$0x0], $0xffff  }
0xfc: {  	v18 =	vld.idx.msk [tilespmem:v23+s12+$0x0], $0xffff  }
0xfd: {  	v19 =	vld.idx.msk [tilespmem:v19+s12+$0x0], $0xffff;
	_ =	sdelay $0x2  }
0xfe: {  	p5 =	slt.s32 s17, $0xF4200  }
0xff: {  	p6 =	slt.s32 s23, $0xF4200;
	v12 =	vpsel p5, v12, v14  }
0x100: {  	v13 =	vpsel p5, v13, v15;
	v24 =	vpsel p6, v16, v18;
	v25 =	vpsel p6, v17, v19  }
0x101: {  	v12 =	vmul.f32 v24, v12;
	v13 =	vmul.f32 v25, v13;
	_ =	sdelay $0x1  }
0x102: {  	v12 =	vadd.f32 v13, v12;
	_ =	sdelay $0x1  }
0x103: {  	(xrf2) =	vadd.scan.msk.f32 $0xffff, v12;
	_ =	sdelay $0x1  }
0x104: {  	s13 =	spop (v2sf)  }
0x105: {  	p1 =	slt.s32 s13, $0xF41FF;
	s17 =	spop (v2sf)  }
0x106: {  	[dreg:$0x1c] =	wrdreg s13;
	s13 =	simm.s32 @!p1 $0xF41FF;
	p1 =	slt.s32 s17, $0xF41FF  }
0x107: {  	[dreg:$0x1a] =	wrdreg s17;
	s6 =	sand.u32 $0xFFFFF80, s13;
	s17 =	simm.s32 @!p1 $0xF41FF  }
0x108: {  	s0 =	sadd.s32 s28, s6;
	s7 =	sand.u32 $0xFFFFF80, s17  }
0x109: {  	[tilespmem:s30], [sflag:$0x6] =	stream.strided.gather [hbm4b:s0+s15], $0x1000, s8, s15, $0x38;
	[tilespmem:$0x12600] =	vst v63  }
0x10a: {  	s5 =	simm.s32 $0xD400;
	s0 =	sadd.s32 s10, s7  }
0x10b: {  	[tilespmem:s5], [sflag:$0x6] =	stream.strided.gather [hbm4b:s0+s15], $0x1000, s8, s15, $0x38;
	[tilespmem:$0x12600] =	vst v63  }
0x10c: {  	s0 =	simm.s32 @!p0 $0x7;
	v12, _, _ =	vpop (xrf2)  }
0x10d: {  	_ =	swait.ge @!p0 [sflag:s0], $0x1000  }
0x10e: {  	[sflag:s0] =	ssyncset.done @!p0 $0x0  }
0x10f: {  	[sflag:s0] =	ssyncadd.s32 @!p0 $0xFFFFF000  }
0x110: {  	_ =	swait.ge @!p0 [sflag:s0], $0x1000  }
0x111: {  	(v2sf) =	vpush v6, $0xE;
	_ =	sdelay $0x3  }
0x112: {  	(v2sf) =	vpush v5, $0xE;
	_ =	sdelay $0xa  }
0x113: {  	s9 =	spop (v2sf)  }
0x114: {  	p1 =	slt.s32 s9, $0xF41FF;
	s2 =	smov.u32 s9  }
0x115: {  	s2 =	simm.s32 @!p1 $0xF41FF  }
0x116: {  	s3 =	sadd.s32 $0xFFF0BE00, s9;
	s2 =	sand.u32 $0x7F, s2  }
0x117: {  	s6 =	spop (v2sf);
	p1 =	sgt.s32 s3, $0x0;
	v26 =	vor.u32 s2, v0  }
0x118: {  	s3 =	simm.s32 @!p1 $0x0;
	p1 =	slt.s32 s6, $0xF41FF;
	v27 =	vor.u32 s2, v1;
	s2 =	smov.u32 s6  }
0x119: {  	v28 =	vadd.s32 s3, v0;
	s2 =	simm.s32 @!p1 $0xF41FF  }
0x11a: {  	[sflag:s0] =	ssyncset.done @!p0 $0x0;
	v29 =	vadd.s32 s3, v1;
	s3 =	sadd.s32 $0xFFF0BE00, s6;
	s2 =	sand.u32 $0x7F, s2  }
0x11b: {  	s23 =	simm.s32 $0x6400;
	[sflag:s0] =	ssyncadd.s32 @!p0 $0xFFFFF000;
	p1 =	sgt.s32 s3, $0x0;
	v30 =	vor.u32 s2, v0  }
0x11c: {  	s3 =	simm.s32 @!p1 $0x0;
	v31 =	vor.u32 s2, v1;
	v13 =	vld.idx.msk [tilespmem:v26+s23+$0x0], $0xffff  }
0x11d: {  	v32 =	vadd.s32 s3, v0;
	v14 =	vld.idx.msk [tilespmem:v27+s23+$0x0], $0xffff  }
0x11e: {  	v20 =	vadd.s32 s3, v1;
	v15 =	vld.idx.msk [tilespmem:v28+s14+$0x0], $0xffff  }
0x11f: {  	s3 =	simm.s32 $0xE400;
	v16 =	vld.idx.msk [tilespmem:v29+s14+$0x0], $0xffff  }
0x120: {  	(v2sf) =	vpush v2, $0x6;
	v17 =	vld.idx.msk [tilespmem:v30+s3+$0x0], $0xffff  }
0x121: {  	(v2sf) =	vpush v3, $0x6;
	v18 =	vld.idx.msk [tilespmem:v31+s3+$0x0], $0xffff  }
0x122: {  	v19 =	vld.idx.msk [tilespmem:v32+s12+$0x0], $0xffff  }
0x123: {  	v20 =	vld.idx.msk [tilespmem:v20+s12+$0x0], $0xffff;
	_ =	sdelay $0x2  }
0x124: {  	p3 =	slt.s32 s9, $0xF4200  }
0x125: {  	p4 =	slt.s32 s6, $0xF4200;
	v13 =	vpsel p3, v13, v15  }
0x126: {  	v14 =	vpsel p3, v14, v16;
	v33 =	vpsel p4, v17, v19;
	v34 =	vpsel p4, v18, v20  }
0x127: {  	v13 =	vmul.f32 v33, v13;
	v14 =	vmul.f32 v34, v14;
	_ =	sdelay $0x1  }
0x128: {  	v13 =	vadd.f32 v14, v13;
	_ =	sdelay $0x1  }
0x129: {  	(xrf2) =	vadd.scan.msk.f32 $0xffff, v13;
	_ =	sdelay $0x1  }
0x12a: {  	s7 =	spop (v2sf)  }
0x12b: {  	p1 =	slt.s32 s7, $0xF41FF;
	s9 =	spop (v2sf)  }
0x12c: {  	[dreg:$0x1f] =	wrdreg s7;
	s7 =	simm.s32 @!p1 $0xF41FF;
	p1 =	slt.s32 s9, $0xF41FF  }
0x12d: {  	[dreg:$0x1d] =	wrdreg s9;
	s4 =	sand.u32 $0xFFFFF80, s7;
	s9 =	simm.s32 @!p1 $0xF41FF  }
0x12e: {  	s0 =	sadd.s32 s28, s4;
	s5 =	sand.u32 $0xFFFFF80, s9  }
0x12f: {  	[tilespmem:s23], [sflag:$0x7] =	stream.strided.gather [hbm4b:s0+s15], $0x1000, s8, s15, $0x38;
	[tilespmem:$0x12600] =	vst v63  }
0x130: {  	s0 =	sadd.s32 s10, s5  }
0x131: {  	[tilespmem:s3], [sflag:$0x7] =	stream.strided.gather [hbm4b:s0+s15], $0x1000, s8, s15, $0x38;
	[tilespmem:$0x12600] =	vst v63  }
0x132: {  	s0 =	simm.s32 @!p0 $0x8;
	v13, _, _ =	vpop (xrf2)  }
0x133: {  	_ =	swait.ge @!p0 [sflag:s0], $0x1000  }
0x134: {  	[sflag:s0] =	ssyncset.done @!p0 $0x0  }
0x135: {  	[sflag:s0] =	ssyncadd.s32 @!p0 $0xFFFFF000  }
0x136: {  	_ =	swait.ge @!p0 [sflag:s0], $0x1000  }
0x137: {  	(v2sf) =	vpush v6, $0xF;
	_ =	sdelay $0x3  }
0x138: {  	(v2sf) =	vpush v5, $0xF;
	_ =	sdelay $0xa  }
0x139: {  	s6 =	spop (v2sf)  }
0x13a: {  	p1 =	slt.s32 s6, $0xF41FF;
	s2 =	smov.u32 s6  }
0x13b: {  	s2 =	simm.s32 @!p1 $0xF41FF  }
0x13c: {  	s3 =	sadd.s32 $0xFFF0BE00, s6;
	s2 =	sand.u32 $0x7F, s2  }
0x13d: {  	s4 =	spop (v2sf);
	p1 =	sgt.s32 s3, $0x0;
	v5 =	vor.u32 s2, v0  }
0x13e: {  	s3 =	simm.s32 @!p1 $0x0;
	p1 =	slt.s32 s4, $0xF41FF;
	v6 =	vor.u32 s2, v1;
	s2 =	smov.u32 s4  }
0x13f: {  	v35 =	vadd.s32 s3, v0;
	s2 =	simm.s32 @!p1 $0xF41FF  }
0x140: {  	[sflag:s0] =	ssyncset.done @!p0 $0x0;
	v36 =	vadd.s32 s3, v1;
	s3 =	sadd.s32 $0xFFF0BE00, s4;
	s2 =	sand.u32 $0x7F, s2  }
0x141: {  	s5 =	simm.s32 $0x7400;
	[sflag:s0] =	ssyncadd.s32 @!p0 $0xFFFFF000;
	p1 =	sgt.s32 s3, $0x0;
	v37 =	vor.u32 s2, v0  }
0x142: {  	s3 =	simm.s32 @!p1 $0x0;
	v38 =	vor.u32 s2, v1;
	v5 =	vld.idx.msk [tilespmem:v5+s5+$0x0], $0xffff  }
0x143: {  	v39 =	vadd.s32 s3, v0;
	v6 =	vld.idx.msk [tilespmem:v6+s5+$0x0], $0xffff  }
0x144: {  	v40 =	vadd.s32 s3, v1;
	v14 =	vld.idx.msk [tilespmem:v35+s14+$0x0], $0xffff  }
0x145: {  	(v2sf) =	vpush v2, $0x7;
	s3 =	simm.s32 $0xF400;
	v15 =	vld.idx.msk [tilespmem:v36+s14+$0x0], $0xffff  }
0x146: {  	v16 =	vld.idx.msk [tilespmem:v37+s3+$0x0], $0xffff  }
0x147: {  	v17 =	vld.idx.msk [tilespmem:v38+s3+$0x0], $0xffff  }
0x148: {  	v18 =	vld.idx.msk [tilespmem:v39+s12+$0x0], $0xffff  }
0x149: {  	(v2sf) =	vpush v3, $0x7;
	v19 =	vld.idx.msk [tilespmem:v40+s12+$0x0], $0xffff;
	_ =	sdelay $0x2  }
0x14a: {  	p5 =	slt.s32 s6, $0xF4200  }
0x14b: {  	v7 =	vbroadcast v7, $0xF;
	v8 =	vbroadcast v8, $0xF;
	p6 =	slt.s32 s4, $0xF4200;
	v5 =	vpsel p5, v5, v14  }
0x14c: {  	v6 =	vpsel p5, v6, v15;
	v41 =	vpsel p6, v16, v18;
	v42 =	vpsel p6, v17, v19  }
0x14d: {  	v7 =	vpsel p0, v4, v7;
	v5 =	vmul.f32 v41, v5;
	v6 =	vmul.f32 v42, v6  }
0x14e: {  	vm1 =	vcmask $0x2724;
	v7 =	vsel vm0, v4, v7  }
0x14f: {  	v5 =	vadd.f32 v6, v5;
	v6 =	vsel vm1, v8, v7;
	v7 =	vbroadcast v9, $0xF  }
0x150: {  	v6 =	vpsel p0, v4, v6  }
0x151: {  	(xrf2) =	vadd.scan.msk.f32 $0xffff, v5;
	v5 =	vsel vm2, v7, v6;
	v6 =	vbroadcast v10, $0xF  }
0x152: {  	s0 =	spop (v2sf);
	v5 =	vpsel p0, v4, v5  }
0x153: {  	p1 =	slt.s32 s0, $0xF41FF;
	v5 =	vsel vm3, v6, v5;
	v6 =	vbroadcast v11, $0xF  }
0x154: {  	[smem:$0x7FC] =	sst s0;
	s0 =	simm.s32 @!p1 $0xF41FF;
	v5 =	vpsel p0, v4, v5  }
0x155: {  	[smem:$0x7FB] =	sst s0;
	s0 =	sand.u32 $0xFFFFF80, s0;
	v5 =	vsel vm4, v6, v5;
	v6 =	vbroadcast v12, $0xF  }
0x156: {  	s4 =	smov.u32 s28;
	s0 =	sadd.s32 s28, s0;
	s28 =	spop (v2sf);
	v5 =	vpsel p0, v4, v5  }
0x157: {  	[tilespmem:s5], [sflag:$0x8] =	stream.strided.gather [hbm4b:s0+s15], $0x1000, s8, s15, $0x38;
	v5 =	vsel vm5, v6, v5;
	v6 =	vbroadcast v13, $0xF;
	[tilespmem:$0x12600] =	vst v63  }
0x158: {  	p1 =	slt.s32 s28, $0xF41FF  }
0x159: {  	[smem:$0x7FD] =	sst s28;
	s28 =	simm.s32 @!p1 $0xF41FF;
	v5 =	vpsel p0, v4, v5  }
0x15a: {  	s2 =	sand.u32 $0xFFFFF80, s28;
	v5 =	vsel vm6, v6, v5  }
0x15b: {  	s0 =	rddreg [dreg:$0xe];
	s1 =	sadd.s32 s10, s2;
	v5 =	vpsel p0, v4, v5;
	v6, _, _ =	vpop (xrf2)  }
0x15c: {  	[tilespmem:s3], [sflag:$0x8] =	stream.strided.gather [hbm4b:s1+s15], $0x1000, s8, s15, $0x38;
	v5 =	vsel vm7, v5, v6;
	[tilespmem:$0x12600] =	vst v63  }
0x15d: {  	s1 =	sshra.s32 @!p0 s0, $0x2;
	v4 =	vpsel p0, v4, v5  }
0x15e: {  	s0 =	simm.s32 $0x1;
	[tilespmem:s1+$0x123F0] =	vst @!p0 v4  }
0x15f: {  	_ =	swait.ge [sflag:s0], $0x1000  }
0x160: {  	s6 =	sand.u32 $0x7F, s11;
	s11 =	rddreg [dreg:$0x10];
	[sflag:s0] =	ssyncset.done $0x0  }
0x161: {  	v5 =	vor.u32 s6, v0;
	s3 =	sadd.s32 $0xFFF0BE00, s11;
	[sflag:s0] =	ssyncadd.s32 $0xFFFFF000  }
0x162: {  	s2 =	sand.u32 $0x7F, s16;
	v6 =	vor.u32 s6, v1;
	p0 =	sgt.s32 s3, $0x0;
	_ =	swait.ge [sflag:s0], $0x1000  }
0x163: {  	v43 =	vor.u32 s2, v0;
	s3 =	simm.s32 @!p0 $0x0;
	s6 =	rddreg [dreg:$0xf]  }
0x164: {  	v44 =	vor.u32 s2, v1;
	[sflag:s0] =	ssyncset.done $0x0;
	v7 =	vadd.s32 s3, v0;
	v8 =	vadd.s32 s3, v1;
	s3 =	sadd.s32 $0xFFF0BE00, s6  }
0x165: {  	[sflag:s0] =	ssyncadd.s32 $0xFFFFF000;
	p0 =	sgt.s32 s3, $0x0  }
0x166: {  	v5 =	vld.idx.msk [tilespmem:v5+s15+$0x0], $0xffff;
	s3 =	simm.s32 @!p0 $0x0  }
0x167: {  	s1 =	simm.s32 $0x8400;
	v6 =	vld.idx.msk [tilespmem:v6+s15+$0x0], $0xffff;
	v45 =	vadd.s32 s3, v0  }
0x168: {  	v9 =	vld.idx.msk [tilespmem:v43+s1+$0x0], $0xffff;
	v46 =	vadd.s32 s3, v1  }
0x169: {  	v10 =	vld.idx.msk [tilespmem:v44+s1+$0x0], $0xffff  }
0x16a: {  	v7 =	vld.idx.msk [tilespmem:v7+s14+$0x0], $0xffff  }
0x16b: {  	(v2sf) =	vpush v2, $0x8;
	v8 =	vld.idx.msk [tilespmem:v8+s14+$0x0], $0xffff  }
0x16c: {  	(v2sf) =	vpush v3, $0x8;
	v11 =	vld.idx.msk [tilespmem:v45+s12+$0x0], $0xffff  }
0x16d: {  	v12 =	vld.idx.msk [tilespmem:v46+s12+$0x0], $0xffff;
	_ =	sdelay $0x2  }
0x16e: {  	p3 =	slt.s32 s11, $0xF4200  }
0x16f: {  	p4 =	slt.s32 s6, $0xF4200;
	v5 =	vpsel p3, v5, v7  }
0x170: {  	v6 =	vpsel p3, v6, v8;
	v7 =	vpsel p4, v9, v11;
	v8 =	vpsel p4, v10, v12  }
0x171: {  	v5 =	vmul.f32 v7, v5;
	v6 =	vmul.f32 v8, v6;
	_ =	sdelay $0x1  }
0x172: {  	v5 =	vadd.f32 v6, v5;
	_ =	sdelay $0x1  }
0x173: {  	(xrf2) =	vadd.scan.msk.f32 $0xffff, v5;
	_ =	sdelay $0x2  }
0x174: {  	s11 =	spop (v2sf)  }
0x175: {  	p0 =	slt.s32 s11, $0xF41FF;
	s16 =	spop (v2sf)  }
0x176: {  	[dreg:$0x19] =	wrdreg s11;
	s11 =	simm.s32 @!p0 $0xF41FF;
	p0 =	slt.s32 s16, $0xF41FF  }
0x177: {  	[dreg:$0x1b] =	wrdreg s16;
	s3 =	sand.u32 $0xFFFFF80, s11;
	s16 =	simm.s32 @!p0 $0xF41FF  }
0x178: {  	s1 =	sadd.s32 s4, s3;
	s6 =	sand.u32 $0xFFFFF80, s16  }
0x179: {  	[tilespmem:s15], [sflag:$0x1] =	stream.strided.gather [hbm4b:s1+s15], $0x1000, s8, s15, $0x38;
	[tilespmem:$0x12600] =	vst v63  }
0x17a: {  	s2 =	simm.s32 $0x8400;
	s0 =	simm.s32 $0x2;
	s1 =	sadd.s32 s10, s6  }
0x17b: {  	[tilespmem:s2], [sflag:$0x1] =	stream.strided.gather [hbm4b:s1+s15], $0x1000, s8, s15, $0x38;
	v5, _, _ =	vpop (xrf2);
	[tilespmem:$0x12600] =	vst v63  }
0x17c: {  	_ =	swait.ge [sflag:s0], $0x1000  }
0x17d: {  	s18 =	sand.u32 $0x7F, s18;
	s6 =	rddreg [dreg:$0x12];
	[sflag:s0] =	ssyncset.done $0x0  }
0x17e: {  	v6 =	vor.u32 s18, v0;
	s3 =	sadd.s32 $0xFFF0BE00, s6;
	[sflag:s0] =	ssyncadd.s32 $0xFFFFF000  }
0x17f: {  	v7 =	vor.u32 s18, v1;
	s2 =	sand.u32 $0x7F, s19;
	p0 =	sgt.s32 s3, $0x0;
	_ =	swait.ge [sflag:s0], $0x1000  }
0x180: {  	s5 =	smov.u32 s10;
	v48 =	vor.u32 s2, v0;
	s3 =	simm.s32 @!p0 $0x0;
	s10 =	rddreg [dreg:$0x11]  }
0x181: {  	v49 =	vor.u32 s2, v1;
	[sflag:s0] =	ssyncset.done $0x0;
	v8 =	vadd.s32 s3, v0;
	v47 =	vadd.s32 s3, v1;
	s3 =	sadd.s32 $0xFFF0BE00, s10  }
0x182: {  	s18 =	simm.s32 $0x1400;
	[sflag:s0] =	ssyncadd.s32 $0xFFFFF000;
	p0 =	sgt.s32 s3, $0x0  }
0x183: {  	v6 =	vld.idx.msk [tilespmem:v6+s18+$0x0], $0xffff;
	s3 =	simm.s32 @!p0 $0x0  }
0x184: {  	s19 =	simm.s32 $0x9400;
	v7 =	vld.idx.msk [tilespmem:v7+s18+$0x0], $0xffff;
	v50 =	vadd.s32 s3, v0  }
0x185: {  	v10 =	vld.idx.msk [tilespmem:v48+s19+$0x0], $0xffff;
	v51 =	vadd.s32 s3, v1  }
0x186: {  	v11 =	vld.idx.msk [tilespmem:v49+s19+$0x0], $0xffff  }
0x187: {  	v8 =	vld.idx.msk [tilespmem:v8+s14+$0x0], $0xffff  }
0x188: {  	(v2sf) =	vpush v2, $0x9;
	v9 =	vld.idx.msk [tilespmem:v47+s14+$0x0], $0xffff  }
0x189: {  	(v2sf) =	vpush v3, $0x9;
	v12 =	vld.idx.msk [tilespmem:v50+s12+$0x0], $0xffff  }
0x18a: {  	v13 =	vld.idx.msk [tilespmem:v51+s12+$0x0], $0xffff;
	_ =	sdelay $0x2  }
0x18b: {  	p5 =	slt.s32 s6, $0xF4200  }
0x18c: {  	p6 =	slt.s32 s10, $0xF4200;
	v6 =	vpsel p5, v6, v8  }
0x18d: {  	v7 =	vpsel p5, v7, v9;
	v8 =	vpsel p6, v10, v12;
	v52 =	vpsel p6, v11, v13  }
0x18e: {  	v6 =	vmul.f32 v8, v6;
	v7 =	vmul.f32 v52, v7;
	_ =	sdelay $0x1  }
0x18f: {  	v6 =	vadd.f32 v7, v6;
	_ =	sdelay $0x1  }
0x190: {  	(xrf2) =	vadd.scan.msk.f32 $0xffff, v6;
	_ =	sdelay $0x2  }
0x191: {  	s18 =	spop (v2sf)  }
0x192: {  	p0 =	slt.s32 s18, $0xF41FF;
	s19 =	spop (v2sf)  }
0x193: {  	[dreg:$0x1e] =	wrdreg s18;
	s18 =	simm.s32 @!p0 $0xF41FF;
	p0 =	slt.s32 s19, $0xF41FF  }
0x194: {  	[smem:$0x7F5] =	sst s19;
	s6 =	sand.u32 $0xFFFFF80, s18;
	s19 =	simm.s32 @!p0 $0xF41FF  }
0x195: {  	s0 =	simm.s32 $0x1400;
	s1 =	sadd.s32 s4, s6;
	s10 =	sand.u32 $0xFFFFF80, s19  }
0x196: {  	[tilespmem:s0], [sflag:$0x2] =	stream.strided.gather [hbm4b:s1+s15], $0x1000, s8, s15, $0x38;
	[tilespmem:$0x12600] =	vst v63  }
0x197: {  	s2 =	simm.s32 $0x9400;
	s1 =	sadd.s32 s5, s10;
	s0 =	simm.s32 $0x3  }
0x198: {  	[tilespmem:s2], [sflag:$0x2] =	stream.strided.gather [hbm4b:s1+s15], $0x1000, s8, s15, $0x38;
	v6, _, _ =	vpop (xrf2);
	[tilespmem:$0x12600] =	vst v63  }
0x199: {  	_ =	swait.ge [sflag:s0], $0x1000  }
0x19a: {  	s20 =	sand.u32 $0x7F, s20;
	s6 =	rddreg [dreg:$0x14];
	[sflag:s0] =	ssyncset.done $0x0  }
0x19b: {  	v7 =	vor.u32 s20, v0;
	s3 =	sadd.s32 $0xFFF0BE00, s6;
	[sflag:s0] =	ssyncadd.s32 $0xFFFFF000  }
0x19c: {  	v8 =	vor.u32 s20, v1;
	s2 =	sand.u32 $0x7F, s22;
	p0 =	sgt.s32 s3, $0x0;
	_ =	swait.ge [sflag:s0], $0x1000  }
0x19d: {  	v55 =	vor.u32 s2, v0;
	s3 =	simm.s32 @!p0 $0x0;
	s10 =	rddreg [dreg:$0x13]  }
0x19e: {  	v56 =	vor.u32 s2, v1;
	[sflag:s0] =	ssyncset.done $0x0;
	v53 =	vadd.s32 s3, v0;
	v54 =	vadd.s32 s3, v1;
	s3 =	sadd.s32 $0xFFF0BE00, s10  }
0x19f: {  	s20 =	simm.s32 $0x2400;
	[sflag:s0] =	ssyncadd.s32 $0xFFFFF000;
	p0 =	sgt.s32 s3, $0x0  }
0x1a0: {  	v7 =	vld.idx.msk [tilespmem:v7+s20+$0x0], $0xffff;
	s3 =	simm.s32 @!p0 $0x0  }
0x1a1: {  	s2 =	simm.s32 $0xA400;
	(v2sf) =	vpush v2, $0xA;
	v8 =	vld.idx.msk [tilespmem:v8+s20+$0x0], $0xffff;
	v57 =	vadd.s32 s3, v0  }
0x1a2: {  	v11 =	vld.idx.msk [tilespmem:v55+s2+$0x0], $0xffff;
	v58 =	vadd.s32 s3, v1  }
0x1a3: {  	v12 =	vld.idx.msk [tilespmem:v56+s2+$0x0], $0xffff  }
0x1a4: {  	v9 =	vld.idx.msk [tilespmem:v53+s14+$0x0], $0xffff  }
0x1a5: {  	v10 =	vld.idx.msk [tilespmem:v54+s14+$0x0], $0xffff  }
0x1a6: {  	v13 =	vld.idx.msk [tilespmem:v57+s12+$0x0], $0xffff  }
0x1a7: {  	(v2sf) =	vpush v3, $0xA;
	v14 =	vld.idx.msk [tilespmem:v58+s12+$0x0], $0xffff;
	_ =	sdelay $0x2  }
0x1a8: {  	p1 =	slt.s32 s6, $0xF4200  }
0x1a9: {  	p2 =	slt.s32 s10, $0xF4200;
	v7 =	vpsel p1, v7, v9  }
0x1aa: {  	v8 =	vpsel p1, v8, v10;
	v59 =	vpsel p2, v11, v13;
	v60 =	vpsel p2, v12, v14  }
0x1ab: {  	v7 =	vmul.f32 v59, v7;
	v8 =	vmul.f32 v60, v8;
	_ =	sdelay $0x1  }
0x1ac: {  	v7 =	vadd.f32 v8, v7  }
0x1ad: {  	s20 =	spop (v2sf)  }
0x1ae: {  	p0 =	slt.s32 s20, $0xF41FF;
	(xrf2) =	vadd.scan.msk.f32 $0xffff, v7  }
0x1af: {  	[smem:$0x7F6] =	sst s20;
	s20 =	simm.s32 @!p0 $0xF41FF  }
0x1b0: {  	s3 =	sand.u32 $0xFFFFF80, s20  }
0x1b1: {  	s22 =	simm.s32 $0x2400;
	s1 =	sadd.s32 s4, s3  }
0x1b2: {  	[tilespmem:s22], [sflag:$0x3] =	stream.strided.gather [hbm4b:s1+s15], $0x1000, s8, s15, $0x38;
	[tilespmem:$0x12600] =	vst v63  }
0x1b3: {  	s22 =	spop (v2sf)  }
0x1b4: {  	p0 =	slt.s32 s22, $0xF41FF  }
0x1b5: {  	[smem:$0x7F7] =	sst s22;
	s22 =	simm.s32 @!p0 $0xF41FF  }
0x1b6: {  	s6 =	sand.u32 $0xFFFFF80, s22  }
0x1b7: {  	s10 =	simm.s32 $0x4;
	s2 =	simm.s32 $0xA400;
	s1 =	sadd.s32 s5, s6  }
0x1b8: {  	[tilespmem:s2], [sflag:$0x3] =	stream.strided.gather [hbm4b:s1+s15], $0x1000, s8, s15, $0x38;
	v7, _, _ =	vpop (xrf2);
	[tilespmem:$0x12600] =	vst v63  }
0x1b9: {  	_ =	swait.ge [sflag:s10], $0x1000  }
0x1ba: {  	s24 =	sand.u32 $0x7F, s24;
	s2 =	rddreg [dreg:$0x16];
	[sflag:s10] =	ssyncset.done $0x0  }
0x1bb: {  	v8 =	vor.u32 s24, v0;
	s3 =	sadd.s32 $0xFFF0BE00, s2;
	[sflag:s10] =	ssyncadd.s32 $0xFFFFF000  }
0x1bc: {  	v61 =	vor.u32 s24, v1;
	s24 =	sand.u32 $0x7F, s26;
	p0 =	sgt.s32 s3, $0x0;
	_ =	swait.ge [sflag:s10], $0x1000  }
0x1bd: {  	v18 =	vor.u32 s24, v0;
	s3 =	simm.s32 @!p0 $0x0;
	s26 =	rddreg [dreg:$0x15]  }
0x1be: {  	v19 =	vor.u32 s24, v1;
	[sflag:s10] =	ssyncset.done $0x0;
	v62 =	vadd.s32 s3, v0;
	v63 =	vadd.s32 s3, v1;
	s3 =	sadd.s32 $0xFFF0BE00, s26  }
0x1bf: {  	s1 =	simm.s32 $0x3400;
	[sflag:s10] =	ssyncadd.s32 $0xFFFFF000;
	p0 =	sgt.s32 s3, $0x0  }
0x1c0: {  	v8 =	vld.idx.msk [tilespmem:v8+s1+$0x0], $0xffff;
	s3 =	simm.s32 @!p0 $0x0  }
0x1c1: {  	v9 =	vld.idx.msk [tilespmem:v61+s1+$0x0], $0xffff;
	v20 =	vadd.s32 s3, v0  }
0x1c2: {  	(v2sf) =	vpush v2, $0xB;
	v12 =	vld.idx.msk [tilespmem:v18+s25+$0x0], $0xffff;
	v21 =	vadd.s32 s3, v1  }
0x1c3: {  	v13 =	vld.idx.msk [tilespmem:v19+s25+$0x0], $0xffff  }
0x1c4: {  	v10 =	vld.idx.msk [tilespmem:v62+s14+$0x0], $0xffff  }
0x1c5: {  	v11 =	vld.idx.msk [tilespmem:v63+s14+$0x0], $0xffff  }
0x1c6: {  	(v2sf) =	vpush v3, $0xB;
	v14 =	vld.idx.msk [tilespmem:v20+s12+$0x0], $0xffff  }
0x1c7: {  	v15 =	vld.idx.msk [tilespmem:v21+s12+$0x0], $0xffff;
	_ =	sdelay $0x2  }
0x1c8: {  	p3 =	slt.s32 s2, $0xF4200  }
0x1c9: {  	p4 =	slt.s32 s26, $0xF4200;
	v8 =	vpsel p3, v8, v10  }
0x1ca: {  	v9 =	vpsel p3, v9, v11;
	v22 =	vpsel p4, v12, v14;
	v23 =	vpsel p4, v13, v15  }
0x1cb: {  	v8 =	vmul.f32 v22, v8;
	v9 =	vmul.f32 v23, v9;
	_ =	sdelay $0x1  }
0x1cc: {  	v8 =	vadd.f32 v9, v8;
	_ =	sdelay $0x1  }
0x1cd: {  	s24 =	spop (v2sf);
	(xrf2) =	vadd.scan.msk.f32 $0xffff, v8  }
0x1ce: {  	p0 =	slt.s32 s24, $0xF41FF  }
0x1cf: {  	[smem:$0x7F8] =	sst s24;
	s24 =	simm.s32 @!p0 $0xF41FF  }
0x1d0: {  	s26 =	sand.u32 $0xFFFFF80, s24  }
0x1d1: {  	s10 =	simm.s32 $0x3400;
	s1 =	sadd.s32 s4, s26;
	s26 =	spop (v2sf)  }
0x1d2: {  	[tilespmem:s10], [sflag:$0x4] =	stream.strided.gather [hbm4b:s1+s15], $0x1000, s8, s15, $0x38;
	[tilespmem:$0x12600] =	vst v63  }
0x1d3: {  	p0 =	slt.s32 s26, $0xF41FF  }
0x1d4: {  	[smem:$0x7F9] =	sst s26;
	s26 =	simm.s32 @!p0 $0xF41FF  }
0x1d5: {  	s1 =	sand.u32 $0xFFFFF80, s26  }
0x1d6: {  	s0 =	simm.s32 $0x5;
	s3 =	sadd.s32 s5, s1  }
0x1d7: {  	[tilespmem:s25], [sflag:$0x4] =	stream.strided.gather [hbm4b:s3+s15], $0x1000, s8, s15, $0x38;
	v8, _, _ =	vpop (xrf2);
	[tilespmem:$0x12600] =	vst v63  }
0x1d8: {  	_ =	swait.ge [sflag:s0], $0x1000  }
0x1d9: {  	s2 =	sand.u32 $0x7F, s29;
	s6 =	rddreg [dreg:$0x18];
	[sflag:s0] =	ssyncset.done $0x0  }
0x1da: {  	v24 =	vor.u32 s2, v0;
	s10 =	sadd.s32 $0xFFF0BE00, s6;
	[sflag:s0] =	ssyncadd.s32 $0xFFFFF000  }
0x1db: {  	v25 =	vor.u32 s2, v1;
	s25 =	sand.u32 $0x7F, s31;
	p0 =	sgt.s32 s10, $0x0;
	_ =	swait.ge [sflag:s0], $0x1000  }
0x1dc: {  	v28 =	vor.u32 s25, v0;
	s10 =	simm.s32 @!p0 $0x0;
	s1 =	rddreg [dreg:$0x17]  }
0x1dd: {  	v29 =	vor.u32 s25, v1;
	[sflag:s0] =	ssyncset.done $0x0;
	v26 =	vadd.s32 s10, v0;
	v27 =	vadd.s32 s10, v1;
	s10 =	sadd.s32 $0xFFF0BE00, s1  }
0x1de: {  	s3 =	simm.s32 $0x4400;
	[sflag:s0] =	ssyncadd.s32 $0xFFFFF000;
	p0 =	sgt.s32 s10, $0x0  }
0x1df: {  	v9 =	vld.idx.msk [tilespmem:v24+s3+$0x0], $0xffff;
	s10 =	simm.s32 @!p0 $0x0  }
0x1e0: {  	(v2sf) =	vpush v2, $0xC;
	v10 =	vld.idx.msk [tilespmem:v25+s3+$0x0], $0xffff;
	v30 =	vadd.s32 s10, v0  }
0x1e1: {  	v13 =	vld.idx.msk [tilespmem:v28+s21+$0x0], $0xffff;
	v31 =	vadd.s32 s10, v1  }
0x1e2: {  	v14 =	vld.idx.msk [tilespmem:v29+s21+$0x0], $0xffff  }
0x1e3: {  	v11 =	vld.idx.msk [tilespmem:v26+s14+$0x0], $0xffff  }
0x1e4: {  	v12 =	vld.idx.msk [tilespmem:v27+s14+$0x0], $0xffff  }
0x1e5: {  	v15 =	vld.idx.msk [tilespmem:v30+s12+$0x0], $0xffff  }
0x1e6: {  	(v2sf) =	vpush v3, $0xC;
	v16 =	vld.idx.msk [tilespmem:v31+s12+$0x0], $0xffff;
	_ =	sdelay $0x2  }
0x1e7: {  	p5 =	slt.s32 s6, $0xF4200  }
0x1e8: {  	p6 =	slt.s32 s1, $0xF4200;
	v9 =	vpsel p5, v9, v11  }
0x1e9: {  	v10 =	vpsel p5, v10, v12;
	v32 =	vpsel p6, v13, v15;
	v33 =	vpsel p6, v14, v16  }
0x1ea: {  	v9 =	vmul.f32 v32, v9;
	v10 =	vmul.f32 v33, v10;
	_ =	sdelay $0x1  }
0x1eb: {  	v9 =	vadd.f32 v10, v9  }
0x1ec: {  	s29 =	spop (v2sf)  }
0x1ed: {  	p0 =	slt.s32 s29, $0xF41FF;
	(xrf2) =	vadd.scan.msk.f32 $0xffff, v9  }
0x1ee: {  	[smem:$0x7FA] =	sst s29;
	s29 =	simm.s32 @!p0 $0xF41FF  }
0x1ef: {  	s25 =	sand.u32 $0xFFFFF80, s29  }
0x1f0: {  	s0 =	simm.s32 $0x4400;
	s3 =	sadd.s32 s4, s25  }
0x1f1: {  	[tilespmem:s0], [sflag:$0x5] =	stream.strided.gather [hbm4b:s3+s15], $0x1000, s8, s15, $0x38;
	[tilespmem:$0x12600] =	vst v63  }
0x1f2: {  	s3 =	spop (v2sf)  }
0x1f3: {  	p0 =	slt.s32 s3, $0xF41FF;
	s31 =	smov.u32 s3  }
0x1f4: {  	s31 =	simm.s32 @!p0 $0xF41FF  }
0x1f5: {  	s0 =	sand.u32 $0xFFFFF80, s31  }
0x1f6: {  	s2 =	simm.s32 $0x6;
	s10 =	sadd.s32 s5, s0  }
0x1f7: {  	[tilespmem:s21], [sflag:$0x5] =	stream.strided.gather [hbm4b:s10+s15], $0x1000, s8, s15, $0x38;
	v9, _, _ =	vpop (xrf2);
	[tilespmem:$0x12600] =	vst v63  }
0x1f8: {  	_ =	swait.ge [sflag:s2], $0x1000  }
0x1f9: {  	s6 =	sand.u32 $0x7F, s13;
	[sflag:s2] =	ssyncset.done $0x0  }
0x1fa: {  	v34 =	vor.u32 s6, v0;
	s13 =	rddreg [dreg:$0x1c];
	[sflag:s2] =	ssyncadd.s32 $0xFFFFF000  }
0x1fb: {  	s17 =	sand.u32 $0x7F, s17;
	v35 =	vor.u32 s6, v1;
	s10 =	sadd.s32 $0xFFF0BE00, s13;
	_ =	swait.ge [sflag:s2], $0x1000  }
0x1fc: {  	v38 =	vor.u32 s17, v0;
	s25 =	smov.u32 s5;
	p0 =	sgt.s32 s10, $0x0;
	s21 =	rddreg [dreg:$0x1a]  }
0x1fd: {  	v39 =	vor.u32 s17, v1;
	s10 =	simm.s32 @!p0 $0x0;
	[sflag:s2] =	ssyncset.done $0x0;
	s5 =	sadd.s32 $0xFFF0BE00, s21  }
0x1fe: {  	v36 =	vadd.s32 s10, v0;
	[sflag:s2] =	ssyncadd.s32 $0xFFFFF000;
	p0 =	sgt.s32 s5, $0x0  }
0x1ff: {  	v37 =	vadd.s32 s10, v1;
	v10 =	vld.idx.msk [tilespmem:v34+s30+$0x0], $0xffff;
	s5 =	simm.s32 @!p0 $0x0  }
0x200: {  	(v2sf) =	vpush v2, $0xD;
	s10 =	simm.s32 $0xD400;
	v11 =	vld.idx.msk [tilespmem:v35+s30+$0x0], $0xffff;
	v40 =	vadd.s32 s5, v0  }
0x201: {  	v14 =	vld.idx.msk [tilespmem:v38+s10+$0x0], $0xffff;
	v41 =	vadd.s32 s5, v1  }
0x202: {  	v15 =	vld.idx.msk [tilespmem:v39+s10+$0x0], $0xffff  }
0x203: {  	v12 =	vld.idx.msk [tilespmem:v36+s14+$0x0], $0xffff  }
0x204: {  	v13 =	vld.idx.msk [tilespmem:v37+s14+$0x0], $0xffff  }
0x205: {  	v16 =	vld.idx.msk [tilespmem:v40+s12+$0x0], $0xffff  }
0x206: {  	(v2sf) =	vpush v3, $0xD;
	v17 =	vld.idx.msk [tilespmem:v41+s12+$0x0], $0xffff;
	_ =	sdelay $0x2  }
0x207: {  	p1 =	slt.s32 s13, $0xF4200  }
0x208: {  	p2 =	slt.s32 s21, $0xF4200;
	v10 =	vpsel p1, v10, v12  }
0x209: {  	v11 =	vpsel p1, v11, v13;
	v42 =	vpsel p2, v14, v16;
	v43 =	vpsel p2, v15, v17  }
0x20a: {  	v10 =	vmul.f32 v42, v10;
	v11 =	vmul.f32 v43, v11;
	_ =	sdelay $0x1  }
0x20b: {  	v10 =	vadd.f32 v11, v10  }
0x20c: {  	s21 =	spop (v2sf)  }
0x20d: {  	s1 =	smov.u32 s4;
	p0 =	slt.s32 s21, $0xF41FF;
	s4 =	smov.u32 s21;
	(xrf2) =	vadd.scan.msk.f32 $0xffff, v10  }
0x20e: {  	s4 =	simm.s32 @!p0 $0xF41FF  }
0x20f: {  	s13 =	sand.u32 $0xFFFFF80, s4  }
0x210: {  	s5 =	sadd.s32 s1, s13  }
0x211: {  	[tilespmem:s30], [sflag:$0x6] =	stream.strided.gather [hbm4b:s5+s15], $0x1000, s8, s15, $0x38;
	[tilespmem:$0x12600] =	vst v63  }
0x212: {  	s30 =	spop (v2sf)  }
0x213: {  	p0 =	slt.s32 s30, $0xF41FF;
	s5 =	smov.u32 s30  }
0x214: {  	s5 =	simm.s32 @!p0 $0xF41FF  }
0x215: {  	s17 =	sand.u32 $0xFFFFF80, s5  }
0x216: {  	s0 =	simm.s32 $0xD400;
	s2 =	simm.s32 $0x7;
	s10 =	sadd.s32 s25, s17  }
0x217: {  	[tilespmem:s0], [sflag:$0x6] =	stream.strided.gather [hbm4b:s10+s15], $0x1000, s8, s15, $0x38;
	v10, _, _ =	vpop (xrf2);
	[tilespmem:$0x12600] =	vst v63  }
0x218: {  	_ =	swait.ge [sflag:s2], $0x1000  }
0x219: {  	s7 =	sand.u32 $0x7F, s7;
	[sflag:s2] =	ssyncset.done $0x0  }
0x21a: {  	v44 =	vor.u32 s7, v0;
	s6 =	rddreg [dreg:$0x1f];
	[sflag:s2] =	ssyncadd.s32 $0xFFFFF000  }
0x21b: {  	v45 =	vor.u32 s7, v1;
	s13 =	sand.u32 $0x7F, s9;
	s10 =	sadd.s32 $0xFFF0BE00, s6;
	_ =	swait.ge [sflag:s2], $0x1000  }
0x21c: {  	v48 =	vor.u32 s13, v0;
	p0 =	sgt.s32 s10, $0x0;
	s15 =	rddreg [dreg:$0x1d]  }
0x21d: {  	v49 =	vor.u32 s13, v1;
	s10 =	simm.s32 @!p0 $0x0;
	[sflag:s2] =	ssyncset.done $0x0;
	s9 =	sadd.s32 $0xFFF0BE00, s15  }
0x21e: {  	v46 =	vadd.s32 s10, v0;
	[sflag:s2] =	ssyncadd.s32 $0xFFFFF000;
	p0 =	sgt.s32 s9, $0x0  }
0x21f: {  	v47 =	vadd.s32 s10, v1;
	v11 =	vld.idx.msk [tilespmem:v44+s23+$0x0], $0xffff;
	s9 =	simm.s32 @!p0 $0x0  }
0x220: {  	s17 =	simm.s32 $0xE400;
	(v2sf) =	vpush v2, $0xE;
	v12 =	vld.idx.msk [tilespmem:v45+s23+$0x0], $0xffff;
	v50 =	vadd.s32 s9, v0  }
0x221: {  	v15 =	vld.idx.msk [tilespmem:v48+s17+$0x0], $0xffff;
	v51 =	vadd.s32 s9, v1  }
0x222: {  	v16 =	vld.idx.msk [tilespmem:v49+s17+$0x0], $0xffff  }
0x223: {  	v13 =	vld.idx.msk [tilespmem:v46+s14+$0x0], $0xffff  }
0x224: {  	(v2sf) =	vpush v3, $0xE;
	v14 =	vld.idx.msk [tilespmem:v47+s14+$0x0], $0xffff  }
0x225: {  	v17 =	vld.idx.msk [tilespmem:v50+s12+$0x0], $0xffff  }
0x226: {  	v18 =	vld.idx.msk [tilespmem:v51+s12+$0x0], $0xffff;
	_ =	sdelay $0x2  }
0x227: {  	p3 =	slt.s32 s6, $0xF4200  }
0x228: {  	p4 =	slt.s32 s15, $0xF4200;
	v11 =	vpsel p3, v11, v13  }
0x229: {  	v12 =	vpsel p3, v12, v14;
	v52 =	vpsel p4, v15, v17;
	v53 =	vpsel p4, v16, v18  }
0x22a: {  	v11 =	vmul.f32 v52, v11;
	v12 =	vmul.f32 v53, v12;
	_ =	sdelay $0x1  }
0x22b: {  	v11 =	vadd.f32 v12, v11  }
0x22c: {  	s10 =	spop (v2sf)  }
0x22d: {  	p0 =	slt.s32 s10, $0xF41FF;
	s7 =	smov.u32 s10;
	(xrf2) =	vadd.scan.msk.f32 $0xffff, v11  }
0x22e: {  	s7 =	simm.s32 @!p0 $0xF41FF  }
0x22f: {  	s2 =	sand.u32 $0xFFFFF80, s7  }
0x230: {  	s17 =	spop (v2sf);
	s9 =	sadd.s32 s1, s2;
	s2 =	simm.s32 $0x400  }
0x231: {  	[tilespmem:s23], [sflag:$0x7] =	stream.strided.gather [hbm4b:s9+s2], $0x1000, s8, s2, $0x38;
	[tilespmem:$0x12600] =	vst v63  }
0x232: {  	p0 =	slt.s32 s17, $0xF41FF;
	s9 =	smov.u32 s17  }
0x233: {  	s9 =	simm.s32 @!p0 $0xF41FF  }
0x234: {  	s6 =	sand.u32 $0xFFFFF80, s9  }
0x235: {  	s0 =	simm.s32 $0xE400;
	s13 =	sadd.s32 s25, s6  }
0x236: {  	[tilespmem:s0], [sflag:$0x7] =	stream.strided.gather [hbm4b:s13+s2], $0x1000, s8, s2, $0x38;
	[tilespmem:$0x12600] =	vst v63  }
0x237: {  	s0 =	simm.s32 $0x8;
	v11, _, _ =	vpop (xrf2)  }
0x238: {  	_ =	swait.ge [sflag:s0], $0x1000  }
0x239: {  	s23 =	sld [smem:$0x7FB];
	_ =	sdelay $0x1  }
0x23a: {  	s15 =	smov.u32 s1  }
0x23b: {  	[sflag:s0] =	ssyncset.done $0x0;
	s1 =	sand.u32 $0x7F, s23;
	s23 =	sld [smem:$0x7FC]  }
0x23c: {  	[sflag:s0] =	ssyncadd.s32 $0xFFFFF000  }
0x23d: {  	_ =	swait.ge [sflag:s0], $0x1000  }
0x23e: {  	v54 =	vor.u32 s1, v0;
	v55 =	vor.u32 s1, v1;
	s1 =	sld [smem:$0x7FD];
	s13 =	sadd.s32 $0xFFF0BE00, s23  }
0x23f: {  	s6 =	sand.u32 $0x7F, s28;
	p0 =	sgt.s32 s13, $0x0  }
0x240: {  	v58 =	vor.u32 s6, v0;
	s13 =	simm.s32 @!p0 $0x0  }
0x241: {  	v59 =	vor.u32 s6, v1;
	[sflag:s0] =	ssyncset.done $0x0;
	v56 =	vadd.s32 s13, v0;
	v57 =	vadd.s32 s13, v1;
	s13 =	sadd.s32 $0xFFF0BE00, s1  }
0x242: {  	s6 =	simm.s32 $0x7400;
	[sflag:s0] =	ssyncadd.s32 $0xFFFFF000;
	p0 =	sgt.s32 s13, $0x0  }
0x243: {  	v12 =	vld.idx.msk [tilespmem:v54+s6+$0x0], $0xffff;
	s13 =	simm.s32 @!p0 $0x0  }
0x244: {  	v13 =	vld.idx.msk [tilespmem:v55+s6+$0x0], $0xffff;
	v60 =	vadd.s32 s13, v0;
	v61 =	vadd.s32 s13, v1;
	s13 =	simm.s32 $0xF400  }
0x245: {  	v16 =	vld.idx.msk [tilespmem:v58+s13+$0x0], $0xffff  }
0x246: {  	v17 =	vld.idx.msk [tilespmem:v59+s13+$0x0], $0xffff  }
0x247: {  	(v2sf) =	vpush v2, $0xF;
	v14 =	vld.idx.msk [tilespmem:v56+s14+$0x0], $0xffff  }
0x248: {  	v15 =	vld.idx.msk [tilespmem:v57+s14+$0x0], $0xffff  }
0x249: {  	v18 =	vld.idx.msk [tilespmem:v60+s12+$0x0], $0xffff  }
0x24a: {  	v19 =	vld.idx.msk [tilespmem:v61+s12+$0x0], $0xffff;
	_ =	sdelay $0x2  }
0x24b: {  	(v2sf) =	vpush v3, $0xF;
	p5 =	slt.s32 s23, $0xF4200  }
0x24c: {  	p6 =	slt.s32 s1, $0xF4200;
	v12 =	vpsel p5, v12, v14  }
0x24d: {  	v13 =	vpsel p5, v13, v15;
	v62 =	vpsel p6, v16, v18;
	v63 =	vpsel p6, v17, v19  }
0x24e: {  	v12 =	vmul.f32 v62, v12;
	v13 =	vmul.f32 v63, v13;
	_ =	sdelay $0x1  }
0x24f: {  	v12 =	vadd.f32 v13, v12;
	_ =	sdelay $0x1  }
0x250: {  	(xrf2) =	vadd.scan.msk.f32 $0xffff, v12;
	_ =	sdelay $0x1  }
0x251: {  	s13 =	spop (v2sf)  }
0x252: {  	p0 =	slt.s32 s13, $0xF41FF;
	s0 =	smov.u32 s13  }
0x253: {  	v5 =	vbroadcast v5, $0xF;
	s0 =	simm.s32 @!p0 $0xF41FF  }
0x254: {  	v6 =	vbroadcast v6, $0xF;
	s14 =	sand.u32 $0xFFFFF80, s0  }
0x255: {  	v4 =	vsel vm8, v5, v4;
	v5 =	vbroadcast v7, $0xF;
	s28 =	simm.s32 $0x7400;
	s2 =	sadd.s32 s15, s14;
	s15 =	simm.s32 $0x400  }
0x256: {  	v4 =	vsel vm9, v4, v6;
	v6 =	vbroadcast v8, $0xF;
	[tilespmem:s28], [sflag:$0x8] =	stream.strided.gather [hbm4b:s2+s15], $0x1000, s8, s15, $0x38;
	[tilespmem:$0x12600] =	vst v63  }
0x257: {  	v4 =	vsel vm10, v4, v5;
	v5 =	vbroadcast v9, $0xF;
	s12 =	rddreg [dreg:$0xe];
	s2 =	spop (v2sf)  }
0x258: {  	v4 =	vsel vm11, v4, v6;
	v6 =	vbroadcast v10, $0xF;
	s12 =	sadd.s32 $0x40, s12;
	p0 =	slt.s32 s2, $0xF41FF;
	s28 =	smov.u32 s2  }
0x259: {  	v4 =	vsel vm12, v4, v5;
	s28 =	simm.s32 @!p0 $0xF41FF;
	p0 =	sne.s32 s12, $0x800;
	v7, _, _ =	vpop (xrf2)  }
.Ltmp0:
0x25a: {  	v4 =	vsel vm13, v4, v6;
	v5 =	vbroadcast v11, $0xF;
	v6 =	vbroadcast v7, $0xF;
	(pc) =	sbr.rel @p0 .LBB2_2-.Ltmp0, $4  }
0x25b: {  	_ = 	snop  }
0x25c: {  	s23 =	sand.u32 $0xFFFFF80, s28  }
0x25d: {  	v4 =	vsel vm14, v4, v5;
	s6 =	simm.s32 $0xF400;
	s14 =	sadd.s32 s25, s23  }
0x25e: {  	v5 =	vmov v3;
	[tilespmem:s6], [sflag:$0x8] =	stream.strided.gather [hbm4b:s14+s15], $0x1000, s8, s15, $0x38;
	v4 =	vsel vm15, v4, v6;
	v6 =	vmov v2;
	[tilespmem:$0x12600] =	vst v63  }
0x25f: {  	s8 =	simm.s32 $0x1  }
0x260: {  	_ =	swait.ge [sflag:s8], $0x1000  }
0x261: {  	s11 =	sand.u32 $0x7F, s11;
	s6 =	rddreg [dreg:$0x19];
	[sflag:s8] =	ssyncset.done $0x0  }
0x262: {  	v2 =	vor.u32 s11, v0;
	s14 =	sadd.s32 $0xFFF0BE00, s6;
	[sflag:s8] =	ssyncadd.s32 $0xFFFFF000  }
0x263: {  	s25 =	sand.u32 $0x7F, s16;
	v3 =	vor.u32 s11, v1;
	p0 =	sgt.s32 s14, $0x0;
	_ =	swait.ge [sflag:s8], $0x1000  }
0x264: {  	v7 =	vor.u32 s25, v0;
	s14 =	simm.s32 @!p0 $0x0;
	s12 =	rddreg [dreg:$0x1b]  }
0x265: {  	v8 =	vor.u32 s25, v1;
	[sflag:s8] =	ssyncset.done $0x0;
	v5 =	vadd.s32 s14, v0;
	v6 =	vadd.s32 s14, v1;
	s14 =	sadd.s32 $0xFFF0BE00, s12  }
0x266: {  	[sflag:s8] =	ssyncadd.s32 $0xFFFFF000;
	p0 =	sgt.s32 s14, $0x0  }
0x267: {  	v2 =	vld.idx.msk [tilespmem:v2+s15+$0x0], $0xffff;
	s14 =	simm.s32 @!p0 $0x0  }
0x268: {  	s1 =	simm.s32 $0x8400;
	v3 =	vld.idx.msk [tilespmem:v3+s15+$0x0], $0xffff;
	v9 =	vadd.s32 s14, v0  }
0x269: {  	v7 =	vld.idx.msk [tilespmem:v7+s1+$0x0], $0xffff;
	v10 =	vadd.s32 s14, v1  }
0x26a: {  	s16 =	simm.s32 $0x10400;
	v8 =	vld.idx.msk [tilespmem:v8+s1+$0x0], $0xffff  }
0x26b: {  	v5 =	vld.idx.msk [tilespmem:v5+s16+$0x0], $0xffff  }
0x26c: {  	s23 =	simm.s32 $0x11400;
	v6 =	vld.idx.msk [tilespmem:v6+s16+$0x0], $0xffff  }
0x26d: {  	v9 =	vld.idx.msk [tilespmem:v9+s23+$0x0], $0xffff  }
0x26e: {  	v10 =	vld.idx.msk [tilespmem:v10+s23+$0x0], $0xffff;
	_ =	sdelay $0x2  }
0x26f: {  	p4 =	slt.s32 s6, $0xF4200  }
0x270: {  	p1 =	slt.s32 s12, $0xF4200;
	v2 =	vpsel p4, v2, v5  }
0x271: {  	v3 =	vpsel p4, v3, v6;
	v39 =	vpsel p1, v7, v9;
	v40 =	vpsel p1, v8, v10  }
0x272: {  	v2 =	vmul.f32 v39, v2;
	v3 =	vmul.f32 v40, v3;
	_ =	sdelay $0x1  }
0x273: {  	v2 =	vadd.f32 v3, v2;
	_ =	sdelay $0x1  }
0x274: {  	(xrf2) =	vadd.scan.msk.f32 $0xffff, v2;
	_ =	sdelay $0x9  }
0x275: {  	s8 =	simm.s32 $0x2;
	v2, _, _ =	vpop (xrf2)  }
0x276: {  	_ =	swait.ge [sflag:s8], $0x1000  }
0x277: {  	[sflag:s8] =	ssyncset.done $0x0  }
0x278: {  	[sflag:s8] =	ssyncadd.s32 $0xFFFFF000  }
0x279: {  	s6 =	sand.u32 $0x7F, s18;
	s12 =	rddreg [dreg:$0x1e];
	_ =	swait.ge [sflag:s8], $0x1000  }
0x27a: {  	v3 =	vor.u32 s6, v0;
	s14 =	sadd.s32 $0xFFF0BE00, s12;
	s1 =	sld [smem:$0x7F5]  }
0x27b: {  	s25 =	sand.u32 $0x7F, s19;
	v41 =	vor.u32 s6, v1;
	p0 =	sgt.s32 s14, $0x0  }
0x27c: {  	v44 =	vor.u32 s25, v0;
	s14 =	simm.s32 @!p0 $0x0  }
0x27d: {  	v45 =	vor.u32 s25, v1;
	[sflag:s8] =	ssyncset.done $0x0;
	v42 =	vadd.s32 s14, v0;
	v43 =	vadd.s32 s14, v1;
	s14 =	sadd.s32 $0xFFF0BE00, s1  }
0x27e: {  	s18 =	simm.s32 $0x1400;
	[sflag:s8] =	ssyncadd.s32 $0xFFFFF000;
	p0 =	sgt.s32 s14, $0x0  }
0x27f: {  	v3 =	vld.idx.msk [tilespmem:v3+s18+$0x0], $0xffff;
	s14 =	simm.s32 @!p0 $0x0  }
0x280: {  	s19 =	simm.s32 $0x9400;
	v5 =	vld.idx.msk [tilespmem:v41+s18+$0x0], $0xffff;
	v46 =	vadd.s32 s14, v0  }
0x281: {  	v8 =	vld.idx.msk [tilespmem:v44+s19+$0x0], $0xffff;
	v11 =	vadd.s32 s14, v1  }
0x282: {  	v9 =	vld.idx.msk [tilespmem:v45+s19+$0x0], $0xffff  }
0x283: {  	v6 =	vld.idx.msk [tilespmem:v42+s16+$0x0], $0xffff  }
0x284: {  	v7 =	vld.idx.msk [tilespmem:v43+s16+$0x0], $0xffff  }
0x285: {  	v10 =	vld.idx.msk [tilespmem:v46+s23+$0x0], $0xffff  }
0x286: {  	v11 =	vld.idx.msk [tilespmem:v11+s23+$0x0], $0xffff;
	_ =	sdelay $0x2  }
0x287: {  	p5 =	slt.s32 s12, $0xF4200  }
0x288: {  	p6 =	slt.s32 s1, $0xF4200;
	v3 =	vpsel p5, v3, v6  }
0x289: {  	v5 =	vpsel p5, v5, v7;
	v47 =	vpsel p6, v8, v10;
	v48 =	vpsel p6, v9, v11  }
0x28a: {  	v3 =	vmul.f32 v47, v3;
	v5 =	vmul.f32 v48, v5;
	_ =	sdelay $0x1  }
0x28b: {  	v3 =	vadd.f32 v5, v3;
	_ =	sdelay $0x1  }
0x28c: {  	(xrf2) =	vadd.scan.msk.f32 $0xffff, v3;
	_ =	sdelay $0x9  }
0x28d: {  	s25 =	simm.s32 $0x3;
	v3, _, _ =	vpop (xrf2)  }
0x28e: {  	_ =	swait.ge [sflag:s25], $0x1000  }
0x28f: {  	s1 =	sld [smem:$0x7F6];
	[sflag:s25] =	ssyncset.done $0x0  }
0x290: {  	[sflag:s25] =	ssyncadd.s32 $0xFFFFF000  }
0x291: {  	s6 =	sand.u32 $0x7F, s20;
	_ =	swait.ge [sflag:s25], $0x1000  }
0x292: {  	v49 =	vor.u32 s6, v0;
	s12 =	sadd.s32 $0xFFF0BE00, s1;
	s18 =	sld [smem:$0x7F7]  }
0x293: {  	v50 =	vor.u32 s6, v1;
	s14 =	sand.u32 $0x7F, s22;
	p0 =	sgt.s32 s12, $0x0  }
0x294: {  	v53 =	vor.u32 s14, v0;
	s12 =	simm.s32 @!p0 $0x0  }
0x295: {  	v54 =	vor.u32 s14, v1;
	[sflag:s25] =	ssyncset.done $0x0;
	v51 =	vadd.s32 s12, v0;
	v52 =	vadd.s32 s12, v1;
	s12 =	sadd.s32 $0xFFF0BE00, s18  }
0x296: {  	s19 =	simm.s32 $0x2400;
	[sflag:s25] =	ssyncadd.s32 $0xFFFFF000;
	p0 =	sgt.s32 s12, $0x0  }
0x297: {  	v5 =	vld.idx.msk [tilespmem:v49+s19+$0x0], $0xffff;
	s12 =	simm.s32 @!p0 $0x0  }
0x298: {  	s20 =	simm.s32 $0xA400;
	v6 =	vld.idx.msk [tilespmem:v50+s19+$0x0], $0xffff;
	v55 =	vadd.s32 s12, v0  }
0x299: {  	v9 =	vld.idx.msk [tilespmem:v53+s20+$0x0], $0xffff;
	v12 =	vadd.s32 s12, v1  }
0x29a: {  	v10 =	vld.idx.msk [tilespmem:v54+s20+$0x0], $0xffff  }
0x29b: {  	v7 =	vld.idx.msk [tilespmem:v51+s16+$0x0], $0xffff  }
0x29c: {  	v8 =	vld.idx.msk [tilespmem:v52+s16+$0x0], $0xffff  }
0x29d: {  	v11 =	vld.idx.msk [tilespmem:v55+s23+$0x0], $0xffff  }
0x29e: {  	v12 =	vld.idx.msk [tilespmem:v12+s23+$0x0], $0xffff;
	_ =	sdelay $0x2  }
0x29f: {  	p1 =	slt.s32 s1, $0xF4200  }
0x2a0: {  	p2 =	slt.s32 s18, $0xF4200;
	v5 =	vpsel p1, v5, v7  }
0x2a1: {  	v6 =	vpsel p1, v6, v8;
	v56 =	vpsel p2, v9, v11;
	v57 =	vpsel p2, v10, v12  }
0x2a2: {  	v5 =	vmul.f32 v56, v5;
	v6 =	vmul.f32 v57, v6;
	_ =	sdelay $0x1  }
0x2a3: {  	v5 =	vadd.f32 v6, v5;
	_ =	sdelay $0x1  }
0x2a4: {  	(xrf2) =	vadd.scan.msk.f32 $0xffff, v5;
	_ =	sdelay $0x9  }
0x2a5: {  	s22 =	simm.s32 $0x4;
	v5, _, _ =	vpop (xrf2)  }
0x2a6: {  	_ =	swait.ge [sflag:s22], $0x1000  }
0x2a7: {  	s25 =	sld [smem:$0x7F8];
	[sflag:s22] =	ssyncset.done $0x0  }
0x2a8: {  	[sflag:s22] =	ssyncadd.s32 $0xFFFFF000  }
0x2a9: {  	s24 =	sand.u32 $0x7F, s24;
	_ =	swait.ge [sflag:s22], $0x1000  }
0x2aa: {  	v58 =	vor.u32 s24, v0;
	s8 =	sadd.s32 $0xFFF0BE00, s25;
	s14 =	sld [smem:$0x7F9]  }
0x2ab: {  	v59 =	vor.u32 s24, v1;
	s12 =	sand.u32 $0x7F, s26;
	p0 =	sgt.s32 s8, $0x0  }
0x2ac: {  	v62 =	vor.u32 s12, v0;
	s8 =	simm.s32 @!p0 $0x0  }
0x2ad: {  	v63 =	vor.u32 s12, v1;
	[sflag:s22] =	ssyncset.done $0x0;
	v60 =	vadd.s32 s8, v0;
	v61 =	vadd.s32 s8, v1;
	s8 =	sadd.s32 $0xFFF0BE00, s14  }
0x2ae: {  	s18 =	simm.s32 $0x3400;
	[sflag:s22] =	ssyncadd.s32 $0xFFFFF000;
	p0 =	sgt.s32 s8, $0x0  }
0x2af: {  	v6 =	vld.idx.msk [tilespmem:v58+s18+$0x0], $0xffff;
	s8 =	simm.s32 @!p0 $0x0  }
0x2b0: {  	s19 =	simm.s32 $0xB400;
	v7 =	vld.idx.msk [tilespmem:v59+s18+$0x0], $0xffff;
	v16 =	vadd.s32 s8, v0  }
0x2b1: {  	v10 =	vld.idx.msk [tilespmem:v62+s19+$0x0], $0xffff;
	v13 =	vadd.s32 s8, v1  }
0x2b2: {  	v11 =	vld.idx.msk [tilespmem:v63+s19+$0x0], $0xffff  }
0x2b3: {  	v8 =	vld.idx.msk [tilespmem:v60+s16+$0x0], $0xffff  }
0x2b4: {  	v9 =	vld.idx.msk [tilespmem:v61+s16+$0x0], $0xffff  }
0x2b5: {  	v12 =	vld.idx.msk [tilespmem:v16+s23+$0x0], $0xffff  }
0x2b6: {  	v13 =	vld.idx.msk [tilespmem:v13+s23+$0x0], $0xffff;
	_ =	sdelay $0x2  }
0x2b7: {  	p3 =	slt.s32 s25, $0xF4200  }
0x2b8: {  	p4 =	slt.s32 s14, $0xF4200;
	v6 =	vpsel p3, v6, v8  }
0x2b9: {  	v7 =	vpsel p3, v7, v9;
	v17 =	vpsel p4, v10, v12;
	v18 =	vpsel p4, v11, v13  }
0x2ba: {  	v6 =	vmul.f32 v17, v6;
	v7 =	vmul.f32 v18, v7;
	_ =	sdelay $0x1  }
0x2bb: {  	v6 =	vadd.f32 v7, v6;
	_ =	sdelay $0x1  }
0x2bc: {  	(xrf2) =	vadd.scan.msk.f32 $0xffff, v6;
	_ =	sdelay $0x9  }
0x2bd: {  	s20 =	simm.s32 $0x5;
	v6, _, _ =	vpop (xrf2)  }
0x2be: {  	_ =	swait.ge [sflag:s20], $0x1000  }
0x2bf: {  	s24 =	sld [smem:$0x7FA];
	_ =	sdelay $0x1  }
0x2c0: {  	s22 =	sand.u32 $0x7F, s29  }
0x2c1: {  	v19 =	vor.u32 s22, v0;
	[sflag:s20] =	ssyncset.done $0x0;
	s6 =	sadd.s32 $0xFFF0BE00, s24  }
0x2c2: {  	s25 =	sand.u32 $0x7F, s31;
	v20 =	vor.u32 s22, v1;
	[sflag:s20] =	ssyncadd.s32 $0xFFFFF000;
	p0 =	sgt.s32 s6, $0x0  }
0x2c3: {  	v23 =	vor.u32 s25, v0;
	_ =	swait.ge [sflag:s20], $0x1000;
	s6 =	simm.s32 @!p0 $0x0  }
0x2c4: {  	v24 =	vor.u32 s25, v1;
	[sflag:s20] =	ssyncset.done $0x0;
	v21 =	vadd.s32 s6, v0;
	v22 =	vadd.s32 s6, v1;
	s6 =	sadd.s32 $0xFFF0BE00, s3  }
0x2c5: {  	s26 =	simm.s32 $0x4400;
	[sflag:s20] =	ssyncadd.s32 $0xFFFFF000;
	p0 =	sgt.s32 s6, $0x0  }
0x2c6: {  	v7 =	vld.idx.msk [tilespmem:v19+s26+$0x0], $0xffff;
	s6 =	simm.s32 @!p0 $0x0  }
0x2c7: {  	s29 =	simm.s32 $0xC400;
	v8 =	vld.idx.msk [tilespmem:v20+s26+$0x0], $0xffff;
	v25 =	vadd.s32 s6, v0  }
0x2c8: {  	v11 =	vld.idx.msk [tilespmem:v23+s29+$0x0], $0xffff;
	v14 =	vadd.s32 s6, v1  }
0x2c9: {  	v12 =	vld.idx.msk [tilespmem:v24+s29+$0x0], $0xffff  }
0x2ca: {  	v9 =	vld.idx.msk [tilespmem:v21+s16+$0x0], $0xffff  }
0x2cb: {  	v10 =	vld.idx.msk [tilespmem:v22+s16+$0x0], $0xffff  }
0x2cc: {  	v13 =	vld.idx.msk [tilespmem:v25+s23+$0x0], $0xffff  }
0x2cd: {  	v14 =	vld.idx.msk [tilespmem:v14+s23+$0x0], $0xffff;
	_ =	sdelay $0x2  }
0x2ce: {  	p5 =	slt.s32 s24, $0xF4200  }
0x2cf: {  	p6 =	slt.s32 s3, $0xF4200;
	v7 =	vpsel p5, v7, v9  }
0x2d0: {  	v8 =	vpsel p5, v8, v10;
	v26 =	vpsel p6, v11, v13;
	v27 =	vpsel p6, v12, v14  }
0x2d1: {  	v7 =	vmul.f32 v26, v7;
	v8 =	vmul.f32 v27, v8;
	_ =	sdelay $0x1  }
0x2d2: {  	v7 =	vadd.f32 v8, v7;
	_ =	sdelay $0x1  }
0x2d3: {  	(xrf2) =	vadd.scan.msk.f32 $0xffff, v7;
	_ =	sdelay $0x9  }
0x2d4: {  	s31 =	simm.s32 $0x6;
	v7, _, _ =	vpop (xrf2)  }
0x2d5: {  	s4 =	sand.u32 $0x7F, s4;
	s3 =	sadd.s32 $0xFFF0BE00, s21;
	_ =	swait.ge [sflag:s31], $0x1000  }
0x2d6: {  	v28 =	vor.u32 s4, v0;
	p0 =	sgt.s32 s3, $0x0;
	[sflag:s31] =	ssyncset.done $0x0  }
0x2d7: {  	v29 =	vor.u32 s4, v1;
	s3 =	simm.s32 @!p0 $0x0;
	[sflag:s31] =	ssyncadd.s32 $0xFFFFF000  }
0x2d8: {  	v30 =	vadd.s32 s3, v0;
	_ =	swait.ge [sflag:s31], $0x1000  }
0x2d9: {  	s8 =	sand.u32 $0x7F, s5;
	v31 =	vadd.s32 s3, v1;
	s3 =	sadd.s32 $0xFFF0BE00, s30;
	[sflag:s31] =	ssyncset.done $0x0  }
0x2da: {  	s11 =	simm.s32 $0x5400;
	v32 =	vor.u32 s8, v0;
	p0 =	sgt.s32 s3, $0x0;
	[sflag:s31] =	ssyncadd.s32 $0xFFFFF000  }
0x2db: {  	v33 =	vor.u32 s8, v1;
	s3 =	simm.s32 @!p0 $0x0;
	v8 =	vld.idx.msk [tilespmem:v28+s11+$0x0], $0xffff  }
0x2dc: {  	v34 =	vadd.s32 s3, v0;
	v9 =	vld.idx.msk [tilespmem:v29+s11+$0x0], $0xffff  }
0x2dd: {  	v15 =	vadd.s32 s3, v1;
	v10 =	vld.idx.msk [tilespmem:v30+s16+$0x0], $0xffff  }
0x2de: {  	s12 =	simm.s32 $0xD400;
	v11 =	vld.idx.msk [tilespmem:v31+s16+$0x0], $0xffff  }
0x2df: {  	v12 =	vld.idx.msk [tilespmem:v32+s12+$0x0], $0xffff  }
0x2e0: {  	v13 =	vld.idx.msk [tilespmem:v33+s12+$0x0], $0xffff  }
0x2e1: {  	v14 =	vld.idx.msk [tilespmem:v34+s23+$0x0], $0xffff  }
0x2e2: {  	v15 =	vld.idx.msk [tilespmem:v15+s23+$0x0], $0xffff;
	_ =	sdelay $0x2  }
0x2e3: {  	p1 =	slt.s32 s21, $0xF4200  }
0x2e4: {  	p2 =	slt.s32 s30, $0xF4200;
	v8 =	vpsel p1, v8, v10  }
0x2e5: {  	v9 =	vpsel p1, v9, v11;
	v35 =	vpsel p2, v12, v14;
	v36 =	vpsel p2, v13, v15  }
0x2e6: {  	v8 =	vmul.f32 v35, v8;
	v9 =	vmul.f32 v36, v9;
	_ =	sdelay $0x1  }
0x2e7: {  	v8 =	vadd.f32 v9, v8;
	_ =	sdelay $0x1  }
0x2e8: {  	(xrf2) =	vadd.scan.msk.f32 $0xffff, v8;
	_ =	sdelay $0x9  }
0x2e9: {  	s14 =	simm.s32 $0x7;
	v8, _, _ =	vpop (xrf2)  }
0x2ea: {  	s18 =	sand.u32 $0x7F, s7;
	s3 =	sadd.s32 $0xFFF0BE00, s10;
	_ =	swait.ge [sflag:s14], $0x1000  }
0x2eb: {  	v37 =	vor.u32 s18, v0;
	p0 =	sgt.s32 s3, $0x0;
	[sflag:s14] =	ssyncset.done $0x0  }
0x2ec: {  	v38 =	vor.u32 s18, v1;
	s3 =	simm.s32 @!p0 $0x0;
	[sflag:s14] =	ssyncadd.s32 $0xFFFFF000  }
0x2ed: {  	v39 =	vadd.s32 s3, v0;
	_ =	swait.ge [sflag:s14], $0x1000  }
0x2ee: {  	s19 =	sand.u32 $0x7F, s9;
	v40 =	vadd.s32 s3, v1;
	s3 =	sadd.s32 $0xFFF0BE00, s17;
	[sflag:s14] =	ssyncset.done $0x0  }
0x2ef: {  	v41 =	vor.u32 s19, v0;
	s20 =	simm.s32 $0x6400;
	p0 =	sgt.s32 s3, $0x0;
	[sflag:s14] =	ssyncadd.s32 $0xFFFFF000  }
0x2f0: {  	v42 =	vor.u32 s19, v1;
	s3 =	simm.s32 @!p0 $0x0;
	v9 =	vld.idx.msk [tilespmem:v37+s20+$0x0], $0xffff  }
0x2f1: {  	v43 =	vadd.s32 s3, v0;
	v10 =	vld.idx.msk [tilespmem:v38+s20+$0x0], $0xffff  }
0x2f2: {  	v16 =	vadd.s32 s3, v1;
	v11 =	vld.idx.msk [tilespmem:v39+s16+$0x0], $0xffff  }
0x2f3: {  	s21 =	simm.s32 $0xE400;
	v12 =	vld.idx.msk [tilespmem:v40+s16+$0x0], $0xffff  }
0x2f4: {  	v13 =	vld.idx.msk [tilespmem:v41+s21+$0x0], $0xffff  }
0x2f5: {  	v14 =	vld.idx.msk [tilespmem:v42+s21+$0x0], $0xffff  }
0x2f6: {  	v15 =	vld.idx.msk [tilespmem:v43+s23+$0x0], $0xffff  }
0x2f7: {  	v16 =	vld.idx.msk [tilespmem:v16+s23+$0x0], $0xffff;
	_ =	sdelay $0x2  }
0x2f8: {  	p3 =	slt.s32 s10, $0xF4200  }
0x2f9: {  	p4 =	slt.s32 s17, $0xF4200;
	v9 =	vpsel p3, v9, v11  }
0x2fa: {  	v10 =	vpsel p3, v10, v12;
	v44 =	vpsel p4, v13, v15;
	v45 =	vpsel p4, v14, v16  }
0x2fb: {  	v9 =	vmul.f32 v44, v9;
	v10 =	vmul.f32 v45, v10;
	_ =	sdelay $0x1  }
0x2fc: {  	v9 =	vadd.f32 v10, v9;
	_ =	sdelay $0x1  }
0x2fd: {  	(xrf2) =	vadd.scan.msk.f32 $0xffff, v9;
	_ =	sdelay $0x9  }
0x2fe: {  	s22 =	simm.s32 $0x8;
	v9, _, _ =	vpop (xrf2)  }
0x2ff: {  	s0 =	sand.u32 $0x7F, s0;
	s1 =	sadd.s32 $0xFFF0BE00, s13;
	_ =	swait.ge [sflag:s22], $0x1000  }
0x300: {  	v46 =	vor.u32 s0, v0;
	p0 =	sgt.s32 s1, $0x0;
	[sflag:s22] =	ssyncset.done $0x0  }
0x301: {  	v47 =	vor.u32 s0, v1;
	s1 =	simm.s32 @!p0 $0x0;
	[sflag:s22] =	ssyncadd.s32 $0xFFFFF000  }
0x302: {  	v48 =	vadd.s32 s1, v0;
	_ =	swait.ge [sflag:s22], $0x1000  }
0x303: {  	s24 =	sand.u32 $0x7F, s28;
	v49 =	vadd.s32 s1, v1;
	s1 =	sadd.s32 $0xFFF0BE00, s2;
	[sflag:s22] =	ssyncset.done $0x0  }
0x304: {  	s25 =	simm.s32 $0x7400;
	v50 =	vor.u32 s24, v0;
	p0 =	sgt.s32 s1, $0x0;
	[sflag:s22] =	ssyncadd.s32 $0xFFFFF000  }
0x305: {  	v51 =	vor.u32 s24, v1;
	s1 =	simm.s32 @!p0 $0x0;
	v10 =	vld.idx.msk [tilespmem:v46+s25+$0x0], $0xffff  }
0x306: {  	v52 =	vadd.s32 s1, v0;
	v11 =	vld.idx.msk [tilespmem:v47+s25+$0x0], $0xffff  }
0x307: {  	v17 =	vadd.s32 s1, v1;
	v12 =	vld.idx.msk [tilespmem:v48+s16+$0x0], $0xffff  }
0x308: {  	s26 =	simm.s32 $0xF400;
	v13 =	vld.idx.msk [tilespmem:v49+s16+$0x0], $0xffff  }
0x309: {  	v14 =	vld.idx.msk [tilespmem:v50+s26+$0x0], $0xffff  }
0x30a: {  	v15 =	vld.idx.msk [tilespmem:v51+s26+$0x0], $0xffff  }
0x30b: {  	v16 =	vld.idx.msk [tilespmem:v52+s23+$0x0], $0xffff  }
0x30c: {  	v17 =	vld.idx.msk [tilespmem:v17+s23+$0x0], $0xffff;
	_ =	sdelay $0x1  }
0x30d: {  	vm7 =	vmmov vm8  }
0x30e: {  	vm8 =	vmmov vm0;
	vm0 =	vmmov vm15;
	vm15 =	vmmov vm14;
	p5 =	slt.s32 s13, $0xF4200  }
0x30f: {  	vm14 =	vmmov vm13;
	vm13 =	vmmov vm12;
	p6 =	slt.s32 s2, $0xF4200;
	v57 =	vld [tilespmem:$0x1FF90];
	v10 =	vpsel p5, v10, v12  }
0x310: {  	v58 =	vld [tilespmem:$0x1FFA0];
	v11 =	vpsel p5, v11, v13;
	v53 =	vpsel p6, v14, v16;
	v54 =	vpsel p6, v15, v17  }
0x311: {  	vm12 =	vmmov vm11;
	v60 =	vld [tilespmem:$0x1FFB0];
	v10 =	vmul.f32 v53, v10;
	v11 =	vmul.f32 v54, v11  }
0x312: {  	vm11 =	vmmov vm10;
	vm10 =	vmmov vm9;
	v2 =	vbroadcast v2, $0xF;
	v61 =	vld [tilespmem:$0x1FFC0]  }
0x313: {  	vm1 =	vcmask $0x2320;
	v3 =	vbroadcast v3, $0xF;
	v63 =	vld [tilespmem:$0x1FFD0];
	v10 =	vadd.f32 v11, v10  }
0x314: {  	v2 =	vsel vm1, v2, v4;
	v56 =	vbroadcast v5, $0xF;
	vm1 =	vnez.u8 v57  }
0x315: {  	v2 =	vsel vm1, v2, v3;
	v3 =	vbroadcast v6, $0xF;
	vm1 =	vnez.u8 v58;
	(xrf2) =	vadd.scan.msk.f32 $0xffff, v10  }
0x316: {  	v59 =	vbroadcast v7, $0xF;
	v2 =	vsel vm1, v2, v56;
	vm1 =	vnez.u8 v60  }
0x317: {  	v2 =	vsel vm1, v2, v3;
	v3 =	vbroadcast v8, $0xF;
	vm1 =	vnez.u8 v61  }
0x318: {  	vm9 =	vmmov vm6;
	v2 =	vsel vm1, v2, v59;
	vm1 =	vnez.u8 v63  }
0x319: {  	vm6 =	vmmov vm5;
	vm5 =	vmmov vm4;
	v2 =	vsel vm1, v2, v3;
	v3 =	vld [tilespmem:$0x1FFE0]  }
0x31a: {  	vm4 =	vmmov vm5;
	v55 =	vld [tilespmem:$0x1FFF0]  }
0x31b: {  	vm5 =	vmmov vm6;
	vm6 =	vmmov vm9;
	vm9 =	vmmov vm10  }
0x31c: {  	vm10 =	vmmov vm11;
	vm11 =	vmmov vm12;
	vm12 =	vmmov vm13  }
0x31d: {  	vm13 =	vmmov vm14;
	vm14 =	vmmov vm15;
	v62 =	vbroadcast v9, $0xF  }
0x31e: {  	vm15 =	vmmov vm0;
	vm0 =	vmmov vm8;
	vm1 =	vnez.u8 v3  }
0x31f: {  	vm8 =	vmmov vm7;
	vm7 =	vnez.u8 v55;
	v2 =	vsel vm1, v2, v62;
	v3, _, _ =	vpop (xrf2)  }
0x320: {  	s7 =	simm.s32 $0x0;
	v2 =	vsel vm7, v2, v3  }
0x321: {  	s29 =	simm.s32 $0x12400;
	s1 =	simm.s32 $0x9;
	s28 =	rddreg [dreg:$0xb];
	[tilespmem:$0x125F0] =	vst v2  }
0x322: {  	[hbm4b:s28+s7] =	stream.linear.scatter [tilespmem:s29], [sflag:$0x9], $0x200, $0x38;
	[tilespmem:$0x12600] =	vst v63  }
0x323: {  	_ =	swait.ge [sflag:s1], $0x200  }
0x324: {  	s30 =	rddreg [dreg:$0xd]  }
0x325: {  	s31 =	rddreg [dreg:$0xc];
	s2 =	sadd.s32 $0x1, s30  }
0x326: {  	p0 =	sne.s32 s2, s31  }
.Ltmp1:
0x327: {  	_ = 	snop;
	(pc) =	sbr.rel @p0 .LBB2_1-.Ltmp1, $3  }
0x328: {  	_ =	sdelay $0x1  }
0x329: {  	[sflag:s1] =	ssyncset.done $0x0  }
0x32a: {  	s4 =	simm.s32 $0x11400;
	s3 =	simm.s32 $0x10400;
	[sflag:s1] =	ssyncadd.s32 $0xFFFFFE00  }
0x32b: {  	_ =	sfence.sel $0x180000  }
0x32c: {  	[bflag:$0x0] =	sbarrier.arrive $0xFFFF  }
0x32d: {  	_ =	strace $0x90000047  }
0x32e: {  	s0 =	stileid.u32;
	[bflag:$0x2] =	sbarrier.arrive $0xFFFF  }
0x32f: {  	p0 =	sne.s32 s0, $0x0;
	s0 =	rddreg [dreg:$0x6]  }
0x330: {  	s0 =	sadd.s32 @!p0 $0x100000, s0  }
0x331: {  	[sflag:s0] =	ssyncadd.tile.s32 @!p0 $0x1;
	_ =	shalt  }
.Lfunc_end2:
_tile_overlayer_lowered:
.L_overlay_start_2:
0x332: {  	(tag) =	ssettag $0x2  }
0x333: {  	s0 =	rddreg [dreg:$0x0];
	s2 =	stileid.u32  }
0x334: {  	s1 =	rddreg [dreg:$0x1];
	p0 =	sne.s32 s2, $0x0  }
0x335: {  	s3 =	rddreg [dreg:$0x2];
	[bflag:$0x3] =	sbarrier.arrive $0xFFFF;
	s2 =	simm.s32 @!p0 $0x1C09  }
0x336: {  	[timem:s3], [sflag:s2] =	dma.local @!p0 [hbm:s0], s1  }
0x337: {  	s0 =	simm.s32 @!p0 $0x9  }
0x338: {  	_ =	swait.ge @!p0 [sflag:s0], s1  }
0x339: {  	s1 =	ssub.s32 @!p0 $0x0, s1;
	[sflag:s0] =	ssyncset.done @!p0 $0x0  }
0x33a: {  	[sflag:s0] =	ssyncadd.s32 @!p0 s1  }
0x33b: {  	[bflag:$0x3] =	sbarrier.arrive $0xFFFF  }
0x33c: {  	_ =	shalt  }

</sc_bundles>
